<compile_context>
chip_gen: v7x
topology: tpu7x:2x2x1
jax: 0.10.2.dev20260603
libtpu: 0.0.44.dev20260713+nightly
codegen_flags: <defaults>
</compile_context>

<pallas_src>
import jax
import jax.numpy as jnp
from jax import lax
from jax.experimental import pallas as pl
from jax.experimental.pallas import tpu as pltpu
from jax.experimental.pallas import tpu_sc as plsc

N = 100000
D = 128
B = 1024
OUT = 128

NC = 2
NS = 16
NW = NC * NS
RA = 3128
RB = 3120
NSPLIT = 20
CH = 128
NFULL = 24
BWIN = 160
BPAD = 32
CNT_W = 128
BPS = B // NS
DUMMY = B


def _sc_body(x_hbm, bat_hbm, ones_hbm, sums_hbm, cnts_hbm, maxh_hbm, emax_hbm,
             eid_hbm, x0, b0, i0, x1, b1, i1, ones_buf, mflush, ebuf, eid_buf,
             zrow, zcnt, spm_sums, spm_cnts,
             sx0, sb0, ss0, sc0, sx1, sb1, ss1, sc1):
    c = lax.axis_index("c")
    s = lax.axis_index("s")
    wid = c * NS + s

    zv = jnp.zeros((16,), jnp.float32)
    lanes = lax.iota(jnp.int32, 16)

    def _zfill(r, _):
        for k in range(D // 16):
            zrow[r, pl.ds(k * 16, 16)] = zv
            zcnt[r, pl.ds(k * 16, 16)] = zv
        return 0
    lax.fori_loop(0, BPS, _zfill, 0)

    pltpu.sync_copy(ones_hbm, ones_buf)

    rows0 = s * BPS
    pltpu.sync_copy(zrow, spm_sums.at[pl.ds(rows0, BPS), :])
    pltpu.sync_copy(zcnt, spm_cnts.at[pl.ds(rows0, BPS), :])
    plsc.subcore_barrier()

    base = jnp.where(wid < NSPLIT, wid * RA,
                     NSPLIT * RA + (wid - NSPLIT) * RB)
    rows_w = jnp.where(wid < NSPLIT, jnp.int32(RA), jnp.int32(RB))
    minf = jnp.full((16,), -jnp.inf, jnp.float32)

    BUFS = ((x0, b0, i0, sx0, sb0, ss0, sc0),
            (x1, b1, i1, sx1, sb1, ss1, sc1))

    def issue_in(cb, p):
        xb, bb, ib, sx, sb, ss, scn = BUFS[p]
        pltpu.async_copy(x_hbm.at[pl.ds(cb, CH), :], xb, sx)
        pltpu.async_copy(bat_hbm.at[pl.ds(cb, BWIN)], bb, sb)

    def wait_in(p):
        xb, bb, ib, sx, sb, ss, scn = BUFS[p]
        pltpu.make_async_copy(x_hbm.at[pl.ds(0, CH), :], xb, sx).wait()
        pltpu.make_async_copy(bat_hbm.at[pl.ds(0, BWIN)], bb, sb).wait()

    def stage_idx(p):
        xb, bb, ib, sx, sb, ss, scn = BUFS[p]
        for grp in range(CH // 16):
            ib[pl.ds(grp * 16, 16)] = bb[pl.ds(16 + grp * 16, 16)]

    def issue_scat(p):
        xb, bb, ib, sx, sb, ss, scn = BUFS[p]
        pltpu.async_copy(xb, spm_sums.at[ib], ss, add=True)
        pltpu.async_copy(ones_buf, spm_cnts.at[ib], scn, add=True)

    def wait_scat(p):
        xb, bb, ib, sx, sb, ss, scn = BUFS[p]
        pltpu.make_async_copy(xb, spm_sums.at[ib], ss).wait()
        pltpu.make_async_copy(ones_buf, spm_cnts.at[ib], scn).wait()

    pltpu.sync_copy(bat_hbm.at[pl.ds(base + 16, 16)], b0.at[pl.ds(0, 16)])
    cur0 = b0[pl.ds(0, 16)][0]

    def flush_run(sid, runc_l, m):
        first = runc_l == 0

        @pl.when(first)
        def _():
            for k in range(D // 16):
                ebuf[pl.ds(k * 16, 16)] = m[k]
            eid_buf[pl.ds(0, 16)] = jnp.full((16,), sid, jnp.int32)

        @pl.when(jnp.logical_not(first))
        def _():
            for k in range(D // 16):
                mflush[pl.ds(k * 16, 16)] = m[k]
            pltpu.sync_copy(mflush, maxh_hbm.at[sid, 0])

    lanes16 = lax.iota(jnp.int32, 16)

    def proc_rows(p, carry):
        xb, bb, ib, sx, sb, ss, scn = BUFS[p]

        def grp_body(gi, gc):
            gstart = gi * 16
            bv = bb[pl.ds(16 + gstart, 16)]
            pv = bb[pl.ds(15 + gstart, 16)]
            w = jnp.where(bv != pv, lanes16, jnp.int32(16))
            for sh in (8, 4, 2, 1):
                idx = (lanes16 + sh) & 15
                w = jnp.minimum(w, w.at[idx].get(mode="promise_in_bounds"))
            p_end = w[0]

            def fast_body(r, fm):
                out = []
                for k in range(D // 16):
                    out.append(jnp.maximum(fm[k],
                                           xb[gstart + r, pl.ds(k * 16, 16)]))
                return tuple(out)

            m = lax.fori_loop(0, p_end, fast_body, gc[2:])

            def slow_body(r, rc):
                cur = rc[0]
                runc_l = rc[1]
                sm = rc[2:]
                sv = bb[pl.ds(16 + gstart + r, 16)][0]
                ch = sv != cur

                @pl.when(ch)
                def _(sid=cur, rl=runc_l, mm=tuple(sm)):
                    flush_run(sid, rl, mm)

                newm = []
                for k in range(D // 16):
                    xk = xb[gstart + r, pl.ds(k * 16, 16)]
                    newm.append(jnp.where(ch, xk, jnp.maximum(sm[k], xk)))
                return (sv, runc_l + ch.astype(jnp.int32)) + tuple(newm)

            return lax.fori_loop(p_end, 16, slow_body, (gc[0], gc[1]) + m)

        return lax.fori_loop(0, CH // 16, grp_body, carry)

    issue_in(base, 0)
    carry = (cur0, jnp.int32(0)) + tuple(minf for _ in range(D // 16))
    wait_in(0)
    stage_idx(0)
    issue_scat(0)
    issue_in(base + CH, 1)
    carry = proc_rows(0, carry)

    def pair_body(q, carry):
        cb = base + (2 * q + 1) * CH
        wait_in(1)
        stage_idx(1)
        issue_scat(1)
        wait_scat(0)
        issue_in(cb + CH, 0)
        carry = proc_rows(1, carry)

        wait_in(0)
        stage_idx(0)
        issue_scat(0)
        wait_scat(1)
        issue_in(cb + 2 * CH, 1)
        carry = proc_rows(0, carry)
        return carry

    carry = lax.fori_loop(0, (NFULL - 2) // 2, pair_body, carry)

    cbl = base + rows_w - CH
    wait_in(1)
    stage_idx(1)
    issue_scat(1)
    wait_scat(0)
    issue_in(cbl, 0)
    carry = proc_rows(1, carry)

    ovl = (NFULL + 1) * CH - rows_w
    wait_in(0)
    for grp in range(CH // 16):
        bvs = b0[pl.ds(16 + grp * 16, 16)]
        pos = lanes + grp * 16
        i0[pl.ds(grp * 16, 16)] = jnp.where(pos < ovl, jnp.int32(DUMMY), bvs)
    issue_scat(0)
    wait_scat(1)

    def row_body(j, rc):
        cur = rc[0]
        runc = rc[1]
        m = rc[2:]
        sv = b0[pl.ds(16 + j, 16)][0]
        changed = sv != cur

        @pl.when(changed)
        def _():
            flush_run(cur, runc, m)

        newm = []
        for k in range(D // 16):
            xk = x0[j, pl.ds(k * 16, 16)]
            newm.append(jnp.where(changed, xk, jnp.maximum(m[k], xk)))
        return (sv, runc + changed.astype(jnp.int32)) + tuple(newm)

    carry = lax.fori_loop(ovl, CH, row_body, carry)
    wait_scat(0)

    cur = carry[0]
    runc = carry[1]
    m = carry[2:]
    for k in range(D // 16):
        ebuf[pl.ds(D + k * 16, 16)] = m[k]
    eid_buf[pl.ds(16, 16)] = jnp.full((16,), cur, jnp.int32)

    @pl.when(runc == 0)
    def _single_run():
        for k in range(D // 16):
            ebuf[pl.ds(k * 16, 16)] = m[k]
        eid_buf[pl.ds(0, 16)] = jnp.full((16,), cur, jnp.int32)

    pltpu.sync_copy(ebuf, emax_hbm.at[wid])
    pltpu.sync_copy(eid_buf, eid_hbm.at[wid])

    plsc.subcore_barrier()
    pltpu.sync_copy(spm_sums.at[pl.ds(rows0, BPS), :],
                    sums_hbm.at[c, pl.ds(rows0, BPS), :])
    pltpu.sync_copy(spm_cnts.at[pl.ds(rows0, BPS), :],
                    cnts_hbm.at[c, pl.ds(rows0, BPS), :])


def _tc_body(sums2, cnts2, maxh, emax, eid, w_ref, b_ref, z_ref, out_ref, mx):
    sums = sums2[0] + sums2[1]
    cnt = cnts2[0, :, 0:1] + cnts2[1, :, 0:1]
    mx[...] = jnp.where(cnt > 0.0, maxh[...], -jnp.inf)

    neg = jnp.full((1, D), -jnp.inf, jnp.float32)

    def _clear(i, _):
        sid = eid[i, 0]
        mx[pl.ds(sid, 1), :] = neg
        return 0
    lax.fori_loop(0, 2 * NW, _clear, 0)

    def _apply(i, _):
        sid = eid[i, 0]
        row = emax[pl.ds(i, 1), :]
        mx[pl.ds(sid, 1), :] = jnp.maximum(mx[pl.ds(sid, 1), :], row)
        return 0
    lax.fori_loop(0, 2 * NW, _apply, 0)

    mxv = mx[...]
    mxv = jnp.where(jnp.isfinite(mxv), mxv, 0.0)
    mean = sums / jnp.maximum(cnt, 1.0)
    z = jnp.concatenate([mean, mxv, sums], axis=1)
    z_ref[...] = z
    out_ref[...] = jnp.dot(z, w_ref[...],
                           preferred_element_type=jnp.float32) + b_ref[...]


def kernel(x, batch, W, b):
    batch_pad = jnp.concatenate([jnp.zeros((16,), jnp.int32), batch,
                                 jnp.zeros((BPAD,), jnp.int32)])

    mesh = plsc.VectorSubcoreMesh(core_axis_name="c", subcore_axis_name="s",
                                  num_cores=NC, num_subcores=NS)
    sc = pl.kernel(
        _sc_body,
        out_type=(
            jax.ShapeDtypeStruct((NC, B, D), jnp.float32),
            jax.ShapeDtypeStruct((NC, B, CNT_W), jnp.float32),
            jax.ShapeDtypeStruct((B, 1, D), jnp.float32),
            jax.ShapeDtypeStruct((NW, 2 * D), jnp.float32),
            jax.ShapeDtypeStruct((NW, 32), jnp.int32),
        ),
        mesh=mesh,
        scratch_types=[
            pltpu.VMEM((CH, D), jnp.float32),
            pltpu.VMEM((BWIN,), jnp.int32),
            pltpu.VMEM((CH,), jnp.int32),
            pltpu.VMEM((CH, D), jnp.float32),
            pltpu.VMEM((BWIN,), jnp.int32),
            pltpu.VMEM((CH,), jnp.int32),
            pltpu.VMEM((CH, CNT_W), jnp.float32),
            pltpu.VMEM((D,), jnp.float32),
            pltpu.VMEM((2 * D,), jnp.float32),
            pltpu.VMEM((32,), jnp.int32),
            pltpu.VMEM((BPS, D), jnp.float32),
            pltpu.VMEM((BPS, CNT_W), jnp.float32),
            pltpu.VMEM_SHARED((B + 8, D), jnp.float32),
            pltpu.VMEM_SHARED((B + 8, CNT_W), jnp.float32),
            pltpu.SemaphoreType.DMA,
            pltpu.SemaphoreType.DMA,
            pltpu.SemaphoreType.DMA,
            pltpu.SemaphoreType.DMA,
            pltpu.SemaphoreType.DMA,
            pltpu.SemaphoreType.DMA,
            pltpu.SemaphoreType.DMA,
            pltpu.SemaphoreType.DMA,
        ],
    )
    ones_arr = jnp.ones((CH, CNT_W), jnp.float32)
    sums2, cnts2, maxh, emax, eid = sc(x, batch_pad, ones_arr)

    z, logits = pl.pallas_call(
        _tc_body,
        out_shape=[
            jax.ShapeDtypeStruct((B, 3 * D), jnp.float32),
            jax.ShapeDtypeStruct((B, OUT), jnp.float32),
        ],
        in_specs=[
            pl.BlockSpec(memory_space=pltpu.VMEM),
            pl.BlockSpec(memory_space=pltpu.VMEM),
            pl.BlockSpec(memory_space=pltpu.VMEM),
            pl.BlockSpec(memory_space=pltpu.VMEM),
            pl.BlockSpec(memory_space=pltpu.SMEM),
            pl.BlockSpec(memory_space=pltpu.VMEM),
            pl.BlockSpec(memory_space=pltpu.VMEM),
        ],
        scratch_shapes=[pltpu.VMEM((B, D), jnp.float32)],
    )(sums2, cnts2, maxh.reshape(B, D), emax.reshape(2 * NW, D),
      eid.reshape(2 * NW, 16), W, b.reshape(1, OUT))
    return (z, logits)

# --- scband reference (transcript-rebuilt; emitter-appended) ---
"""Pipeline reference for scband-readout-670014899126 (READ-ONLY COPY).

The authoritative reference and input builder live on the scoring server;
editing this copy changes nothing except your own understanding.
"""

import jax, jax.numpy as jnp
import numpy as np

N = 100000
D = 128
B = 1024
OUT = 128


def setup_inputs(seed: int = 0) -> dict:
    key = jax.random.key(seed)
    k1, k2, k3, k4 = jax.random.split(key, 4)
    x = jax.random.normal(k1, (N, D), dtype=jnp.float32)
    batch = jnp.sort(jax.random.randint(k2, (N,), 0, B, dtype=jnp.int32))
    W = jax.random.normal(k3, (3 * D, OUT), dtype=jnp.float32) * 0.02
    b = jnp.zeros((OUT,), dtype=jnp.float32)
    return {"x": x, "batch": batch, "W": W, "b": b}


def reference(x, batch, W, b):
    # Readout.forward with use_in_mlp=False, readout_types='mean-max-sum', use_out_linear=True
    sums = jax.ops.segment_sum(x, batch, num_segments=B)
    counts = jax.ops.segment_sum(jnp.ones((x.shape[0],), dtype=x.dtype), batch, num_segments=B)
    mean = sums / jnp.maximum(counts, 1.0)[:, None]
    maxs = jax.ops.segment_max(x, batch, num_segments=B)
    maxs = jnp.where(jnp.isfinite(maxs), maxs, 0.0)  # empty segments -> 0 like scatter-max default
    z = jnp.concatenate([mean, maxs, sums], axis=-1)
    out_logits = (z @ W + b).reshape(B, -1)
    return (z.reshape(B, -1), out_logits)

if __name__ == "__main__":
    import jax
    _d = setup_inputs()
    print(jax.jit(kernel)(*tuple(_d.values())))

</pallas_src>

<mosaic_0001>
#map = affine_map<(d0, d1) -> (0, 0)>
#map1 = affine_map<(d0, d1) -> (0)>
#map2 = affine_map<(d0, d1) -> (0, 0, 0)>
module attributes {stable_mosaic.version = 14 : i64} {
  func.func @_sc_body(%arg0: i32, %arg1: i32, %arg2: memref<100000x128xf32, #tpu.memory_space<hbm>>, %arg3: memref<100048xi32, #tpu.memory_space<hbm>>, %arg4: memref<128x128xf32, #tpu.memory_space<hbm>>, %arg5: memref<2x1024x128xf32, #tpu.memory_space<hbm>>, %arg6: memref<2x1024x128xf32, #tpu.memory_space<hbm>>, %arg7: memref<1024x1x128xf32, #tpu.memory_space<hbm>>, %arg8: memref<32x256xf32, #tpu.memory_space<hbm>>, %arg9: memref<32x32xi32, #tpu.memory_space<hbm>>, %arg10: memref<128x128xf32, #tpu.memory_space<vmem>>, %arg11: memref<160xi32, #tpu.memory_space<vmem>>, %arg12: memref<128xi32, #tpu.memory_space<vmem>>, %arg13: memref<128x128xf32, #tpu.memory_space<vmem>>, %arg14: memref<160xi32, #tpu.memory_space<vmem>>, %arg15: memref<128xi32, #tpu.memory_space<vmem>>, %arg16: memref<128x128xf32, #tpu.memory_space<vmem>>, %arg17: memref<128xf32, #tpu.memory_space<vmem>>, %arg18: memref<256xf32, #tpu.memory_space<vmem>>, %arg19: memref<32xi32, #tpu.memory_space<vmem>>, %arg20: memref<64x128xf32, #tpu.memory_space<vmem>>, %arg21: memref<64x128xf32, #tpu.memory_space<vmem>>, %arg22: memref<1032x128xf32, #tpu.memory_space<vmem_shared>>, %arg23: memref<1032x128xf32, #tpu.memory_space<vmem_shared>>, %arg24: memref<!tpu.dma_semaphore, #tpu.memory_space<semaphore_mem>>, %arg25: memref<!tpu.dma_semaphore, #tpu.memory_space<semaphore_mem>>, %arg26: memref<!tpu.dma_semaphore, #tpu.memory_space<semaphore_mem>>, %arg27: memref<!tpu.dma_semaphore, #tpu.memory_space<semaphore_mem>>, %arg28: memref<!tpu.dma_semaphore, #tpu.memory_space<semaphore_mem>>, %arg29: memref<!tpu.dma_semaphore, #tpu.memory_space<semaphore_mem>>, %arg30: memref<!tpu.dma_semaphore, #tpu.memory_space<semaphore_mem>>, %arg31: memref<!tpu.dma_semaphore, #tpu.memory_space<semaphore_mem>>) attributes {dimension_semantics = [#tpu.dimension_semantics<core_parallel>, #tpu.dimension_semantics<subcore_parallel>], iteration_bounds = array<i64: 2, 16>, scalar_prefetch = 0 : i64, scratch_operands = 22 : i64, tpu.core_type = #tpu.core_type<sc_vector_subcore>, window_params = [{transform_indices = #map}, {transform_indices = #map1}, {transform_indices = #map}, {transform_indices = #map2}, {transform_indices = #map2}, {transform_indices = #map2}, {transform_indices = #map}, {transform_indices = #map}]} {
    %mul3A = arith.constant 16 : i32
    %mul3A_0 = arith.muli %arg0, %mul3A : i32
    %add3A = arith.addi %mul3A_0, %arg1 : i32
    %broadcast_in_dim3A = arith.constant 0.000000e+00 : f32
    %broadcast_in_dim3A_1 = vector.broadcast %broadcast_in_dim3A : f32 to vector<16xf32>
    %iota3A = tpu.iota {dimensions = array<i32: 0>} : vector<16xi32>
    %scan3A = arith.constant 0 : i32
    %scan3A_2 = arith.constant 0 : i32
    %scan3A_3 = arith.constant 64 : i32
    %scan3A_4 = arith.addi %scan3A_2, %scan3A_3 : i32
    %scan3A_5 = arith.constant 1 : i32
    %scan3A_6 = scf.for %scan3A_418 = %scan3A_2 to %scan3A_4 step %scan3A_5 iter_args(%scan3A_419 = %scan3A) -> (i32)  : i32 {
      %swap3A_420 = arith.index_cast %scan3A_418 : i32 to index
      %swap3A_421 = arith.constant 0 : index
      %swap3A_422 = tpu.vector_load %arg20[%swap3A_420, %swap3A_421] {strides = array<i32>} : memref<64x128xf32, #tpu.memory_space<vmem>>, vector<1x16xf32>,
      %swap3A_423 = vector.shape_cast %swap3A_422 : vector<1x16xf32> to vector<16xf32>
      %swap3A_424 = vector.shape_cast %broadcast_in_dim3A_1 : vector<16xf32> to vector<1x16xf32>
      tpu.vector_store %arg20[%swap3A_420, %swap3A_421], %swap3A_424 {strides = array<i32>} : memref<64x128xf32, #tpu.memory_space<vmem>>, vector<1x16xf32>,
      %swap3A_425 = arith.index_cast %scan3A_418 : i32 to index
      %swap3A_426 = arith.constant 0 : index
      %swap3A_427 = tpu.vector_load %arg21[%swap3A_425, %swap3A_426] {strides = array<i32>} : memref<64x128xf32, #tpu.memory_space<vmem>>, vector<1x16xf32>,
      %swap3A_428 = vector.shape_cast %swap3A_427 : vector<1x16xf32> to vector<16xf32>
      %swap3A_429 = vector.shape_cast %broadcast_in_dim3A_1 : vector<16xf32> to vector<1x16xf32>
      tpu.vector_store %arg21[%swap3A_425, %swap3A_426], %swap3A_429 {strides = array<i32>} : memref<64x128xf32, #tpu.memory_space<vmem>>, vector<1x16xf32>,
      %swap3A_430 = arith.index_cast %scan3A_418 : i32 to index
      %swap3A_431 = arith.constant 16 : index
      %swap3A_432 = tpu.vector_load %arg20[%swap3A_430, %swap3A_431] {strides = array<i32>} : memref<64x128xf32, #tpu.memory_space<vmem>>, vector<1x16xf32>,
      %swap3A_433 = vector.shape_cast %swap3A_432 : vector<1x16xf32> to vector<16xf32>
      %swap3A_434 = vector.shape_cast %broadcast_in_dim3A_1 : vector<16xf32> to vector<1x16xf32>
      tpu.vector_store %arg20[%swap3A_430, %swap3A_431], %swap3A_434 {strides = array<i32>} : memref<64x128xf32, #tpu.memory_space<vmem>>, vector<1x16xf32>,
      %swap3A_435 = arith.index_cast %scan3A_418 : i32 to index
      %swap3A_436 = arith.constant 16 : index
      %swap3A_437 = tpu.vector_load %arg21[%swap3A_435, %swap3A_436] {strides = array<i32>} : memref<64x128xf32, #tpu.memory_space<vmem>>, vector<1x16xf32>,
      %swap3A_438 = vector.shape_cast %swap3A_437 : vector<1x16xf32> to vector<16xf32>
      %swap3A_439 = vector.shape_cast %broadcast_in_dim3A_1 : vector<16xf32> to vector<1x16xf32>
      tpu.vector_store %arg21[%swap3A_435, %swap3A_436], %swap3A_439 {strides = array<i32>} : memref<64x128xf32, #tpu.memory_space<vmem>>, vector<1x16xf32>,
      %swap3A_440 = arith.index_cast %scan3A_418 : i32 to index
      %swap3A_441 = arith.constant 32 : index
      %swap3A_442 = tpu.vector_load %arg20[%swap3A_440, %swap3A_441] {strides = array<i32>} : memref<64x128xf32, #tpu.memory_space<vmem>>, vector<1x16xf32>,
      %swap3A_443 = vector.shape_cast %swap3A_442 : vector<1x16xf32> to vector<16xf32>
      %swap3A_444 = vector.shape_cast %broadcast_in_dim3A_1 : vector<16xf32> to vector<1x16xf32>
      tpu.vector_store %arg20[%swap3A_440, %swap3A_441], %swap3A_444 {strides = array<i32>} : memref<64x128xf32, #tpu.memory_space<vmem>>, vector<1x16xf32>,
      %swap3A_445 = arith.index_cast %scan3A_418 : i32 to index
      %swap3A_446 = arith.constant 32 : index
      %swap3A_447 = tpu.vector_load %arg21[%swap3A_445, %swap3A_446] {strides = array<i32>} : memref<64x128xf32, #tpu.memory_space<vmem>>, vector<1x16xf32>,
      %swap3A_448 = vector.shape_cast %swap3A_447 : vector<1x16xf32> to vector<16xf32>
      %swap3A_449 = vector.shape_cast %broadcast_in_dim3A_1 : vector<16xf32> to vector<1x16xf32>
      tpu.vector_store %arg21[%swap3A_445, %swap3A_446], %swap3A_449 {strides = array<i32>} : memref<64x128xf32, #tpu.memory_space<vmem>>, vector<1x16xf32>,
      %swap3A_450 = arith.index_cast %scan3A_418 : i32 to index
      %swap3A_451 = arith.constant 48 : index
      %swap3A_452 = tpu.vector_load %arg20[%swap3A_450, %swap3A_451] {strides = array<i32>} : memref<64x128xf32, #tpu.memory_space<vmem>>, vector<1x16xf32>,
      %swap3A_453 = vector.shape_cast %swap3A_452 : vector<1x16xf32> to vector<16xf32>
      %swap3A_454 = vector.shape_cast %broadcast_in_dim3A_1 : vector<16xf32> to vector<1x16xf32>
      tpu.vector_store %arg20[%swap3A_450, %swap3A_451], %swap3A_454 {strides = array<i32>} : memref<64x128xf32, #tpu.memory_space<vmem>>, vector<1x16xf32>,
      %swap3A_455 = arith.index_cast %scan3A_418 : i32 to index
      %swap3A_456 = arith.constant 48 : index
      %swap3A_457 = tpu.vector_load %arg21[%swap3A_455, %swap3A_456] {strides = array<i32>} : memref<64x128xf32, #tpu.memory_space<vmem>>, vector<1x16xf32>,
      %swap3A_458 = vector.shape_cast %swap3A_457 : vector<1x16xf32> to vector<16xf32>
      %swap3A_459 = vector.shape_cast %broadcast_in_dim3A_1 : vector<16xf32> to vector<1x16xf32>
      tpu.vector_store %arg21[%swap3A_455, %swap3A_456], %swap3A_459 {strides = array<i32>} : memref<64x128xf32, #tpu.memory_space<vmem>>, vector<1x16xf32>,
      %swap3A_460 = arith.index_cast %scan3A_418 : i32 to index
      %swap3A_461 = arith.constant 64 : index
      %swap3A_462 = tpu.vector_load %arg20[%swap3A_460, %swap3A_461] {strides = array<i32>} : memref<64x128xf32, #tpu.memory_space<vmem>>, vector<1x16xf32>,
      %swap3A_463 = vector.shape_cast %swap3A_462 : vector<1x16xf32> to vector<16xf32>
      %swap3A_464 = vector.shape_cast %broadcast_in_dim3A_1 : vector<16xf32> to vector<1x16xf32>
      tpu.vector_store %arg20[%swap3A_460, %swap3A_461], %swap3A_464 {strides = array<i32>} : memref<64x128xf32, #tpu.memory_space<vmem>>, vector<1x16xf32>,
      %swap3A_465 = arith.index_cast %scan3A_418 : i32 to index
      %swap3A_466 = arith.constant 64 : index
      %swap3A_467 = tpu.vector_load %arg21[%swap3A_465, %swap3A_466] {strides = array<i32>} : memref<64x128xf32, #tpu.memory_space<vmem>>, vector<1x16xf32>,
      %swap3A_468 = vector.shape_cast %swap3A_467 : vector<1x16xf32> to vector<16xf32>
      %swap3A_469 = vector.shape_cast %broadcast_in_dim3A_1 : vector<16xf32> to vector<1x16xf32>
      tpu.vector_store %arg21[%swap3A_465, %swap3A_466], %swap3A_469 {strides = array<i32>} : memref<64x128xf32, #tpu.memory_space<vmem>>, vector<1x16xf32>,
      %swap3A_470 = arith.index_cast %scan3A_418 : i32 to index
      %swap3A_471 = arith.constant 80 : index
      %swap3A_472 = tpu.vector_load %arg20[%swap3A_470, %swap3A_471] {strides = array<i32>} : memref<64x128xf32, #tpu.memory_space<vmem>>, vector<1x16xf32>,
      %swap3A_473 = vector.shape_cast %swap3A_472 : vector<1x16xf32> to vector<16xf32>
      %swap3A_474 = vector.shape_cast %broadcast_in_dim3A_1 : vector<16xf32> to vector<1x16xf32>
      tpu.vector_store %arg20[%swap3A_470, %swap3A_471], %swap3A_474 {strides = array<i32>} : memref<64x128xf32, #tpu.memory_space<vmem>>, vector<1x16xf32>,
      %swap3A_475 = arith.index_cast %scan3A_418 : i32 to index
      %swap3A_476 = arith.constant 80 : index
      %swap3A_477 = tpu.vector_load %arg21[%swap3A_475, %swap3A_476] {strides = array<i32>} : memref<64x128xf32, #tpu.memory_space<vmem>>, vector<1x16xf32>,
      %swap3A_478 = vector.shape_cast %swap3A_477 : vector<1x16xf32> to vector<16xf32>
      %swap3A_479 = vector.shape_cast %broadcast_in_dim3A_1 : vector<16xf32> to vector<1x16xf32>
      tpu.vector_store %arg21[%swap3A_475, %swap3A_476], %swap3A_479 {strides = array<i32>} : memref<64x128xf32, #tpu.memory_space<vmem>>, vector<1x16xf32>,
      %swap3A_480 = arith.index_cast %scan3A_418 : i32 to index
      %swap3A_481 = arith.constant 96 : index
      %swap3A_482 = tpu.vector_load %arg20[%swap3A_480, %swap3A_481] {strides = array<i32>} : memref<64x128xf32, #tpu.memory_space<vmem>>, vector<1x16xf32>,
      %swap3A_483 = vector.shape_cast %swap3A_482 : vector<1x16xf32> to vector<16xf32>
      %swap3A_484 = vector.shape_cast %broadcast_in_dim3A_1 : vector<16xf32> to vector<1x16xf32>
      tpu.vector_store %arg20[%swap3A_480, %swap3A_481], %swap3A_484 {strides = array<i32>} : memref<64x128xf32, #tpu.memory_space<vmem>>, vector<1x16xf32>,
      %swap3A_485 = arith.index_cast %scan3A_418 : i32 to index
      %swap3A_486 = arith.constant 96 : index
      %swap3A_487 = tpu.vector_load %arg21[%swap3A_485, %swap3A_486] {strides = array<i32>} : memref<64x128xf32, #tpu.memory_space<vmem>>, vector<1x16xf32>,
      %swap3A_488 = vector.shape_cast %swap3A_487 : vector<1x16xf32> to vector<16xf32>
      %swap3A_489 = vector.shape_cast %broadcast_in_dim3A_1 : vector<16xf32> to vector<1x16xf32>
      tpu.vector_store %arg21[%swap3A_485, %swap3A_486], %swap3A_489 {strides = array<i32>} : memref<64x128xf32, #tpu.memory_space<vmem>>, vector<1x16xf32>,
      %swap3A_490 = arith.index_cast %scan3A_418 : i32 to index
      %swap3A_491 = arith.constant 112 : index
      %swap3A_492 = tpu.vector_load %arg20[%swap3A_490, %swap3A_491] {strides = array<i32>} : memref<64x128xf32, #tpu.memory_space<vmem>>, vector<1x16xf32>,
      %swap3A_493 = vector.shape_cast %swap3A_492 : vector<1x16xf32> to vector<16xf32>
      %swap3A_494 = vector.shape_cast %broadcast_in_dim3A_1 : vector<16xf32> to vector<1x16xf32>
      tpu.vector_store %arg20[%swap3A_490, %swap3A_491], %swap3A_494 {strides = array<i32>} : memref<64x128xf32, #tpu.memory_space<vmem>>, vector<1x16xf32>,
      %swap3A_495 = arith.index_cast %scan3A_418 : i32 to index
      %swap3A_496 = arith.constant 112 : index
      %swap3A_497 = tpu.vector_load %arg21[%swap3A_495, %swap3A_496] {strides = array<i32>} : memref<64x128xf32, #tpu.memory_space<vmem>>, vector<1x16xf32>,
      %swap3A_498 = vector.shape_cast %swap3A_497 : vector<1x16xf32> to vector<16xf32>
      %swap3A_499 = vector.shape_cast %broadcast_in_dim3A_1 : vector<16xf32> to vector<1x16xf32>
      tpu.vector_store %arg21[%swap3A_495, %swap3A_496], %swap3A_499 {strides = array<i32>} : memref<64x128xf32, #tpu.memory_space<vmem>>, vector<1x16xf32>,
      %scan3A_500 = arith.constant 0 : i32
      scf.yield %scan3A_500 : i32
    }
    %scan3A_7 = arith.constant 64 : i32
    "tpu.region"() ({
      %run_scoped3A = tpu.sem_alloc : memref<!tpu.dma_semaphore, #tpu.memory_space<semaphore_mem>>
      tpu.enqueue_dma source(%arg4 : memref<128x128xf32, #tpu.memory_space<hbm>>) target(%arg16 : memref<128x128xf32, #tpu.memory_space<vmem>>) target_semaphore(%run_scoped3A : memref<!tpu.dma_semaphore, #tpu.memory_space<semaphore_mem>>)
      tpu.wait_dma2 semaphore(%run_scoped3A : memref<!tpu.dma_semaphore, #tpu.memory_space<semaphore_mem>>) src(%arg4 : memref<128x128xf32, #tpu.memory_space<hbm>>) dst(%arg16 : memref<128x128xf32, #tpu.memory_space<vmem>>)
      tpu.yield
    }) : () -> ()
    %mul3A_8 = arith.constant 64 : i32
    %mul3A_9 = arith.muli %arg1, %mul3A_8 : i32
    "tpu.region"() ({
      %run_scoped3A = tpu.sem_alloc : memref<!tpu.dma_semaphore, #tpu.memory_space<semaphore_mem>>
      %dma_start3A_418 = arith.constant 0 : i32
      %dma_start3A_419 = tpu.memref_slice %arg22[%mul3A_9, %dma_start3A_418] : memref<1032x128xf32, #tpu.memory_space<vmem_shared>> -> memref<64x128xf32, #tpu.memory_space<vmem_shared>>
      %dma_start3A_420 = arith.constant 0 : i32
      %dma_start3A_421 = tpu.memref_slice %arg22[%mul3A_9, %dma_start3A_420] : memref<1032x128xf32, #tpu.memory_space<vmem_shared>> -> memref<64x128xf32, #tpu.memory_space<vmem_shared>>
      tpu.enqueue_dma source(%arg20 : memref<64x128xf32, #tpu.memory_space<vmem>>) target(%dma_start3A_421 : memref<64x128xf32, #tpu.memory_space<vmem_shared>>) target_semaphore(%run_scoped3A : memref<!tpu.dma_semaphore, #tpu.memory_space<semaphore_mem>>)
      %dma_wait3A_422 = arith.constant 0 : i32
      %dma_wait3A_423 = tpu.memref_slice %arg22[%mul3A_9, %dma_wait3A_422] : memref<1032x128xf32, #tpu.memory_space<vmem_shared>> -> memref<64x128xf32, #tpu.memory_space<vmem_shared>>
      %dma_wait3A_424 = arith.constant 0 : i32
      %dma_wait3A_425 = tpu.memref_slice %arg22[%mul3A_9, %dma_wait3A_424] : memref<1032x128xf32, #tpu.memory_space<vmem_shared>> -> memref<64x128xf32, #tpu.memory_space<vmem_shared>>
      tpu.wait_dma2 semaphore(%run_scoped3A : memref<!tpu.dma_semaphore, #tpu.memory_space<semaphore_mem>>) src(%arg20 : memref<64x128xf32, #tpu.memory_space<vmem>>) dst(%dma_wait3A_425 : memref<64x128xf32, #tpu.memory_space<vmem_shared>>)
      tpu.yield
    }) : () -> ()
    "tpu.region"() ({
      %run_scoped3A = tpu.sem_alloc : memref<!tpu.dma_semaphore, #tpu.memory_space<semaphore_mem>>
      %dma_start3A_418 = arith.constant 0 : i32
      %dma_start3A_419 = tpu.memref_slice %arg23[%mul3A_9, %dma_start3A_418] : memref<1032x128xf32, #tpu.memory_space<vmem_shared>> -> memref<64x128xf32, #tpu.memory_space<vmem_shared>>
      %dma_start3A_420 = arith.constant 0 : i32
      %dma_start3A_421 = tpu.memref_slice %arg23[%mul3A_9, %dma_start3A_420] : memref<1032x128xf32, #tpu.memory_space<vmem_shared>> -> memref<64x128xf32, #tpu.memory_space<vmem_shared>>
      tpu.enqueue_dma source(%arg21 : memref<64x128xf32, #tpu.memory_space<vmem>>) target(%dma_start3A_421 : memref<64x128xf32, #tpu.memory_space<vmem_shared>>) target_semaphore(%run_scoped3A : memref<!tpu.dma_semaphore, #tpu.memory_space<semaphore_mem>>)
      %dma_wait3A_422 = arith.constant 0 : i32
      %dma_wait3A_423 = tpu.memref_slice %arg23[%mul3A_9, %dma_wait3A_422] : memref<1032x128xf32, #tpu.memory_space<vmem_shared>> -> memref<64x128xf32, #tpu.memory_space<vmem_shared>>
      %dma_wait3A_424 = arith.constant 0 : i32
      %dma_wait3A_425 = tpu.memref_slice %arg23[%mul3A_9, %dma_wait3A_424] : memref<1032x128xf32, #tpu.memory_space<vmem_shared>> -> memref<64x128xf32, #tpu.memory_space<vmem_shared>>
      tpu.wait_dma2 semaphore(%run_scoped3A : memref<!tpu.dma_semaphore, #tpu.memory_space<semaphore_mem>>) src(%arg21 : memref<64x128xf32, #tpu.memory_space<vmem>>) dst(%dma_wait3A_425 : memref<64x128xf32, #tpu.memory_space<vmem_shared>>)
      tpu.yield
    }) : () -> ()
    %barrier3A = arith.constant 0 : index
    tpu.barrier barrier_id(%barrier3A)
    %lt3A = arith.constant 20 : i32
    %lt3A_10 = arith.cmpi slt, %add3A, %lt3A : i32
    %mul3A_11 = arith.constant 3128 : i32
    %mul3A_12 = arith.muli %add3A, %mul3A_11 : i32
    %sub3A = arith.constant 20 : i32
    %sub3A_13 = arith.subi %add3A, %sub3A : i32
    %mul3A_14 = arith.constant 3120 : i32
    %mul3A_15 = arith.muli %sub3A_13, %mul3A_14 : i32
    %add3A_16 = arith.constant 62560 : i32
    %add3A_17 = arith.addi %add3A_16, %mul3A_15 : i32
    %select_n3A = arith.select %lt3A_10, %mul3A_12, %add3A_17 : i32
    %lt3A_18 = arith.constant 20 : i32
    %lt3A_19 = arith.cmpi slt, %add3A, %lt3A_18 : i32
    %jit3A = arith.constant 3128 : i32
    %jit3A_20 = arith.constant 3120 : i32
    %select_n3A_21 = arith.select %lt3A_19, %jit3A, %jit3A_20 : i32
    %broadcast_in_dim3A_22 = arith.constant 0xFF800000 : f32
    %broadcast_in_dim3A_23 = vector.broadcast %broadcast_in_dim3A_22 : f32 to vector<16xf32>
    %add3A_24 = arith.constant 16 : i32
    %add3A_25 = arith.addi %select_n3A, %add3A_24 : i32
    "tpu.region"() ({
      %run_scoped3A = tpu.sem_alloc : memref<!tpu.dma_semaphore, #tpu.memory_space<semaphore_mem>>
      %dma_start3A_418 = arith.constant 0 : i32
      %dma_start3A_419 = tpu.memref_slice %arg11[%dma_start3A_418] : memref<160xi32, #tpu.memory_space<vmem>> -> memref<16xi32, #tpu.memory_space<vmem>>
      %dma_start3A_420 = tpu.memref_slice %arg3[%add3A_25] : memref<100048xi32, #tpu.memory_space<hbm>> -> memref<16xi32, #tpu.memory_space<hbm>>
      %dma_start3A_421 = arith.constant 0 : i32
      %dma_start3A_422 = tpu.memref_slice %arg11[%dma_start3A_421] : memref<160xi32, #tpu.memory_space<vmem>> -> memref<16xi32, #tpu.memory_space<vmem>>
      %dma_start3A_423 = tpu.memref_slice %arg3[%add3A_25] : memref<100048xi32, #tpu.memory_space<hbm>> -> memref<16xi32, #tpu.memory_space<hbm>>
      tpu.enqueue_dma source(%dma_start3A_423 : memref<16xi32, #tpu.memory_space<hbm>>) target(%dma_start3A_422 : memref<16xi32, #tpu.memory_space<vmem>>) target_semaphore(%run_scoped3A : memref<!tpu.dma_semaphore, #tpu.memory_space<semaphore_mem>>)
      %dma_wait3A_424 = arith.constant 0 : i32
      %dma_wait3A_425 = tpu.memref_slice %arg11[%dma_wait3A_424] : memref<160xi32, #tpu.memory_space<vmem>> -> memref<16xi32, #tpu.memory_space<vmem>>
      %dma_wait3A_426 = tpu.memref_slice %arg3[%add3A_25] : memref<100048xi32, #tpu.memory_space<hbm>> -> memref<16xi32, #tpu.memory_space<hbm>>
      %dma_wait3A_427 = arith.constant 0 : i32
      %dma_wait3A_428 = tpu.memref_slice %arg11[%dma_wait3A_427] : memref<160xi32, #tpu.memory_space<vmem>> -> memref<16xi32, #tpu.memory_space<vmem>>
      %dma_wait3A_429 = tpu.memref_slice %arg3[%add3A_25] : memref<100048xi32, #tpu.memory_space<hbm>> -> memref<16xi32, #tpu.memory_space<hbm>>
      tpu.wait_dma2 semaphore(%run_scoped3A : memref<!tpu.dma_semaphore, #tpu.memory_space<semaphore_mem>>) src(%dma_wait3A_429 : memref<16xi32, #tpu.memory_space<hbm>>) dst(%dma_wait3A_428 : memref<16xi32, #tpu.memory_space<vmem>>)
      tpu.yield
    }) : () -> ()
    %get3A = arith.constant 0 : index
    %get3A_26 = tpu.vector_load %arg11[%get3A] {strides = array<i32>} : memref<160xi32, #tpu.memory_space<vmem>>, vector<16xi32>,
    %get3A_27 = vector.shape_cast %get3A_26 : vector<16xi32> to vector<16xi32>
    %slice3A = vector.extract_strided_slice %get3A_27 {offsets = [0], sizes = [1], strides = [1]} : vector<16xi32> to vector<1xi32>
    %squeeze3A = vector.extract %slice3A[0] : i32 from vector<1xi32>
    %iota3A_28 = tpu.iota {dimensions = array<i32: 0>} : vector<16xi32>
    %dma_start3A = arith.constant 0 : i32
    %dma_start3A_29 = tpu.memref_slice %arg2[%select_n3A, %dma_start3A] : memref<100000x128xf32, #tpu.memory_space<hbm>> -> memref<128x128xf32, #tpu.memory_space<hbm>>
    %dma_start3A_30 = arith.constant 0 : i32
    %dma_start3A_31 = tpu.memref_slice %arg2[%select_n3A, %dma_start3A_30] : memref<100000x128xf32, #tpu.memory_space<hbm>> -> memref<128x128xf32, #tpu.memory_space<hbm>>
    tpu.enqueue_dma source(%dma_start3A_31 : memref<128x128xf32, #tpu.memory_space<hbm>>) target(%arg10 : memref<128x128xf32, #tpu.memory_space<vmem>>) target_semaphore(%arg24 : memref<!tpu.dma_semaphore, #tpu.memory_space<semaphore_mem>>)
    %dma_start3A_32 = tpu.memref_slice %arg3[%select_n3A] : memref<100048xi32, #tpu.memory_space<hbm>> -> memref<160xi32, #tpu.memory_space<hbm>>
    %dma_start3A_33 = tpu.memref_slice %arg3[%select_n3A] : memref<100048xi32, #tpu.memory_space<hbm>> -> memref<160xi32, #tpu.memory_space<hbm>>
    tpu.enqueue_dma source(%dma_start3A_33 : memref<160xi32, #tpu.memory_space<hbm>>) target(%arg11 : memref<160xi32, #tpu.memory_space<vmem>>) target_semaphore(%arg25 : memref<!tpu.dma_semaphore, #tpu.memory_space<semaphore_mem>>)
    %dma_wait3A = arith.constant 0 : i32
    %dma_wait3A_34 = arith.constant 0 : i32
    %dma_wait3A_35 = tpu.memref_slice %arg2[%dma_wait3A, %dma_wait3A_34] : memref<100000x128xf32, #tpu.memory_space<hbm>> -> memref<128x128xf32, #tpu.memory_space<hbm>>
    %dma_wait3A_36 = arith.constant 0 : i32
    %dma_wait3A_37 = arith.constant 0 : i32
    %dma_wait3A_38 = tpu.memref_slice %arg2[%dma_wait3A_36, %dma_wait3A_37] : memref<100000x128xf32, #tpu.memory_space<hbm>> -> memref<128x128xf32, #tpu.memory_space<hbm>>
    tpu.wait_dma2 semaphore(%arg24 : memref<!tpu.dma_semaphore, #tpu.memory_space<semaphore_mem>>) src(%dma_wait3A_38 : memref<128x128xf32, #tpu.memory_space<hbm>>) dst(%arg10 : memref<128x128xf32, #tpu.memory_space<vmem>>)
    %dma_wait3A_39 = arith.constant 0 : i32
    %dma_wait3A_40 = tpu.memref_slice %arg3[%dma_wait3A_39] : memref<100048xi32, #tpu.memory_space<hbm>> -> memref<160xi32, #tpu.memory_space<hbm>>
    %dma_wait3A_41 = arith.constant 0 : i32
    %dma_wait3A_42 = tpu.memref_slice %arg3[%dma_wait3A_41] : memref<100048xi32, #tpu.memory_space<hbm>> -> memref<160xi32, #tpu.memory_space<hbm>>
    tpu.wait_dma2 semaphore(%arg25 : memref<!tpu.dma_semaphore, #tpu.memory_space<semaphore_mem>>) src(%dma_wait3A_42 : memref<160xi32, #tpu.memory_space<hbm>>) dst(%arg11 : memref<160xi32, #tpu.memory_space<vmem>>)
    %get3A_43 = arith.constant 16 : index
    %get3A_44 = tpu.vector_load %arg11[%get3A_43] {strides = array<i32>} : memref<160xi32, #tpu.memory_space<vmem>>, vector<16xi32>,
    %get3A_45 = vector.shape_cast %get3A_44 : vector<16xi32> to vector<16xi32>
    %swap3A = arith.constant 0 : index
    %swap3A_46 = tpu.vector_load %arg12[%swap3A] {strides = array<i32>} : memref<128xi32, #tpu.memory_space<vmem>>, vector<16xi32>,
    %swap3A_47 = vector.shape_cast %swap3A_46 : vector<16xi32> to vector<16xi32>
    %swap3A_48 = vector.shape_cast %get3A_45 : vector<16xi32> to vector<16xi32>
    tpu.vector_store %arg12[%swap3A], %swap3A_48 {strides = array<i32>} : memref<128xi32, #tpu.memory_space<vmem>>, vector<16xi32>,
    %get3A_49 = arith.constant 32 : index
    %get3A_50 = tpu.vector_load %arg11[%get3A_49] {strides = array<i32>} : memref<160xi32, #tpu.memory_space<vmem>>, vector<16xi32>,
    %get3A_51 = vector.shape_cast %get3A_50 : vector<16xi32> to vector<16xi32>
    %swap3A_52 = arith.constant 16 : index
    %swap3A_53 = tpu.vector_load %arg12[%swap3A_52] {strides = array<i32>} : memref<128xi32, #tpu.memory_space<vmem>>, vector<16xi32>,
    %swap3A_54 = vector.shape_cast %swap3A_53 : vector<16xi32> to vector<16xi32>
    %swap3A_55 = vector.shape_cast %get3A_51 : vector<16xi32> to vector<16xi32>
    tpu.vector_store %arg12[%swap3A_52], %swap3A_55 {strides = array<i32>} : memref<128xi32, #tpu.memory_space<vmem>>, vector<16xi32>,
    %get3A_56 = arith.constant 48 : index
    %get3A_57 = tpu.vector_load %arg11[%get3A_56] {strides = array<i32>} : memref<160xi32, #tpu.memory_space<vmem>>, vector<16xi32>,
    %get3A_58 = vector.shape_cast %get3A_57 : vector<16xi32> to vector<16xi32>
    %swap3A_59 = arith.constant 32 : index
    %swap3A_60 = tpu.vector_load %arg12[%swap3A_59] {strides = array<i32>} : memref<128xi32, #tpu.memory_space<vmem>>, vector<16xi32>,
    %swap3A_61 = vector.shape_cast %swap3A_60 : vector<16xi32> to vector<16xi32>
    %swap3A_62 = vector.shape_cast %get3A_58 : vector<16xi32> to vector<16xi32>
    tpu.vector_store %arg12[%swap3A_59], %swap3A_62 {strides = array<i32>} : memref<128xi32, #tpu.memory_space<vmem>>, vector<16xi32>,
    %get3A_63 = arith.constant 64 : index
    %get3A_64 = tpu.vector_load %arg11[%get3A_63] {strides = array<i32>} : memref<160xi32, #tpu.memory_space<vmem>>, vector<16xi32>,
    %get3A_65 = vector.shape_cast %get3A_64 : vector<16xi32> to vector<16xi32>
    %swap3A_66 = arith.constant 48 : index
    %swap3A_67 = tpu.vector_load %arg12[%swap3A_66] {strides = array<i32>} : memref<128xi32, #tpu.memory_space<vmem>>, vector<16xi32>,
    %swap3A_68 = vector.shape_cast %swap3A_67 : vector<16xi32> to vector<16xi32>
    %swap3A_69 = vector.shape_cast %get3A_65 : vector<16xi32> to vector<16xi32>
    tpu.vector_store %arg12[%swap3A_66], %swap3A_69 {strides = array<i32>} : memref<128xi32, #tpu.memory_space<vmem>>, vector<16xi32>,
    %get3A_70 = arith.constant 80 : index
    %get3A_71 = tpu.vector_load %arg11[%get3A_70] {strides = array<i32>} : memref<160xi32, #tpu.memory_space<vmem>>, vector<16xi32>,
    %get3A_72 = vector.shape_cast %get3A_71 : vector<16xi32> to vector<16xi32>
    %swap3A_73 = arith.constant 64 : index
    %swap3A_74 = tpu.vector_load %arg12[%swap3A_73] {strides = array<i32>} : memref<128xi32, #tpu.memory_space<vmem>>, vector<16xi32>,
    %swap3A_75 = vector.shape_cast %swap3A_74 : vector<16xi32> to vector<16xi32>
    %swap3A_76 = vector.shape_cast %get3A_72 : vector<16xi32> to vector<16xi32>
    tpu.vector_store %arg12[%swap3A_73], %swap3A_76 {strides = array<i32>} : memref<128xi32, #tpu.memory_space<vmem>>, vector<16xi32>,
    %get3A_77 = arith.constant 96 : index
    %get3A_78 = tpu.vector_load %arg11[%get3A_77] {strides = array<i32>} : memref<160xi32, #tpu.memory_space<vmem>>, vector<16xi32>,
    %get3A_79 = vector.shape_cast %get3A_78 : vector<16xi32> to vector<16xi32>
    %swap3A_80 = arith.constant 80 : index
    %swap3A_81 = tpu.vector_load %arg12[%swap3A_80] {strides = array<i32>} : memref<128xi32, #tpu.memory_space<vmem>>, vector<16xi32>,
    %swap3A_82 = vector.shape_cast %swap3A_81 : vector<16xi32> to vector<16xi32>
    %swap3A_83 = vector.shape_cast %get3A_79 : vector<16xi32> to vector<16xi32>
    tpu.vector_store %arg12[%swap3A_80], %swap3A_83 {strides = array<i32>} : memref<128xi32, #tpu.memory_space<vmem>>, vector<16xi32>,
    %get3A_84 = arith.constant 112 : index
    %get3A_85 = tpu.vector_load %arg11[%get3A_84] {strides = array<i32>} : memref<160xi32, #tpu.memory_space<vmem>>, vector<16xi32>,
    %get3A_86 = vector.shape_cast %get3A_85 : vector<16xi32> to vector<16xi32>
    %swap3A_87 = arith.constant 96 : index
    %swap3A_88 = tpu.vector_load %arg12[%swap3A_87] {strides = array<i32>} : memref<128xi32, #tpu.memory_space<vmem>>, vector<16xi32>,
    %swap3A_89 = vector.shape_cast %swap3A_88 : vector<16xi32> to vector<16xi32>
    %swap3A_90 = vector.shape_cast %get3A_86 : vector<16xi32> to vector<16xi32>
    tpu.vector_store %arg12[%swap3A_87], %swap3A_90 {strides = array<i32>} : memref<128xi32, #tpu.memory_space<vmem>>, vector<16xi32>,
    %get3A_91 = arith.constant 128 : index
    %get3A_92 = tpu.vector_load %arg11[%get3A_91] {strides = array<i32>} : memref<160xi32, #tpu.memory_space<vmem>>, vector<16xi32>,
    %get3A_93 = vector.shape_cast %get3A_92 : vector<16xi32> to vector<16xi32>
    %swap3A_94 = arith.constant 112 : index
    %swap3A_95 = tpu.vector_load %arg12[%swap3A_94] {strides = array<i32>} : memref<128xi32, #tpu.memory_space<vmem>>, vector<16xi32>,
    %swap3A_96 = vector.shape_cast %swap3A_95 : vector<16xi32> to vector<16xi32>
    %swap3A_97 = vector.shape_cast %get3A_93 : vector<16xi32> to vector<16xi32>
    tpu.vector_store %arg12[%swap3A_94], %swap3A_97 {strides = array<i32>} : memref<128xi32, #tpu.memory_space<vmem>>, vector<16xi32>,
    %dma_start3A_98 = arith.constant 0 : i32
    %dma_start3A_99 = arith.constant 0 : i32
    %dma_start3A_100 = tpu.memref_slice %arg22[%dma_start3A_98, %dma_start3A_99] : memref<1032x128xf32, #tpu.memory_space<vmem_shared>> -> memref<1032x128xf32, #tpu.memory_space<vmem_shared>>
    tpu.enqueue_indirect_dma source(%arg10 : memref<128x128xf32, #tpu.memory_space<vmem>>) target(%dma_start3A_100 : memref<1032x128xf32, #tpu.memory_space<vmem_shared>>) offsets(%arg12 : memref<128xi32, #tpu.memory_space<vmem>>) semaphore(%arg26 : memref<!tpu.dma_semaphore, #tpu.memory_space<semaphore_mem>>) {add = true}
    %dma_start3A_101 = arith.constant 0 : i32
    %dma_start3A_102 = arith.constant 0 : i32
    %dma_start3A_103 = tpu.memref_slice %arg23[%dma_start3A_101, %dma_start3A_102] : memref<1032x128xf32, #tpu.memory_space<vmem_shared>> -> memref<1032x128xf32, #tpu.memory_space<vmem_shared>>
    tpu.enqueue_indirect_dma source(%arg16 : memref<128x128xf32, #tpu.memory_space<vmem>>) target(%dma_start3A_103 : memref<1032x128xf32, #tpu.memory_space<vmem_shared>>) offsets(%arg12 : memref<128xi32, #tpu.memory_space<vmem>>) semaphore(%arg27 : memref<!tpu.dma_semaphore, #tpu.memory_space<semaphore_mem>>) {add = true}
    %add3A_104 = arith.constant 128 : i32
    %add3A_105 = arith.addi %select_n3A, %add3A_104 : i32
    %dma_start3A_106 = arith.constant 0 : i32
    %dma_start3A_107 = tpu.memref_slice %arg2[%add3A_105, %dma_start3A_106] : memref<100000x128xf32, #tpu.memory_space<hbm>> -> memref<128x128xf32, #tpu.memory_space<hbm>>
    %dma_start3A_108 = arith.constant 0 : i32
    %dma_start3A_109 = tpu.memref_slice %arg2[%add3A_105, %dma_start3A_108] : memref<100000x128xf32, #tpu.memory_space<hbm>> -> memref<128x128xf32, #tpu.memory_space<hbm>>
    tpu.enqueue_dma source(%dma_start3A_109 : memref<128x128xf32, #tpu.memory_space<hbm>>) target(%arg13 : memref<128x128xf32, #tpu.memory_space<vmem>>) target_semaphore(%arg28 : memref<!tpu.dma_semaphore, #tpu.memory_space<semaphore_mem>>)
    %dma_start3A_110 = tpu.memref_slice %arg3[%add3A_105] : memref<100048xi32, #tpu.memory_space<hbm>> -> memref<160xi32, #tpu.memory_space<hbm>>
    %dma_start3A_111 = tpu.memref_slice %arg3[%add3A_105] : memref<100048xi32, #tpu.memory_space<hbm>> -> memref<160xi32, #tpu.memory_space<hbm>>
    tpu.enqueue_dma source(%dma_start3A_111 : memref<160xi32, #tpu.memory_space<hbm>>) target(%arg14 : memref<160xi32, #tpu.memory_space<vmem>>) target_semaphore(%arg29 : memref<!tpu.dma_semaphore, #tpu.memory_space<semaphore_mem>>)
    %scan3A_112 = arith.constant 0 : i32
    %scan3A_113 = arith.constant 0 : i32
    %scan3A_114 = arith.constant 8 : i32
    %scan3A_115 = arith.addi %scan3A_113, %scan3A_114 : i32
    %scan3A_116 = arith.constant 1 : i32
    %scan3A_117:10 = scf.for %scan3A_418 = %scan3A_113 to %scan3A_115 step %scan3A_116 iter_args(%scan3A_419 = %squeeze3A, %scan3A_420 = %scan3A_112, %scan3A_421 = %broadcast_in_dim3A_23, %scan3A_422 = %broadcast_in_dim3A_23, %scan3A_423 = %broadcast_in_dim3A_23, %scan3A_424 = %broadcast_in_dim3A_23, %scan3A_425 = %broadcast_in_dim3A_23, %scan3A_426 = %broadcast_in_dim3A_23, %scan3A_427 = %broadcast_in_dim3A_23, %scan3A_428 = %broadcast_in_dim3A_23) -> (i32, i32, vector<16xf32>, vector<16xf32>, vector<16xf32>, vector<16xf32>, vector<16xf32>, vector<16xf32>, vector<16xf32>, vector<16xf32>)  : i32 {
      %mul3A_429 = arith.constant 16 : i32
      %mul3A_430 = arith.muli %scan3A_418, %mul3A_429 : i32
      %add3A_431 = arith.constant 16 : i32
      %add3A_432 = arith.addi %add3A_431, %mul3A_430 : i32
      %get3A_433 = arith.index_cast %add3A_432 : i32 to index
      %get3A_434 = tpu.vector_load %arg11[%get3A_433] {strides = array<i32>} : memref<160xi32, #tpu.memory_space<vmem>>, vector<16xi32>,
      %get3A_435 = vector.shape_cast %get3A_434 : vector<16xi32> to vector<16xi32>
      %add3A_436 = arith.constant 15 : i32
      %add3A_437 = arith.addi %add3A_436, %mul3A_430 : i32
      %get3A_438 = arith.index_cast %add3A_437 : i32 to index
      %get3A_439 = tpu.vector_load %arg11[%get3A_438] {strides = array<i32>} : memref<160xi32, #tpu.memory_space<vmem>>, vector<16xi32>,
      %get3A_440 = vector.shape_cast %get3A_439 : vector<16xi32> to vector<16xi32>
      %ne3A = arith.cmpi ne, %get3A_435, %get3A_440 : vector<16xi32>
      %jit3A_441 = arith.constant 16 : i32
      %broadcast_in_dim3A_442 = vector.broadcast %jit3A_441 : i32 to vector<16xi32>
      %select_n3A_443 = arith.select %ne3A, %iota3A_28, %broadcast_in_dim3A_442 : vector<16xi1>, vector<16xi32>
      %add3A_444 = arith.constant 8 : i32
      %add3A_445 = vector.broadcast %add3A_444 : i32 to vector<16xi32>
      %add3A_446 = arith.addi %iota3A_28, %add3A_445 : vector<16xi32>
      %and3A = arith.constant 15 : i32
      %and3A_447 = vector.broadcast %and3A : i32 to vector<16xi32>
      %and3A_448 = arith.andi %add3A_446, %and3A_447 : vector<16xi32>
      %lt3A_449 = arith.constant 0 : i32
      %lt3A_450 = vector.broadcast %lt3A_449 : i32 to vector<16xi32>
      %lt3A_451 = arith.cmpi slt, %and3A_448, %lt3A_450 : vector<16xi32>
      %add3A_452 = arith.constant 16 : i32
      %add3A_453 = vector.broadcast %add3A_452 : i32 to vector<16xi32>
      %add3A_454 = arith.addi %and3A_448, %add3A_453 : vector<16xi32>
      %select_n3A_455 = arith.select %lt3A_451, %add3A_454, %and3A_448 : vector<16xi1>, vector<16xi32>
      %broadcast_in_dim3A_456 = vector.shape_cast %select_n3A_455 : vector<16xi32> to vector<16x1xi32>
      %gather3A = vector.shape_cast %broadcast_in_dim3A_456 : vector<16x1xi32> to vector<16xi32>
      %gather3A_457 = tpu.dynamic_gather %select_n3A_443[%gather3A] in [0] : vector<16xi32>, vector<16xi32> -> vector<16xi32>
      %min3A = arith.minsi %select_n3A_443, %gather3A_457 : vector<16xi32>
      %add3A_458 = arith.constant 4 : i32
      %add3A_459 = vector.broadcast %add3A_458 : i32 to vector<16xi32>
      %add3A_460 = arith.addi %iota3A_28, %add3A_459 : vector<16xi32>
      %and3A_461 = arith.constant 15 : i32
      %and3A_462 = vector.broadcast %and3A_461 : i32 to vector<16xi32>
      %and3A_463 = arith.andi %add3A_460, %and3A_462 : vector<16xi32>
      %lt3A_464 = arith.constant 0 : i32
      %lt3A_465 = vector.broadcast %lt3A_464 : i32 to vector<16xi32>
      %lt3A_466 = arith.cmpi slt, %and3A_463, %lt3A_465 : vector<16xi32>
      %add3A_467 = arith.constant 16 : i32
      %add3A_468 = vector.broadcast %add3A_467 : i32 to vector<16xi32>
      %add3A_469 = arith.addi %and3A_463, %add3A_468 : vector<16xi32>
      %select_n3A_470 = arith.select %lt3A_466, %add3A_469, %and3A_463 : vector<16xi1>, vector<16xi32>
      %broadcast_in_dim3A_471 = vector.shape_cast %select_n3A_470 : vector<16xi32> to vector<16x1xi32>
      %gather3A_472 = vector.shape_cast %broadcast_in_dim3A_471 : vector<16x1xi32> to vector<16xi32>
      %gather3A_473 = tpu.dynamic_gather %min3A[%gather3A_472] in [0] : vector<16xi32>, vector<16xi32> -> vector<16xi32>
      %min3A_474 = arith.minsi %min3A, %gather3A_473 : vector<16xi32>
      %add3A_475 = arith.constant 2 : i32
      %add3A_476 = vector.broadcast %add3A_475 : i32 to vector<16xi32>
      %add3A_477 = arith.addi %iota3A_28, %add3A_476 : vector<16xi32>
      %and3A_478 = arith.constant 15 : i32
      %and3A_479 = vector.broadcast %and3A_478 : i32 to vector<16xi32>
      %and3A_480 = arith.andi %add3A_477, %and3A_479 : vector<16xi32>
      %lt3A_481 = arith.constant 0 : i32
      %lt3A_482 = vector.broadcast %lt3A_481 : i32 to vector<16xi32>
      %lt3A_483 = arith.cmpi slt, %and3A_480, %lt3A_482 : vector<16xi32>
      %add3A_484 = arith.constant 16 : i32
      %add3A_485 = vector.broadcast %add3A_484 : i32 to vector<16xi32>
      %add3A_486 = arith.addi %and3A_480, %add3A_485 : vector<16xi32>
      %select_n3A_487 = arith.select %lt3A_483, %add3A_486, %and3A_480 : vector<16xi1>, vector<16xi32>
      %broadcast_in_dim3A_488 = vector.shape_cast %select_n3A_487 : vector<16xi32> to vector<16x1xi32>
      %gather3A_489 = vector.shape_cast %broadcast_in_dim3A_488 : vector<16x1xi32> to vector<16xi32>
      %gather3A_490 = tpu.dynamic_gather %min3A_474[%gather3A_489] in [0] : vector<16xi32>, vector<16xi32> -> vector<16xi32>
      %min3A_491 = arith.minsi %min3A_474, %gather3A_490 : vector<16xi32>
      %add3A_492 = arith.constant 1 : i32
      %add3A_493 = vector.broadcast %add3A_492 : i32 to vector<16xi32>
      %add3A_494 = arith.addi %iota3A_28, %add3A_493 : vector<16xi32>
      %and3A_495 = arith.constant 15 : i32
      %and3A_496 = vector.broadcast %and3A_495 : i32 to vector<16xi32>
      %and3A_497 = arith.andi %add3A_494, %and3A_496 : vector<16xi32>
      %lt3A_498 = arith.constant 0 : i32
      %lt3A_499 = vector.broadcast %lt3A_498 : i32 to vector<16xi32>
      %lt3A_500 = arith.cmpi slt, %and3A_497, %lt3A_499 : vector<16xi32>
      %add3A_501 = arith.constant 16 : i32
      %add3A_502 = vector.broadcast %add3A_501 : i32 to vector<16xi32>
      %add3A_503 = arith.addi %and3A_497, %add3A_502 : vector<16xi32>
      %select_n3A_504 = arith.select %lt3A_500, %add3A_503, %and3A_497 : vector<16xi1>, vector<16xi32>
      %broadcast_in_dim3A_505 = vector.shape_cast %select_n3A_504 : vector<16xi32> to vector<16x1xi32>
      %gather3A_506 = vector.shape_cast %broadcast_in_dim3A_505 : vector<16x1xi32> to vector<16xi32>
      %gather3A_507 = tpu.dynamic_gather %min3A_491[%gather3A_506] in [0] : vector<16xi32>, vector<16xi32> -> vector<16xi32>
      %min3A_508 = arith.minsi %min3A_491, %gather3A_507 : vector<16xi32>
      %slice3A_509 = vector.extract_strided_slice %min3A_508 {offsets = [0], sizes = [1], strides = [1]} : vector<16xi32> to vector<1xi32>
      %squeeze3A_510 = vector.extract %slice3A_509[0] : i32 from vector<1xi32>
      %while3A_511 = arith.constant 0 : i32
      %while3A_512 = arith.subi %squeeze3A_510, %while3A_511 : i32
      %while3A_513 = arith.addi %while3A_511, %while3A_512 : i32
      %while3A_514 = arith.constant 1 : i32
      %while3A_515 = arith.divsi %while3A_512, %while3A_514 : i32
      %while3A_516 = arith.muli %while3A_515, %while3A_514 : i32
      %while3A_517 = arith.addi %while3A_511, %while3A_516 : i32
      %while3A_518 = arith.constant 1 : i32
      %while3A_519:8 = scf.for %while3A_533 = %while3A_511 to %while3A_517 step %while3A_518 iter_args(%while3A_534 = %scan3A_421, %while3A_535 = %scan3A_422, %while3A_536 = %scan3A_423, %while3A_537 = %scan3A_424, %while3A_538 = %scan3A_425, %while3A_539 = %scan3A_426, %while3A_540 = %scan3A_427, %while3A_541 = %scan3A_428) -> (vector<16xf32>, vector<16xf32>, vector<16xf32>, vector<16xf32>, vector<16xf32>, vector<16xf32>, vector<16xf32>, vector<16xf32>)  : i32 {
        %add3A_542 = arith.addi %mul3A_430, %while3A_533 : i32
        %get3A_543 = arith.index_cast %add3A_542 : i32 to index
        %get3A_544 = arith.constant 0 : index
        %get3A_545 = tpu.vector_load %arg10[%get3A_543, %get3A_544] {strides = array<i32>} : memref<128x128xf32, #tpu.memory_space<vmem>>, vector<1x16xf32>,
        %get3A_546 = vector.shape_cast %get3A_545 : vector<1x16xf32> to vector<16xf32>
        %max3A = arith.maximumf %while3A_534, %get3A_546 : vector<16xf32>
        %add3A_547 = arith.addi %mul3A_430, %while3A_533 : i32
        %get3A_548 = arith.index_cast %add3A_547 : i32 to index
        %get3A_549 = arith.constant 16 : index
        %get3A_550 = tpu.vector_load %arg10[%get3A_548, %get3A_549] {strides = array<i32>} : memref<128x128xf32, #tpu.memory_space<vmem>>, vector<1x16xf32>,
        %get3A_551 = vector.shape_cast %get3A_550 : vector<1x16xf32> to vector<16xf32>
        %max3A_552 = arith.maximumf %while3A_535, %get3A_551 : vector<16xf32>
        %add3A_553 = arith.addi %mul3A_430, %while3A_533 : i32
        %get3A_554 = arith.index_cast %add3A_553 : i32 to index
        %get3A_555 = arith.constant 32 : index
        %get3A_556 = tpu.vector_load %arg10[%get3A_554, %get3A_555] {strides = array<i32>} : memref<128x128xf32, #tpu.memory_space<vmem>>, vector<1x16xf32>,
        %get3A_557 = vector.shape_cast %get3A_556 : vector<1x16xf32> to vector<16xf32>
        %max3A_558 = arith.maximumf %while3A_536, %get3A_557 : vector<16xf32>
        %add3A_559 = arith.addi %mul3A_430, %while3A_533 : i32
        %get3A_560 = arith.index_cast %add3A_559 : i32 to index
        %get3A_561 = arith.constant 48 : index
        %get3A_562 = tpu.vector_load %arg10[%get3A_560, %get3A_561] {strides = array<i32>} : memref<128x128xf32, #tpu.memory_space<vmem>>, vector<1x16xf32>,
        %get3A_563 = vector.shape_cast %get3A_562 : vector<1x16xf32> to vector<16xf32>
        %max3A_564 = arith.maximumf %while3A_537, %get3A_563 : vector<16xf32>
        %add3A_565 = arith.addi %mul3A_430, %while3A_533 : i32
        %get3A_566 = arith.index_cast %add3A_565 : i32 to index
        %get3A_567 = arith.constant 64 : index
        %get3A_568 = tpu.vector_load %arg10[%get3A_566, %get3A_567] {strides = array<i32>} : memref<128x128xf32, #tpu.memory_space<vmem>>, vector<1x16xf32>,
        %get3A_569 = vector.shape_cast %get3A_568 : vector<1x16xf32> to vector<16xf32>
        %max3A_570 = arith.maximumf %while3A_538, %get3A_569 : vector<16xf32>
        %add3A_571 = arith.addi %mul3A_430, %while3A_533 : i32
        %get3A_572 = arith.index_cast %add3A_571 : i32 to index
        %get3A_573 = arith.constant 80 : index
        %get3A_574 = tpu.vector_load %arg10[%get3A_572, %get3A_573] {strides = array<i32>} : memref<128x128xf32, #tpu.memory_space<vmem>>, vector<1x16xf32>,
        %get3A_575 = vector.shape_cast %get3A_574 : vector<1x16xf32> to vector<16xf32>
        %max3A_576 = arith.maximumf %while3A_539, %get3A_575 : vector<16xf32>
        %add3A_577 = arith.addi %mul3A_430, %while3A_533 : i32
        %get3A_578 = arith.index_cast %add3A_577 : i32 to index
        %get3A_579 = arith.constant 96 : index
        %get3A_580 = tpu.vector_load %arg10[%get3A_578, %get3A_579] {strides = array<i32>} : memref<128x128xf32, #tpu.memory_space<vmem>>, vector<1x16xf32>,
        %get3A_581 = vector.shape_cast %get3A_580 : vector<1x16xf32> to vector<16xf32>
        %max3A_582 = arith.maximumf %while3A_540, %get3A_581 : vector<16xf32>
        %add3A_583 = arith.addi %mul3A_430, %while3A_533 : i32
        %get3A_584 = arith.index_cast %add3A_583 : i32 to index
        %get3A_585 = arith.constant 112 : index
        %get3A_586 = tpu.vector_load %arg10[%get3A_584, %get3A_585] {strides = array<i32>} : memref<128x128xf32, #tpu.memory_space<vmem>>, vector<1x16xf32>,
        %get3A_587 = vector.shape_cast %get3A_586 : vector<1x16xf32> to vector<16xf32>
        %max3A_588 = arith.maximumf %while3A_541, %get3A_587 : vector<16xf32>
        scf.yield %max3A, %max3A_552, %max3A_558, %max3A_564, %max3A_570, %max3A_576, %max3A_582, %max3A_588 : vector<16xf32>, vector<16xf32>, vector<16xf32>, vector<16xf32>, vector<16xf32>, vector<16xf32>, vector<16xf32>, vector<16xf32>
      }
      %while3A_520 = arith.constant 1 : i32
      %while3A_521:8 = scf.for %while3A_533 = %while3A_517 to %while3A_513 step %while3A_520 iter_args(%while3A_534 = %while3A_519#0, %while3A_535 = %while3A_519#1, %while3A_536 = %while3A_519#2, %while3A_537 = %while3A_519#3, %while3A_538 = %while3A_519#4, %while3A_539 = %while3A_519#5, %while3A_540 = %while3A_519#6, %while3A_541 = %while3A_519#7) -> (vector<16xf32>, vector<16xf32>, vector<16xf32>, vector<16xf32>, vector<16xf32>, vector<16xf32>, vector<16xf32>, vector<16xf32>)  : i32 {
        %add3A_542 = arith.addi %mul3A_430, %while3A_533 : i32
        %get3A_543 = arith.index_cast %add3A_542 : i32 to index
        %get3A_544 = arith.constant 0 : index
        %get3A_545 = tpu.vector_load %arg10[%get3A_543, %get3A_544] {strides = array<i32>} : memref<128x128xf32, #tpu.memory_space<vmem>>, vector<1x16xf32>,
        %get3A_546 = vector.shape_cast %get3A_545 : vector<1x16xf32> to vector<16xf32>
        %max3A = arith.maximumf %while3A_534, %get3A_546 : vector<16xf32>
        %add3A_547 = arith.addi %mul3A_430, %while3A_533 : i32
        %get3A_548 = arith.index_cast %add3A_547 : i32 to index
        %get3A_549 = arith.constant 16 : index
        %get3A_550 = tpu.vector_load %arg10[%get3A_548, %get3A_549] {strides = array<i32>} : memref<128x128xf32, #tpu.memory_space<vmem>>, vector<1x16xf32>,
        %get3A_551 = vector.shape_cast %get3A_550 : vector<1x16xf32> to vector<16xf32>
        %max3A_552 = arith.maximumf %while3A_535, %get3A_551 : vector<16xf32>
        %add3A_553 = arith.addi %mul3A_430, %while3A_533 : i32
        %get3A_554 = arith.index_cast %add3A_553 : i32 to index
        %get3A_555 = arith.constant 32 : index
        %get3A_556 = tpu.vector_load %arg10[%get3A_554, %get3A_555] {strides = array<i32>} : memref<128x128xf32, #tpu.memory_space<vmem>>, vector<1x16xf32>,
        %get3A_557 = vector.shape_cast %get3A_556 : vector<1x16xf32> to vector<16xf32>
        %max3A_558 = arith.maximumf %while3A_536, %get3A_557 : vector<16xf32>
        %add3A_559 = arith.addi %mul3A_430, %while3A_533 : i32
        %get3A_560 = arith.index_cast %add3A_559 : i32 to index
        %get3A_561 = arith.constant 48 : index
        %get3A_562 = tpu.vector_load %arg10[%get3A_560, %get3A_561] {strides = array<i32>} : memref<128x128xf32, #tpu.memory_space<vmem>>, vector<1x16xf32>,
        %get3A_563 = vector.shape_cast %get3A_562 : vector<1x16xf32> to vector<16xf32>
        %max3A_564 = arith.maximumf %while3A_537, %get3A_563 : vector<16xf32>
        %add3A_565 = arith.addi %mul3A_430, %while3A_533 : i32
        %get3A_566 = arith.index_cast %add3A_565 : i32 to index
        %get3A_567 = arith.constant 64 : index
        %get3A_568 = tpu.vector_load %arg10[%get3A_566, %get3A_567] {strides = array<i32>} : memref<128x128xf32, #tpu.memory_space<vmem>>, vector<1x16xf32>,
        %get3A_569 = vector.shape_cast %get3A_568 : vector<1x16xf32> to vector<16xf32>
        %max3A_570 = arith.maximumf %while3A_538, %get3A_569 : vector<16xf32>
        %add3A_571 = arith.addi %mul3A_430, %while3A_533 : i32
        %get3A_572 = arith.index_cast %add3A_571 : i32 to index
        %get3A_573 = arith.constant 80 : index
        %get3A_574 = tpu.vector_load %arg10[%get3A_572, %get3A_573] {strides = array<i32>} : memref<128x128xf32, #tpu.memory_space<vmem>>, vector<1x16xf32>,
        %get3A_575 = vector.shape_cast %get3A_574 : vector<1x16xf32> to vector<16xf32>
        %max3A_576 = arith.maximumf %while3A_539, %get3A_575 : vector<16xf32>
        %add3A_577 = arith.addi %mul3A_430, %while3A_533 : i32
        %get3A_578 = arith.index_cast %add3A_577 : i32 to index
        %get3A_579 = arith.constant 96 : index
        %get3A_580 = tpu.vector_load %arg10[%get3A_578, %get3A_579] {strides = array<i32>} : memref<128x128xf32, #tpu.memory_space<vmem>>, vector<1x16xf32>,
        %get3A_581 = vector.shape_cast %get3A_580 : vector<1x16xf32> to vector<16xf32>
        %max3A_582 = arith.maximumf %while3A_540, %get3A_581 : vector<16xf32>
        %add3A_583 = arith.addi %mul3A_430, %while3A_533 : i32
        %get3A_584 = arith.index_cast %add3A_583 : i32 to index
        %get3A_585 = arith.constant 112 : index
        %get3A_586 = tpu.vector_load %arg10[%get3A_584, %get3A_585] {strides = array<i32>} : memref<128x128xf32, #tpu.memory_space<vmem>>, vector<1x16xf32>,
        %get3A_587 = vector.shape_cast %get3A_586 : vector<1x16xf32> to vector<16xf32>
        %max3A_588 = arith.maximumf %while3A_541, %get3A_587 : vector<16xf32>
        scf.yield %max3A, %max3A_552, %max3A_558, %max3A_564, %max3A_570, %max3A_576, %max3A_582, %max3A_588 : vector<16xf32>, vector<16xf32>, vector<16xf32>, vector<16xf32>, vector<16xf32>, vector<16xf32>, vector<16xf32>, vector<16xf32>
      }
      %while3A_522 = arith.constant 16 : i32
      %while3A_523 = arith.subi %while3A_522, %squeeze3A_510 : i32
      %while3A_524 = arith.addi %squeeze3A_510, %while3A_523 : i32
      %while3A_525 = arith.constant 1 : i32
      %while3A_526 = arith.divsi %while3A_523, %while3A_525 : i32
      %while3A_527 = arith.muli %while3A_526, %while3A_525 : i32
      %while3A_528 = arith.addi %squeeze3A_510, %while3A_527 : i32
      %while3A_529 = arith.constant 1 : i32
      %while3A_530:10 = scf.for %while3A_533 = %squeeze3A_510 to %while3A_528 step %while3A_529 iter_args(%while3A_534 = %scan3A_419, %while3A_535 = %scan3A_420, %while3A_536 = %while3A_521#0, %while3A_537 = %while3A_521#1, %while3A_538 = %while3A_521#2, %while3A_539 = %while3A_521#3, %while3A_540 = %while3A_521#4, %while3A_541 = %while3A_521#5, %while3A_542 = %while3A_521#6, %while3A_543 = %while3A_521#7) -> (i32, i32, vector<16xf32>, vector<16xf32>, vector<16xf32>, vector<16xf32>, vector<16xf32>, vector<16xf32>, vector<16xf32>, vector<16xf32>)  : i32 {
        %add3A_544 = arith.constant 16 : i32
        %add3A_545 = arith.addi %add3A_544, %mul3A_430 : i32
        %add3A_546 = arith.addi %add3A_545, %while3A_533 : i32
        %get3A_547 = arith.index_cast %add3A_546 : i32 to index
        %get3A_548 = tpu.vector_load %arg11[%get3A_547] {strides = array<i32>} : memref<160xi32, #tpu.memory_space<vmem>>, vector<16xi32>,
        %get3A_549 = vector.shape_cast %get3A_548 : vector<16xi32> to vector<16xi32>
        %slice3A_550 = vector.extract_strided_slice %get3A_549 {offsets = [0], sizes = [1], strides = [1]} : vector<16xi32> to vector<1xi32>
        %squeeze3A_551 = vector.extract %slice3A_550[0] : i32 from vector<1xi32>
        %ne3A_552 = arith.cmpi ne, %squeeze3A_551, %while3A_534 : i32
        %convert_element_type3A_553 = arith.extui %ne3A_552 : i1 to i32
        %cond3A_554 = arith.constant 0 : i32
        %cond3A_555 = arith.cmpi ne, %convert_element_type3A_553, %cond3A_554 : i32
        scf.if %cond3A_555 {
          %eq3A_613 = arith.constant 0 : i32
          %eq3A_614 = arith.cmpi eq, %while3A_535, %eq3A_613 : i32
          %convert_element_type3A_615 = arith.extui %eq3A_614 : i1 to i32
          %cond3A_616 = arith.constant 0 : i32
          %cond3A_617 = arith.cmpi ne, %convert_element_type3A_615, %cond3A_616 : i32
          scf.if %cond3A_617 {
            %swap3A_622 = arith.constant 0 : index
            %swap3A_623 = tpu.vector_load %arg18[%swap3A_622] {strides = array<i32>} : memref<256xf32, #tpu.memory_space<vmem>>, vector<16xf32>,
            %swap3A_624 = vector.shape_cast %swap3A_623 : vector<16xf32> to vector<16xf32>
            %swap3A_625 = vector.shape_cast %while3A_536 : vector<16xf32> to vector<16xf32>
            tpu.vector_store %arg18[%swap3A_622], %swap3A_625 {strides = array<i32>} : memref<256xf32, #tpu.memory_space<vmem>>, vector<16xf32>,
            %swap3A_626 = arith.constant 16 : index
            %swap3A_627 = tpu.vector_load %arg18[%swap3A_626] {strides = array<i32>} : memref<256xf32, #tpu.memory_space<vmem>>, vector<16xf32>,
            %swap3A_628 = vector.shape_cast %swap3A_627 : vector<16xf32> to vector<16xf32>
            %swap3A_629 = vector.shape_cast %while3A_537 : vector<16xf32> to vector<16xf32>
            tpu.vector_store %arg18[%swap3A_626], %swap3A_629 {strides = array<i32>} : memref<256xf32, #tpu.memory_space<vmem>>, vector<16xf32>,
            %swap3A_630 = arith.constant 32 : index
            %swap3A_631 = tpu.vector_load %arg18[%swap3A_630] {strides = array<i32>} : memref<256xf32, #tpu.memory_space<vmem>>, vector<16xf32>,
            %swap3A_632 = vector.shape_cast %swap3A_631 : vector<16xf32> to vector<16xf32>
            %swap3A_633 = vector.shape_cast %while3A_538 : vector<16xf32> to vector<16xf32>
            tpu.vector_store %arg18[%swap3A_630], %swap3A_633 {strides = array<i32>} : memref<256xf32, #tpu.memory_space<vmem>>, vector<16xf32>,
            %swap3A_634 = arith.constant 48 : index
            %swap3A_635 = tpu.vector_load %arg18[%swap3A_634] {strides = array<i32>} : memref<256xf32, #tpu.memory_space<vmem>>, vector<16xf32>,
            %swap3A_636 = vector.shape_cast %swap3A_635 : vector<16xf32> to vector<16xf32>
            %swap3A_637 = vector.shape_cast %while3A_539 : vector<16xf32> to vector<16xf32>
            tpu.vector_store %arg18[%swap3A_634], %swap3A_637 {strides = array<i32>} : memref<256xf32, #tpu.memory_space<vmem>>, vector<16xf32>,
            %swap3A_638 = arith.constant 64 : index
            %swap3A_639 = tpu.vector_load %arg18[%swap3A_638] {strides = array<i32>} : memref<256xf32, #tpu.memory_space<vmem>>, vector<16xf32>,
            %swap3A_640 = vector.shape_cast %swap3A_639 : vector<16xf32> to vector<16xf32>
            %swap3A_641 = vector.shape_cast %while3A_540 : vector<16xf32> to vector<16xf32>
            tpu.vector_store %arg18[%swap3A_638], %swap3A_641 {strides = array<i32>} : memref<256xf32, #tpu.memory_space<vmem>>, vector<16xf32>,
            %swap3A_642 = arith.constant 80 : index
            %swap3A_643 = tpu.vector_load %arg18[%swap3A_642] {strides = array<i32>} : memref<256xf32, #tpu.memory_space<vmem>>, vector<16xf32>,
            %swap3A_644 = vector.shape_cast %swap3A_643 : vector<16xf32> to vector<16xf32>
            %swap3A_645 = vector.shape_cast %while3A_541 : vector<16xf32> to vector<16xf32>
            tpu.vector_store %arg18[%swap3A_642], %swap3A_645 {strides = array<i32>} : memref<256xf32, #tpu.memory_space<vmem>>, vector<16xf32>,
            %swap3A_646 = arith.constant 96 : index
            %swap3A_647 = tpu.vector_load %arg18[%swap3A_646] {strides = array<i32>} : memref<256xf32, #tpu.memory_space<vmem>>, vector<16xf32>,
            %swap3A_648 = vector.shape_cast %swap3A_647 : vector<16xf32> to vector<16xf32>
            %swap3A_649 = vector.shape_cast %while3A_542 : vector<16xf32> to vector<16xf32>
            tpu.vector_store %arg18[%swap3A_646], %swap3A_649 {strides = array<i32>} : memref<256xf32, #tpu.memory_space<vmem>>, vector<16xf32>,
            %swap3A_650 = arith.constant 112 : index
            %swap3A_651 = tpu.vector_load %arg18[%swap3A_650] {strides = array<i32>} : memref<256xf32, #tpu.memory_space<vmem>>, vector<16xf32>,
            %swap3A_652 = vector.shape_cast %swap3A_651 : vector<16xf32> to vector<16xf32>
            %swap3A_653 = vector.shape_cast %while3A_543 : vector<16xf32> to vector<16xf32>
            tpu.vector_store %arg18[%swap3A_650], %swap3A_653 {strides = array<i32>} : memref<256xf32, #tpu.memory_space<vmem>>, vector<16xf32>,
            %broadcast_in_dim3A_654 = vector.broadcast %while3A_534 : i32 to vector<16xi32>
            %swap3A_655 = arith.constant 0 : index
            %swap3A_656 = tpu.vector_load %arg19[%swap3A_655] {strides = array<i32>} : memref<32xi32, #tpu.memory_space<vmem>>, vector<16xi32>,
            %swap3A_657 = vector.shape_cast %swap3A_656 : vector<16xi32> to vector<16xi32>
            %swap3A_658 = vector.shape_cast %broadcast_in_dim3A_654 : vector<16xi32> to vector<16xi32>
            tpu.vector_store %arg19[%swap3A_655], %swap3A_658 {strides = array<i32>} : memref<32xi32, #tpu.memory_space<vmem>>, vector<16xi32>,
          } else {
          }
          %not3A = arith.constant true
          %not3A_618 = arith.xori %eq3A_614, %not3A : i1
          %convert_element_type3A_619 = arith.extui %not3A_618 : i1 to i32
          %cond3A_620 = arith.constant 0 : i32
          %cond3A_621 = arith.cmpi ne, %convert_element_type3A_619, %cond3A_620 : i32
          scf.if %cond3A_621 {
            %swap3A_622 = arith.constant 0 : index
            %swap3A_623 = tpu.vector_load %arg17[%swap3A_622] {strides = array<i32>} : memref<128xf32, #tpu.memory_space<vmem>>, vector<16xf32>,
            %swap3A_624 = vector.shape_cast %swap3A_623 : vector<16xf32> to vector<16xf32>
            %swap3A_625 = vector.shape_cast %while3A_536 : vector<16xf32> to vector<16xf32>
            tpu.vector_store %arg17[%swap3A_622], %swap3A_625 {strides = array<i32>} : memref<128xf32, #tpu.memory_space<vmem>>, vector<16xf32>,
            %swap3A_626 = arith.constant 16 : index
            %swap3A_627 = tpu.vector_load %arg17[%swap3A_626] {strides = array<i32>} : memref<128xf32, #tpu.memory_space<vmem>>, vector<16xf32>,
            %swap3A_628 = vector.shape_cast %swap3A_627 : vector<16xf32> to vector<16xf32>
            %swap3A_629 = vector.shape_cast %while3A_537 : vector<16xf32> to vector<16xf32>
            tpu.vector_store %arg17[%swap3A_626], %swap3A_629 {strides = array<i32>} : memref<128xf32, #tpu.memory_space<vmem>>, vector<16xf32>,
            %swap3A_630 = arith.constant 32 : index
            %swap3A_631 = tpu.vector_load %arg17[%swap3A_630] {strides = array<i32>} : memref<128xf32, #tpu.memory_space<vmem>>, vector<16xf32>,
            %swap3A_632 = vector.shape_cast %swap3A_631 : vector<16xf32> to vector<16xf32>
            %swap3A_633 = vector.shape_cast %while3A_538 : vector<16xf32> to vector<16xf32>
            tpu.vector_store %arg17[%swap3A_630], %swap3A_633 {strides = array<i32>} : memref<128xf32, #tpu.memory_space<vmem>>, vector<16xf32>,
            %swap3A_634 = arith.constant 48 : index
            %swap3A_635 = tpu.vector_load %arg17[%swap3A_634] {strides = array<i32>} : memref<128xf32, #tpu.memory_space<vmem>>, vector<16xf32>,
            %swap3A_636 = vector.shape_cast %swap3A_635 : vector<16xf32> to vector<16xf32>
            %swap3A_637 = vector.shape_cast %while3A_539 : vector<16xf32> to vector<16xf32>
            tpu.vector_store %arg17[%swap3A_634], %swap3A_637 {strides = array<i32>} : memref<128xf32, #tpu.memory_space<vmem>>, vector<16xf32>,
            %swap3A_638 = arith.constant 64 : index
            %swap3A_639 = tpu.vector_load %arg17[%swap3A_638] {strides = array<i32>} : memref<128xf32, #tpu.memory_space<vmem>>, vector<16xf32>,
            %swap3A_640 = vector.shape_cast %swap3A_639 : vector<16xf32> to vector<16xf32>
            %swap3A_641 = vector.shape_cast %while3A_540 : vector<16xf32> to vector<16xf32>
            tpu.vector_store %arg17[%swap3A_638], %swap3A_641 {strides = array<i32>} : memref<128xf32, #tpu.memory_space<vmem>>, vector<16xf32>,
            %swap3A_642 = arith.constant 80 : index
            %swap3A_643 = tpu.vector_load %arg17[%swap3A_642] {strides = array<i32>} : memref<128xf32, #tpu.memory_space<vmem>>, vector<16xf32>,
            %swap3A_644 = vector.shape_cast %swap3A_643 : vector<16xf32> to vector<16xf32>
            %swap3A_645 = vector.shape_cast %while3A_541 : vector<16xf32> to vector<16xf32>
            tpu.vector_store %arg17[%swap3A_642], %swap3A_645 {strides = array<i32>} : memref<128xf32, #tpu.memory_space<vmem>>, vector<16xf32>,
            %swap3A_646 = arith.constant 96 : index
            %swap3A_647 = tpu.vector_load %arg17[%swap3A_646] {strides = array<i32>} : memref<128xf32, #tpu.memory_space<vmem>>, vector<16xf32>,
            %swap3A_648 = vector.shape_cast %swap3A_647 : vector<16xf32> to vector<16xf32>
            %swap3A_649 = vector.shape_cast %while3A_542 : vector<16xf32> to vector<16xf32>
            tpu.vector_store %arg17[%swap3A_646], %swap3A_649 {strides = array<i32>} : memref<128xf32, #tpu.memory_space<vmem>>, vector<16xf32>,
            %swap3A_650 = arith.constant 112 : index
            %swap3A_651 = tpu.vector_load %arg17[%swap3A_650] {strides = array<i32>} : memref<128xf32, #tpu.memory_space<vmem>>, vector<16xf32>,
            %swap3A_652 = vector.shape_cast %swap3A_651 : vector<16xf32> to vector<16xf32>
            %swap3A_653 = vector.shape_cast %while3A_543 : vector<16xf32> to vector<16xf32>
            tpu.vector_store %arg17[%swap3A_650], %swap3A_653 {strides = array<i32>} : memref<128xf32, #tpu.memory_space<vmem>>, vector<16xf32>,
            %run_scoped3A = arith.constant 0 : i32
            "tpu.region"() ({
              %run_scoped3A_654 = tpu.sem_alloc : memref<!tpu.dma_semaphore, #tpu.memory_space<semaphore_mem>>
              %dma_start3A_655 = arith.constant 0 : i32
              %dma_start3A_656 = tpu.memref_slice %arg7[%while3A_534, %run_scoped3A, %dma_start3A_655] : memref<1024x1x128xf32, #tpu.memory_space<hbm>> -> memref<1x1x128xf32, #tpu.memory_space<hbm>>
              %dma_start3A_657 = tpu.memref_squeeze %dma_start3A_656 : memref<1x1x128xf32, #tpu.memory_space<hbm>> -> memref<128xf32, #tpu.memory_space<hbm>>
              %dma_start3A_658 = arith.constant 0 : i32
              %dma_start3A_659 = tpu.memref_slice %arg7[%while3A_534, %run_scoped3A, %dma_start3A_658] : memref<1024x1x128xf32, #tpu.memory_space<hbm>> -> memref<1x1x128xf32, #tpu.memory_space<hbm>>
              %dma_start3A_660 = tpu.memref_squeeze %dma_start3A_659 : memref<1x1x128xf32, #tpu.memory_space<hbm>> -> memref<128xf32, #tpu.memory_space<hbm>>
              tpu.enqueue_dma source(%arg17 : memref<128xf32, #tpu.memory_space<vmem>>) target(%dma_start3A_660 : memref<128xf32, #tpu.memory_space<hbm>>) target_semaphore(%run_scoped3A_654 : memref<!tpu.dma_semaphore, #tpu.memory_space<semaphore_mem>>)
              %dma_wait3A_661 = arith.constant 0 : i32
              %dma_wait3A_662 = tpu.memref_slice %arg7[%while3A_534, %run_scoped3A, %dma_wait3A_661] : memref<1024x1x128xf32, #tpu.memory_space<hbm>> -> memref<1x1x128xf32, #tpu.memory_space<hbm>>
              %dma_wait3A_663 = tpu.memref_squeeze %dma_wait3A_662 : memref<1x1x128xf32, #tpu.memory_space<hbm>> -> memref<128xf32, #tpu.memory_space<hbm>>
              %dma_wait3A_664 = arith.constant 0 : i32
              %dma_wait3A_665 = tpu.memref_slice %arg7[%while3A_534, %run_scoped3A, %dma_wait3A_664] : memref<1024x1x128xf32, #tpu.memory_space<hbm>> -> memref<1x1x128xf32, #tpu.memory_space<hbm>>
              %dma_wait3A_666 = tpu.memref_squeeze %dma_wait3A_665 : memref<1x1x128xf32, #tpu.memory_space<hbm>> -> memref<128xf32, #tpu.memory_space<hbm>>
              tpu.wait_dma2 semaphore(%run_scoped3A_654 : memref<!tpu.dma_semaphore, #tpu.memory_space<semaphore_mem>>) src(%arg17 : memref<128xf32, #tpu.memory_space<vmem>>) dst(%dma_wait3A_666 : memref<128xf32, #tpu.memory_space<hbm>>)
              tpu.yield
            }) : () -> ()
          } else {
          }
        } else {
        }
        %add3A_556 = arith.addi %mul3A_430, %while3A_533 : i32
        %get3A_557 = arith.index_cast %add3A_556 : i32 to index
        %get3A_558 = arith.constant 0 : index
        %get3A_559 = tpu.vector_load %arg10[%get3A_557, %get3A_558] {strides = array<i32>} : memref<128x128xf32, #tpu.memory_space<vmem>>, vector<1x16xf32>,
        %get3A_560 = vector.shape_cast %get3A_559 : vector<1x16xf32> to vector<16xf32>
        %max3A = arith.maximumf %while3A_536, %get3A_560 : vector<16xf32>
        %select_n3A_561 = arith.select %ne3A_552, %get3A_560, %max3A : vector<16xf32>
        %add3A_562 = arith.addi %mul3A_430, %while3A_533 : i32
        %get3A_563 = arith.index_cast %add3A_562 : i32 to index
        %get3A_564 = arith.constant 16 : index
        %get3A_565 = tpu.vector_load %arg10[%get3A_563, %get3A_564] {strides = array<i32>} : memref<128x128xf32, #tpu.memory_space<vmem>>, vector<1x16xf32>,
        %get3A_566 = vector.shape_cast %get3A_565 : vector<1x16xf32> to vector<16xf32>
        %max3A_567 = arith.maximumf %while3A_537, %get3A_566 : vector<16xf32>
        %select_n3A_568 = arith.select %ne3A_552, %get3A_566, %max3A_567 : vector<16xf32>
        %add3A_569 = arith.addi %mul3A_430, %while3A_533 : i32
        %get3A_570 = arith.index_cast %add3A_569 : i32 to index
        %get3A_571 = arith.constant 32 : index
        %get3A_572 = tpu.vector_load %arg10[%get3A_570, %get3A_571] {strides = array<i32>} : memref<128x128xf32, #tpu.memory_space<vmem>>, vector<1x16xf32>,
        %get3A_573 = vector.shape_cast %get3A_572 : vector<1x16xf32> to vector<16xf32>
        %max3A_574 = arith.maximumf %while3A_538, %get3A_573 : vector<16xf32>
        %select_n3A_575 = arith.select %ne3A_552, %get3A_573, %max3A_574 : vector<16xf32>
        %add3A_576 = arith.addi %mul3A_430, %while3A_533 : i32
        %get3A_577 = arith.index_cast %add3A_576 : i32 to index
        %get3A_578 = arith.constant 48 : index
        %get3A_579 = tpu.vector_load %arg10[%get3A_577, %get3A_578] {strides = array<i32>} : memref<128x128xf32, #tpu.memory_space<vmem>>, vector<1x16xf32>,
        %get3A_580 = vector.shape_cast %get3A_579 : vector<1x16xf32> to vector<16xf32>
        %max3A_581 = arith.maximumf %while3A_539, %get3A_580 : vector<16xf32>
        %select_n3A_582 = arith.select %ne3A_552, %get3A_580, %max3A_581 : vector<16xf32>
        %add3A_583 = arith.addi %mul3A_430, %while3A_533 : i32
        %get3A_584 = arith.index_cast %add3A_583 : i32 to index
        %get3A_585 = arith.constant 64 : index
        %get3A_586 = tpu.vector_load %arg10[%get3A_584, %get3A_585] {strides = array<i32>} : memref<128x128xf32, #tpu.memory_space<vmem>>, vector<1x16xf32>,
        %get3A_587 = vector.shape_cast %get3A_586 : vector<1x16xf32> to vector<16xf32>
        %max3A_588 = arith.maximumf %while3A_540, %get3A_587 : vector<16xf32>
        %select_n3A_589 = arith.select %ne3A_552, %get3A_587, %max3A_588 : vector<16xf32>
        %add3A_590 = arith.addi %mul3A_430, %while3A_533 : i32
        %get3A_591 = arith.index_cast %add3A_590 : i32 to index
        %get3A_592 = arith.constant 80 : index
        %get3A_593 = tpu.vector_load %arg10[%get3A_591, %get3A_592] {strides = array<i32>} : memref<128x128xf32, #tpu.memory_space<vmem>>, vector<1x16xf32>,
        %get3A_594 = vector.shape_cast %get3A_593 : vector<1x16xf32> to vector<16xf32>
        %max3A_595 = arith.maximumf %while3A_541, %get3A_594 : vector<16xf32>
        %select_n3A_596 = arith.select %ne3A_552, %get3A_594, %max3A_595 : vector<16xf32>
        %add3A_597 = arith.addi %mul3A_430, %while3A_533 : i32
        %get3A_598 = arith.index_cast %add3A_597 : i32 to index
        %get3A_599 = arith.constant 96 : index
        %get3A_600 = tpu.vector_load %arg10[%get3A_598, %get3A_599] {strides = array<i32>} : memref<128x128xf32, #tpu.memory_space<vmem>>, vector<1x16xf32>,
        %get3A_601 = vector.shape_cast %get3A_600 : vector<1x16xf32> to vector<16xf32>
        %max3A_602 = arith.maximumf %while3A_542, %get3A_601 : vector<16xf32>
        %select_n3A_603 = arith.select %ne3A_552, %get3A_601, %max3A_602 : vector<16xf32>
        %add3A_604 = arith.addi %mul3A_430, %while3A_533 : i32
        %get3A_605 = arith.index_cast %add3A_604 : i32 to index
        %get3A_606 = arith.constant 112 : index
        %get3A_607 = tpu.vector_load %arg10[%get3A_605, %get3A_606] {strides = array<i32>} : memref<128x128xf32, #tpu.memory_space<vmem>>, vector<1x16xf32>,
        %get3A_608 = vector.shape_cast %get3A_607 : vector<1x16xf32> to vector<16xf32>
        %max3A_609 = arith.maximumf %while3A_543, %get3A_608 : vector<16xf32>
        %select_n3A_610 = arith.select %ne3A_552, %get3A_608, %max3A_609 : vector<16xf32>
        %convert_element_type3A_611 = arith.extui %ne3A_552 : i1 to i32
        %add3A_612 = arith.addi %while3A_535, %convert_element_type3A_611 : i32
        scf.yield %squeeze3A_551, %add3A_612, %select_n3A_561, %select_n3A_568, %select_n3A_575, %select_n3A_582, %select_n3A_589, %select_n3A_596, %select_n3A_603, %select_n3A_610 : i32, i32, vector<16xf32>, vector<16xf32>, vector<16xf32>, vector<16xf32>, vector<16xf32>, vector<16xf32>, vector<16xf32>, vector<16xf32>
      }
      %while3A_531 = arith.constant 1 : i32
      %while3A_532:10 = scf.for %while3A_533 = %while3A_528 to %while3A_524 step %while3A_531 iter_args(%while3A_534 = %while3A_530#0, %while3A_535 = %while3A_530#1, %while3A_536 = %while3A_530#2, %while3A_537 = %while3A_530#3, %while3A_538 = %while3A_530#4, %while3A_539 = %while3A_530#5, %while3A_540 = %while3A_530#6, %while3A_541 = %while3A_530#7, %while3A_542 = %while3A_530#8, %while3A_543 = %while3A_530#9) -> (i32, i32, vector<16xf32>, vector<16xf32>, vector<16xf32>, vector<16xf32>, vector<16xf32>, vector<16xf32>, vector<16xf32>, vector<16xf32>)  : i32 {
        %add3A_544 = arith.constant 16 : i32
        %add3A_545 = arith.addi %add3A_544, %mul3A_430 : i32
        %add3A_546 = arith.addi %add3A_545, %while3A_533 : i32
        %get3A_547 = arith.index_cast %add3A_546 : i32 to index
        %get3A_548 = tpu.vector_load %arg11[%get3A_547] {strides = array<i32>} : memref<160xi32, #tpu.memory_space<vmem>>, vector<16xi32>,
        %get3A_549 = vector.shape_cast %get3A_548 : vector<16xi32> to vector<16xi32>
        %slice3A_550 = vector.extract_strided_slice %get3A_549 {offsets = [0], sizes = [1], strides = [1]} : vector<16xi32> to vector<1xi32>
        %squeeze3A_551 = vector.extract %slice3A_550[0] : i32 from vector<1xi32>
        %ne3A_552 = arith.cmpi ne, %squeeze3A_551, %while3A_534 : i32
        %convert_element_type3A_553 = arith.extui %ne3A_552 : i1 to i32
        %cond3A_554 = arith.constant 0 : i32
        %cond3A_555 = arith.cmpi ne, %convert_element_type3A_553, %cond3A_554 : i32
        scf.if %cond3A_555 {
          %eq3A_613 = arith.constant 0 : i32
          %eq3A_614 = arith.cmpi eq, %while3A_535, %eq3A_613 : i32
          %convert_element_type3A_615 = arith.extui %eq3A_614 : i1 to i32
          %cond3A_616 = arith.constant 0 : i32
          %cond3A_617 = arith.cmpi ne, %convert_element_type3A_615, %cond3A_616 : i32
          scf.if %cond3A_617 {
            %swap3A_622 = arith.constant 0 : index
            %swap3A_623 = tpu.vector_load %arg18[%swap3A_622] {strides = array<i32>} : memref<256xf32, #tpu.memory_space<vmem>>, vector<16xf32>,
            %swap3A_624 = vector.shape_cast %swap3A_623 : vector<16xf32> to vector<16xf32>
            %swap3A_625 = vector.shape_cast %while3A_536 : vector<16xf32> to vector<16xf32>
            tpu.vector_store %arg18[%swap3A_622], %swap3A_625 {strides = array<i32>} : memref<256xf32, #tpu.memory_space<vmem>>, vector<16xf32>,
            %swap3A_626 = arith.constant 16 : index
            %swap3A_627 = tpu.vector_load %arg18[%swap3A_626] {strides = array<i32>} : memref<256xf32, #tpu.memory_space<vmem>>, vector<16xf32>,
            %swap3A_628 = vector.shape_cast %swap3A_627 : vector<16xf32> to vector<16xf32>
            %swap3A_629 = vector.shape_cast %while3A_537 : vector<16xf32> to vector<16xf32>
            tpu.vector_store %arg18[%swap3A_626], %swap3A_629 {strides = array<i32>} : memref<256xf32, #tpu.memory_space<vmem>>, vector<16xf32>,
            %swap3A_630 = arith.constant 32 : index
            %swap3A_631 = tpu.vector_load %arg18[%swap3A_630] {strides = array<i32>} : memref<256xf32, #tpu.memory_space<vmem>>, vector<16xf32>,
            %swap3A_632 = vector.shape_cast %swap3A_631 : vector<16xf32> to vector<16xf32>
            %swap3A_633 = vector.shape_cast %while3A_538 : vector<16xf32> to vector<16xf32>
            tpu.vector_store %arg18[%swap3A_630], %swap3A_633 {strides = array<i32>} : memref<256xf32, #tpu.memory_space<vmem>>, vector<16xf32>,
            %swap3A_634 = arith.constant 48 : index
            %swap3A_635 = tpu.vector_load %arg18[%swap3A_634] {strides = array<i32>} : memref<256xf32, #tpu.memory_space<vmem>>, vector<16xf32>,
            %swap3A_636 = vector.shape_cast %swap3A_635 : vector<16xf32> to vector<16xf32>
            %swap3A_637 = vector.shape_cast %while3A_539 : vector<16xf32> to vector<16xf32>
            tpu.vector_store %arg18[%swap3A_634], %swap3A_637 {strides = array<i32>} : memref<256xf32, #tpu.memory_space<vmem>>, vector<16xf32>,
            %swap3A_638 = arith.constant 64 : index
            %swap3A_639 = tpu.vector_load %arg18[%swap3A_638] {strides = array<i32>} : memref<256xf32, #tpu.memory_space<vmem>>, vector<16xf32>,
            %swap3A_640 = vector.shape_cast %swap3A_639 : vector<16xf32> to vector<16xf32>
            %swap3A_641 = vector.shape_cast %while3A_540 : vector<16xf32> to vector<16xf32>
            tpu.vector_store %arg18[%swap3A_638], %swap3A_641 {strides = array<i32>} : memref<256xf32, #tpu.memory_space<vmem>>, vector<16xf32>,
            %swap3A_642 = arith.constant 80 : index
            %swap3A_643 = tpu.vector_load %arg18[%swap3A_642] {strides = array<i32>} : memref<256xf32, #tpu.memory_space<vmem>>, vector<16xf32>,
            %swap3A_644 = vector.shape_cast %swap3A_643 : vector<16xf32> to vector<16xf32>
            %swap3A_645 = vector.shape_cast %while3A_541 : vector<16xf32> to vector<16xf32>
            tpu.vector_store %arg18[%swap3A_642], %swap3A_645 {strides = array<i32>} : memref<256xf32, #tpu.memory_space<vmem>>, vector<16xf32>,
            %swap3A_646 = arith.constant 96 : index
            %swap3A_647 = tpu.vector_load %arg18[%swap3A_646] {strides = array<i32>} : memref<256xf32, #tpu.memory_space<vmem>>, vector<16xf32>,
            %swap3A_648 = vector.shape_cast %swap3A_647 : vector<16xf32> to vector<16xf32>
            %swap3A_649 = vector.shape_cast %while3A_542 : vector<16xf32> to vector<16xf32>
            tpu.vector_store %arg18[%swap3A_646], %swap3A_649 {strides = array<i32>} : memref<256xf32, #tpu.memory_space<vmem>>, vector<16xf32>,
            %swap3A_650 = arith.constant 112 : index
            %swap3A_651 = tpu.vector_load %arg18[%swap3A_650] {strides = array<i32>} : memref<256xf32, #tpu.memory_space<vmem>>, vector<16xf32>,
            %swap3A_652 = vector.shape_cast %swap3A_651 : vector<16xf32> to vector<16xf32>
            %swap3A_653 = vector.shape_cast %while3A_543 : vector<16xf32> to vector<16xf32>
            tpu.vector_store %arg18[%swap3A_650], %swap3A_653 {strides = array<i32>} : memref<256xf32, #tpu.memory_space<vmem>>, vector<16xf32>,
            %broadcast_in_dim3A_654 = vector.broadcast %while3A_534 : i32 to vector<16xi32>
            %swap3A_655 = arith.constant 0 : index
            %swap3A_656 = tpu.vector_load %arg19[%swap3A_655] {strides = array<i32>} : memref<32xi32, #tpu.memory_space<vmem>>, vector<16xi32>,
            %swap3A_657 = vector.shape_cast %swap3A_656 : vector<16xi32> to vector<16xi32>
            %swap3A_658 = vector.shape_cast %broadcast_in_dim3A_654 : vector<16xi32> to vector<16xi32>
            tpu.vector_store %arg19[%swap3A_655], %swap3A_658 {strides = array<i32>} : memref<32xi32, #tpu.memory_space<vmem>>, vector<16xi32>,
          } else {
          }
          %not3A = arith.constant true
          %not3A_618 = arith.xori %eq3A_614, %not3A : i1
          %convert_element_type3A_619 = arith.extui %not3A_618 : i1 to i32
          %cond3A_620 = arith.constant 0 : i32
          %cond3A_621 = arith.cmpi ne, %convert_element_type3A_619, %cond3A_620 : i32
          scf.if %cond3A_621 {
            %swap3A_622 = arith.constant 0 : index
            %swap3A_623 = tpu.vector_load %arg17[%swap3A_622] {strides = array<i32>} : memref<128xf32, #tpu.memory_space<vmem>>, vector<16xf32>,
            %swap3A_624 = vector.shape_cast %swap3A_623 : vector<16xf32> to vector<16xf32>
            %swap3A_625 = vector.shape_cast %while3A_536 : vector<16xf32> to vector<16xf32>
            tpu.vector_store %arg17[%swap3A_622], %swap3A_625 {strides = array<i32>} : memref<128xf32, #tpu.memory_space<vmem>>, vector<16xf32>,
            %swap3A_626 = arith.constant 16 : index
            %swap3A_627 = tpu.vector_load %arg17[%swap3A_626] {strides = array<i32>} : memref<128xf32, #tpu.memory_space<vmem>>, vector<16xf32>,
            %swap3A_628 = vector.shape_cast %swap3A_627 : vector<16xf32> to vector<16xf32>
            %swap3A_629 = vector.shape_cast %while3A_537 : vector<16xf32> to vector<16xf32>
            tpu.vector_store %arg17[%swap3A_626], %swap3A_629 {strides = array<i32>} : memref<128xf32, #tpu.memory_space<vmem>>, vector<16xf32>,
            %swap3A_630 = arith.constant 32 : index
            %swap3A_631 = tpu.vector_load %arg17[%swap3A_630] {strides = array<i32>} : memref<128xf32, #tpu.memory_space<vmem>>, vector<16xf32>,
            %swap3A_632 = vector.shape_cast %swap3A_631 : vector<16xf32> to vector<16xf32>
            %swap3A_633 = vector.shape_cast %while3A_538 : vector<16xf32> to vector<16xf32>
            tpu.vector_store %arg17[%swap3A_630], %swap3A_633 {strides = array<i32>} : memref<128xf32, #tpu.memory_space<vmem>>, vector<16xf32>,
            %swap3A_634 = arith.constant 48 : index
            %swap3A_635 = tpu.vector_load %arg17[%swap3A_634] {strides = array<i32>} : memref<128xf32, #tpu.memory_space<vmem>>, vector<16xf32>,
            %swap3A_636 = vector.shape_cast %swap3A_635 : vector<16xf32> to vector<16xf32>
            %swap3A_637 = vector.shape_cast %while3A_539 : vector<16xf32> to vector<16xf32>
            tpu.vector_store %arg17[%swap3A_634], %swap3A_637 {strides = array<i32>} : memref<128xf32, #tpu.memory_space<vmem>>, vector<16xf32>,
            %swap3A_638 = arith.constant 64 : index
            %swap3A_639 = tpu.vector_load %arg17[%swap3A_638] {strides = array<i32>} : memref<128xf32, #tpu.memory_space<vmem>>, vector<16xf32>,
            %swap3A_640 = vector.shape_cast %swap3A_639 : vector<16xf32> to vector<16xf32>
            %swap3A_641 = vector.shape_cast %while3A_540 : vector<16xf32> to vector<16xf32>
            tpu.vector_store %arg17[%swap3A_638], %swap3A_641 {strides = array<i32>} : memref<128xf32, #tpu.memory_space<vmem>>, vector<16xf32>,
            %swap3A_642 = arith.constant 80 : index
            %swap3A_643 = tpu.vector_load %arg17[%swap3A_642] {strides = array<i32>} : memref<128xf32, #tpu.memory_space<vmem>>, vector<16xf32>,
            %swap3A_644 = vector.shape_cast %swap3A_643 : vector<16xf32> to vector<16xf32>
            %swap3A_645 = vector.shape_cast %while3A_541 : vector<16xf32> to vector<16xf32>
            tpu.vector_store %arg17[%swap3A_642], %swap3A_645 {strides = array<i32>} : memref<128xf32, #tpu.memory_space<vmem>>, vector<16xf32>,
            %swap3A_646 = arith.constant 96 : index
            %swap3A_647 = tpu.vector_load %arg17[%swap3A_646] {strides = array<i32>} : memref<128xf32, #tpu.memory_space<vmem>>, vector<16xf32>,
            %swap3A_648 = vector.shape_cast %swap3A_647 : vector<16xf32> to vector<16xf32>
            %swap3A_649 = vector.shape_cast %while3A_542 : vector<16xf32> to vector<16xf32>
            tpu.vector_store %arg17[%swap3A_646], %swap3A_649 {strides = array<i32>} : memref<128xf32, #tpu.memory_space<vmem>>, vector<16xf32>,
            %swap3A_650 = arith.constant 112 : index
            %swap3A_651 = tpu.vector_load %arg17[%swap3A_650] {strides = array<i32>} : memref<128xf32, #tpu.memory_space<vmem>>, vector<16xf32>,
            %swap3A_652 = vector.shape_cast %swap3A_651 : vector<16xf32> to vector<16xf32>
            %swap3A_653 = vector.shape_cast %while3A_543 : vector<16xf32> to vector<16xf32>
            tpu.vector_store %arg17[%swap3A_650], %swap3A_653 {strides = array<i32>} : memref<128xf32, #tpu.memory_space<vmem>>, vector<16xf32>,
            %run_scoped3A = arith.constant 0 : i32
            "tpu.region"() ({
              %run_scoped3A_654 = tpu.sem_alloc : memref<!tpu.dma_semaphore, #tpu.memory_space<semaphore_mem>>
              %dma_start3A_655 = arith.constant 0 : i32
              %dma_start3A_656 = tpu.memref_slice %arg7[%while3A_534, %run_scoped3A, %dma_start3A_655] : memref<1024x1x128xf32, #tpu.memory_space<hbm>> -> memref<1x1x128xf32, #tpu.memory_space<hbm>>
              %dma_start3A_657 = tpu.memref_squeeze %dma_start3A_656 : memref<1x1x128xf32, #tpu.memory_space<hbm>> -> memref<128xf32, #tpu.memory_space<hbm>>
              %dma_start3A_658 = arith.constant 0 : i32
              %dma_start3A_659 = tpu.memref_slice %arg7[%while3A_534, %run_scoped3A, %dma_start3A_658] : memref<1024x1x128xf32, #tpu.memory_space<hbm>> -> memref<1x1x128xf32, #tpu.memory_space<hbm>>
              %dma_start3A_660 = tpu.memref_squeeze %dma_start3A_659 : memref<1x1x128xf32, #tpu.memory_space<hbm>> -> memref<128xf32, #tpu.memory_space<hbm>>
              tpu.enqueue_dma source(%arg17 : memref<128xf32, #tpu.memory_space<vmem>>) target(%dma_start3A_660 : memref<128xf32, #tpu.memory_space<hbm>>) target_semaphore(%run_scoped3A_654 : memref<!tpu.dma_semaphore, #tpu.memory_space<semaphore_mem>>)
              %dma_wait3A_661 = arith.constant 0 : i32
              %dma_wait3A_662 = tpu.memref_slice %arg7[%while3A_534, %run_scoped3A, %dma_wait3A_661] : memref<1024x1x128xf32, #tpu.memory_space<hbm>> -> memref<1x1x128xf32, #tpu.memory_space<hbm>>
              %dma_wait3A_663 = tpu.memref_squeeze %dma_wait3A_662 : memref<1x1x128xf32, #tpu.memory_space<hbm>> -> memref<128xf32, #tpu.memory_space<hbm>>
              %dma_wait3A_664 = arith.constant 0 : i32
              %dma_wait3A_665 = tpu.memref_slice %arg7[%while3A_534, %run_scoped3A, %dma_wait3A_664] : memref<1024x1x128xf32, #tpu.memory_space<hbm>> -> memref<1x1x128xf32, #tpu.memory_space<hbm>>
              %dma_wait3A_666 = tpu.memref_squeeze %dma_wait3A_665 : memref<1x1x128xf32, #tpu.memory_space<hbm>> -> memref<128xf32, #tpu.memory_space<hbm>>
              tpu.wait_dma2 semaphore(%run_scoped3A_654 : memref<!tpu.dma_semaphore, #tpu.memory_space<semaphore_mem>>) src(%arg17 : memref<128xf32, #tpu.memory_space<vmem>>) dst(%dma_wait3A_666 : memref<128xf32, #tpu.memory_space<hbm>>)
              tpu.yield
            }) : () -> ()
          } else {
          }
        } else {
        }
        %add3A_556 = arith.addi %mul3A_430, %while3A_533 : i32
        %get3A_557 = arith.index_cast %add3A_556 : i32 to index
        %get3A_558 = arith.constant 0 : index
        %get3A_559 = tpu.vector_load %arg10[%get3A_557, %get3A_558] {strides = array<i32>} : memref<128x128xf32, #tpu.memory_space<vmem>>, vector<1x16xf32>,
        %get3A_560 = vector.shape_cast %get3A_559 : vector<1x16xf32> to vector<16xf32>
        %max3A = arith.maximumf %while3A_536, %get3A_560 : vector<16xf32>
        %select_n3A_561 = arith.select %ne3A_552, %get3A_560, %max3A : vector<16xf32>
        %add3A_562 = arith.addi %mul3A_430, %while3A_533 : i32
        %get3A_563 = arith.index_cast %add3A_562 : i32 to index
        %get3A_564 = arith.constant 16 : index
        %get3A_565 = tpu.vector_load %arg10[%get3A_563, %get3A_564] {strides = array<i32>} : memref<128x128xf32, #tpu.memory_space<vmem>>, vector<1x16xf32>,
        %get3A_566 = vector.shape_cast %get3A_565 : vector<1x16xf32> to vector<16xf32>
        %max3A_567 = arith.maximumf %while3A_537, %get3A_566 : vector<16xf32>
        %select_n3A_568 = arith.select %ne3A_552, %get3A_566, %max3A_567 : vector<16xf32>
        %add3A_569 = arith.addi %mul3A_430, %while3A_533 : i32
        %get3A_570 = arith.index_cast %add3A_569 : i32 to index
        %get3A_571 = arith.constant 32 : index
        %get3A_572 = tpu.vector_load %arg10[%get3A_570, %get3A_571] {strides = array<i32>} : memref<128x128xf32, #tpu.memory_space<vmem>>, vector<1x16xf32>,
        %get3A_573 = vector.shape_cast %get3A_572 : vector<1x16xf32> to vector<16xf32>
        %max3A_574 = arith.maximumf %while3A_538, %get3A_573 : vector<16xf32>
        %select_n3A_575 = arith.select %ne3A_552, %get3A_573, %max3A_574 : vector<16xf32>
        %add3A_576 = arith.addi %mul3A_430, %while3A_533 : i32
        %get3A_577 = arith.index_cast %add3A_576 : i32 to index
        %get3A_578 = arith.constant 48 : index
        %get3A_579 = tpu.vector_load %arg10[%get3A_577, %get3A_578] {strides = array<i32>} : memref<128x128xf32, #tpu.memory_space<vmem>>, vector<1x16xf32>,
        %get3A_580 = vector.shape_cast %get3A_579 : vector<1x16xf32> to vector<16xf32>
        %max3A_581 = arith.maximumf %while3A_539, %get3A_580 : vector<16xf32>
        %select_n3A_582 = arith.select %ne3A_552, %get3A_580, %max3A_581 : vector<16xf32>
        %add3A_583 = arith.addi %mul3A_430, %while3A_533 : i32
        %get3A_584 = arith.index_cast %add3A_583 : i32 to index
        %get3A_585 = arith.constant 64 : index
        %get3A_586 = tpu.vector_load %arg10[%get3A_584, %get3A_585] {strides = array<i32>} : memref<128x128xf32, #tpu.memory_space<vmem>>, vector<1x16xf32>,
        %get3A_587 = vector.shape_cast %get3A_586 : vector<1x16xf32> to vector<16xf32>
        %max3A_588 = arith.maximumf %while3A_540, %get3A_587 : vector<16xf32>
        %select_n3A_589 = arith.select %ne3A_552, %get3A_587, %max3A_588 : vector<16xf32>
        %add3A_590 = arith.addi %mul3A_430, %while3A_533 : i32
        %get3A_591 = arith.index_cast %add3A_590 : i32 to index
        %get3A_592 = arith.constant 80 : index
        %get3A_593 = tpu.vector_load %arg10[%get3A_591, %get3A_592] {strides = array<i32>} : memref<128x128xf32, #tpu.memory_space<vmem>>, vector<1x16xf32>,
        %get3A_594 = vector.shape_cast %get3A_593 : vector<1x16xf32> to vector<16xf32>
        %max3A_595 = arith.maximumf %while3A_541, %get3A_594 : vector<16xf32>
        %select_n3A_596 = arith.select %ne3A_552, %get3A_594, %max3A_595 : vector<16xf32>
        %add3A_597 = arith.addi %mul3A_430, %while3A_533 : i32
        %get3A_598 = arith.index_cast %add3A_597 : i32 to index
        %get3A_599 = arith.constant 96 : index
        %get3A_600 = tpu.vector_load %arg10[%get3A_598, %get3A_599] {strides = array<i32>} : memref<128x128xf32, #tpu.memory_space<vmem>>, vector<1x16xf32>,
        %get3A_601 = vector.shape_cast %get3A_600 : vector<1x16xf32> to vector<16xf32>
        %max3A_602 = arith.maximumf %while3A_542, %get3A_601 : vector<16xf32>
        %select_n3A_603 = arith.select %ne3A_552, %get3A_601, %max3A_602 : vector<16xf32>
        %add3A_604 = arith.addi %mul3A_430, %while3A_533 : i32
        %get3A_605 = arith.index_cast %add3A_604 : i32 to index
        %get3A_606 = arith.constant 112 : index
        %get3A_607 = tpu.vector_load %arg10[%get3A_605, %get3A_606] {strides = array<i32>} : memref<128x128xf32, #tpu.memory_space<vmem>>, vector<1x16xf32>,
        %get3A_608 = vector.shape_cast %get3A_607 : vector<1x16xf32> to vector<16xf32>
        %max3A_609 = arith.maximumf %while3A_543, %get3A_608 : vector<16xf32>
        %select_n3A_610 = arith.select %ne3A_552, %get3A_608, %max3A_609 : vector<16xf32>
        %convert_element_type3A_611 = arith.extui %ne3A_552 : i1 to i32
        %add3A_612 = arith.addi %while3A_535, %convert_element_type3A_611 : i32
        scf.yield %squeeze3A_551, %add3A_612, %select_n3A_561, %select_n3A_568, %select_n3A_575, %select_n3A_582, %select_n3A_589, %select_n3A_596, %select_n3A_603, %select_n3A_610 : i32, i32, vector<16xf32>, vector<16xf32>, vector<16xf32>, vector<16xf32>, vector<16xf32>, vector<16xf32>, vector<16xf32>, vector<16xf32>
      }
      scf.yield %while3A_532#0, %while3A_532#1, %while3A_532#2, %while3A_532#3, %while3A_532#4, %while3A_532#5, %while3A_532#6, %while3A_532#7, %while3A_532#8, %while3A_532#9 : i32, i32, vector<16xf32>, vector<16xf32>, vector<16xf32>, vector<16xf32>, vector<16xf32>, vector<16xf32>, vector<16xf32>, vector<16xf32>
    }
    %scan3A_118 = arith.constant 8 : i32
    %scan3A_119 = arith.constant 0 : i32
    %scan3A_120 = arith.constant 11 : i32
    %scan3A_121 = arith.addi %scan3A_119, %scan3A_120 : i32
    %scan3A_122 = arith.constant 1 : i32
    %scan3A_123:10 = scf.for %scan3A_418 = %scan3A_119 to %scan3A_121 step %scan3A_122 iter_args(%scan3A_419 = %scan3A_117#0, %scan3A_420 = %scan3A_117#1, %scan3A_421 = %scan3A_117#2, %scan3A_422 = %scan3A_117#3, %scan3A_423 = %scan3A_117#4, %scan3A_424 = %scan3A_117#5, %scan3A_425 = %scan3A_117#6, %scan3A_426 = %scan3A_117#7, %scan3A_427 = %scan3A_117#8, %scan3A_428 = %scan3A_117#9) -> (i32, i32, vector<16xf32>, vector<16xf32>, vector<16xf32>, vector<16xf32>, vector<16xf32>, vector<16xf32>, vector<16xf32>, vector<16xf32>)  : i32 {
      %mul3A_429 = arith.constant 2 : i32
      %mul3A_430 = arith.muli %mul3A_429, %scan3A_418 : i32
      %add3A_431 = arith.constant 1 : i32
      %add3A_432 = arith.addi %mul3A_430, %add3A_431 : i32
      %mul3A_433 = arith.constant 128 : i32
      %mul3A_434 = arith.muli %add3A_432, %mul3A_433 : i32
      %add3A_435 = arith.addi %select_n3A, %mul3A_434 : i32
      %dma_wait3A_436 = arith.constant 0 : i32
      %dma_wait3A_437 = arith.constant 0 : i32
      %dma_wait3A_438 = tpu.memref_slice %arg2[%dma_wait3A_436, %dma_wait3A_437] : memref<100000x128xf32, #tpu.memory_space<hbm>> -> memref<128x128xf32, #tpu.memory_space<hbm>>
      %dma_wait3A_439 = arith.constant 0 : i32
      %dma_wait3A_440 = arith.constant 0 : i32
      %dma_wait3A_441 = tpu.memref_slice %arg2[%dma_wait3A_439, %dma_wait3A_440] : memref<100000x128xf32, #tpu.memory_space<hbm>> -> memref<128x128xf32, #tpu.memory_space<hbm>>
      tpu.wait_dma2 semaphore(%arg28 : memref<!tpu.dma_semaphore, #tpu.memory_space<semaphore_mem>>) src(%dma_wait3A_441 : memref<128x128xf32, #tpu.memory_space<hbm>>) dst(%arg13 : memref<128x128xf32, #tpu.memory_space<vmem>>)
      %dma_wait3A_442 = arith.constant 0 : i32
      %dma_wait3A_443 = tpu.memref_slice %arg3[%dma_wait3A_442] : memref<100048xi32, #tpu.memory_space<hbm>> -> memref<160xi32, #tpu.memory_space<hbm>>
      %dma_wait3A_444 = arith.constant 0 : i32
      %dma_wait3A_445 = tpu.memref_slice %arg3[%dma_wait3A_444] : memref<100048xi32, #tpu.memory_space<hbm>> -> memref<160xi32, #tpu.memory_space<hbm>>
      tpu.wait_dma2 semaphore(%arg29 : memref<!tpu.dma_semaphore, #tpu.memory_space<semaphore_mem>>) src(%dma_wait3A_445 : memref<160xi32, #tpu.memory_space<hbm>>) dst(%arg14 : memref<160xi32, #tpu.memory_space<vmem>>)
      %get3A_446 = arith.constant 16 : index
      %get3A_447 = tpu.vector_load %arg14[%get3A_446] {strides = array<i32>} : memref<160xi32, #tpu.memory_space<vmem>>, vector<16xi32>,
      %get3A_448 = vector.shape_cast %get3A_447 : vector<16xi32> to vector<16xi32>
      %swap3A_449 = arith.constant 0 : index
      %swap3A_450 = tpu.vector_load %arg15[%swap3A_449] {strides = array<i32>} : memref<128xi32, #tpu.memory_space<vmem>>, vector<16xi32>,
      %swap3A_451 = vector.shape_cast %swap3A_450 : vector<16xi32> to vector<16xi32>
      %swap3A_452 = vector.shape_cast %get3A_448 : vector<16xi32> to vector<16xi32>
      tpu.vector_store %arg15[%swap3A_449], %swap3A_452 {strides = array<i32>} : memref<128xi32, #tpu.memory_space<vmem>>, vector<16xi32>,
      %get3A_453 = arith.constant 32 : index
      %get3A_454 = tpu.vector_load %arg14[%get3A_453] {strides = array<i32>} : memref<160xi32, #tpu.memory_space<vmem>>, vector<16xi32>,
      %get3A_455 = vector.shape_cast %get3A_454 : vector<16xi32> to vector<16xi32>
      %swap3A_456 = arith.constant 16 : index
      %swap3A_457 = tpu.vector_load %arg15[%swap3A_456] {strides = array<i32>} : memref<128xi32, #tpu.memory_space<vmem>>, vector<16xi32>,
      %swap3A_458 = vector.shape_cast %swap3A_457 : vector<16xi32> to vector<16xi32>
      %swap3A_459 = vector.shape_cast %get3A_455 : vector<16xi32> to vector<16xi32>
      tpu.vector_store %arg15[%swap3A_456], %swap3A_459 {strides = array<i32>} : memref<128xi32, #tpu.memory_space<vmem>>, vector<16xi32>,
      %get3A_460 = arith.constant 48 : index
      %get3A_461 = tpu.vector_load %arg14[%get3A_460] {strides = array<i32>} : memref<160xi32, #tpu.memory_space<vmem>>, vector<16xi32>,
      %get3A_462 = vector.shape_cast %get3A_461 : vector<16xi32> to vector<16xi32>
      %swap3A_463 = arith.constant 32 : index
      %swap3A_464 = tpu.vector_load %arg15[%swap3A_463] {strides = array<i32>} : memref<128xi32, #tpu.memory_space<vmem>>, vector<16xi32>,
      %swap3A_465 = vector.shape_cast %swap3A_464 : vector<16xi32> to vector<16xi32>
      %swap3A_466 = vector.shape_cast %get3A_462 : vector<16xi32> to vector<16xi32>
      tpu.vector_store %arg15[%swap3A_463], %swap3A_466 {strides = array<i32>} : memref<128xi32, #tpu.memory_space<vmem>>, vector<16xi32>,
      %get3A_467 = arith.constant 64 : index
      %get3A_468 = tpu.vector_load %arg14[%get3A_467] {strides = array<i32>} : memref<160xi32, #tpu.memory_space<vmem>>, vector<16xi32>,
      %get3A_469 = vector.shape_cast %get3A_468 : vector<16xi32> to vector<16xi32>
      %swap3A_470 = arith.constant 48 : index
      %swap3A_471 = tpu.vector_load %arg15[%swap3A_470] {strides = array<i32>} : memref<128xi32, #tpu.memory_space<vmem>>, vector<16xi32>,
      %swap3A_472 = vector.shape_cast %swap3A_471 : vector<16xi32> to vector<16xi32>
      %swap3A_473 = vector.shape_cast %get3A_469 : vector<16xi32> to vector<16xi32>
      tpu.vector_store %arg15[%swap3A_470], %swap3A_473 {strides = array<i32>} : memref<128xi32, #tpu.memory_space<vmem>>, vector<16xi32>,
      %get3A_474 = arith.constant 80 : index
      %get3A_475 = tpu.vector_load %arg14[%get3A_474] {strides = array<i32>} : memref<160xi32, #tpu.memory_space<vmem>>, vector<16xi32>,
      %get3A_476 = vector.shape_cast %get3A_475 : vector<16xi32> to vector<16xi32>
      %swap3A_477 = arith.constant 64 : index
      %swap3A_478 = tpu.vector_load %arg15[%swap3A_477] {strides = array<i32>} : memref<128xi32, #tpu.memory_space<vmem>>, vector<16xi32>,
      %swap3A_479 = vector.shape_cast %swap3A_478 : vector<16xi32> to vector<16xi32>
      %swap3A_480 = vector.shape_cast %get3A_476 : vector<16xi32> to vector<16xi32>
      tpu.vector_store %arg15[%swap3A_477], %swap3A_480 {strides = array<i32>} : memref<128xi32, #tpu.memory_space<vmem>>, vector<16xi32>,
      %get3A_481 = arith.constant 96 : index
      %get3A_482 = tpu.vector_load %arg14[%get3A_481] {strides = array<i32>} : memref<160xi32, #tpu.memory_space<vmem>>, vector<16xi32>,
      %get3A_483 = vector.shape_cast %get3A_482 : vector<16xi32> to vector<16xi32>
      %swap3A_484 = arith.constant 80 : index
      %swap3A_485 = tpu.vector_load %arg15[%swap3A_484] {strides = array<i32>} : memref<128xi32, #tpu.memory_space<vmem>>, vector<16xi32>,
      %swap3A_486 = vector.shape_cast %swap3A_485 : vector<16xi32> to vector<16xi32>
      %swap3A_487 = vector.shape_cast %get3A_483 : vector<16xi32> to vector<16xi32>
      tpu.vector_store %arg15[%swap3A_484], %swap3A_487 {strides = array<i32>} : memref<128xi32, #tpu.memory_space<vmem>>, vector<16xi32>,
      %get3A_488 = arith.constant 112 : index
      %get3A_489 = tpu.vector_load %arg14[%get3A_488] {strides = array<i32>} : memref<160xi32, #tpu.memory_space<vmem>>, vector<16xi32>,
      %get3A_490 = vector.shape_cast %get3A_489 : vector<16xi32> to vector<16xi32>
      %swap3A_491 = arith.constant 96 : index
      %swap3A_492 = tpu.vector_load %arg15[%swap3A_491] {strides = array<i32>} : memref<128xi32, #tpu.memory_space<vmem>>, vector<16xi32>,
      %swap3A_493 = vector.shape_cast %swap3A_492 : vector<16xi32> to vector<16xi32>
      %swap3A_494 = vector.shape_cast %get3A_490 : vector<16xi32> to vector<16xi32>
      tpu.vector_store %arg15[%swap3A_491], %swap3A_494 {strides = array<i32>} : memref<128xi32, #tpu.memory_space<vmem>>, vector<16xi32>,
      %get3A_495 = arith.constant 128 : index
      %get3A_496 = tpu.vector_load %arg14[%get3A_495] {strides = array<i32>} : memref<160xi32, #tpu.memory_space<vmem>>, vector<16xi32>,
      %get3A_497 = vector.shape_cast %get3A_496 : vector<16xi32> to vector<16xi32>
      %swap3A_498 = arith.constant 112 : index
      %swap3A_499 = tpu.vector_load %arg15[%swap3A_498] {strides = array<i32>} : memref<128xi32, #tpu.memory_space<vmem>>, vector<16xi32>,
      %swap3A_500 = vector.shape_cast %swap3A_499 : vector<16xi32> to vector<16xi32>
      %swap3A_501 = vector.shape_cast %get3A_497 : vector<16xi32> to vector<16xi32>
      tpu.vector_store %arg15[%swap3A_498], %swap3A_501 {strides = array<i32>} : memref<128xi32, #tpu.memory_space<vmem>>, vector<16xi32>,
      %dma_start3A_502 = arith.constant 0 : i32
      %dma_start3A_503 = arith.constant 0 : i32
      %dma_start3A_504 = tpu.memref_slice %arg22[%dma_start3A_502, %dma_start3A_503] : memref<1032x128xf32, #tpu.memory_space<vmem_shared>> -> memref<1032x128xf32, #tpu.memory_space<vmem_shared>>
      tpu.enqueue_indirect_dma source(%arg13 : memref<128x128xf32, #tpu.memory_space<vmem>>) target(%dma_start3A_504 : memref<1032x128xf32, #tpu.memory_space<vmem_shared>>) offsets(%arg15 : memref<128xi32, #tpu.memory_space<vmem>>) semaphore(%arg30 : memref<!tpu.dma_semaphore, #tpu.memory_space<semaphore_mem>>) {add = true}
      %dma_start3A_505 = arith.constant 0 : i32
      %dma_start3A_506 = arith.constant 0 : i32
      %dma_start3A_507 = tpu.memref_slice %arg23[%dma_start3A_505, %dma_start3A_506] : memref<1032x128xf32, #tpu.memory_space<vmem_shared>> -> memref<1032x128xf32, #tpu.memory_space<vmem_shared>>
      tpu.enqueue_indirect_dma source(%arg16 : memref<128x128xf32, #tpu.memory_space<vmem>>) target(%dma_start3A_507 : memref<1032x128xf32, #tpu.memory_space<vmem_shared>>) offsets(%arg15 : memref<128xi32, #tpu.memory_space<vmem>>) semaphore(%arg31 : memref<!tpu.dma_semaphore, #tpu.memory_space<semaphore_mem>>) {add = true}
      %dma_wait3A_508 = arith.constant 0 : i32
      %dma_wait3A_509 = arith.constant 0 : i32
      %dma_wait3A_510 = tpu.memref_slice %arg22[%dma_wait3A_508, %dma_wait3A_509] : memref<1032x128xf32, #tpu.memory_space<vmem_shared>> -> memref<1032x128xf32, #tpu.memory_space<vmem_shared>>
      tpu.wait_indirect_dma semaphore(%arg26 : memref<!tpu.dma_semaphore, #tpu.memory_space<semaphore_mem>>) src(%arg10 : memref<128x128xf32, #tpu.memory_space<vmem>>) dst(%dma_wait3A_510 : memref<1032x128xf32, #tpu.memory_space<vmem_shared>>)
      %dma_wait3A_511 = arith.constant 0 : i32
      %dma_wait3A_512 = arith.constant 0 : i32
      %dma_wait3A_513 = tpu.memref_slice %arg23[%dma_wait3A_511, %dma_wait3A_512] : memref<1032x128xf32, #tpu.memory_space<vmem_shared>> -> memref<1032x128xf32, #tpu.memory_space<vmem_shared>>
      tpu.wait_indirect_dma semaphore(%arg27 : memref<!tpu.dma_semaphore, #tpu.memory_space<semaphore_mem>>) src(%arg16 : memref<128x128xf32, #tpu.memory_space<vmem>>) dst(%dma_wait3A_513 : memref<1032x128xf32, #tpu.memory_space<vmem_shared>>)
      %add3A_514 = arith.constant 128 : i32
      %add3A_515 = arith.addi %add3A_435, %add3A_514 : i32
      %dma_start3A_516 = arith.constant 0 : i32
      %dma_start3A_517 = tpu.memref_slice %arg2[%add3A_515, %dma_start3A_516] : memref<100000x128xf32, #tpu.memory_space<hbm>> -> memref<128x128xf32, #tpu.memory_space<hbm>>
      %dma_start3A_518 = arith.constant 0 : i32
      %dma_start3A_519 = tpu.memref_slice %arg2[%add3A_515, %dma_start3A_518] : memref<100000x128xf32, #tpu.memory_space<hbm>> -> memref<128x128xf32, #tpu.memory_space<hbm>>
      tpu.enqueue_dma source(%dma_start3A_519 : memref<128x128xf32, #tpu.memory_space<hbm>>) target(%arg10 : memref<128x128xf32, #tpu.memory_space<vmem>>) target_semaphore(%arg24 : memref<!tpu.dma_semaphore, #tpu.memory_space<semaphore_mem>>)
      %dma_start3A_520 = tpu.memref_slice %arg3[%add3A_515] : memref<100048xi32, #tpu.memory_space<hbm>> -> memref<160xi32, #tpu.memory_space<hbm>>
      %dma_start3A_521 = tpu.memref_slice %arg3[%add3A_515] : memref<100048xi32, #tpu.memory_space<hbm>> -> memref<160xi32, #tpu.memory_space<hbm>>
      tpu.enqueue_dma source(%dma_start3A_521 : memref<160xi32, #tpu.memory_space<hbm>>) target(%arg11 : memref<160xi32, #tpu.memory_space<vmem>>) target_semaphore(%arg25 : memref<!tpu.dma_semaphore, #tpu.memory_space<semaphore_mem>>)
      %scan3A_522 = arith.constant 0 : i32
      %scan3A_523 = arith.constant 8 : i32
      %scan3A_524 = arith.addi %scan3A_522, %scan3A_523 : i32
      %scan3A_525 = arith.constant 1 : i32
      %scan3A_526:10 = scf.for %scan3A_620 = %scan3A_522 to %scan3A_524 step %scan3A_525 iter_args(%scan3A_621 = %scan3A_419, %scan3A_622 = %scan3A_420, %scan3A_623 = %scan3A_421, %scan3A_624 = %scan3A_422, %scan3A_625 = %scan3A_423, %scan3A_626 = %scan3A_424, %scan3A_627 = %scan3A_425, %scan3A_628 = %scan3A_426, %scan3A_629 = %scan3A_427, %scan3A_630 = %scan3A_428) -> (i32, i32, vector<16xf32>, vector<16xf32>, vector<16xf32>, vector<16xf32>, vector<16xf32>, vector<16xf32>, vector<16xf32>, vector<16xf32>)  : i32 {
        %mul3A_631 = arith.constant 16 : i32
        %mul3A_632 = arith.muli %scan3A_620, %mul3A_631 : i32
        %add3A_633 = arith.constant 16 : i32
        %add3A_634 = arith.addi %add3A_633, %mul3A_632 : i32
        %get3A_635 = arith.index_cast %add3A_634 : i32 to index
        %get3A_636 = tpu.vector_load %arg14[%get3A_635] {strides = array<i32>} : memref<160xi32, #tpu.memory_space<vmem>>, vector<16xi32>,
        %get3A_637 = vector.shape_cast %get3A_636 : vector<16xi32> to vector<16xi32>
        %add3A_638 = arith.constant 15 : i32
        %add3A_639 = arith.addi %add3A_638, %mul3A_632 : i32
        %get3A_640 = arith.index_cast %add3A_639 : i32 to index
        %get3A_641 = tpu.vector_load %arg14[%get3A_640] {strides = array<i32>} : memref<160xi32, #tpu.memory_space<vmem>>, vector<16xi32>,
        %get3A_642 = vector.shape_cast %get3A_641 : vector<16xi32> to vector<16xi32>
        %ne3A = arith.cmpi ne, %get3A_637, %get3A_642 : vector<16xi32>
        %jit3A_643 = arith.constant 16 : i32
        %broadcast_in_dim3A_644 = vector.broadcast %jit3A_643 : i32 to vector<16xi32>
        %select_n3A_645 = arith.select %ne3A, %iota3A_28, %broadcast_in_dim3A_644 : vector<16xi1>, vector<16xi32>
        %add3A_646 = arith.constant 8 : i32
        %add3A_647 = vector.broadcast %add3A_646 : i32 to vector<16xi32>
        %add3A_648 = arith.addi %iota3A_28, %add3A_647 : vector<16xi32>
        %and3A = arith.constant 15 : i32
        %and3A_649 = vector.broadcast %and3A : i32 to vector<16xi32>
        %and3A_650 = arith.andi %add3A_648, %and3A_649 : vector<16xi32>
        %lt3A_651 = arith.constant 0 : i32
        %lt3A_652 = vector.broadcast %lt3A_651 : i32 to vector<16xi32>
        %lt3A_653 = arith.cmpi slt, %and3A_650, %lt3A_652 : vector<16xi32>
        %add3A_654 = arith.constant 16 : i32
        %add3A_655 = vector.broadcast %add3A_654 : i32 to vector<16xi32>
        %add3A_656 = arith.addi %and3A_650, %add3A_655 : vector<16xi32>
        %select_n3A_657 = arith.select %lt3A_653, %add3A_656, %and3A_650 : vector<16xi1>, vector<16xi32>
        %broadcast_in_dim3A_658 = vector.shape_cast %select_n3A_657 : vector<16xi32> to vector<16x1xi32>
        %gather3A = vector.shape_cast %broadcast_in_dim3A_658 : vector<16x1xi32> to vector<16xi32>
        %gather3A_659 = tpu.dynamic_gather %select_n3A_645[%gather3A] in [0] : vector<16xi32>, vector<16xi32> -> vector<16xi32>
        %min3A = arith.minsi %select_n3A_645, %gather3A_659 : vector<16xi32>
        %add3A_660 = arith.constant 4 : i32
        %add3A_661 = vector.broadcast %add3A_660 : i32 to vector<16xi32>
        %add3A_662 = arith.addi %iota3A_28, %add3A_661 : vector<16xi32>
        %and3A_663 = arith.constant 15 : i32
        %and3A_664 = vector.broadcast %and3A_663 : i32 to vector<16xi32>
        %and3A_665 = arith.andi %add3A_662, %and3A_664 : vector<16xi32>
        %lt3A_666 = arith.constant 0 : i32
        %lt3A_667 = vector.broadcast %lt3A_666 : i32 to vector<16xi32>
        %lt3A_668 = arith.cmpi slt, %and3A_665, %lt3A_667 : vector<16xi32>
        %add3A_669 = arith.constant 16 : i32
        %add3A_670 = vector.broadcast %add3A_669 : i32 to vector<16xi32>
        %add3A_671 = arith.addi %and3A_665, %add3A_670 : vector<16xi32>
        %select_n3A_672 = arith.select %lt3A_668, %add3A_671, %and3A_665 : vector<16xi1>, vector<16xi32>
        %broadcast_in_dim3A_673 = vector.shape_cast %select_n3A_672 : vector<16xi32> to vector<16x1xi32>
        %gather3A_674 = vector.shape_cast %broadcast_in_dim3A_673 : vector<16x1xi32> to vector<16xi32>
        %gather3A_675 = tpu.dynamic_gather %min3A[%gather3A_674] in [0] : vector<16xi32>, vector<16xi32> -> vector<16xi32>
        %min3A_676 = arith.minsi %min3A, %gather3A_675 : vector<16xi32>
        %add3A_677 = arith.constant 2 : i32
        %add3A_678 = vector.broadcast %add3A_677 : i32 to vector<16xi32>
        %add3A_679 = arith.addi %iota3A_28, %add3A_678 : vector<16xi32>
        %and3A_680 = arith.constant 15 : i32
        %and3A_681 = vector.broadcast %and3A_680 : i32 to vector<16xi32>
        %and3A_682 = arith.andi %add3A_679, %and3A_681 : vector<16xi32>
        %lt3A_683 = arith.constant 0 : i32
        %lt3A_684 = vector.broadcast %lt3A_683 : i32 to vector<16xi32>
        %lt3A_685 = arith.cmpi slt, %and3A_682, %lt3A_684 : vector<16xi32>
        %add3A_686 = arith.constant 16 : i32
        %add3A_687 = vector.broadcast %add3A_686 : i32 to vector<16xi32>
        %add3A_688 = arith.addi %and3A_682, %add3A_687 : vector<16xi32>
        %select_n3A_689 = arith.select %lt3A_685, %add3A_688, %and3A_682 : vector<16xi1>, vector<16xi32>
        %broadcast_in_dim3A_690 = vector.shape_cast %select_n3A_689 : vector<16xi32> to vector<16x1xi32>
        %gather3A_691 = vector.shape_cast %broadcast_in_dim3A_690 : vector<16x1xi32> to vector<16xi32>
        %gather3A_692 = tpu.dynamic_gather %min3A_676[%gather3A_691] in [0] : vector<16xi32>, vector<16xi32> -> vector<16xi32>
        %min3A_693 = arith.minsi %min3A_676, %gather3A_692 : vector<16xi32>
        %add3A_694 = arith.constant 1 : i32
        %add3A_695 = vector.broadcast %add3A_694 : i32 to vector<16xi32>
        %add3A_696 = arith.addi %iota3A_28, %add3A_695 : vector<16xi32>
        %and3A_697 = arith.constant 15 : i32
        %and3A_698 = vector.broadcast %and3A_697 : i32 to vector<16xi32>
        %and3A_699 = arith.andi %add3A_696, %and3A_698 : vector<16xi32>
        %lt3A_700 = arith.constant 0 : i32
        %lt3A_701 = vector.broadcast %lt3A_700 : i32 to vector<16xi32>
        %lt3A_702 = arith.cmpi slt, %and3A_699, %lt3A_701 : vector<16xi32>
        %add3A_703 = arith.constant 16 : i32
        %add3A_704 = vector.broadcast %add3A_703 : i32 to vector<16xi32>
        %add3A_705 = arith.addi %and3A_699, %add3A_704 : vector<16xi32>
        %select_n3A_706 = arith.select %lt3A_702, %add3A_705, %and3A_699 : vector<16xi1>, vector<16xi32>
        %broadcast_in_dim3A_707 = vector.shape_cast %select_n3A_706 : vector<16xi32> to vector<16x1xi32>
        %gather3A_708 = vector.shape_cast %broadcast_in_dim3A_707 : vector<16x1xi32> to vector<16xi32>
        %gather3A_709 = tpu.dynamic_gather %min3A_693[%gather3A_708] in [0] : vector<16xi32>, vector<16xi32> -> vector<16xi32>
        %min3A_710 = arith.minsi %min3A_693, %gather3A_709 : vector<16xi32>
        %slice3A_711 = vector.extract_strided_slice %min3A_710 {offsets = [0], sizes = [1], strides = [1]} : vector<16xi32> to vector<1xi32>
        %squeeze3A_712 = vector.extract %slice3A_711[0] : i32 from vector<1xi32>
        %while3A_713 = arith.constant 0 : i32
        %while3A_714 = arith.subi %squeeze3A_712, %while3A_713 : i32
        %while3A_715 = arith.addi %while3A_713, %while3A_714 : i32
        %while3A_716 = arith.constant 1 : i32
        %while3A_717 = arith.divsi %while3A_714, %while3A_716 : i32
        %while3A_718 = arith.muli %while3A_717, %while3A_716 : i32
        %while3A_719 = arith.addi %while3A_713, %while3A_718 : i32
        %while3A_720 = arith.constant 1 : i32
        %while3A_721:8 = scf.for %while3A_735 = %while3A_713 to %while3A_719 step %while3A_720 iter_args(%while3A_736 = %scan3A_623, %while3A_737 = %scan3A_624, %while3A_738 = %scan3A_625, %while3A_739 = %scan3A_626, %while3A_740 = %scan3A_627, %while3A_741 = %scan3A_628, %while3A_742 = %scan3A_629, %while3A_743 = %scan3A_630) -> (vector<16xf32>, vector<16xf32>, vector<16xf32>, vector<16xf32>, vector<16xf32>, vector<16xf32>, vector<16xf32>, vector<16xf32>)  : i32 {
          %add3A_744 = arith.addi %mul3A_632, %while3A_735 : i32
          %get3A_745 = arith.index_cast %add3A_744 : i32 to index
          %get3A_746 = arith.constant 0 : index
          %get3A_747 = tpu.vector_load %arg13[%get3A_745, %get3A_746] {strides = array<i32>} : memref<128x128xf32, #tpu.memory_space<vmem>>, vector<1x16xf32>,
          %get3A_748 = vector.shape_cast %get3A_747 : vector<1x16xf32> to vector<16xf32>
          %max3A = arith.maximumf %while3A_736, %get3A_748 : vector<16xf32>
          %add3A_749 = arith.addi %mul3A_632, %while3A_735 : i32
          %get3A_750 = arith.index_cast %add3A_749 : i32 to index
          %get3A_751 = arith.constant 16 : index
          %get3A_752 = tpu.vector_load %arg13[%get3A_750, %get3A_751] {strides = array<i32>} : memref<128x128xf32, #tpu.memory_space<vmem>>, vector<1x16xf32>,
          %get3A_753 = vector.shape_cast %get3A_752 : vector<1x16xf32> to vector<16xf32>
          %max3A_754 = arith.maximumf %while3A_737, %get3A_753 : vector<16xf32>
          %add3A_755 = arith.addi %mul3A_632, %while3A_735 : i32
          %get3A_756 = arith.index_cast %add3A_755 : i32 to index
          %get3A_757 = arith.constant 32 : index
          %get3A_758 = tpu.vector_load %arg13[%get3A_756, %get3A_757] {strides = array<i32>} : memref<128x128xf32, #tpu.memory_space<vmem>>, vector<1x16xf32>,
          %get3A_759 = vector.shape_cast %get3A_758 : vector<1x16xf32> to vector<16xf32>
          %max3A_760 = arith.maximumf %while3A_738, %get3A_759 : vector<16xf32>
          %add3A_761 = arith.addi %mul3A_632, %while3A_735 : i32
          %get3A_762 = arith.index_cast %add3A_761 : i32 to index
          %get3A_763 = arith.constant 48 : index
          %get3A_764 = tpu.vector_load %arg13[%get3A_762, %get3A_763] {strides = array<i32>} : memref<128x128xf32, #tpu.memory_space<vmem>>, vector<1x16xf32>,
          %get3A_765 = vector.shape_cast %get3A_764 : vector<1x16xf32> to vector<16xf32>
          %max3A_766 = arith.maximumf %while3A_739, %get3A_765 : vector<16xf32>
          %add3A_767 = arith.addi %mul3A_632, %while3A_735 : i32
          %get3A_768 = arith.index_cast %add3A_767 : i32 to index
          %get3A_769 = arith.constant 64 : index
          %get3A_770 = tpu.vector_load %arg13[%get3A_768, %get3A_769] {strides = array<i32>} : memref<128x128xf32, #tpu.memory_space<vmem>>, vector<1x16xf32>,
          %get3A_771 = vector.shape_cast %get3A_770 : vector<1x16xf32> to vector<16xf32>
          %max3A_772 = arith.maximumf %while3A_740, %get3A_771 : vector<16xf32>
          %add3A_773 = arith.addi %mul3A_632, %while3A_735 : i32
          %get3A_774 = arith.index_cast %add3A_773 : i32 to index
          %get3A_775 = arith.constant 80 : index
          %get3A_776 = tpu.vector_load %arg13[%get3A_774, %get3A_775] {strides = array<i32>} : memref<128x128xf32, #tpu.memory_space<vmem>>, vector<1x16xf32>,
          %get3A_777 = vector.shape_cast %get3A_776 : vector<1x16xf32> to vector<16xf32>
          %max3A_778 = arith.maximumf %while3A_741, %get3A_777 : vector<16xf32>
          %add3A_779 = arith.addi %mul3A_632, %while3A_735 : i32
          %get3A_780 = arith.index_cast %add3A_779 : i32 to index
          %get3A_781 = arith.constant 96 : index
          %get3A_782 = tpu.vector_load %arg13[%get3A_780, %get3A_781] {strides = array<i32>} : memref<128x128xf32, #tpu.memory_space<vmem>>, vector<1x16xf32>,
          %get3A_783 = vector.shape_cast %get3A_782 : vector<1x16xf32> to vector<16xf32>
          %max3A_784 = arith.maximumf %while3A_742, %get3A_783 : vector<16xf32>
          %add3A_785 = arith.addi %mul3A_632, %while3A_735 : i32
          %get3A_786 = arith.index_cast %add3A_785 : i32 to index
          %get3A_787 = arith.constant 112 : index
          %get3A_788 = tpu.vector_load %arg13[%get3A_786, %get3A_787] {strides = array<i32>} : memref<128x128xf32, #tpu.memory_space<vmem>>, vector<1x16xf32>,
          %get3A_789 = vector.shape_cast %get3A_788 : vector<1x16xf32> to vector<16xf32>
          %max3A_790 = arith.maximumf %while3A_743, %get3A_789 : vector<16xf32>
          scf.yield %max3A, %max3A_754, %max3A_760, %max3A_766, %max3A_772, %max3A_778, %max3A_784, %max3A_790 : vector<16xf32>, vector<16xf32>, vector<16xf32>, vector<16xf32>, vector<16xf32>, vector<16xf32>, vector<16xf32>, vector<16xf32>
        }
        %while3A_722 = arith.constant 1 : i32
        %while3A_723:8 = scf.for %while3A_735 = %while3A_719 to %while3A_715 step %while3A_722 iter_args(%while3A_736 = %while3A_721#0, %while3A_737 = %while3A_721#1, %while3A_738 = %while3A_721#2, %while3A_739 = %while3A_721#3, %while3A_740 = %while3A_721#4, %while3A_741 = %while3A_721#5, %while3A_742 = %while3A_721#6, %while3A_743 = %while3A_721#7) -> (vector<16xf32>, vector<16xf32>, vector<16xf32>, vector<16xf32>, vector<16xf32>, vector<16xf32>, vector<16xf32>, vector<16xf32>)  : i32 {
          %add3A_744 = arith.addi %mul3A_632, %while3A_735 : i32
          %get3A_745 = arith.index_cast %add3A_744 : i32 to index
          %get3A_746 = arith.constant 0 : index
          %get3A_747 = tpu.vector_load %arg13[%get3A_745, %get3A_746] {strides = array<i32>} : memref<128x128xf32, #tpu.memory_space<vmem>>, vector<1x16xf32>,
          %get3A_748 = vector.shape_cast %get3A_747 : vector<1x16xf32> to vector<16xf32>
          %max3A = arith.maximumf %while3A_736, %get3A_748 : vector<16xf32>
          %add3A_749 = arith.addi %mul3A_632, %while3A_735 : i32
          %get3A_750 = arith.index_cast %add3A_749 : i32 to index
          %get3A_751 = arith.constant 16 : index
          %get3A_752 = tpu.vector_load %arg13[%get3A_750, %get3A_751] {strides = array<i32>} : memref<128x128xf32, #tpu.memory_space<vmem>>, vector<1x16xf32>,
          %get3A_753 = vector.shape_cast %get3A_752 : vector<1x16xf32> to vector<16xf32>
          %max3A_754 = arith.maximumf %while3A_737, %get3A_753 : vector<16xf32>
          %add3A_755 = arith.addi %mul3A_632, %while3A_735 : i32
          %get3A_756 = arith.index_cast %add3A_755 : i32 to index
          %get3A_757 = arith.constant 32 : index
          %get3A_758 = tpu.vector_load %arg13[%get3A_756, %get3A_757] {strides = array<i32>} : memref<128x128xf32, #tpu.memory_space<vmem>>, vector<1x16xf32>,
          %get3A_759 = vector.shape_cast %get3A_758 : vector<1x16xf32> to vector<16xf32>
          %max3A_760 = arith.maximumf %while3A_738, %get3A_759 : vector<16xf32>
          %add3A_761 = arith.addi %mul3A_632, %while3A_735 : i32
          %get3A_762 = arith.index_cast %add3A_761 : i32 to index
          %get3A_763 = arith.constant 48 : index
          %get3A_764 = tpu.vector_load %arg13[%get3A_762, %get3A_763] {strides = array<i32>} : memref<128x128xf32, #tpu.memory_space<vmem>>, vector<1x16xf32>,
          %get3A_765 = vector.shape_cast %get3A_764 : vector<1x16xf32> to vector<16xf32>
          %max3A_766 = arith.maximumf %while3A_739, %get3A_765 : vector<16xf32>
          %add3A_767 = arith.addi %mul3A_632, %while3A_735 : i32
          %get3A_768 = arith.index_cast %add3A_767 : i32 to index
          %get3A_769 = arith.constant 64 : index
          %get3A_770 = tpu.vector_load %arg13[%get3A_768, %get3A_769] {strides = array<i32>} : memref<128x128xf32, #tpu.memory_space<vmem>>, vector<1x16xf32>,
          %get3A_771 = vector.shape_cast %get3A_770 : vector<1x16xf32> to vector<16xf32>
          %max3A_772 = arith.maximumf %while3A_740, %get3A_771 : vector<16xf32>
          %add3A_773 = arith.addi %mul3A_632, %while3A_735 : i32
          %get3A_774 = arith.index_cast %add3A_773 : i32 to index
          %get3A_775 = arith.constant 80 : index
          %get3A_776 = tpu.vector_load %arg13[%get3A_774, %get3A_775] {strides = array<i32>} : memref<128x128xf32, #tpu.memory_space<vmem>>, vector<1x16xf32>,
          %get3A_777 = vector.shape_cast %get3A_776 : vector<1x16xf32> to vector<16xf32>
          %max3A_778 = arith.maximumf %while3A_741, %get3A_777 : vector<16xf32>
          %add3A_779 = arith.addi %mul3A_632, %while3A_735 : i32
          %get3A_780 = arith.index_cast %add3A_779 : i32 to index
          %get3A_781 = arith.constant 96 : index
          %get3A_782 = tpu.vector_load %arg13[%get3A_780, %get3A_781] {strides = array<i32>} : memref<128x128xf32, #tpu.memory_space<vmem>>, vector<1x16xf32>,
          %get3A_783 = vector.shape_cast %get3A_782 : vector<1x16xf32> to vector<16xf32>
          %max3A_784 = arith.maximumf %while3A_742, %get3A_783 : vector<16xf32>
          %add3A_785 = arith.addi %mul3A_632, %while3A_735 : i32
          %get3A_786 = arith.index_cast %add3A_785 : i32 to index
          %get3A_787 = arith.constant 112 : index
          %get3A_788 = tpu.vector_load %arg13[%get3A_786, %get3A_787] {strides = array<i32>} : memref<128x128xf32, #tpu.memory_space<vmem>>, vector<1x16xf32>,
          %get3A_789 = vector.shape_cast %get3A_788 : vector<1x16xf32> to vector<16xf32>
          %max3A_790 = arith.maximumf %while3A_743, %get3A_789 : vector<16xf32>
          scf.yield %max3A, %max3A_754, %max3A_760, %max3A_766, %max3A_772, %max3A_778, %max3A_784, %max3A_790 : vector<16xf32>, vector<16xf32>, vector<16xf32>, vector<16xf32>, vector<16xf32>, vector<16xf32>, vector<16xf32>, vector<16xf32>
        }
        %while3A_724 = arith.constant 16 : i32
        %while3A_725 = arith.subi %while3A_724, %squeeze3A_712 : i32
        %while3A_726 = arith.addi %squeeze3A_712, %while3A_725 : i32
        %while3A_727 = arith.constant 1 : i32
        %while3A_728 = arith.divsi %while3A_725, %while3A_727 : i32
        %while3A_729 = arith.muli %while3A_728, %while3A_727 : i32
        %while3A_730 = arith.addi %squeeze3A_712, %while3A_729 : i32
        %while3A_731 = arith.constant 1 : i32
        %while3A_732:10 = scf.for %while3A_735 = %squeeze3A_712 to %while3A_730 step %while3A_731 iter_args(%while3A_736 = %scan3A_621, %while3A_737 = %scan3A_622, %while3A_738 = %while3A_723#0, %while3A_739 = %while3A_723#1, %while3A_740 = %while3A_723#2, %while3A_741 = %while3A_723#3, %while3A_742 = %while3A_723#4, %while3A_743 = %while3A_723#5, %while3A_744 = %while3A_723#6, %while3A_745 = %while3A_723#7) -> (i32, i32, vector<16xf32>, vector<16xf32>, vector<16xf32>, vector<16xf32>, vector<16xf32>, vector<16xf32>, vector<16xf32>, vector<16xf32>)  : i32 {
          %add3A_746 = arith.constant 16 : i32
          %add3A_747 = arith.addi %add3A_746, %mul3A_632 : i32
          %add3A_748 = arith.addi %add3A_747, %while3A_735 : i32
          %get3A_749 = arith.index_cast %add3A_748 : i32 to index
          %get3A_750 = tpu.vector_load %arg14[%get3A_749] {strides = array<i32>} : memref<160xi32, #tpu.memory_space<vmem>>, vector<16xi32>,
          %get3A_751 = vector.shape_cast %get3A_750 : vector<16xi32> to vector<16xi32>
          %slice3A_752 = vector.extract_strided_slice %get3A_751 {offsets = [0], sizes = [1], strides = [1]} : vector<16xi32> to vector<1xi32>
          %squeeze3A_753 = vector.extract %slice3A_752[0] : i32 from vector<1xi32>
          %ne3A_754 = arith.cmpi ne, %squeeze3A_753, %while3A_736 : i32
          %convert_element_type3A_755 = arith.extui %ne3A_754 : i1 to i32
          %cond3A_756 = arith.constant 0 : i32
          %cond3A_757 = arith.cmpi ne, %convert_element_type3A_755, %cond3A_756 : i32
          scf.if %cond3A_757 {
            %eq3A_815 = arith.constant 0 : i32
            %eq3A_816 = arith.cmpi eq, %while3A_737, %eq3A_815 : i32
            %convert_element_type3A_817 = arith.extui %eq3A_816 : i1 to i32
            %cond3A_818 = arith.constant 0 : i32
            %cond3A_819 = arith.cmpi ne, %convert_element_type3A_817, %cond3A_818 : i32
            scf.if %cond3A_819 {
              %swap3A_824 = arith.constant 0 : index
              %swap3A_825 = tpu.vector_load %arg18[%swap3A_824] {strides = array<i32>} : memref<256xf32, #tpu.memory_space<vmem>>, vector<16xf32>,
              %swap3A_826 = vector.shape_cast %swap3A_825 : vector<16xf32> to vector<16xf32>
              %swap3A_827 = vector.shape_cast %while3A_738 : vector<16xf32> to vector<16xf32>
              tpu.vector_store %arg18[%swap3A_824], %swap3A_827 {strides = array<i32>} : memref<256xf32, #tpu.memory_space<vmem>>, vector<16xf32>,
              %swap3A_828 = arith.constant 16 : index
              %swap3A_829 = tpu.vector_load %arg18[%swap3A_828] {strides = array<i32>} : memref<256xf32, #tpu.memory_space<vmem>>, vector<16xf32>,
              %swap3A_830 = vector.shape_cast %swap3A_829 : vector<16xf32> to vector<16xf32>
              %swap3A_831 = vector.shape_cast %while3A_739 : vector<16xf32> to vector<16xf32>
              tpu.vector_store %arg18[%swap3A_828], %swap3A_831 {strides = array<i32>} : memref<256xf32, #tpu.memory_space<vmem>>, vector<16xf32>,
              %swap3A_832 = arith.constant 32 : index
              %swap3A_833 = tpu.vector_load %arg18[%swap3A_832] {strides = array<i32>} : memref<256xf32, #tpu.memory_space<vmem>>, vector<16xf32>,
              %swap3A_834 = vector.shape_cast %swap3A_833 : vector<16xf32> to vector<16xf32>
              %swap3A_835 = vector.shape_cast %while3A_740 : vector<16xf32> to vector<16xf32>
              tpu.vector_store %arg18[%swap3A_832], %swap3A_835 {strides = array<i32>} : memref<256xf32, #tpu.memory_space<vmem>>, vector<16xf32>,
              %swap3A_836 = arith.constant 48 : index
              %swap3A_837 = tpu.vector_load %arg18[%swap3A_836] {strides = array<i32>} : memref<256xf32, #tpu.memory_space<vmem>>, vector<16xf32>,
              %swap3A_838 = vector.shape_cast %swap3A_837 : vector<16xf32> to vector<16xf32>
              %swap3A_839 = vector.shape_cast %while3A_741 : vector<16xf32> to vector<16xf32>
              tpu.vector_store %arg18[%swap3A_836], %swap3A_839 {strides = array<i32>} : memref<256xf32, #tpu.memory_space<vmem>>, vector<16xf32>,
              %swap3A_840 = arith.constant 64 : index
              %swap3A_841 = tpu.vector_load %arg18[%swap3A_840] {strides = array<i32>} : memref<256xf32, #tpu.memory_space<vmem>>, vector<16xf32>,
              %swap3A_842 = vector.shape_cast %swap3A_841 : vector<16xf32> to vector<16xf32>
              %swap3A_843 = vector.shape_cast %while3A_742 : vector<16xf32> to vector<16xf32>
              tpu.vector_store %arg18[%swap3A_840], %swap3A_843 {strides = array<i32>} : memref<256xf32, #tpu.memory_space<vmem>>, vector<16xf32>,
              %swap3A_844 = arith.constant 80 : index
              %swap3A_845 = tpu.vector_load %arg18[%swap3A_844] {strides = array<i32>} : memref<256xf32, #tpu.memory_space<vmem>>, vector<16xf32>,
              %swap3A_846 = vector.shape_cast %swap3A_845 : vector<16xf32> to vector<16xf32>
              %swap3A_847 = vector.shape_cast %while3A_743 : vector<16xf32> to vector<16xf32>
              tpu.vector_store %arg18[%swap3A_844], %swap3A_847 {strides = array<i32>} : memref<256xf32, #tpu.memory_space<vmem>>, vector<16xf32>,
              %swap3A_848 = arith.constant 96 : index
              %swap3A_849 = tpu.vector_load %arg18[%swap3A_848] {strides = array<i32>} : memref<256xf32, #tpu.memory_space<vmem>>, vector<16xf32>,
              %swap3A_850 = vector.shape_cast %swap3A_849 : vector<16xf32> to vector<16xf32>
              %swap3A_851 = vector.shape_cast %while3A_744 : vector<16xf32> to vector<16xf32>
              tpu.vector_store %arg18[%swap3A_848], %swap3A_851 {strides = array<i32>} : memref<256xf32, #tpu.memory_space<vmem>>, vector<16xf32>,
              %swap3A_852 = arith.constant 112 : index
              %swap3A_853 = tpu.vector_load %arg18[%swap3A_852] {strides = array<i32>} : memref<256xf32, #tpu.memory_space<vmem>>, vector<16xf32>,
              %swap3A_854 = vector.shape_cast %swap3A_853 : vector<16xf32> to vector<16xf32>
              %swap3A_855 = vector.shape_cast %while3A_745 : vector<16xf32> to vector<16xf32>
              tpu.vector_store %arg18[%swap3A_852], %swap3A_855 {strides = array<i32>} : memref<256xf32, #tpu.memory_space<vmem>>, vector<16xf32>,
              %broadcast_in_dim3A_856 = vector.broadcast %while3A_736 : i32 to vector<16xi32>
              %swap3A_857 = arith.constant 0 : index
              %swap3A_858 = tpu.vector_load %arg19[%swap3A_857] {strides = array<i32>} : memref<32xi32, #tpu.memory_space<vmem>>, vector<16xi32>,
              %swap3A_859 = vector.shape_cast %swap3A_858 : vector<16xi32> to vector<16xi32>
              %swap3A_860 = vector.shape_cast %broadcast_in_dim3A_856 : vector<16xi32> to vector<16xi32>
              tpu.vector_store %arg19[%swap3A_857], %swap3A_860 {strides = array<i32>} : memref<32xi32, #tpu.memory_space<vmem>>, vector<16xi32>,
            } else {
            }
            %not3A = arith.constant true
            %not3A_820 = arith.xori %eq3A_816, %not3A : i1
            %convert_element_type3A_821 = arith.extui %not3A_820 : i1 to i32
            %cond3A_822 = arith.constant 0 : i32
            %cond3A_823 = arith.cmpi ne, %convert_element_type3A_821, %cond3A_822 : i32
            scf.if %cond3A_823 {
              %swap3A_824 = arith.constant 0 : index
              %swap3A_825 = tpu.vector_load %arg17[%swap3A_824] {strides = array<i32>} : memref<128xf32, #tpu.memory_space<vmem>>, vector<16xf32>,
              %swap3A_826 = vector.shape_cast %swap3A_825 : vector<16xf32> to vector<16xf32>
              %swap3A_827 = vector.shape_cast %while3A_738 : vector<16xf32> to vector<16xf32>
              tpu.vector_store %arg17[%swap3A_824], %swap3A_827 {strides = array<i32>} : memref<128xf32, #tpu.memory_space<vmem>>, vector<16xf32>,
              %swap3A_828 = arith.constant 16 : index
              %swap3A_829 = tpu.vector_load %arg17[%swap3A_828] {strides = array<i32>} : memref<128xf32, #tpu.memory_space<vmem>>, vector<16xf32>,
              %swap3A_830 = vector.shape_cast %swap3A_829 : vector<16xf32> to vector<16xf32>
              %swap3A_831 = vector.shape_cast %while3A_739 : vector<16xf32> to vector<16xf32>
              tpu.vector_store %arg17[%swap3A_828], %swap3A_831 {strides = array<i32>} : memref<128xf32, #tpu.memory_space<vmem>>, vector<16xf32>,
              %swap3A_832 = arith.constant 32 : index
              %swap3A_833 = tpu.vector_load %arg17[%swap3A_832] {strides = array<i32>} : memref<128xf32, #tpu.memory_space<vmem>>, vector<16xf32>,
              %swap3A_834 = vector.shape_cast %swap3A_833 : vector<16xf32> to vector<16xf32>
              %swap3A_835 = vector.shape_cast %while3A_740 : vector<16xf32> to vector<16xf32>
              tpu.vector_store %arg17[%swap3A_832], %swap3A_835 {strides = array<i32>} : memref<128xf32, #tpu.memory_space<vmem>>, vector<16xf32>,
              %swap3A_836 = arith.constant 48 : index
              %swap3A_837 = tpu.vector_load %arg17[%swap3A_836] {strides = array<i32>} : memref<128xf32, #tpu.memory_space<vmem>>, vector<16xf32>,
              %swap3A_838 = vector.shape_cast %swap3A_837 : vector<16xf32> to vector<16xf32>
              %swap3A_839 = vector.shape_cast %while3A_741 : vector<16xf32> to vector<16xf32>
              tpu.vector_store %arg17[%swap3A_836], %swap3A_839 {strides = array<i32>} : memref<128xf32, #tpu.memory_space<vmem>>, vector<16xf32>,
              %swap3A_840 = arith.constant 64 : index
              %swap3A_841 = tpu.vector_load %arg17[%swap3A_840] {strides = array<i32>} : memref<128xf32, #tpu.memory_space<vmem>>, vector<16xf32>,
              %swap3A_842 = vector.shape_cast %swap3A_841 : vector<16xf32> to vector<16xf32>
              %swap3A_843 = vector.shape_cast %while3A_742 : vector<16xf32> to vector<16xf32>
              tpu.vector_store %arg17[%swap3A_840], %swap3A_843 {strides = array<i32>} : memref<128xf32, #tpu.memory_space<vmem>>, vector<16xf32>,
              %swap3A_844 = arith.constant 80 : index
              %swap3A_845 = tpu.vector_load %arg17[%swap3A_844] {strides = array<i32>} : memref<128xf32, #tpu.memory_space<vmem>>, vector<16xf32>,
              %swap3A_846 = vector.shape_cast %swap3A_845 : vector<16xf32> to vector<16xf32>
              %swap3A_847 = vector.shape_cast %while3A_743 : vector<16xf32> to vector<16xf32>
              tpu.vector_store %arg17[%swap3A_844], %swap3A_847 {strides = array<i32>} : memref<128xf32, #tpu.memory_space<vmem>>, vector<16xf32>,
              %swap3A_848 = arith.constant 96 : index
              %swap3A_849 = tpu.vector_load %arg17[%swap3A_848] {strides = array<i32>} : memref<128xf32, #tpu.memory_space<vmem>>, vector<16xf32>,
              %swap3A_850 = vector.shape_cast %swap3A_849 : vector<16xf32> to vector<16xf32>
              %swap3A_851 = vector.shape_cast %while3A_744 : vector<16xf32> to vector<16xf32>
              tpu.vector_store %arg17[%swap3A_848], %swap3A_851 {strides = array<i32>} : memref<128xf32, #tpu.memory_space<vmem>>, vector<16xf32>,
              %swap3A_852 = arith.constant 112 : index
              %swap3A_853 = tpu.vector_load %arg17[%swap3A_852] {strides = array<i32>} : memref<128xf32, #tpu.memory_space<vmem>>, vector<16xf32>,
              %swap3A_854 = vector.shape_cast %swap3A_853 : vector<16xf32> to vector<16xf32>
              %swap3A_855 = vector.shape_cast %while3A_745 : vector<16xf32> to vector<16xf32>
              tpu.vector_store %arg17[%swap3A_852], %swap3A_855 {strides = array<i32>} : memref<128xf32, #tpu.memory_space<vmem>>, vector<16xf32>,
              %run_scoped3A = arith.constant 0 : i32
              "tpu.region"() ({
                %run_scoped3A_856 = tpu.sem_alloc : memref<!tpu.dma_semaphore, #tpu.memory_space<semaphore_mem>>
                %dma_start3A_857 = arith.constant 0 : i32
                %dma_start3A_858 = tpu.memref_slice %arg7[%while3A_736, %run_scoped3A, %dma_start3A_857] : memref<1024x1x128xf32, #tpu.memory_space<hbm>> -> memref<1x1x128xf32, #tpu.memory_space<hbm>>
                %dma_start3A_859 = tpu.memref_squeeze %dma_start3A_858 : memref<1x1x128xf32, #tpu.memory_space<hbm>> -> memref<128xf32, #tpu.memory_space<hbm>>
                %dma_start3A_860 = arith.constant 0 : i32
                %dma_start3A_861 = tpu.memref_slice %arg7[%while3A_736, %run_scoped3A, %dma_start3A_860] : memref<1024x1x128xf32, #tpu.memory_space<hbm>> -> memref<1x1x128xf32, #tpu.memory_space<hbm>>
                %dma_start3A_862 = tpu.memref_squeeze %dma_start3A_861 : memref<1x1x128xf32, #tpu.memory_space<hbm>> -> memref<128xf32, #tpu.memory_space<hbm>>
                tpu.enqueue_dma source(%arg17 : memref<128xf32, #tpu.memory_space<vmem>>) target(%dma_start3A_862 : memref<128xf32, #tpu.memory_space<hbm>>) target_semaphore(%run_scoped3A_856 : memref<!tpu.dma_semaphore, #tpu.memory_space<semaphore_mem>>)
                %dma_wait3A_863 = arith.constant 0 : i32
                %dma_wait3A_864 = tpu.memref_slice %arg7[%while3A_736, %run_scoped3A, %dma_wait3A_863] : memref<1024x1x128xf32, #tpu.memory_space<hbm>> -> memref<1x1x128xf32, #tpu.memory_space<hbm>>
                %dma_wait3A_865 = tpu.memref_squeeze %dma_wait3A_864 : memref<1x1x128xf32, #tpu.memory_space<hbm>> -> memref<128xf32, #tpu.memory_space<hbm>>
                %dma_wait3A_866 = arith.constant 0 : i32
                %dma_wait3A_867 = tpu.memref_slice %arg7[%while3A_736, %run_scoped3A, %dma_wait3A_866] : memref<1024x1x128xf32, #tpu.memory_space<hbm>> -> memref<1x1x128xf32, #tpu.memory_space<hbm>>
                %dma_wait3A_868 = tpu.memref_squeeze %dma_wait3A_867 : memref<1x1x128xf32, #tpu.memory_space<hbm>> -> memref<128xf32, #tpu.memory_space<hbm>>
                tpu.wait_dma2 semaphore(%run_scoped3A_856 : memref<!tpu.dma_semaphore, #tpu.memory_space<semaphore_mem>>) src(%arg17 : memref<128xf32, #tpu.memory_space<vmem>>) dst(%dma_wait3A_868 : memref<128xf32, #tpu.memory_space<hbm>>)
                tpu.yield
              }) : () -> ()
            } else {
            }
          } else {
          }
          %add3A_758 = arith.addi %mul3A_632, %while3A_735 : i32
          %get3A_759 = arith.index_cast %add3A_758 : i32 to index
          %get3A_760 = arith.constant 0 : index
          %get3A_761 = tpu.vector_load %arg13[%get3A_759, %get3A_760] {strides = array<i32>} : memref<128x128xf32, #tpu.memory_space<vmem>>, vector<1x16xf32>,
          %get3A_762 = vector.shape_cast %get3A_761 : vector<1x16xf32> to vector<16xf32>
          %max3A = arith.maximumf %while3A_738, %get3A_762 : vector<16xf32>
          %select_n3A_763 = arith.select %ne3A_754, %get3A_762, %max3A : vector<16xf32>
          %add3A_764 = arith.addi %mul3A_632, %while3A_735 : i32
          %get3A_765 = arith.index_cast %add3A_764 : i32 to index
          %get3A_766 = arith.constant 16 : index
          %get3A_767 = tpu.vector_load %arg13[%get3A_765, %get3A_766] {strides = array<i32>} : memref<128x128xf32, #tpu.memory_space<vmem>>, vector<1x16xf32>,
          %get3A_768 = vector.shape_cast %get3A_767 : vector<1x16xf32> to vector<16xf32>
          %max3A_769 = arith.maximumf %while3A_739, %get3A_768 : vector<16xf32>
          %select_n3A_770 = arith.select %ne3A_754, %get3A_768, %max3A_769 : vector<16xf32>
          %add3A_771 = arith.addi %mul3A_632, %while3A_735 : i32
          %get3A_772 = arith.index_cast %add3A_771 : i32 to index
          %get3A_773 = arith.constant 32 : index
          %get3A_774 = tpu.vector_load %arg13[%get3A_772, %get3A_773] {strides = array<i32>} : memref<128x128xf32, #tpu.memory_space<vmem>>, vector<1x16xf32>,
          %get3A_775 = vector.shape_cast %get3A_774 : vector<1x16xf32> to vector<16xf32>
          %max3A_776 = arith.maximumf %while3A_740, %get3A_775 : vector<16xf32>
          %select_n3A_777 = arith.select %ne3A_754, %get3A_775, %max3A_776 : vector<16xf32>
          %add3A_778 = arith.addi %mul3A_632, %while3A_735 : i32
          %get3A_779 = arith.index_cast %add3A_778 : i32 to index
          %get3A_780 = arith.constant 48 : index
          %get3A_781 = tpu.vector_load %arg13[%get3A_779, %get3A_780] {strides = array<i32>} : memref<128x128xf32, #tpu.memory_space<vmem>>, vector<1x16xf32>,
          %get3A_782 = vector.shape_cast %get3A_781 : vector<1x16xf32> to vector<16xf32>
          %max3A_783 = arith.maximumf %while3A_741, %get3A_782 : vector<16xf32>
          %select_n3A_784 = arith.select %ne3A_754, %get3A_782, %max3A_783 : vector<16xf32>
          %add3A_785 = arith.addi %mul3A_632, %while3A_735 : i32
          %get3A_786 = arith.index_cast %add3A_785 : i32 to index
          %get3A_787 = arith.constant 64 : index
          %get3A_788 = tpu.vector_load %arg13[%get3A_786, %get3A_787] {strides = array<i32>} : memref<128x128xf32, #tpu.memory_space<vmem>>, vector<1x16xf32>,
          %get3A_789 = vector.shape_cast %get3A_788 : vector<1x16xf32> to vector<16xf32>
          %max3A_790 = arith.maximumf %while3A_742, %get3A_789 : vector<16xf32>
          %select_n3A_791 = arith.select %ne3A_754, %get3A_789, %max3A_790 : vector<16xf32>
          %add3A_792 = arith.addi %mul3A_632, %while3A_735 : i32
          %get3A_793 = arith.index_cast %add3A_792 : i32 to index
          %get3A_794 = arith.constant 80 : index
          %get3A_795 = tpu.vector_load %arg13[%get3A_793, %get3A_794] {strides = array<i32>} : memref<128x128xf32, #tpu.memory_space<vmem>>, vector<1x16xf32>,
          %get3A_796 = vector.shape_cast %get3A_795 : vector<1x16xf32> to vector<16xf32>
          %max3A_797 = arith.maximumf %while3A_743, %get3A_796 : vector<16xf32>
          %select_n3A_798 = arith.select %ne3A_754, %get3A_796, %max3A_797 : vector<16xf32>
          %add3A_799 = arith.addi %mul3A_632, %while3A_735 : i32
          %get3A_800 = arith.index_cast %add3A_799 : i32 to index
          %get3A_801 = arith.constant 96 : index
          %get3A_802 = tpu.vector_load %arg13[%get3A_800, %get3A_801] {strides = array<i32>} : memref<128x128xf32, #tpu.memory_space<vmem>>, vector<1x16xf32>,
          %get3A_803 = vector.shape_cast %get3A_802 : vector<1x16xf32> to vector<16xf32>
          %max3A_804 = arith.maximumf %while3A_744, %get3A_803 : vector<16xf32>
          %select_n3A_805 = arith.select %ne3A_754, %get3A_803, %max3A_804 : vector<16xf32>
          %add3A_806 = arith.addi %mul3A_632, %while3A_735 : i32
          %get3A_807 = arith.index_cast %add3A_806 : i32 to index
          %get3A_808 = arith.constant 112 : index
          %get3A_809 = tpu.vector_load %arg13[%get3A_807, %get3A_808] {strides = array<i32>} : memref<128x128xf32, #tpu.memory_space<vmem>>, vector<1x16xf32>,
          %get3A_810 = vector.shape_cast %get3A_809 : vector<1x16xf32> to vector<16xf32>
          %max3A_811 = arith.maximumf %while3A_745, %get3A_810 : vector<16xf32>
          %select_n3A_812 = arith.select %ne3A_754, %get3A_810, %max3A_811 : vector<16xf32>
          %convert_element_type3A_813 = arith.extui %ne3A_754 : i1 to i32
          %add3A_814 = arith.addi %while3A_737, %convert_element_type3A_813 : i32
          scf.yield %squeeze3A_753, %add3A_814, %select_n3A_763, %select_n3A_770, %select_n3A_777, %select_n3A_784, %select_n3A_791, %select_n3A_798, %select_n3A_805, %select_n3A_812 : i32, i32, vector<16xf32>, vector<16xf32>, vector<16xf32>, vector<16xf32>, vector<16xf32>, vector<16xf32>, vector<16xf32>, vector<16xf32>
        }
        %while3A_733 = arith.constant 1 : i32
        %while3A_734:10 = scf.for %while3A_735 = %while3A_730 to %while3A_726 step %while3A_733 iter_args(%while3A_736 = %while3A_732#0, %while3A_737 = %while3A_732#1, %while3A_738 = %while3A_732#2, %while3A_739 = %while3A_732#3, %while3A_740 = %while3A_732#4, %while3A_741 = %while3A_732#5, %while3A_742 = %while3A_732#6, %while3A_743 = %while3A_732#7, %while3A_744 = %while3A_732#8, %while3A_745 = %while3A_732#9) -> (i32, i32, vector<16xf32>, vector<16xf32>, vector<16xf32>, vector<16xf32>, vector<16xf32>, vector<16xf32>, vector<16xf32>, vector<16xf32>)  : i32 {
          %add3A_746 = arith.constant 16 : i32
          %add3A_747 = arith.addi %add3A_746, %mul3A_632 : i32
          %add3A_748 = arith.addi %add3A_747, %while3A_735 : i32
          %get3A_749 = arith.index_cast %add3A_748 : i32 to index
          %get3A_750 = tpu.vector_load %arg14[%get3A_749] {strides = array<i32>} : memref<160xi32, #tpu.memory_space<vmem>>, vector<16xi32>,
          %get3A_751 = vector.shape_cast %get3A_750 : vector<16xi32> to vector<16xi32>
          %slice3A_752 = vector.extract_strided_slice %get3A_751 {offsets = [0], sizes = [1], strides = [1]} : vector<16xi32> to vector<1xi32>
          %squeeze3A_753 = vector.extract %slice3A_752[0] : i32 from vector<1xi32>
          %ne3A_754 = arith.cmpi ne, %squeeze3A_753, %while3A_736 : i32
          %convert_element_type3A_755 = arith.extui %ne3A_754 : i1 to i32
          %cond3A_756 = arith.constant 0 : i32
          %cond3A_757 = arith.cmpi ne, %convert_element_type3A_755, %cond3A_756 : i32
          scf.if %cond3A_757 {
            %eq3A_815 = arith.constant 0 : i32
            %eq3A_816 = arith.cmpi eq, %while3A_737, %eq3A_815 : i32
            %convert_element_type3A_817 = arith.extui %eq3A_816 : i1 to i32
            %cond3A_818 = arith.constant 0 : i32
            %cond3A_819 = arith.cmpi ne, %convert_element_type3A_817, %cond3A_818 : i32
            scf.if %cond3A_819 {
              %swap3A_824 = arith.constant 0 : index
              %swap3A_825 = tpu.vector_load %arg18[%swap3A_824] {strides = array<i32>} : memref<256xf32, #tpu.memory_space<vmem>>, vector<16xf32>,
              %swap3A_826 = vector.shape_cast %swap3A_825 : vector<16xf32> to vector<16xf32>
              %swap3A_827 = vector.shape_cast %while3A_738 : vector<16xf32> to vector<16xf32>
              tpu.vector_store %arg18[%swap3A_824], %swap3A_827 {strides = array<i32>} : memref<256xf32, #tpu.memory_space<vmem>>, vector<16xf32>,
              %swap3A_828 = arith.constant 16 : index
              %swap3A_829 = tpu.vector_load %arg18[%swap3A_828] {strides = array<i32>} : memref<256xf32, #tpu.memory_space<vmem>>, vector<16xf32>,
              %swap3A_830 = vector.shape_cast %swap3A_829 : vector<16xf32> to vector<16xf32>
              %swap3A_831 = vector.shape_cast %while3A_739 : vector<16xf32> to vector<16xf32>
              tpu.vector_store %arg18[%swap3A_828], %swap3A_831 {strides = array<i32>} : memref<256xf32, #tpu.memory_space<vmem>>, vector<16xf32>,
              %swap3A_832 = arith.constant 32 : index
              %swap3A_833 = tpu.vector_load %arg18[%swap3A_832] {strides = array<i32>} : memref<256xf32, #tpu.memory_space<vmem>>, vector<16xf32>,
              %swap3A_834 = vector.shape_cast %swap3A_833 : vector<16xf32> to vector<16xf32>
              %swap3A_835 = vector.shape_cast %while3A_740 : vector<16xf32> to vector<16xf32>
              tpu.vector_store %arg18[%swap3A_832], %swap3A_835 {strides = array<i32>} : memref<256xf32, #tpu.memory_space<vmem>>, vector<16xf32>,
              %swap3A_836 = arith.constant 48 : index
              %swap3A_837 = tpu.vector_load %arg18[%swap3A_836] {strides = array<i32>} : memref<256xf32, #tpu.memory_space<vmem>>, vector<16xf32>,
              %swap3A_838 = vector.shape_cast %swap3A_837 : vector<16xf32> to vector<16xf32>
              %swap3A_839 = vector.shape_cast %while3A_741 : vector<16xf32> to vector<16xf32>
              tpu.vector_store %arg18[%swap3A_836], %swap3A_839 {strides = array<i32>} : memref<256xf32, #tpu.memory_space<vmem>>, vector<16xf32>,
              %swap3A_840 = arith.constant 64 : index
              %swap3A_841 = tpu.vector_load %arg18[%swap3A_840] {strides = array<i32>} : memref<256xf32, #tpu.memory_space<vmem>>, vector<16xf32>,
              %swap3A_842 = vector.shape_cast %swap3A_841 : vector<16xf32> to vector<16xf32>
              %swap3A_843 = vector.shape_cast %while3A_742 : vector<16xf32> to vector<16xf32>
              tpu.vector_store %arg18[%swap3A_840], %swap3A_843 {strides = array<i32>} : memref<256xf32, #tpu.memory_space<vmem>>, vector<16xf32>,
              %swap3A_844 = arith.constant 80 : index
              %swap3A_845 = tpu.vector_load %arg18[%swap3A_844] {strides = array<i32>} : memref<256xf32, #tpu.memory_space<vmem>>, vector<16xf32>,
              %swap3A_846 = vector.shape_cast %swap3A_845 : vector<16xf32> to vector<16xf32>
              %swap3A_847 = vector.shape_cast %while3A_743 : vector<16xf32> to vector<16xf32>
              tpu.vector_store %arg18[%swap3A_844], %swap3A_847 {strides = array<i32>} : memref<256xf32, #tpu.memory_space<vmem>>, vector<16xf32>,
              %swap3A_848 = arith.constant 96 : index
              %swap3A_849 = tpu.vector_load %arg18[%swap3A_848] {strides = array<i32>} : memref<256xf32, #tpu.memory_space<vmem>>, vector<16xf32>,
              %swap3A_850 = vector.shape_cast %swap3A_849 : vector<16xf32> to vector<16xf32>
              %swap3A_851 = vector.shape_cast %while3A_744 : vector<16xf32> to vector<16xf32>
              tpu.vector_store %arg18[%swap3A_848], %swap3A_851 {strides = array<i32>} : memref<256xf32, #tpu.memory_space<vmem>>, vector<16xf32>,
              %swap3A_852 = arith.constant 112 : index
              %swap3A_853 = tpu.vector_load %arg18[%swap3A_852] {strides = array<i32>} : memref<256xf32, #tpu.memory_space<vmem>>, vector<16xf32>,
              %swap3A_854 = vector.shape_cast %swap3A_853 : vector<16xf32> to vector<16xf32>
              %swap3A_855 = vector.shape_cast %while3A_745 : vector<16xf32> to vector<16xf32>
              tpu.vector_store %arg18[%swap3A_852], %swap3A_855 {strides = array<i32>} : memref<256xf32, #tpu.memory_space<vmem>>, vector<16xf32>,
              %broadcast_in_dim3A_856 = vector.broadcast %while3A_736 : i32 to vector<16xi32>
              %swap3A_857 = arith.constant 0 : index
              %swap3A_858 = tpu.vector_load %arg19[%swap3A_857] {strides = array<i32>} : memref<32xi32, #tpu.memory_space<vmem>>, vector<16xi32>,
              %swap3A_859 = vector.shape_cast %swap3A_858 : vector<16xi32> to vector<16xi32>
              %swap3A_860 = vector.shape_cast %broadcast_in_dim3A_856 : vector<16xi32> to vector<16xi32>
              tpu.vector_store %arg19[%swap3A_857], %swap3A_860 {strides = array<i32>} : memref<32xi32, #tpu.memory_space<vmem>>, vector<16xi32>,
            } else {
            }
            %not3A = arith.constant true
            %not3A_820 = arith.xori %eq3A_816, %not3A : i1
            %convert_element_type3A_821 = arith.extui %not3A_820 : i1 to i32
            %cond3A_822 = arith.constant 0 : i32
            %cond3A_823 = arith.cmpi ne, %convert_element_type3A_821, %cond3A_822 : i32
            scf.if %cond3A_823 {
              %swap3A_824 = arith.constant 0 : index
              %swap3A_825 = tpu.vector_load %arg17[%swap3A_824] {strides = array<i32>} : memref<128xf32, #tpu.memory_space<vmem>>, vector<16xf32>,
              %swap3A_826 = vector.shape_cast %swap3A_825 : vector<16xf32> to vector<16xf32>
              %swap3A_827 = vector.shape_cast %while3A_738 : vector<16xf32> to vector<16xf32>
              tpu.vector_store %arg17[%swap3A_824], %swap3A_827 {strides = array<i32>} : memref<128xf32, #tpu.memory_space<vmem>>, vector<16xf32>,
              %swap3A_828 = arith.constant 16 : index
              %swap3A_829 = tpu.vector_load %arg17[%swap3A_828] {strides = array<i32>} : memref<128xf32, #tpu.memory_space<vmem>>, vector<16xf32>,
              %swap3A_830 = vector.shape_cast %swap3A_829 : vector<16xf32> to vector<16xf32>
              %swap3A_831 = vector.shape_cast %while3A_739 : vector<16xf32> to vector<16xf32>
              tpu.vector_store %arg17[%swap3A_828], %swap3A_831 {strides = array<i32>} : memref<128xf32, #tpu.memory_space<vmem>>, vector<16xf32>,
              %swap3A_832 = arith.constant 32 : index
              %swap3A_833 = tpu.vector_load %arg17[%swap3A_832] {strides = array<i32>} : memref<128xf32, #tpu.memory_space<vmem>>, vector<16xf32>,
              %swap3A_834 = vector.shape_cast %swap3A_833 : vector<16xf32> to vector<16xf32>
              %swap3A_835 = vector.shape_cast %while3A_740 : vector<16xf32> to vector<16xf32>
              tpu.vector_store %arg17[%swap3A_832], %swap3A_835 {strides = array<i32>} : memref<128xf32, #tpu.memory_space<vmem>>, vector<16xf32>,
              %swap3A_836 = arith.constant 48 : index
              %swap3A_837 = tpu.vector_load %arg17[%swap3A_836] {strides = array<i32>} : memref<128xf32, #tpu.memory_space<vmem>>, vector<16xf32>,
              %swap3A_838 = vector.shape_cast %swap3A_837 : vector<16xf32> to vector<16xf32>
              %swap3A_839 = vector.shape_cast %while3A_741 : vector<16xf32> to vector<16xf32>
              tpu.vector_store %arg17[%swap3A_836], %swap3A_839 {strides = array<i32>} : memref<128xf32, #tpu.memory_space<vmem>>, vector<16xf32>,
              %swap3A_840 = arith.constant 64 : index
              %swap3A_841 = tpu.vector_load %arg17[%swap3A_840] {strides = array<i32>} : memref<128xf32, #tpu.memory_space<vmem>>, vector<16xf32>,
              %swap3A_842 = vector.shape_cast %swap3A_841 : vector<16xf32> to vector<16xf32>
              %swap3A_843 = vector.shape_cast %while3A_742 : vector<16xf32> to vector<16xf32>
              tpu.vector_store %arg17[%swap3A_840], %swap3A_843 {strides = array<i32>} : memref<128xf32, #tpu.memory_space<vmem>>, vector<16xf32>,
              %swap3A_844 = arith.constant 80 : index
              %swap3A_845 = tpu.vector_load %arg17[%swap3A_844] {strides = array<i32>} : memref<128xf32, #tpu.memory_space<vmem>>, vector<16xf32>,
              %swap3A_846 = vector.shape_cast %swap3A_845 : vector<16xf32> to vector<16xf32>
              %swap3A_847 = vector.shape_cast %while3A_743 : vector<16xf32> to vector<16xf32>
              tpu.vector_store %arg17[%swap3A_844], %swap3A_847 {strides = array<i32>} : memref<128xf32, #tpu.memory_space<vmem>>, vector<16xf32>,
              %swap3A_848 = arith.constant 96 : index
              %swap3A_849 = tpu.vector_load %arg17[%swap3A_848] {strides = array<i32>} : memref<128xf32, #tpu.memory_space<vmem>>, vector<16xf32>,
              %swap3A_850 = vector.shape_cast %swap3A_849 : vector<16xf32> to vector<16xf32>
              %swap3A_851 = vector.shape_cast %while3A_744 : vector<16xf32> to vector<16xf32>
              tpu.vector_store %arg17[%swap3A_848], %swap3A_851 {strides = array<i32>} : memref<128xf32, #tpu.memory_space<vmem>>, vector<16xf32>,
              %swap3A_852 = arith.constant 112 : index
              %swap3A_853 = tpu.vector_load %arg17[%swap3A_852] {strides = array<i32>} : memref<128xf32, #tpu.memory_space<vmem>>, vector<16xf32>,
              %swap3A_854 = vector.shape_cast %swap3A_853 : vector<16xf32> to vector<16xf32>
              %swap3A_855 = vector.shape_cast %while3A_745 : vector<16xf32> to vector<16xf32>
              tpu.vector_store %arg17[%swap3A_852], %swap3A_855 {strides = array<i32>} : memref<128xf32, #tpu.memory_space<vmem>>, vector<16xf32>,
              %run_scoped3A = arith.constant 0 : i32
              "tpu.region"() ({
                %run_scoped3A_856 = tpu.sem_alloc : memref<!tpu.dma_semaphore, #tpu.memory_space<semaphore_mem>>
                %dma_start3A_857 = arith.constant 0 : i32
                %dma_start3A_858 = tpu.memref_slice %arg7[%while3A_736, %run_scoped3A, %dma_start3A_857] : memref<1024x1x128xf32, #tpu.memory_space<hbm>> -> memref<1x1x128xf32, #tpu.memory_space<hbm>>
                %dma_start3A_859 = tpu.memref_squeeze %dma_start3A_858 : memref<1x1x128xf32, #tpu.memory_space<hbm>> -> memref<128xf32, #tpu.memory_space<hbm>>
                %dma_start3A_860 = arith.constant 0 : i32
                %dma_start3A_861 = tpu.memref_slice %arg7[%while3A_736, %run_scoped3A, %dma_start3A_860] : memref<1024x1x128xf32, #tpu.memory_space<hbm>> -> memref<1x1x128xf32, #tpu.memory_space<hbm>>
                %dma_start3A_862 = tpu.memref_squeeze %dma_start3A_861 : memref<1x1x128xf32, #tpu.memory_space<hbm>> -> memref<128xf32, #tpu.memory_space<hbm>>
                tpu.enqueue_dma source(%arg17 : memref<128xf32, #tpu.memory_space<vmem>>) target(%dma_start3A_862 : memref<128xf32, #tpu.memory_space<hbm>>) target_semaphore(%run_scoped3A_856 : memref<!tpu.dma_semaphore, #tpu.memory_space<semaphore_mem>>)
                %dma_wait3A_863 = arith.constant 0 : i32
                %dma_wait3A_864 = tpu.memref_slice %arg7[%while3A_736, %run_scoped3A, %dma_wait3A_863] : memref<1024x1x128xf32, #tpu.memory_space<hbm>> -> memref<1x1x128xf32, #tpu.memory_space<hbm>>
                %dma_wait3A_865 = tpu.memref_squeeze %dma_wait3A_864 : memref<1x1x128xf32, #tpu.memory_space<hbm>> -> memref<128xf32, #tpu.memory_space<hbm>>
                %dma_wait3A_866 = arith.constant 0 : i32
                %dma_wait3A_867 = tpu.memref_slice %arg7[%while3A_736, %run_scoped3A, %dma_wait3A_866] : memref<1024x1x128xf32, #tpu.memory_space<hbm>> -> memref<1x1x128xf32, #tpu.memory_space<hbm>>
                %dma_wait3A_868 = tpu.memref_squeeze %dma_wait3A_867 : memref<1x1x128xf32, #tpu.memory_space<hbm>> -> memref<128xf32, #tpu.memory_space<hbm>>
                tpu.wait_dma2 semaphore(%run_scoped3A_856 : memref<!tpu.dma_semaphore, #tpu.memory_space<semaphore_mem>>) src(%arg17 : memref<128xf32, #tpu.memory_space<vmem>>) dst(%dma_wait3A_868 : memref<128xf32, #tpu.memory_space<hbm>>)
                tpu.yield
              }) : () -> ()
            } else {
            }
          } else {
          }
          %add3A_758 = arith.addi %mul3A_632, %while3A_735 : i32
          %get3A_759 = arith.index_cast %add3A_758 : i32 to index
          %get3A_760 = arith.constant 0 : index
          %get3A_761 = tpu.vector_load %arg13[%get3A_759, %get3A_760] {strides = array<i32>} : memref<128x128xf32, #tpu.memory_space<vmem>>, vector<1x16xf32>,
          %get3A_762 = vector.shape_cast %get3A_761 : vector<1x16xf32> to vector<16xf32>
          %max3A = arith.maximumf %while3A_738, %get3A_762 : vector<16xf32>
          %select_n3A_763 = arith.select %ne3A_754, %get3A_762, %max3A : vector<16xf32>
          %add3A_764 = arith.addi %mul3A_632, %while3A_735 : i32
          %get3A_765 = arith.index_cast %add3A_764 : i32 to index
          %get3A_766 = arith.constant 16 : index
          %get3A_767 = tpu.vector_load %arg13[%get3A_765, %get3A_766] {strides = array<i32>} : memref<128x128xf32, #tpu.memory_space<vmem>>, vector<1x16xf32>,
          %get3A_768 = vector.shape_cast %get3A_767 : vector<1x16xf32> to vector<16xf32>
          %max3A_769 = arith.maximumf %while3A_739, %get3A_768 : vector<16xf32>
          %select_n3A_770 = arith.select %ne3A_754, %get3A_768, %max3A_769 : vector<16xf32>
          %add3A_771 = arith.addi %mul3A_632, %while3A_735 : i32
          %get3A_772 = arith.index_cast %add3A_771 : i32 to index
          %get3A_773 = arith.constant 32 : index
          %get3A_774 = tpu.vector_load %arg13[%get3A_772, %get3A_773] {strides = array<i32>} : memref<128x128xf32, #tpu.memory_space<vmem>>, vector<1x16xf32>,
          %get3A_775 = vector.shape_cast %get3A_774 : vector<1x16xf32> to vector<16xf32>
          %max3A_776 = arith.maximumf %while3A_740, %get3A_775 : vector<16xf32>
          %select_n3A_777 = arith.select %ne3A_754, %get3A_775, %max3A_776 : vector<16xf32>
          %add3A_778 = arith.addi %mul3A_632, %while3A_735 : i32
          %get3A_779 = arith.index_cast %add3A_778 : i32 to index
          %get3A_780 = arith.constant 48 : index
          %get3A_781 = tpu.vector_load %arg13[%get3A_779, %get3A_780] {strides = array<i32>} : memref<128x128xf32, #tpu.memory_space<vmem>>, vector<1x16xf32>,
          %get3A_782 = vector.shape_cast %get3A_781 : vector<1x16xf32> to vector<16xf32>
          %max3A_783 = arith.maximumf %while3A_741, %get3A_782 : vector<16xf32>
          %select_n3A_784 = arith.select %ne3A_754, %get3A_782, %max3A_783 : vector<16xf32>
          %add3A_785 = arith.addi %mul3A_632, %while3A_735 : i32
          %get3A_786 = arith.index_cast %add3A_785 : i32 to index
          %get3A_787 = arith.constant 64 : index
          %get3A_788 = tpu.vector_load %arg13[%get3A_786, %get3A_787] {strides = array<i32>} : memref<128x128xf32, #tpu.memory_space<vmem>>, vector<1x16xf32>,
          %get3A_789 = vector.shape_cast %get3A_788 : vector<1x16xf32> to vector<16xf32>
          %max3A_790 = arith.maximumf %while3A_742, %get3A_789 : vector<16xf32>
          %select_n3A_791 = arith.select %ne3A_754, %get3A_789, %max3A_790 : vector<16xf32>
          %add3A_792 = arith.addi %mul3A_632, %while3A_735 : i32
          %get3A_793 = arith.index_cast %add3A_792 : i32 to index
          %get3A_794 = arith.constant 80 : index
          %get3A_795 = tpu.vector_load %arg13[%get3A_793, %get3A_794] {strides = array<i32>} : memref<128x128xf32, #tpu.memory_space<vmem>>, vector<1x16xf32>,
          %get3A_796 = vector.shape_cast %get3A_795 : vector<1x16xf32> to vector<16xf32>
          %max3A_797 = arith.maximumf %while3A_743, %get3A_796 : vector<16xf32>
          %select_n3A_798 = arith.select %ne3A_754, %get3A_796, %max3A_797 : vector<16xf32>
          %add3A_799 = arith.addi %mul3A_632, %while3A_735 : i32
          %get3A_800 = arith.index_cast %add3A_799 : i32 to index
          %get3A_801 = arith.constant 96 : index
          %get3A_802 = tpu.vector_load %arg13[%get3A_800, %get3A_801] {strides = array<i32>} : memref<128x128xf32, #tpu.memory_space<vmem>>, vector<1x16xf32>,
          %get3A_803 = vector.shape_cast %get3A_802 : vector<1x16xf32> to vector<16xf32>
          %max3A_804 = arith.maximumf %while3A_744, %get3A_803 : vector<16xf32>
          %select_n3A_805 = arith.select %ne3A_754, %get3A_803, %max3A_804 : vector<16xf32>
          %add3A_806 = arith.addi %mul3A_632, %while3A_735 : i32
          %get3A_807 = arith.index_cast %add3A_806 : i32 to index
          %get3A_808 = arith.constant 112 : index
          %get3A_809 = tpu.vector_load %arg13[%get3A_807, %get3A_808] {strides = array<i32>} : memref<128x128xf32, #tpu.memory_space<vmem>>, vector<1x16xf32>,
          %get3A_810 = vector.shape_cast %get3A_809 : vector<1x16xf32> to vector<16xf32>
          %max3A_811 = arith.maximumf %while3A_745, %get3A_810 : vector<16xf32>
          %select_n3A_812 = arith.select %ne3A_754, %get3A_810, %max3A_811 : vector<16xf32>
          %convert_element_type3A_813 = arith.extui %ne3A_754 : i1 to i32
          %add3A_814 = arith.addi %while3A_737, %convert_element_type3A_813 : i32
          scf.yield %squeeze3A_753, %add3A_814, %select_n3A_763, %select_n3A_770, %select_n3A_777, %select_n3A_784, %select_n3A_791, %select_n3A_798, %select_n3A_805, %select_n3A_812 : i32, i32, vector<16xf32>, vector<16xf32>, vector<16xf32>, vector<16xf32>, vector<16xf32>, vector<16xf32>, vector<16xf32>, vector<16xf32>
        }
        scf.yield %while3A_734#0, %while3A_734#1, %while3A_734#2, %while3A_734#3, %while3A_734#4, %while3A_734#5, %while3A_734#6, %while3A_734#7, %while3A_734#8, %while3A_734#9 : i32, i32, vector<16xf32>, vector<16xf32>, vector<16xf32>, vector<16xf32>, vector<16xf32>, vector<16xf32>, vector<16xf32>, vector<16xf32>
      }
      %scan3A_527 = arith.constant 8 : i32
      %dma_wait3A_528 = arith.constant 0 : i32
      %dma_wait3A_529 = arith.constant 0 : i32
      %dma_wait3A_530 = tpu.memref_slice %arg2[%dma_wait3A_528, %dma_wait3A_529] : memref<100000x128xf32, #tpu.memory_space<hbm>> -> memref<128x128xf32, #tpu.memory_space<hbm>>
      %dma_wait3A_531 = arith.constant 0 : i32
      %dma_wait3A_532 = arith.constant 0 : i32
      %dma_wait3A_533 = tpu.memref_slice %arg2[%dma_wait3A_531, %dma_wait3A_532] : memref<100000x128xf32, #tpu.memory_space<hbm>> -> memref<128x128xf32, #tpu.memory_space<hbm>>
      tpu.wait_dma2 semaphore(%arg24 : memref<!tpu.dma_semaphore, #tpu.memory_space<semaphore_mem>>) src(%dma_wait3A_533 : memref<128x128xf32, #tpu.memory_space<hbm>>) dst(%arg10 : memref<128x128xf32, #tpu.memory_space<vmem>>)
      %dma_wait3A_534 = arith.constant 0 : i32
      %dma_wait3A_535 = tpu.memref_slice %arg3[%dma_wait3A_534] : memref<100048xi32, #tpu.memory_space<hbm>> -> memref<160xi32, #tpu.memory_space<hbm>>
      %dma_wait3A_536 = arith.constant 0 : i32
      %dma_wait3A_537 = tpu.memref_slice %arg3[%dma_wait3A_536] : memref<100048xi32, #tpu.memory_space<hbm>> -> memref<160xi32, #tpu.memory_space<hbm>>
      tpu.wait_dma2 semaphore(%arg25 : memref<!tpu.dma_semaphore, #tpu.memory_space<semaphore_mem>>) src(%dma_wait3A_537 : memref<160xi32, #tpu.memory_space<hbm>>) dst(%arg11 : memref<160xi32, #tpu.memory_space<vmem>>)
      %get3A_538 = arith.constant 16 : index
      %get3A_539 = tpu.vector_load %arg11[%get3A_538] {strides = array<i32>} : memref<160xi32, #tpu.memory_space<vmem>>, vector<16xi32>,
      %get3A_540 = vector.shape_cast %get3A_539 : vector<16xi32> to vector<16xi32>
      %swap3A_541 = arith.constant 0 : index
      %swap3A_542 = tpu.vector_load %arg12[%swap3A_541] {strides = array<i32>} : memref<128xi32, #tpu.memory_space<vmem>>, vector<16xi32>,
      %swap3A_543 = vector.shape_cast %swap3A_542 : vector<16xi32> to vector<16xi32>
      %swap3A_544 = vector.shape_cast %get3A_540 : vector<16xi32> to vector<16xi32>
      tpu.vector_store %arg12[%swap3A_541], %swap3A_544 {strides = array<i32>} : memref<128xi32, #tpu.memory_space<vmem>>, vector<16xi32>,
      %get3A_545 = arith.constant 32 : index
      %get3A_546 = tpu.vector_load %arg11[%get3A_545] {strides = array<i32>} : memref<160xi32, #tpu.memory_space<vmem>>, vector<16xi32>,
      %get3A_547 = vector.shape_cast %get3A_546 : vector<16xi32> to vector<16xi32>
      %swap3A_548 = arith.constant 16 : index
      %swap3A_549 = tpu.vector_load %arg12[%swap3A_548] {strides = array<i32>} : memref<128xi32, #tpu.memory_space<vmem>>, vector<16xi32>,
      %swap3A_550 = vector.shape_cast %swap3A_549 : vector<16xi32> to vector<16xi32>
      %swap3A_551 = vector.shape_cast %get3A_547 : vector<16xi32> to vector<16xi32>
      tpu.vector_store %arg12[%swap3A_548], %swap3A_551 {strides = array<i32>} : memref<128xi32, #tpu.memory_space<vmem>>, vector<16xi32>,
      %get3A_552 = arith.constant 48 : index
      %get3A_553 = tpu.vector_load %arg11[%get3A_552] {strides = array<i32>} : memref<160xi32, #tpu.memory_space<vmem>>, vector<16xi32>,
      %get3A_554 = vector.shape_cast %get3A_553 : vector<16xi32> to vector<16xi32>
      %swap3A_555 = arith.constant 32 : index
      %swap3A_556 = tpu.vector_load %arg12[%swap3A_555] {strides = array<i32>} : memref<128xi32, #tpu.memory_space<vmem>>, vector<16xi32>,
      %swap3A_557 = vector.shape_cast %swap3A_556 : vector<16xi32> to vector<16xi32>
      %swap3A_558 = vector.shape_cast %get3A_554 : vector<16xi32> to vector<16xi32>
      tpu.vector_store %arg12[%swap3A_555], %swap3A_558 {strides = array<i32>} : memref<128xi32, #tpu.memory_space<vmem>>, vector<16xi32>,
      %get3A_559 = arith.constant 64 : index
      %get3A_560 = tpu.vector_load %arg11[%get3A_559] {strides = array<i32>} : memref<160xi32, #tpu.memory_space<vmem>>, vector<16xi32>,
      %get3A_561 = vector.shape_cast %get3A_560 : vector<16xi32> to vector<16xi32>
      %swap3A_562 = arith.constant 48 : index
      %swap3A_563 = tpu.vector_load %arg12[%swap3A_562] {strides = array<i32>} : memref<128xi32, #tpu.memory_space<vmem>>, vector<16xi32>,
      %swap3A_564 = vector.shape_cast %swap3A_563 : vector<16xi32> to vector<16xi32>
      %swap3A_565 = vector.shape_cast %get3A_561 : vector<16xi32> to vector<16xi32>
      tpu.vector_store %arg12[%swap3A_562], %swap3A_565 {strides = array<i32>} : memref<128xi32, #tpu.memory_space<vmem>>, vector<16xi32>,
      %get3A_566 = arith.constant 80 : index
      %get3A_567 = tpu.vector_load %arg11[%get3A_566] {strides = array<i32>} : memref<160xi32, #tpu.memory_space<vmem>>, vector<16xi32>,
      %get3A_568 = vector.shape_cast %get3A_567 : vector<16xi32> to vector<16xi32>
      %swap3A_569 = arith.constant 64 : index
      %swap3A_570 = tpu.vector_load %arg12[%swap3A_569] {strides = array<i32>} : memref<128xi32, #tpu.memory_space<vmem>>, vector<16xi32>,
      %swap3A_571 = vector.shape_cast %swap3A_570 : vector<16xi32> to vector<16xi32>
      %swap3A_572 = vector.shape_cast %get3A_568 : vector<16xi32> to vector<16xi32>
      tpu.vector_store %arg12[%swap3A_569], %swap3A_572 {strides = array<i32>} : memref<128xi32, #tpu.memory_space<vmem>>, vector<16xi32>,
      %get3A_573 = arith.constant 96 : index
      %get3A_574 = tpu.vector_load %arg11[%get3A_573] {strides = array<i32>} : memref<160xi32, #tpu.memory_space<vmem>>, vector<16xi32>,
      %get3A_575 = vector.shape_cast %get3A_574 : vector<16xi32> to vector<16xi32>
      %swap3A_576 = arith.constant 80 : index
      %swap3A_577 = tpu.vector_load %arg12[%swap3A_576] {strides = array<i32>} : memref<128xi32, #tpu.memory_space<vmem>>, vector<16xi32>,
      %swap3A_578 = vector.shape_cast %swap3A_577 : vector<16xi32> to vector<16xi32>
      %swap3A_579 = vector.shape_cast %get3A_575 : vector<16xi32> to vector<16xi32>
      tpu.vector_store %arg12[%swap3A_576], %swap3A_579 {strides = array<i32>} : memref<128xi32, #tpu.memory_space<vmem>>, vector<16xi32>,
      %get3A_580 = arith.constant 112 : index
      %get3A_581 = tpu.vector_load %arg11[%get3A_580] {strides = array<i32>} : memref<160xi32, #tpu.memory_space<vmem>>, vector<16xi32>,
      %get3A_582 = vector.shape_cast %get3A_581 : vector<16xi32> to vector<16xi32>
      %swap3A_583 = arith.constant 96 : index
      %swap3A_584 = tpu.vector_load %arg12[%swap3A_583] {strides = array<i32>} : memref<128xi32, #tpu.memory_space<vmem>>, vector<16xi32>,
      %swap3A_585 = vector.shape_cast %swap3A_584 : vector<16xi32> to vector<16xi32>
      %swap3A_586 = vector.shape_cast %get3A_582 : vector<16xi32> to vector<16xi32>
      tpu.vector_store %arg12[%swap3A_583], %swap3A_586 {strides = array<i32>} : memref<128xi32, #tpu.memory_space<vmem>>, vector<16xi32>,
      %get3A_587 = arith.constant 128 : index
      %get3A_588 = tpu.vector_load %arg11[%get3A_587] {strides = array<i32>} : memref<160xi32, #tpu.memory_space<vmem>>, vector<16xi32>,
      %get3A_589 = vector.shape_cast %get3A_588 : vector<16xi32> to vector<16xi32>
      %swap3A_590 = arith.constant 112 : index
      %swap3A_591 = tpu.vector_load %arg12[%swap3A_590] {strides = array<i32>} : memref<128xi32, #tpu.memory_space<vmem>>, vector<16xi32>,
      %swap3A_592 = vector.shape_cast %swap3A_591 : vector<16xi32> to vector<16xi32>
      %swap3A_593 = vector.shape_cast %get3A_589 : vector<16xi32> to vector<16xi32>
      tpu.vector_store %arg12[%swap3A_590], %swap3A_593 {strides = array<i32>} : memref<128xi32, #tpu.memory_space<vmem>>, vector<16xi32>,
      %dma_start3A_594 = arith.constant 0 : i32
      %dma_start3A_595 = arith.constant 0 : i32
      %dma_start3A_596 = tpu.memref_slice %arg22[%dma_start3A_594, %dma_start3A_595] : memref<1032x128xf32, #tpu.memory_space<vmem_shared>> -> memref<1032x128xf32, #tpu.memory_space<vmem_shared>>
      tpu.enqueue_indirect_dma source(%arg10 : memref<128x128xf32, #tpu.memory_space<vmem>>) target(%dma_start3A_596 : memref<1032x128xf32, #tpu.memory_space<vmem_shared>>) offsets(%arg12 : memref<128xi32, #tpu.memory_space<vmem>>) semaphore(%arg26 : memref<!tpu.dma_semaphore, #tpu.memory_space<semaphore_mem>>) {add = true}
      %dma_start3A_597 = arith.constant 0 : i32
      %dma_start3A_598 = arith.constant 0 : i32
      %dma_start3A_599 = tpu.memref_slice %arg23[%dma_start3A_597, %dma_start3A_598] : memref<1032x128xf32, #tpu.memory_space<vmem_shared>> -> memref<1032x128xf32, #tpu.memory_space<vmem_shared>>
      tpu.enqueue_indirect_dma source(%arg16 : memref<128x128xf32, #tpu.memory_space<vmem>>) target(%dma_start3A_599 : memref<1032x128xf32, #tpu.memory_space<vmem_shared>>) offsets(%arg12 : memref<128xi32, #tpu.memory_space<vmem>>) semaphore(%arg27 : memref<!tpu.dma_semaphore, #tpu.memory_space<semaphore_mem>>) {add = true}
      %dma_wait3A_600 = arith.constant 0 : i32
      %dma_wait3A_601 = arith.constant 0 : i32
      %dma_wait3A_602 = tpu.memref_slice %arg22[%dma_wait3A_600, %dma_wait3A_601] : memref<1032x128xf32, #tpu.memory_space<vmem_shared>> -> memref<1032x128xf32, #tpu.memory_space<vmem_shared>>
      tpu.wait_indirect_dma semaphore(%arg30 : memref<!tpu.dma_semaphore, #tpu.memory_space<semaphore_mem>>) src(%arg13 : memref<128x128xf32, #tpu.memory_space<vmem>>) dst(%dma_wait3A_602 : memref<1032x128xf32, #tpu.memory_space<vmem_shared>>)
      %dma_wait3A_603 = arith.constant 0 : i32
      %dma_wait3A_604 = arith.constant 0 : i32
      %dma_wait3A_605 = tpu.memref_slice %arg23[%dma_wait3A_603, %dma_wait3A_604] : memref<1032x128xf32, #tpu.memory_space<vmem_shared>> -> memref<1032x128xf32, #tpu.memory_space<vmem_shared>>
      tpu.wait_indirect_dma semaphore(%arg31 : memref<!tpu.dma_semaphore, #tpu.memory_space<semaphore_mem>>) src(%arg16 : memref<128x128xf32, #tpu.memory_space<vmem>>) dst(%dma_wait3A_605 : memref<1032x128xf32, #tpu.memory_space<vmem_shared>>)
      %add3A_606 = arith.constant 256 : i32
      %add3A_607 = arith.addi %add3A_435, %add3A_606 : i32
      %dma_start3A_608 = arith.constant 0 : i32
      %dma_start3A_609 = tpu.memref_slice %arg2[%add3A_607, %dma_start3A_608] : memref<100000x128xf32, #tpu.memory_space<hbm>> -> memref<128x128xf32, #tpu.memory_space<hbm>>
      %dma_start3A_610 = arith.constant 0 : i32
      %dma_start3A_611 = tpu.memref_slice %arg2[%add3A_607, %dma_start3A_610] : memref<100000x128xf32, #tpu.memory_space<hbm>> -> memref<128x128xf32, #tpu.memory_space<hbm>>
      tpu.enqueue_dma source(%dma_start3A_611 : memref<128x128xf32, #tpu.memory_space<hbm>>) target(%arg13 : memref<128x128xf32, #tpu.memory_space<vmem>>) target_semaphore(%arg28 : memref<!tpu.dma_semaphore, #tpu.memory_space<semaphore_mem>>)
      %dma_start3A_612 = tpu.memref_slice %arg3[%add3A_607] : memref<100048xi32, #tpu.memory_space<hbm>> -> memref<160xi32, #tpu.memory_space<hbm>>
      %dma_start3A_613 = tpu.memref_slice %arg3[%add3A_607] : memref<100048xi32, #tpu.memory_space<hbm>> -> memref<160xi32, #tpu.memory_space<hbm>>
      tpu.enqueue_dma source(%dma_start3A_613 : memref<160xi32, #tpu.memory_space<hbm>>) target(%arg14 : memref<160xi32, #tpu.memory_space<vmem>>) target_semaphore(%arg29 : memref<!tpu.dma_semaphore, #tpu.memory_space<semaphore_mem>>)
      %scan3A_614 = arith.constant 0 : i32
      %scan3A_615 = arith.constant 8 : i32
      %scan3A_616 = arith.addi %scan3A_614, %scan3A_615 : i32
      %scan3A_617 = arith.constant 1 : i32
      %scan3A_618:10 = scf.for %scan3A_620 = %scan3A_614 to %scan3A_616 step %scan3A_617 iter_args(%scan3A_621 = %scan3A_526#0, %scan3A_622 = %scan3A_526#1, %scan3A_623 = %scan3A_526#2, %scan3A_624 = %scan3A_526#3, %scan3A_625 = %scan3A_526#4, %scan3A_626 = %scan3A_526#5, %scan3A_627 = %scan3A_526#6, %scan3A_628 = %scan3A_526#7, %scan3A_629 = %scan3A_526#8, %scan3A_630 = %scan3A_526#9) -> (i32, i32, vector<16xf32>, vector<16xf32>, vector<16xf32>, vector<16xf32>, vector<16xf32>, vector<16xf32>, vector<16xf32>, vector<16xf32>)  : i32 {
        %mul3A_631 = arith.constant 16 : i32
        %mul3A_632 = arith.muli %scan3A_620, %mul3A_631 : i32
        %add3A_633 = arith.constant 16 : i32
        %add3A_634 = arith.addi %add3A_633, %mul3A_632 : i32
        %get3A_635 = arith.index_cast %add3A_634 : i32 to index
        %get3A_636 = tpu.vector_load %arg11[%get3A_635] {strides = array<i32>} : memref<160xi32, #tpu.memory_space<vmem>>, vector<16xi32>,
        %get3A_637 = vector.shape_cast %get3A_636 : vector<16xi32> to vector<16xi32>
        %add3A_638 = arith.constant 15 : i32
        %add3A_639 = arith.addi %add3A_638, %mul3A_632 : i32
        %get3A_640 = arith.index_cast %add3A_639 : i32 to index
        %get3A_641 = tpu.vector_load %arg11[%get3A_640] {strides = array<i32>} : memref<160xi32, #tpu.memory_space<vmem>>, vector<16xi32>,
        %get3A_642 = vector.shape_cast %get3A_641 : vector<16xi32> to vector<16xi32>
        %ne3A = arith.cmpi ne, %get3A_637, %get3A_642 : vector<16xi32>
        %jit3A_643 = arith.constant 16 : i32
        %broadcast_in_dim3A_644 = vector.broadcast %jit3A_643 : i32 to vector<16xi32>
        %select_n3A_645 = arith.select %ne3A, %iota3A_28, %broadcast_in_dim3A_644 : vector<16xi1>, vector<16xi32>
        %add3A_646 = arith.constant 8 : i32
        %add3A_647 = vector.broadcast %add3A_646 : i32 to vector<16xi32>
        %add3A_648 = arith.addi %iota3A_28, %add3A_647 : vector<16xi32>
        %and3A = arith.constant 15 : i32
        %and3A_649 = vector.broadcast %and3A : i32 to vector<16xi32>
        %and3A_650 = arith.andi %add3A_648, %and3A_649 : vector<16xi32>
        %lt3A_651 = arith.constant 0 : i32
        %lt3A_652 = vector.broadcast %lt3A_651 : i32 to vector<16xi32>
        %lt3A_653 = arith.cmpi slt, %and3A_650, %lt3A_652 : vector<16xi32>
        %add3A_654 = arith.constant 16 : i32
        %add3A_655 = vector.broadcast %add3A_654 : i32 to vector<16xi32>
        %add3A_656 = arith.addi %and3A_650, %add3A_655 : vector<16xi32>
        %select_n3A_657 = arith.select %lt3A_653, %add3A_656, %and3A_650 : vector<16xi1>, vector<16xi32>
        %broadcast_in_dim3A_658 = vector.shape_cast %select_n3A_657 : vector<16xi32> to vector<16x1xi32>
        %gather3A = vector.shape_cast %broadcast_in_dim3A_658 : vector<16x1xi32> to vector<16xi32>
        %gather3A_659 = tpu.dynamic_gather %select_n3A_645[%gather3A] in [0] : vector<16xi32>, vector<16xi32> -> vector<16xi32>
        %min3A = arith.minsi %select_n3A_645, %gather3A_659 : vector<16xi32>
        %add3A_660 = arith.constant 4 : i32
        %add3A_661 = vector.broadcast %add3A_660 : i32 to vector<16xi32>
        %add3A_662 = arith.addi %iota3A_28, %add3A_661 : vector<16xi32>
        %and3A_663 = arith.constant 15 : i32
        %and3A_664 = vector.broadcast %and3A_663 : i32 to vector<16xi32>
        %and3A_665 = arith.andi %add3A_662, %and3A_664 : vector<16xi32>
        %lt3A_666 = arith.constant 0 : i32
        %lt3A_667 = vector.broadcast %lt3A_666 : i32 to vector<16xi32>
        %lt3A_668 = arith.cmpi slt, %and3A_665, %lt3A_667 : vector<16xi32>
        %add3A_669 = arith.constant 16 : i32
        %add3A_670 = vector.broadcast %add3A_669 : i32 to vector<16xi32>
        %add3A_671 = arith.addi %and3A_665, %add3A_670 : vector<16xi32>
        %select_n3A_672 = arith.select %lt3A_668, %add3A_671, %and3A_665 : vector<16xi1>, vector<16xi32>
        %broadcast_in_dim3A_673 = vector.shape_cast %select_n3A_672 : vector<16xi32> to vector<16x1xi32>
        %gather3A_674 = vector.shape_cast %broadcast_in_dim3A_673 : vector<16x1xi32> to vector<16xi32>
        %gather3A_675 = tpu.dynamic_gather %min3A[%gather3A_674] in [0] : vector<16xi32>, vector<16xi32> -> vector<16xi32>
        %min3A_676 = arith.minsi %min3A, %gather3A_675 : vector<16xi32>
        %add3A_677 = arith.constant 2 : i32
        %add3A_678 = vector.broadcast %add3A_677 : i32 to vector<16xi32>
        %add3A_679 = arith.addi %iota3A_28, %add3A_678 : vector<16xi32>
        %and3A_680 = arith.constant 15 : i32
        %and3A_681 = vector.broadcast %and3A_680 : i32 to vector<16xi32>
        %and3A_682 = arith.andi %add3A_679, %and3A_681 : vector<16xi32>
        %lt3A_683 = arith.constant 0 : i32
        %lt3A_684 = vector.broadcast %lt3A_683 : i32 to vector<16xi32>
        %lt3A_685 = arith.cmpi slt, %and3A_682, %lt3A_684 : vector<16xi32>
        %add3A_686 = arith.constant 16 : i32
        %add3A_687 = vector.broadcast %add3A_686 : i32 to vector<16xi32>
        %add3A_688 = arith.addi %and3A_682, %add3A_687 : vector<16xi32>
        %select_n3A_689 = arith.select %lt3A_685, %add3A_688, %and3A_682 : vector<16xi1>, vector<16xi32>
        %broadcast_in_dim3A_690 = vector.shape_cast %select_n3A_689 : vector<16xi32> to vector<16x1xi32>
        %gather3A_691 = vector.shape_cast %broadcast_in_dim3A_690 : vector<16x1xi32> to vector<16xi32>
        %gather3A_692 = tpu.dynamic_gather %min3A_676[%gather3A_691] in [0] : vector<16xi32>, vector<16xi32> -> vector<16xi32>
        %min3A_693 = arith.minsi %min3A_676, %gather3A_692 : vector<16xi32>
        %add3A_694 = arith.constant 1 : i32
        %add3A_695 = vector.broadcast %add3A_694 : i32 to vector<16xi32>
        %add3A_696 = arith.addi %iota3A_28, %add3A_695 : vector<16xi32>
        %and3A_697 = arith.constant 15 : i32
        %and3A_698 = vector.broadcast %and3A_697 : i32 to vector<16xi32>
        %and3A_699 = arith.andi %add3A_696, %and3A_698 : vector<16xi32>
        %lt3A_700 = arith.constant 0 : i32
        %lt3A_701 = vector.broadcast %lt3A_700 : i32 to vector<16xi32>
        %lt3A_702 = arith.cmpi slt, %and3A_699, %lt3A_701 : vector<16xi32>
        %add3A_703 = arith.constant 16 : i32
        %add3A_704 = vector.broadcast %add3A_703 : i32 to vector<16xi32>
        %add3A_705 = arith.addi %and3A_699, %add3A_704 : vector<16xi32>
        %select_n3A_706 = arith.select %lt3A_702, %add3A_705, %and3A_699 : vector<16xi1>, vector<16xi32>
        %broadcast_in_dim3A_707 = vector.shape_cast %select_n3A_706 : vector<16xi32> to vector<16x1xi32>
        %gather3A_708 = vector.shape_cast %broadcast_in_dim3A_707 : vector<16x1xi32> to vector<16xi32>
        %gather3A_709 = tpu.dynamic_gather %min3A_693[%gather3A_708] in [0] : vector<16xi32>, vector<16xi32> -> vector<16xi32>
        %min3A_710 = arith.minsi %min3A_693, %gather3A_709 : vector<16xi32>
        %slice3A_711 = vector.extract_strided_slice %min3A_710 {offsets = [0], sizes = [1], strides = [1]} : vector<16xi32> to vector<1xi32>
        %squeeze3A_712 = vector.extract %slice3A_711[0] : i32 from vector<1xi32>
        %while3A_713 = arith.constant 0 : i32
        %while3A_714 = arith.subi %squeeze3A_712, %while3A_713 : i32
        %while3A_715 = arith.addi %while3A_713, %while3A_714 : i32
        %while3A_716 = arith.constant 1 : i32
        %while3A_717 = arith.divsi %while3A_714, %while3A_716 : i32
        %while3A_718 = arith.muli %while3A_717, %while3A_716 : i32
        %while3A_719 = arith.addi %while3A_713, %while3A_718 : i32
        %while3A_720 = arith.constant 1 : i32
        %while3A_721:8 = scf.for %while3A_735 = %while3A_713 to %while3A_719 step %while3A_720 iter_args(%while3A_736 = %scan3A_623, %while3A_737 = %scan3A_624, %while3A_738 = %scan3A_625, %while3A_739 = %scan3A_626, %while3A_740 = %scan3A_627, %while3A_741 = %scan3A_628, %while3A_742 = %scan3A_629, %while3A_743 = %scan3A_630) -> (vector<16xf32>, vector<16xf32>, vector<16xf32>, vector<16xf32>, vector<16xf32>, vector<16xf32>, vector<16xf32>, vector<16xf32>)  : i32 {
          %add3A_744 = arith.addi %mul3A_632, %while3A_735 : i32
          %get3A_745 = arith.index_cast %add3A_744 : i32 to index
          %get3A_746 = arith.constant 0 : index
          %get3A_747 = tpu.vector_load %arg10[%get3A_745, %get3A_746] {strides = array<i32>} : memref<128x128xf32, #tpu.memory_space<vmem>>, vector<1x16xf32>,
          %get3A_748 = vector.shape_cast %get3A_747 : vector<1x16xf32> to vector<16xf32>
          %max3A = arith.maximumf %while3A_736, %get3A_748 : vector<16xf32>
          %add3A_749 = arith.addi %mul3A_632, %while3A_735 : i32
          %get3A_750 = arith.index_cast %add3A_749 : i32 to index
          %get3A_751 = arith.constant 16 : index
          %get3A_752 = tpu.vector_load %arg10[%get3A_750, %get3A_751] {strides = array<i32>} : memref<128x128xf32, #tpu.memory_space<vmem>>, vector<1x16xf32>,
          %get3A_753 = vector.shape_cast %get3A_752 : vector<1x16xf32> to vector<16xf32>
          %max3A_754 = arith.maximumf %while3A_737, %get3A_753 : vector<16xf32>
          %add3A_755 = arith.addi %mul3A_632, %while3A_735 : i32
          %get3A_756 = arith.index_cast %add3A_755 : i32 to index
          %get3A_757 = arith.constant 32 : index
          %get3A_758 = tpu.vector_load %arg10[%get3A_756, %get3A_757] {strides = array<i32>} : memref<128x128xf32, #tpu.memory_space<vmem>>, vector<1x16xf32>,
          %get3A_759 = vector.shape_cast %get3A_758 : vector<1x16xf32> to vector<16xf32>
          %max3A_760 = arith.maximumf %while3A_738, %get3A_759 : vector<16xf32>
          %add3A_761 = arith.addi %mul3A_632, %while3A_735 : i32
          %get3A_762 = arith.index_cast %add3A_761 : i32 to index
          %get3A_763 = arith.constant 48 : index
          %get3A_764 = tpu.vector_load %arg10[%get3A_762, %get3A_763] {strides = array<i32>} : memref<128x128xf32, #tpu.memory_space<vmem>>, vector<1x16xf32>,
          %get3A_765 = vector.shape_cast %get3A_764 : vector<1x16xf32> to vector<16xf32>
          %max3A_766 = arith.maximumf %while3A_739, %get3A_765 : vector<16xf32>
          %add3A_767 = arith.addi %mul3A_632, %while3A_735 : i32
          %get3A_768 = arith.index_cast %add3A_767 : i32 to index
          %get3A_769 = arith.constant 64 : index
          %get3A_770 = tpu.vector_load %arg10[%get3A_768, %get3A_769] {strides = array<i32>} : memref<128x128xf32, #tpu.memory_space<vmem>>, vector<1x16xf32>,
          %get3A_771 = vector.shape_cast %get3A_770 : vector<1x16xf32> to vector<16xf32>
          %max3A_772 = arith.maximumf %while3A_740, %get3A_771 : vector<16xf32>
          %add3A_773 = arith.addi %mul3A_632, %while3A_735 : i32
          %get3A_774 = arith.index_cast %add3A_773 : i32 to index
          %get3A_775 = arith.constant 80 : index
          %get3A_776 = tpu.vector_load %arg10[%get3A_774, %get3A_775] {strides = array<i32>} : memref<128x128xf32, #tpu.memory_space<vmem>>, vector<1x16xf32>,
          %get3A_777 = vector.shape_cast %get3A_776 : vector<1x16xf32> to vector<16xf32>
          %max3A_778 = arith.maximumf %while3A_741, %get3A_777 : vector<16xf32>
          %add3A_779 = arith.addi %mul3A_632, %while3A_735 : i32
          %get3A_780 = arith.index_cast %add3A_779 : i32 to index
          %get3A_781 = arith.constant 96 : index
          %get3A_782 = tpu.vector_load %arg10[%get3A_780, %get3A_781] {strides = array<i32>} : memref<128x128xf32, #tpu.memory_space<vmem>>, vector<1x16xf32>,
          %get3A_783 = vector.shape_cast %get3A_782 : vector<1x16xf32> to vector<16xf32>
          %max3A_784 = arith.maximumf %while3A_742, %get3A_783 : vector<16xf32>
          %add3A_785 = arith.addi %mul3A_632, %while3A_735 : i32
          %get3A_786 = arith.index_cast %add3A_785 : i32 to index
          %get3A_787 = arith.constant 112 : index
          %get3A_788 = tpu.vector_load %arg10[%get3A_786, %get3A_787] {strides = array<i32>} : memref<128x128xf32, #tpu.memory_space<vmem>>, vector<1x16xf32>,
          %get3A_789 = vector.shape_cast %get3A_788 : vector<1x16xf32> to vector<16xf32>
          %max3A_790 = arith.maximumf %while3A_743, %get3A_789 : vector<16xf32>
          scf.yield %max3A, %max3A_754, %max3A_760, %max3A_766, %max3A_772, %max3A_778, %max3A_784, %max3A_790 : vector<16xf32>, vector<16xf32>, vector<16xf32>, vector<16xf32>, vector<16xf32>, vector<16xf32>, vector<16xf32>, vector<16xf32>
        }
        %while3A_722 = arith.constant 1 : i32
        %while3A_723:8 = scf.for %while3A_735 = %while3A_719 to %while3A_715 step %while3A_722 iter_args(%while3A_736 = %while3A_721#0, %while3A_737 = %while3A_721#1, %while3A_738 = %while3A_721#2, %while3A_739 = %while3A_721#3, %while3A_740 = %while3A_721#4, %while3A_741 = %while3A_721#5, %while3A_742 = %while3A_721#6, %while3A_743 = %while3A_721#7) -> (vector<16xf32>, vector<16xf32>, vector<16xf32>, vector<16xf32>, vector<16xf32>, vector<16xf32>, vector<16xf32>, vector<16xf32>)  : i32 {
          %add3A_744 = arith.addi %mul3A_632, %while3A_735 : i32
          %get3A_745 = arith.index_cast %add3A_744 : i32 to index
          %get3A_746 = arith.constant 0 : index
          %get3A_747 = tpu.vector_load %arg10[%get3A_745, %get3A_746] {strides = array<i32>} : memref<128x128xf32, #tpu.memory_space<vmem>>, vector<1x16xf32>,
          %get3A_748 = vector.shape_cast %get3A_747 : vector<1x16xf32> to vector<16xf32>
          %max3A = arith.maximumf %while3A_736, %get3A_748 : vector<16xf32>
          %add3A_749 = arith.addi %mul3A_632, %while3A_735 : i32
          %get3A_750 = arith.index_cast %add3A_749 : i32 to index
          %get3A_751 = arith.constant 16 : index
          %get3A_752 = tpu.vector_load %arg10[%get3A_750, %get3A_751] {strides = array<i32>} : memref<128x128xf32, #tpu.memory_space<vmem>>, vector<1x16xf32>,
          %get3A_753 = vector.shape_cast %get3A_752 : vector<1x16xf32> to vector<16xf32>
          %max3A_754 = arith.maximumf %while3A_737, %get3A_753 : vector<16xf32>
          %add3A_755 = arith.addi %mul3A_632, %while3A_735 : i32
          %get3A_756 = arith.index_cast %add3A_755 : i32 to index
          %get3A_757 = arith.constant 32 : index
          %get3A_758 = tpu.vector_load %arg10[%get3A_756, %get3A_757] {strides = array<i32>} : memref<128x128xf32, #tpu.memory_space<vmem>>, vector<1x16xf32>,
          %get3A_759 = vector.shape_cast %get3A_758 : vector<1x16xf32> to vector<16xf32>
          %max3A_760 = arith.maximumf %while3A_738, %get3A_759 : vector<16xf32>
          %add3A_761 = arith.addi %mul3A_632, %while3A_735 : i32
          %get3A_762 = arith.index_cast %add3A_761 : i32 to index
          %get3A_763 = arith.constant 48 : index
          %get3A_764 = tpu.vector_load %arg10[%get3A_762, %get3A_763] {strides = array<i32>} : memref<128x128xf32, #tpu.memory_space<vmem>>, vector<1x16xf32>,
          %get3A_765 = vector.shape_cast %get3A_764 : vector<1x16xf32> to vector<16xf32>
          %max3A_766 = arith.maximumf %while3A_739, %get3A_765 : vector<16xf32>
          %add3A_767 = arith.addi %mul3A_632, %while3A_735 : i32
          %get3A_768 = arith.index_cast %add3A_767 : i32 to index
          %get3A_769 = arith.constant 64 : index
          %get3A_770 = tpu.vector_load %arg10[%get3A_768, %get3A_769] {strides = array<i32>} : memref<128x128xf32, #tpu.memory_space<vmem>>, vector<1x16xf32>,
          %get3A_771 = vector.shape_cast %get3A_770 : vector<1x16xf32> to vector<16xf32>
          %max3A_772 = arith.maximumf %while3A_740, %get3A_771 : vector<16xf32>
          %add3A_773 = arith.addi %mul3A_632, %while3A_735 : i32
          %get3A_774 = arith.index_cast %add3A_773 : i32 to index
          %get3A_775 = arith.constant 80 : index
          %get3A_776 = tpu.vector_load %arg10[%get3A_774, %get3A_775] {strides = array<i32>} : memref<128x128xf32, #tpu.memory_space<vmem>>, vector<1x16xf32>,
          %get3A_777 = vector.shape_cast %get3A_776 : vector<1x16xf32> to vector<16xf32>
          %max3A_778 = arith.maximumf %while3A_741, %get3A_777 : vector<16xf32>
          %add3A_779 = arith.addi %mul3A_632, %while3A_735 : i32
          %get3A_780 = arith.index_cast %add3A_779 : i32 to index
          %get3A_781 = arith.constant 96 : index
          %get3A_782 = tpu.vector_load %arg10[%get3A_780, %get3A_781] {strides = array<i32>} : memref<128x128xf32, #tpu.memory_space<vmem>>, vector<1x16xf32>,
          %get3A_783 = vector.shape_cast %get3A_782 : vector<1x16xf32> to vector<16xf32>
          %max3A_784 = arith.maximumf %while3A_742, %get3A_783 : vector<16xf32>
          %add3A_785 = arith.addi %mul3A_632, %while3A_735 : i32
          %get3A_786 = arith.index_cast %add3A_785 : i32 to index
          %get3A_787 = arith.constant 112 : index
          %get3A_788 = tpu.vector_load %arg10[%get3A_786, %get3A_787] {strides = array<i32>} : memref<128x128xf32, #tpu.memory_space<vmem>>, vector<1x16xf32>,
          %get3A_789 = vector.shape_cast %get3A_788 : vector<1x16xf32> to vector<16xf32>
          %max3A_790 = arith.maximumf %while3A_743, %get3A_789 : vector<16xf32>
          scf.yield %max3A, %max3A_754, %max3A_760, %max3A_766, %max3A_772, %max3A_778, %max3A_784, %max3A_790 : vector<16xf32>, vector<16xf32>, vector<16xf32>, vector<16xf32>, vector<16xf32>, vector<16xf32>, vector<16xf32>, vector<16xf32>
        }
        %while3A_724 = arith.constant 16 : i32
        %while3A_725 = arith.subi %while3A_724, %squeeze3A_712 : i32
        %while3A_726 = arith.addi %squeeze3A_712, %while3A_725 : i32
        %while3A_727 = arith.constant 1 : i32
        %while3A_728 = arith.divsi %while3A_725, %while3A_727 : i32
        %while3A_729 = arith.muli %while3A_728, %while3A_727 : i32
        %while3A_730 = arith.addi %squeeze3A_712, %while3A_729 : i32
        %while3A_731 = arith.constant 1 : i32
        %while3A_732:10 = scf.for %while3A_735 = %squeeze3A_712 to %while3A_730 step %while3A_731 iter_args(%while3A_736 = %scan3A_621, %while3A_737 = %scan3A_622, %while3A_738 = %while3A_723#0, %while3A_739 = %while3A_723#1, %while3A_740 = %while3A_723#2, %while3A_741 = %while3A_723#3, %while3A_742 = %while3A_723#4, %while3A_743 = %while3A_723#5, %while3A_744 = %while3A_723#6, %while3A_745 = %while3A_723#7) -> (i32, i32, vector<16xf32>, vector<16xf32>, vector<16xf32>, vector<16xf32>, vector<16xf32>, vector<16xf32>, vector<16xf32>, vector<16xf32>)  : i32 {
          %add3A_746 = arith.constant 16 : i32
          %add3A_747 = arith.addi %add3A_746, %mul3A_632 : i32
          %add3A_748 = arith.addi %add3A_747, %while3A_735 : i32
          %get3A_749 = arith.index_cast %add3A_748 : i32 to index
          %get3A_750 = tpu.vector_load %arg11[%get3A_749] {strides = array<i32>} : memref<160xi32, #tpu.memory_space<vmem>>, vector<16xi32>,
          %get3A_751 = vector.shape_cast %get3A_750 : vector<16xi32> to vector<16xi32>
          %slice3A_752 = vector.extract_strided_slice %get3A_751 {offsets = [0], sizes = [1], strides = [1]} : vector<16xi32> to vector<1xi32>
          %squeeze3A_753 = vector.extract %slice3A_752[0] : i32 from vector<1xi32>
          %ne3A_754 = arith.cmpi ne, %squeeze3A_753, %while3A_736 : i32
          %convert_element_type3A_755 = arith.extui %ne3A_754 : i1 to i32
          %cond3A_756 = arith.constant 0 : i32
          %cond3A_757 = arith.cmpi ne, %convert_element_type3A_755, %cond3A_756 : i32
          scf.if %cond3A_757 {
            %eq3A_815 = arith.constant 0 : i32
            %eq3A_816 = arith.cmpi eq, %while3A_737, %eq3A_815 : i32
            %convert_element_type3A_817 = arith.extui %eq3A_816 : i1 to i32
            %cond3A_818 = arith.constant 0 : i32
            %cond3A_819 = arith.cmpi ne, %convert_element_type3A_817, %cond3A_818 : i32
            scf.if %cond3A_819 {
              %swap3A_824 = arith.constant 0 : index
              %swap3A_825 = tpu.vector_load %arg18[%swap3A_824] {strides = array<i32>} : memref<256xf32, #tpu.memory_space<vmem>>, vector<16xf32>,
              %swap3A_826 = vector.shape_cast %swap3A_825 : vector<16xf32> to vector<16xf32>
              %swap3A_827 = vector.shape_cast %while3A_738 : vector<16xf32> to vector<16xf32>
              tpu.vector_store %arg18[%swap3A_824], %swap3A_827 {strides = array<i32>} : memref<256xf32, #tpu.memory_space<vmem>>, vector<16xf32>,
              %swap3A_828 = arith.constant 16 : index
              %swap3A_829 = tpu.vector_load %arg18[%swap3A_828] {strides = array<i32>} : memref<256xf32, #tpu.memory_space<vmem>>, vector<16xf32>,
              %swap3A_830 = vector.shape_cast %swap3A_829 : vector<16xf32> to vector<16xf32>
              %swap3A_831 = vector.shape_cast %while3A_739 : vector<16xf32> to vector<16xf32>
              tpu.vector_store %arg18[%swap3A_828], %swap3A_831 {strides = array<i32>} : memref<256xf32, #tpu.memory_space<vmem>>, vector<16xf32>,
              %swap3A_832 = arith.constant 32 : index
              %swap3A_833 = tpu.vector_load %arg18[%swap3A_832] {strides = array<i32>} : memref<256xf32, #tpu.memory_space<vmem>>, vector<16xf32>,
              %swap3A_834 = vector.shape_cast %swap3A_833 : vector<16xf32> to vector<16xf32>
              %swap3A_835 = vector.shape_cast %while3A_740 : vector<16xf32> to vector<16xf32>
              tpu.vector_store %arg18[%swap3A_832], %swap3A_835 {strides = array<i32>} : memref<256xf32, #tpu.memory_space<vmem>>, vector<16xf32>,
              %swap3A_836 = arith.constant 48 : index
              %swap3A_837 = tpu.vector_load %arg18[%swap3A_836] {strides = array<i32>} : memref<256xf32, #tpu.memory_space<vmem>>, vector<16xf32>,
              %swap3A_838 = vector.shape_cast %swap3A_837 : vector<16xf32> to vector<16xf32>
              %swap3A_839 = vector.shape_cast %while3A_741 : vector<16xf32> to vector<16xf32>
              tpu.vector_store %arg18[%swap3A_836], %swap3A_839 {strides = array<i32>} : memref<256xf32, #tpu.memory_space<vmem>>, vector<16xf32>,
              %swap3A_840 = arith.constant 64 : index
              %swap3A_841 = tpu.vector_load %arg18[%swap3A_840] {strides = array<i32>} : memref<256xf32, #tpu.memory_space<vmem>>, vector<16xf32>,
              %swap3A_842 = vector.shape_cast %swap3A_841 : vector<16xf32> to vector<16xf32>
              %swap3A_843 = vector.shape_cast %while3A_742 : vector<16xf32> to vector<16xf32>
              tpu.vector_store %arg18[%swap3A_840], %swap3A_843 {strides = array<i32>} : memref<256xf32, #tpu.memory_space<vmem>>, vector<16xf32>,
              %swap3A_844 = arith.constant 80 : index
              %swap3A_845 = tpu.vector_load %arg18[%swap3A_844] {strides = array<i32>} : memref<256xf32, #tpu.memory_space<vmem>>, vector<16xf32>,
              %swap3A_846 = vector.shape_cast %swap3A_845 : vector<16xf32> to vector<16xf32>
              %swap3A_847 = vector.shape_cast %while3A_743 : vector<16xf32> to vector<16xf32>
              tpu.vector_store %arg18[%swap3A_844], %swap3A_847 {strides = array<i32>} : memref<256xf32, #tpu.memory_space<vmem>>, vector<16xf32>,
              %swap3A_848 = arith.constant 96 : index
              %swap3A_849 = tpu.vector_load %arg18[%swap3A_848] {strides = array<i32>} : memref<256xf32, #tpu.memory_space<vmem>>, vector<16xf32>,
              %swap3A_850 = vector.shape_cast %swap3A_849 : vector<16xf32> to vector<16xf32>
              %swap3A_851 = vector.shape_cast %while3A_744 : vector<16xf32> to vector<16xf32>
              tpu.vector_store %arg18[%swap3A_848], %swap3A_851 {strides = array<i32>} : memref<256xf32, #tpu.memory_space<vmem>>, vector<16xf32>,
              %swap3A_852 = arith.constant 112 : index
              %swap3A_853 = tpu.vector_load %arg18[%swap3A_852] {strides = array<i32>} : memref<256xf32, #tpu.memory_space<vmem>>, vector<16xf32>,
              %swap3A_854 = vector.shape_cast %swap3A_853 : vector<16xf32> to vector<16xf32>
              %swap3A_855 = vector.shape_cast %while3A_745 : vector<16xf32> to vector<16xf32>
              tpu.vector_store %arg18[%swap3A_852], %swap3A_855 {strides = array<i32>} : memref<256xf32, #tpu.memory_space<vmem>>, vector<16xf32>,
              %broadcast_in_dim3A_856 = vector.broadcast %while3A_736 : i32 to vector<16xi32>
              %swap3A_857 = arith.constant 0 : index
              %swap3A_858 = tpu.vector_load %arg19[%swap3A_857] {strides = array<i32>} : memref<32xi32, #tpu.memory_space<vmem>>, vector<16xi32>,
              %swap3A_859 = vector.shape_cast %swap3A_858 : vector<16xi32> to vector<16xi32>
              %swap3A_860 = vector.shape_cast %broadcast_in_dim3A_856 : vector<16xi32> to vector<16xi32>
              tpu.vector_store %arg19[%swap3A_857], %swap3A_860 {strides = array<i32>} : memref<32xi32, #tpu.memory_space<vmem>>, vector<16xi32>,
            } else {
            }
            %not3A = arith.constant true
            %not3A_820 = arith.xori %eq3A_816, %not3A : i1
            %convert_element_type3A_821 = arith.extui %not3A_820 : i1 to i32
            %cond3A_822 = arith.constant 0 : i32
            %cond3A_823 = arith.cmpi ne, %convert_element_type3A_821, %cond3A_822 : i32
            scf.if %cond3A_823 {
              %swap3A_824 = arith.constant 0 : index
              %swap3A_825 = tpu.vector_load %arg17[%swap3A_824] {strides = array<i32>} : memref<128xf32, #tpu.memory_space<vmem>>, vector<16xf32>,
              %swap3A_826 = vector.shape_cast %swap3A_825 : vector<16xf32> to vector<16xf32>
              %swap3A_827 = vector.shape_cast %while3A_738 : vector<16xf32> to vector<16xf32>
              tpu.vector_store %arg17[%swap3A_824], %swap3A_827 {strides = array<i32>} : memref<128xf32, #tpu.memory_space<vmem>>, vector<16xf32>,
              %swap3A_828 = arith.constant 16 : index
              %swap3A_829 = tpu.vector_load %arg17[%swap3A_828] {strides = array<i32>} : memref<128xf32, #tpu.memory_space<vmem>>, vector<16xf32>,
              %swap3A_830 = vector.shape_cast %swap3A_829 : vector<16xf32> to vector<16xf32>
              %swap3A_831 = vector.shape_cast %while3A_739 : vector<16xf32> to vector<16xf32>
              tpu.vector_store %arg17[%swap3A_828], %swap3A_831 {strides = array<i32>} : memref<128xf32, #tpu.memory_space<vmem>>, vector<16xf32>,
              %swap3A_832 = arith.constant 32 : index
              %swap3A_833 = tpu.vector_load %arg17[%swap3A_832] {strides = array<i32>} : memref<128xf32, #tpu.memory_space<vmem>>, vector<16xf32>,
              %swap3A_834 = vector.shape_cast %swap3A_833 : vector<16xf32> to vector<16xf32>
              %swap3A_835 = vector.shape_cast %while3A_740 : vector<16xf32> to vector<16xf32>
              tpu.vector_store %arg17[%swap3A_832], %swap3A_835 {strides = array<i32>} : memref<128xf32, #tpu.memory_space<vmem>>, vector<16xf32>,
              %swap3A_836 = arith.constant 48 : index
              %swap3A_837 = tpu.vector_load %arg17[%swap3A_836] {strides = array<i32>} : memref<128xf32, #tpu.memory_space<vmem>>, vector<16xf32>,
              %swap3A_838 = vector.shape_cast %swap3A_837 : vector<16xf32> to vector<16xf32>
              %swap3A_839 = vector.shape_cast %while3A_741 : vector<16xf32> to vector<16xf32>
              tpu.vector_store %arg17[%swap3A_836], %swap3A_839 {strides = array<i32>} : memref<128xf32, #tpu.memory_space<vmem>>, vector<16xf32>,
              %swap3A_840 = arith.constant 64 : index
              %swap3A_841 = tpu.vector_load %arg17[%swap3A_840] {strides = array<i32>} : memref<128xf32, #tpu.memory_space<vmem>>, vector<16xf32>,
              %swap3A_842 = vector.shape_cast %swap3A_841 : vector<16xf32> to vector<16xf32>
              %swap3A_843 = vector.shape_cast %while3A_742 : vector<16xf32> to vector<16xf32>
              tpu.vector_store %arg17[%swap3A_840], %swap3A_843 {strides = array<i32>} : memref<128xf32, #tpu.memory_space<vmem>>, vector<16xf32>,
              %swap3A_844 = arith.constant 80 : index
              %swap3A_845 = tpu.vector_load %arg17[%swap3A_844] {strides = array<i32>} : memref<128xf32, #tpu.memory_space<vmem>>, vector<16xf32>,
              %swap3A_846 = vector.shape_cast %swap3A_845 : vector<16xf32> to vector<16xf32>
              %swap3A_847 = vector.shape_cast %while3A_743 : vector<16xf32> to vector<16xf32>
              tpu.vector_store %arg17[%swap3A_844], %swap3A_847 {strides = array<i32>} : memref<128xf32, #tpu.memory_space<vmem>>, vector<16xf32>,
              %swap3A_848 = arith.constant 96 : index
              %swap3A_849 = tpu.vector_load %arg17[%swap3A_848] {strides = array<i32>} : memref<128xf32, #tpu.memory_space<vmem>>, vector<16xf32>,
              %swap3A_850 = vector.shape_cast %swap3A_849 : vector<16xf32> to vector<16xf32>
              %swap3A_851 = vector.shape_cast %while3A_744 : vector<16xf32> to vector<16xf32>
              tpu.vector_store %arg17[%swap3A_848], %swap3A_851 {strides = array<i32>} : memref<128xf32, #tpu.memory_space<vmem>>, vector<16xf32>,
              %swap3A_852 = arith.constant 112 : index
              %swap3A_853 = tpu.vector_load %arg17[%swap3A_852] {strides = array<i32>} : memref<128xf32, #tpu.memory_space<vmem>>, vector<16xf32>,
              %swap3A_854 = vector.shape_cast %swap3A_853 : vector<16xf32> to vector<16xf32>
              %swap3A_855 = vector.shape_cast %while3A_745 : vector<16xf32> to vector<16xf32>
              tpu.vector_store %arg17[%swap3A_852], %swap3A_855 {strides = array<i32>} : memref<128xf32, #tpu.memory_space<vmem>>, vector<16xf32>,
              %run_scoped3A = arith.constant 0 : i32
              "tpu.region"() ({
                %run_scoped3A_856 = tpu.sem_alloc : memref<!tpu.dma_semaphore, #tpu.memory_space<semaphore_mem>>
                %dma_start3A_857 = arith.constant 0 : i32
                %dma_start3A_858 = tpu.memref_slice %arg7[%while3A_736, %run_scoped3A, %dma_start3A_857] : memref<1024x1x128xf32, #tpu.memory_space<hbm>> -> memref<1x1x128xf32, #tpu.memory_space<hbm>>
                %dma_start3A_859 = tpu.memref_squeeze %dma_start3A_858 : memref<1x1x128xf32, #tpu.memory_space<hbm>> -> memref<128xf32, #tpu.memory_space<hbm>>
                %dma_start3A_860 = arith.constant 0 : i32
                %dma_start3A_861 = tpu.memref_slice %arg7[%while3A_736, %run_scoped3A, %dma_start3A_860] : memref<1024x1x128xf32, #tpu.memory_space<hbm>> -> memref<1x1x128xf32, #tpu.memory_space<hbm>>
                %dma_start3A_862 = tpu.memref_squeeze %dma_start3A_861 : memref<1x1x128xf32, #tpu.memory_space<hbm>> -> memref<128xf32, #tpu.memory_space<hbm>>
                tpu.enqueue_dma source(%arg17 : memref<128xf32, #tpu.memory_space<vmem>>) target(%dma_start3A_862 : memref<128xf32, #tpu.memory_space<hbm>>) target_semaphore(%run_scoped3A_856 : memref<!tpu.dma_semaphore, #tpu.memory_space<semaphore_mem>>)
                %dma_wait3A_863 = arith.constant 0 : i32
                %dma_wait3A_864 = tpu.memref_slice %arg7[%while3A_736, %run_scoped3A, %dma_wait3A_863] : memref<1024x1x128xf32, #tpu.memory_space<hbm>> -> memref<1x1x128xf32, #tpu.memory_space<hbm>>
                %dma_wait3A_865 = tpu.memref_squeeze %dma_wait3A_864 : memref<1x1x128xf32, #tpu.memory_space<hbm>> -> memref<128xf32, #tpu.memory_space<hbm>>
                %dma_wait3A_866 = arith.constant 0 : i32
                %dma_wait3A_867 = tpu.memref_slice %arg7[%while3A_736, %run_scoped3A, %dma_wait3A_866] : memref<1024x1x128xf32, #tpu.memory_space<hbm>> -> memref<1x1x128xf32, #tpu.memory_space<hbm>>
                %dma_wait3A_868 = tpu.memref_squeeze %dma_wait3A_867 : memref<1x1x128xf32, #tpu.memory_space<hbm>> -> memref<128xf32, #tpu.memory_space<hbm>>
                tpu.wait_dma2 semaphore(%run_scoped3A_856 : memref<!tpu.dma_semaphore, #tpu.memory_space<semaphore_mem>>) src(%arg17 : memref<128xf32, #tpu.memory_space<vmem>>) dst(%dma_wait3A_868 : memref<128xf32, #tpu.memory_space<hbm>>)
                tpu.yield
              }) : () -> ()
            } else {
            }
          } else {
          }
          %add3A_758 = arith.addi %mul3A_632, %while3A_735 : i32
          %get3A_759 = arith.index_cast %add3A_758 : i32 to index
          %get3A_760 = arith.constant 0 : index
          %get3A_761 = tpu.vector_load %arg10[%get3A_759, %get3A_760] {strides = array<i32>} : memref<128x128xf32, #tpu.memory_space<vmem>>, vector<1x16xf32>,
          %get3A_762 = vector.shape_cast %get3A_761 : vector<1x16xf32> to vector<16xf32>
          %max3A = arith.maximumf %while3A_738, %get3A_762 : vector<16xf32>
          %select_n3A_763 = arith.select %ne3A_754, %get3A_762, %max3A : vector<16xf32>
          %add3A_764 = arith.addi %mul3A_632, %while3A_735 : i32
          %get3A_765 = arith.index_cast %add3A_764 : i32 to index
          %get3A_766 = arith.constant 16 : index
          %get3A_767 = tpu.vector_load %arg10[%get3A_765, %get3A_766] {strides = array<i32>} : memref<128x128xf32, #tpu.memory_space<vmem>>, vector<1x16xf32>,
          %get3A_768 = vector.shape_cast %get3A_767 : vector<1x16xf32> to vector<16xf32>
          %max3A_769 = arith.maximumf %while3A_739, %get3A_768 : vector<16xf32>
          %select_n3A_770 = arith.select %ne3A_754, %get3A_768, %max3A_769 : vector<16xf32>
          %add3A_771 = arith.addi %mul3A_632, %while3A_735 : i32
          %get3A_772 = arith.index_cast %add3A_771 : i32 to index
          %get3A_773 = arith.constant 32 : index
          %get3A_774 = tpu.vector_load %arg10[%get3A_772, %get3A_773] {strides = array<i32>} : memref<128x128xf32, #tpu.memory_space<vmem>>, vector<1x16xf32>,
          %get3A_775 = vector.shape_cast %get3A_774 : vector<1x16xf32> to vector<16xf32>
          %max3A_776 = arith.maximumf %while3A_740, %get3A_775 : vector<16xf32>
          %select_n3A_777 = arith.select %ne3A_754, %get3A_775, %max3A_776 : vector<16xf32>
          %add3A_778 = arith.addi %mul3A_632, %while3A_735 : i32
          %get3A_779 = arith.index_cast %add3A_778 : i32 to index
          %get3A_780 = arith.constant 48 : index
          %get3A_781 = tpu.vector_load %arg10[%get3A_779, %get3A_780] {strides = array<i32>} : memref<128x128xf32, #tpu.memory_space<vmem>>, vector<1x16xf32>,
          %get3A_782 = vector.shape_cast %get3A_781 : vector<1x16xf32> to vector<16xf32>
          %max3A_783 = arith.maximumf %while3A_741, %get3A_782 : vector<16xf32>
          %select_n3A_784 = arith.select %ne3A_754, %get3A_782, %max3A_783 : vector<16xf32>
          %add3A_785 = arith.addi %mul3A_632, %while3A_735 : i32
          %get3A_786 = arith.index_cast %add3A_785 : i32 to index
          %get3A_787 = arith.constant 64 : index
          %get3A_788 = tpu.vector_load %arg10[%get3A_786, %get3A_787] {strides = array<i32>} : memref<128x128xf32, #tpu.memory_space<vmem>>, vector<1x16xf32>,
          %get3A_789 = vector.shape_cast %get3A_788 : vector<1x16xf32> to vector<16xf32>
          %max3A_790 = arith.maximumf %while3A_742, %get3A_789 : vector<16xf32>
          %select_n3A_791 = arith.select %ne3A_754, %get3A_789, %max3A_790 : vector<16xf32>
          %add3A_792 = arith.addi %mul3A_632, %while3A_735 : i32
          %get3A_793 = arith.index_cast %add3A_792 : i32 to index
          %get3A_794 = arith.constant 80 : index
          %get3A_795 = tpu.vector_load %arg10[%get3A_793, %get3A_794] {strides = array<i32>} : memref<128x128xf32, #tpu.memory_space<vmem>>, vector<1x16xf32>,
          %get3A_796 = vector.shape_cast %get3A_795 : vector<1x16xf32> to vector<16xf32>
          %max3A_797 = arith.maximumf %while3A_743, %get3A_796 : vector<16xf32>
          %select_n3A_798 = arith.select %ne3A_754, %get3A_796, %max3A_797 : vector<16xf32>
          %add3A_799 = arith.addi %mul3A_632, %while3A_735 : i32
          %get3A_800 = arith.index_cast %add3A_799 : i32 to index
          %get3A_801 = arith.constant 96 : index
          %get3A_802 = tpu.vector_load %arg10[%get3A_800, %get3A_801] {strides = array<i32>} : memref<128x128xf32, #tpu.memory_space<vmem>>, vector<1x16xf32>,
          %get3A_803 = vector.shape_cast %get3A_802 : vector<1x16xf32> to vector<16xf32>
          %max3A_804 = arith.maximumf %while3A_744, %get3A_803 : vector<16xf32>
          %select_n3A_805 = arith.select %ne3A_754, %get3A_803, %max3A_804 : vector<16xf32>
          %add3A_806 = arith.addi %mul3A_632, %while3A_735 : i32
          %get3A_807 = arith.index_cast %add3A_806 : i32 to index
          %get3A_808 = arith.constant 112 : index
          %get3A_809 = tpu.vector_load %arg10[%get3A_807, %get3A_808] {strides = array<i32>} : memref<128x128xf32, #tpu.memory_space<vmem>>, vector<1x16xf32>,
          %get3A_810 = vector.shape_cast %get3A_809 : vector<1x16xf32> to vector<16xf32>
          %max3A_811 = arith.maximumf %while3A_745, %get3A_810 : vector<16xf32>
          %select_n3A_812 = arith.select %ne3A_754, %get3A_810, %max3A_811 : vector<16xf32>
          %convert_element_type3A_813 = arith.extui %ne3A_754 : i1 to i32
          %add3A_814 = arith.addi %while3A_737, %convert_element_type3A_813 : i32
          scf.yield %squeeze3A_753, %add3A_814, %select_n3A_763, %select_n3A_770, %select_n3A_777, %select_n3A_784, %select_n3A_791, %select_n3A_798, %select_n3A_805, %select_n3A_812 : i32, i32, vector<16xf32>, vector<16xf32>, vector<16xf32>, vector<16xf32>, vector<16xf32>, vector<16xf32>, vector<16xf32>, vector<16xf32>
        }
        %while3A_733 = arith.constant 1 : i32
        %while3A_734:10 = scf.for %while3A_735 = %while3A_730 to %while3A_726 step %while3A_733 iter_args(%while3A_736 = %while3A_732#0, %while3A_737 = %while3A_732#1, %while3A_738 = %while3A_732#2, %while3A_739 = %while3A_732#3, %while3A_740 = %while3A_732#4, %while3A_741 = %while3A_732#5, %while3A_742 = %while3A_732#6, %while3A_743 = %while3A_732#7, %while3A_744 = %while3A_732#8, %while3A_745 = %while3A_732#9) -> (i32, i32, vector<16xf32>, vector<16xf32>, vector<16xf32>, vector<16xf32>, vector<16xf32>, vector<16xf32>, vector<16xf32>, vector<16xf32>)  : i32 {
          %add3A_746 = arith.constant 16 : i32
          %add3A_747 = arith.addi %add3A_746, %mul3A_632 : i32
          %add3A_748 = arith.addi %add3A_747, %while3A_735 : i32
          %get3A_749 = arith.index_cast %add3A_748 : i32 to index
          %get3A_750 = tpu.vector_load %arg11[%get3A_749] {strides = array<i32>} : memref<160xi32, #tpu.memory_space<vmem>>, vector<16xi32>,
          %get3A_751 = vector.shape_cast %get3A_750 : vector<16xi32> to vector<16xi32>
          %slice3A_752 = vector.extract_strided_slice %get3A_751 {offsets = [0], sizes = [1], strides = [1]} : vector<16xi32> to vector<1xi32>
          %squeeze3A_753 = vector.extract %slice3A_752[0] : i32 from vector<1xi32>
          %ne3A_754 = arith.cmpi ne, %squeeze3A_753, %while3A_736 : i32
          %convert_element_type3A_755 = arith.extui %ne3A_754 : i1 to i32
          %cond3A_756 = arith.constant 0 : i32
          %cond3A_757 = arith.cmpi ne, %convert_element_type3A_755, %cond3A_756 : i32
          scf.if %cond3A_757 {
            %eq3A_815 = arith.constant 0 : i32
            %eq3A_816 = arith.cmpi eq, %while3A_737, %eq3A_815 : i32
            %convert_element_type3A_817 = arith.extui %eq3A_816 : i1 to i32
            %cond3A_818 = arith.constant 0 : i32
            %cond3A_819 = arith.cmpi ne, %convert_element_type3A_817, %cond3A_818 : i32
            scf.if %cond3A_819 {
              %swap3A_824 = arith.constant 0 : index
              %swap3A_825 = tpu.vector_load %arg18[%swap3A_824] {strides = array<i32>} : memref<256xf32, #tpu.memory_space<vmem>>, vector<16xf32>,
              %swap3A_826 = vector.shape_cast %swap3A_825 : vector<16xf32> to vector<16xf32>
              %swap3A_827 = vector.shape_cast %while3A_738 : vector<16xf32> to vector<16xf32>
              tpu.vector_store %arg18[%swap3A_824], %swap3A_827 {strides = array<i32>} : memref<256xf32, #tpu.memory_space<vmem>>, vector<16xf32>,
              %swap3A_828 = arith.constant 16 : index
              %swap3A_829 = tpu.vector_load %arg18[%swap3A_828] {strides = array<i32>} : memref<256xf32, #tpu.memory_space<vmem>>, vector<16xf32>,
              %swap3A_830 = vector.shape_cast %swap3A_829 : vector<16xf32> to vector<16xf32>
              %swap3A_831 = vector.shape_cast %while3A_739 : vector<16xf32> to vector<16xf32>
              tpu.vector_store %arg18[%swap3A_828], %swap3A_831 {strides = array<i32>} : memref<256xf32, #tpu.memory_space<vmem>>, vector<16xf32>,
              %swap3A_832 = arith.constant 32 : index
              %swap3A_833 = tpu.vector_load %arg18[%swap3A_832] {strides = array<i32>} : memref<256xf32, #tpu.memory_space<vmem>>, vector<16xf32>,
              %swap3A_834 = vector.shape_cast %swap3A_833 : vector<16xf32> to vector<16xf32>
              %swap3A_835 = vector.shape_cast %while3A_740 : vector<16xf32> to vector<16xf32>
              tpu.vector_store %arg18[%swap3A_832], %swap3A_835 {strides = array<i32>} : memref<256xf32, #tpu.memory_space<vmem>>, vector<16xf32>,
              %swap3A_836 = arith.constant 48 : index
              %swap3A_837 = tpu.vector_load %arg18[%swap3A_836] {strides = array<i32>} : memref<256xf32, #tpu.memory_space<vmem>>, vector<16xf32>,
              %swap3A_838 = vector.shape_cast %swap3A_837 : vector<16xf32> to vector<16xf32>
              %swap3A_839 = vector.shape_cast %while3A_741 : vector<16xf32> to vector<16xf32>
              tpu.vector_store %arg18[%swap3A_836], %swap3A_839 {strides = array<i32>} : memref<256xf32, #tpu.memory_space<vmem>>, vector<16xf32>,
              %swap3A_840 = arith.constant 64 : index
              %swap3A_841 = tpu.vector_load %arg18[%swap3A_840] {strides = array<i32>} : memref<256xf32, #tpu.memory_space<vmem>>, vector<16xf32>,
              %swap3A_842 = vector.shape_cast %swap3A_841 : vector<16xf32> to vector<16xf32>
              %swap3A_843 = vector.shape_cast %while3A_742 : vector<16xf32> to vector<16xf32>
              tpu.vector_store %arg18[%swap3A_840], %swap3A_843 {strides = array<i32>} : memref<256xf32, #tpu.memory_space<vmem>>, vector<16xf32>,
              %swap3A_844 = arith.constant 80 : index
              %swap3A_845 = tpu.vector_load %arg18[%swap3A_844] {strides = array<i32>} : memref<256xf32, #tpu.memory_space<vmem>>, vector<16xf32>,
              %swap3A_846 = vector.shape_cast %swap3A_845 : vector<16xf32> to vector<16xf32>
              %swap3A_847 = vector.shape_cast %while3A_743 : vector<16xf32> to vector<16xf32>
              tpu.vector_store %arg18[%swap3A_844], %swap3A_847 {strides = array<i32>} : memref<256xf32, #tpu.memory_space<vmem>>, vector<16xf32>,
              %swap3A_848 = arith.constant 96 : index
              %swap3A_849 = tpu.vector_load %arg18[%swap3A_848] {strides = array<i32>} : memref<256xf32, #tpu.memory_space<vmem>>, vector<16xf32>,
              %swap3A_850 = vector.shape_cast %swap3A_849 : vector<16xf32> to vector<16xf32>
              %swap3A_851 = vector.shape_cast %while3A_744 : vector<16xf32> to vector<16xf32>
              tpu.vector_store %arg18[%swap3A_848], %swap3A_851 {strides = array<i32>} : memref<256xf32, #tpu.memory_space<vmem>>, vector<16xf32>,
              %swap3A_852 = arith.constant 112 : index
              %swap3A_853 = tpu.vector_load %arg18[%swap3A_852] {strides = array<i32>} : memref<256xf32, #tpu.memory_space<vmem>>, vector<16xf32>,
              %swap3A_854 = vector.shape_cast %swap3A_853 : vector<16xf32> to vector<16xf32>
              %swap3A_855 = vector.shape_cast %while3A_745 : vector<16xf32> to vector<16xf32>
              tpu.vector_store %arg18[%swap3A_852], %swap3A_855 {strides = array<i32>} : memref<256xf32, #tpu.memory_space<vmem>>, vector<16xf32>,
              %broadcast_in_dim3A_856 = vector.broadcast %while3A_736 : i32 to vector<16xi32>
              %swap3A_857 = arith.constant 0 : index
              %swap3A_858 = tpu.vector_load %arg19[%swap3A_857] {strides = array<i32>} : memref<32xi32, #tpu.memory_space<vmem>>, vector<16xi32>,
              %swap3A_859 = vector.shape_cast %swap3A_858 : vector<16xi32> to vector<16xi32>
              %swap3A_860 = vector.shape_cast %broadcast_in_dim3A_856 : vector<16xi32> to vector<16xi32>
              tpu.vector_store %arg19[%swap3A_857], %swap3A_860 {strides = array<i32>} : memref<32xi32, #tpu.memory_space<vmem>>, vector<16xi32>,
            } else {
            }
            %not3A = arith.constant true
            %not3A_820 = arith.xori %eq3A_816, %not3A : i1
            %convert_element_type3A_821 = arith.extui %not3A_820 : i1 to i32
            %cond3A_822 = arith.constant 0 : i32
            %cond3A_823 = arith.cmpi ne, %convert_element_type3A_821, %cond3A_822 : i32
            scf.if %cond3A_823 {
              %swap3A_824 = arith.constant 0 : index
              %swap3A_825 = tpu.vector_load %arg17[%swap3A_824] {strides = array<i32>} : memref<128xf32, #tpu.memory_space<vmem>>, vector<16xf32>,
              %swap3A_826 = vector.shape_cast %swap3A_825 : vector<16xf32> to vector<16xf32>
              %swap3A_827 = vector.shape_cast %while3A_738 : vector<16xf32> to vector<16xf32>
              tpu.vector_store %arg17[%swap3A_824], %swap3A_827 {strides = array<i32>} : memref<128xf32, #tpu.memory_space<vmem>>, vector<16xf32>,
              %swap3A_828 = arith.constant 16 : index
              %swap3A_829 = tpu.vector_load %arg17[%swap3A_828] {strides = array<i32>} : memref<128xf32, #tpu.memory_space<vmem>>, vector<16xf32>,
              %swap3A_830 = vector.shape_cast %swap3A_829 : vector<16xf32> to vector<16xf32>
              %swap3A_831 = vector.shape_cast %while3A_739 : vector<16xf32> to vector<16xf32>
              tpu.vector_store %arg17[%swap3A_828], %swap3A_831 {strides = array<i32>} : memref<128xf32, #tpu.memory_space<vmem>>, vector<16xf32>,
              %swap3A_832 = arith.constant 32 : index
              %swap3A_833 = tpu.vector_load %arg17[%swap3A_832] {strides = array<i32>} : memref<128xf32, #tpu.memory_space<vmem>>, vector<16xf32>,
              %swap3A_834 = vector.shape_cast %swap3A_833 : vector<16xf32> to vector<16xf32>
              %swap3A_835 = vector.shape_cast %while3A_740 : vector<16xf32> to vector<16xf32>
              tpu.vector_store %arg17[%swap3A_832], %swap3A_835 {strides = array<i32>} : memref<128xf32, #tpu.memory_space<vmem>>, vector<16xf32>,
              %swap3A_836 = arith.constant 48 : index
              %swap3A_837 = tpu.vector_load %arg17[%swap3A_836] {strides = array<i32>} : memref<128xf32, #tpu.memory_space<vmem>>, vector<16xf32>,
              %swap3A_838 = vector.shape_cast %swap3A_837 : vector<16xf32> to vector<16xf32>
              %swap3A_839 = vector.shape_cast %while3A_741 : vector<16xf32> to vector<16xf32>
              tpu.vector_store %arg17[%swap3A_836], %swap3A_839 {strides = array<i32>} : memref<128xf32, #tpu.memory_space<vmem>>, vector<16xf32>,
              %swap3A_840 = arith.constant 64 : index
              %swap3A_841 = tpu.vector_load %arg17[%swap3A_840] {strides = array<i32>} : memref<128xf32, #tpu.memory_space<vmem>>, vector<16xf32>,
              %swap3A_842 = vector.shape_cast %swap3A_841 : vector<16xf32> to vector<16xf32>
              %swap3A_843 = vector.shape_cast %while3A_742 : vector<16xf32> to vector<16xf32>
              tpu.vector_store %arg17[%swap3A_840], %swap3A_843 {strides = array<i32>} : memref<128xf32, #tpu.memory_space<vmem>>, vector<16xf32>,
              %swap3A_844 = arith.constant 80 : index
              %swap3A_845 = tpu.vector_load %arg17[%swap3A_844] {strides = array<i32>} : memref<128xf32, #tpu.memory_space<vmem>>, vector<16xf32>,
              %swap3A_846 = vector.shape_cast %swap3A_845 : vector<16xf32> to vector<16xf32>
              %swap3A_847 = vector.shape_cast %while3A_743 : vector<16xf32> to vector<16xf32>
              tpu.vector_store %arg17[%swap3A_844], %swap3A_847 {strides = array<i32>} : memref<128xf32, #tpu.memory_space<vmem>>, vector<16xf32>,
              %swap3A_848 = arith.constant 96 : index
              %swap3A_849 = tpu.vector_load %arg17[%swap3A_848] {strides = array<i32>} : memref<128xf32, #tpu.memory_space<vmem>>, vector<16xf32>,
              %swap3A_850 = vector.shape_cast %swap3A_849 : vector<16xf32> to vector<16xf32>
              %swap3A_851 = vector.shape_cast %while3A_744 : vector<16xf32> to vector<16xf32>
              tpu.vector_store %arg17[%swap3A_848], %swap3A_851 {strides = array<i32>} : memref<128xf32, #tpu.memory_space<vmem>>, vector<16xf32>,
              %swap3A_852 = arith.constant 112 : index
              %swap3A_853 = tpu.vector_load %arg17[%swap3A_852] {strides = array<i32>} : memref<128xf32, #tpu.memory_space<vmem>>, vector<16xf32>,
              %swap3A_854 = vector.shape_cast %swap3A_853 : vector<16xf32> to vector<16xf32>
              %swap3A_855 = vector.shape_cast %while3A_745 : vector<16xf32> to vector<16xf32>
              tpu.vector_store %arg17[%swap3A_852], %swap3A_855 {strides = array<i32>} : memref<128xf32, #tpu.memory_space<vmem>>, vector<16xf32>,
              %run_scoped3A = arith.constant 0 : i32
              "tpu.region"() ({
                %run_scoped3A_856 = tpu.sem_alloc : memref<!tpu.dma_semaphore, #tpu.memory_space<semaphore_mem>>
                %dma_start3A_857 = arith.constant 0 : i32
                %dma_start3A_858 = tpu.memref_slice %arg7[%while3A_736, %run_scoped3A, %dma_start3A_857] : memref<1024x1x128xf32, #tpu.memory_space<hbm>> -> memref<1x1x128xf32, #tpu.memory_space<hbm>>
                %dma_start3A_859 = tpu.memref_squeeze %dma_start3A_858 : memref<1x1x128xf32, #tpu.memory_space<hbm>> -> memref<128xf32, #tpu.memory_space<hbm>>
                %dma_start3A_860 = arith.constant 0 : i32
                %dma_start3A_861 = tpu.memref_slice %arg7[%while3A_736, %run_scoped3A, %dma_start3A_860] : memref<1024x1x128xf32, #tpu.memory_space<hbm>> -> memref<1x1x128xf32, #tpu.memory_space<hbm>>
                %dma_start3A_862 = tpu.memref_squeeze %dma_start3A_861 : memref<1x1x128xf32, #tpu.memory_space<hbm>> -> memref<128xf32, #tpu.memory_space<hbm>>
                tpu.enqueue_dma source(%arg17 : memref<128xf32, #tpu.memory_space<vmem>>) target(%dma_start3A_862 : memref<128xf32, #tpu.memory_space<hbm>>) target_semaphore(%run_scoped3A_856 : memref<!tpu.dma_semaphore, #tpu.memory_space<semaphore_mem>>)
                %dma_wait3A_863 = arith.constant 0 : i32
                %dma_wait3A_864 = tpu.memref_slice %arg7[%while3A_736, %run_scoped3A, %dma_wait3A_863] : memref<1024x1x128xf32, #tpu.memory_space<hbm>> -> memref<1x1x128xf32, #tpu.memory_space<hbm>>
                %dma_wait3A_865 = tpu.memref_squeeze %dma_wait3A_864 : memref<1x1x128xf32, #tpu.memory_space<hbm>> -> memref<128xf32, #tpu.memory_space<hbm>>
                %dma_wait3A_866 = arith.constant 0 : i32
                %dma_wait3A_867 = tpu.memref_slice %arg7[%while3A_736, %run_scoped3A, %dma_wait3A_866] : memref<1024x1x128xf32, #tpu.memory_space<hbm>> -> memref<1x1x128xf32, #tpu.memory_space<hbm>>
                %dma_wait3A_868 = tpu.memref_squeeze %dma_wait3A_867 : memref<1x1x128xf32, #tpu.memory_space<hbm>> -> memref<128xf32, #tpu.memory_space<hbm>>
                tpu.wait_dma2 semaphore(%run_scoped3A_856 : memref<!tpu.dma_semaphore, #tpu.memory_space<semaphore_mem>>) src(%arg17 : memref<128xf32, #tpu.memory_space<vmem>>) dst(%dma_wait3A_868 : memref<128xf32, #tpu.memory_space<hbm>>)
                tpu.yield
              }) : () -> ()
            } else {
            }
          } else {
          }
          %add3A_758 = arith.addi %mul3A_632, %while3A_735 : i32
          %get3A_759 = arith.index_cast %add3A_758 : i32 to index
          %get3A_760 = arith.constant 0 : index
          %get3A_761 = tpu.vector_load %arg10[%get3A_759, %get3A_760] {strides = array<i32>} : memref<128x128xf32, #tpu.memory_space<vmem>>, vector<1x16xf32>,
          %get3A_762 = vector.shape_cast %get3A_761 : vector<1x16xf32> to vector<16xf32>
          %max3A = arith.maximumf %while3A_738, %get3A_762 : vector<16xf32>
          %select_n3A_763 = arith.select %ne3A_754, %get3A_762, %max3A : vector<16xf32>
          %add3A_764 = arith.addi %mul3A_632, %while3A_735 : i32
          %get3A_765 = arith.index_cast %add3A_764 : i32 to index
          %get3A_766 = arith.constant 16 : index
          %get3A_767 = tpu.vector_load %arg10[%get3A_765, %get3A_766] {strides = array<i32>} : memref<128x128xf32, #tpu.memory_space<vmem>>, vector<1x16xf32>,
          %get3A_768 = vector.shape_cast %get3A_767 : vector<1x16xf32> to vector<16xf32>
          %max3A_769 = arith.maximumf %while3A_739, %get3A_768 : vector<16xf32>
          %select_n3A_770 = arith.select %ne3A_754, %get3A_768, %max3A_769 : vector<16xf32>
          %add3A_771 = arith.addi %mul3A_632, %while3A_735 : i32
          %get3A_772 = arith.index_cast %add3A_771 : i32 to index
          %get3A_773 = arith.constant 32 : index
          %get3A_774 = tpu.vector_load %arg10[%get3A_772, %get3A_773] {strides = array<i32>} : memref<128x128xf32, #tpu.memory_space<vmem>>, vector<1x16xf32>,
          %get3A_775 = vector.shape_cast %get3A_774 : vector<1x16xf32> to vector<16xf32>
          %max3A_776 = arith.maximumf %while3A_740, %get3A_775 : vector<16xf32>
          %select_n3A_777 = arith.select %ne3A_754, %get3A_775, %max3A_776 : vector<16xf32>
          %add3A_778 = arith.addi %mul3A_632, %while3A_735 : i32
          %get3A_779 = arith.index_cast %add3A_778 : i32 to index
          %get3A_780 = arith.constant 48 : index
          %get3A_781 = tpu.vector_load %arg10[%get3A_779, %get3A_780] {strides = array<i32>} : memref<128x128xf32, #tpu.memory_space<vmem>>, vector<1x16xf32>,
          %get3A_782 = vector.shape_cast %get3A_781 : vector<1x16xf32> to vector<16xf32>
          %max3A_783 = arith.maximumf %while3A_741, %get3A_782 : vector<16xf32>
          %select_n3A_784 = arith.select %ne3A_754, %get3A_782, %max3A_783 : vector<16xf32>
          %add3A_785 = arith.addi %mul3A_632, %while3A_735 : i32
          %get3A_786 = arith.index_cast %add3A_785 : i32 to index
          %get3A_787 = arith.constant 64 : index
          %get3A_788 = tpu.vector_load %arg10[%get3A_786, %get3A_787] {strides = array<i32>} : memref<128x128xf32, #tpu.memory_space<vmem>>, vector<1x16xf32>,
          %get3A_789 = vector.shape_cast %get3A_788 : vector<1x16xf32> to vector<16xf32>
          %max3A_790 = arith.maximumf %while3A_742, %get3A_789 : vector<16xf32>
          %select_n3A_791 = arith.select %ne3A_754, %get3A_789, %max3A_790 : vector<16xf32>
          %add3A_792 = arith.addi %mul3A_632, %while3A_735 : i32
          %get3A_793 = arith.index_cast %add3A_792 : i32 to index
          %get3A_794 = arith.constant 80 : index
          %get3A_795 = tpu.vector_load %arg10[%get3A_793, %get3A_794] {strides = array<i32>} : memref<128x128xf32, #tpu.memory_space<vmem>>, vector<1x16xf32>,
          %get3A_796 = vector.shape_cast %get3A_795 : vector<1x16xf32> to vector<16xf32>
          %max3A_797 = arith.maximumf %while3A_743, %get3A_796 : vector<16xf32>
          %select_n3A_798 = arith.select %ne3A_754, %get3A_796, %max3A_797 : vector<16xf32>
          %add3A_799 = arith.addi %mul3A_632, %while3A_735 : i32
          %get3A_800 = arith.index_cast %add3A_799 : i32 to index
          %get3A_801 = arith.constant 96 : index
          %get3A_802 = tpu.vector_load %arg10[%get3A_800, %get3A_801] {strides = array<i32>} : memref<128x128xf32, #tpu.memory_space<vmem>>, vector<1x16xf32>,
          %get3A_803 = vector.shape_cast %get3A_802 : vector<1x16xf32> to vector<16xf32>
          %max3A_804 = arith.maximumf %while3A_744, %get3A_803 : vector<16xf32>
          %select_n3A_805 = arith.select %ne3A_754, %get3A_803, %max3A_804 : vector<16xf32>
          %add3A_806 = arith.addi %mul3A_632, %while3A_735 : i32
          %get3A_807 = arith.index_cast %add3A_806 : i32 to index
          %get3A_808 = arith.constant 112 : index
          %get3A_809 = tpu.vector_load %arg10[%get3A_807, %get3A_808] {strides = array<i32>} : memref<128x128xf32, #tpu.memory_space<vmem>>, vector<1x16xf32>,
          %get3A_810 = vector.shape_cast %get3A_809 : vector<1x16xf32> to vector<16xf32>
          %max3A_811 = arith.maximumf %while3A_745, %get3A_810 : vector<16xf32>
          %select_n3A_812 = arith.select %ne3A_754, %get3A_810, %max3A_811 : vector<16xf32>
          %convert_element_type3A_813 = arith.extui %ne3A_754 : i1 to i32
          %add3A_814 = arith.addi %while3A_737, %convert_element_type3A_813 : i32
          scf.yield %squeeze3A_753, %add3A_814, %select_n3A_763, %select_n3A_770, %select_n3A_777, %select_n3A_784, %select_n3A_791, %select_n3A_798, %select_n3A_805, %select_n3A_812 : i32, i32, vector<16xf32>, vector<16xf32>, vector<16xf32>, vector<16xf32>, vector<16xf32>, vector<16xf32>, vector<16xf32>, vector<16xf32>
        }
        scf.yield %while3A_734#0, %while3A_734#1, %while3A_734#2, %while3A_734#3, %while3A_734#4, %while3A_734#5, %while3A_734#6, %while3A_734#7, %while3A_734#8, %while3A_734#9 : i32, i32, vector<16xf32>, vector<16xf32>, vector<16xf32>, vector<16xf32>, vector<16xf32>, vector<16xf32>, vector<16xf32>, vector<16xf32>
      }
      %scan3A_619 = arith.constant 8 : i32
      scf.yield %scan3A_618#0, %scan3A_618#1, %scan3A_618#2, %scan3A_618#3, %scan3A_618#4, %scan3A_618#5, %scan3A_618#6, %scan3A_618#7, %scan3A_618#8, %scan3A_618#9 : i32, i32, vector<16xf32>, vector<16xf32>, vector<16xf32>, vector<16xf32>, vector<16xf32>, vector<16xf32>, vector<16xf32>, vector<16xf32>
    }
    %scan3A_124 = arith.constant 11 : i32
    %add3A_125 = arith.addi %select_n3A, %select_n3A_21 : i32
    %sub3A_126 = arith.constant 128 : i32
    %sub3A_127 = arith.subi %add3A_125, %sub3A_126 : i32
    %dma_wait3A_128 = arith.constant 0 : i32
    %dma_wait3A_129 = arith.constant 0 : i32
    %dma_wait3A_130 = tpu.memref_slice %arg2[%dma_wait3A_128, %dma_wait3A_129] : memref<100000x128xf32, #tpu.memory_space<hbm>> -> memref<128x128xf32, #tpu.memory_space<hbm>>
    %dma_wait3A_131 = arith.constant 0 : i32
    %dma_wait3A_132 = arith.constant 0 : i32
    %dma_wait3A_133 = tpu.memref_slice %arg2[%dma_wait3A_131, %dma_wait3A_132] : memref<100000x128xf32, #tpu.memory_space<hbm>> -> memref<128x128xf32, #tpu.memory_space<hbm>>
    tpu.wait_dma2 semaphore(%arg28 : memref<!tpu.dma_semaphore, #tpu.memory_space<semaphore_mem>>) src(%dma_wait3A_133 : memref<128x128xf32, #tpu.memory_space<hbm>>) dst(%arg13 : memref<128x128xf32, #tpu.memory_space<vmem>>)
    %dma_wait3A_134 = arith.constant 0 : i32
    %dma_wait3A_135 = tpu.memref_slice %arg3[%dma_wait3A_134] : memref<100048xi32, #tpu.memory_space<hbm>> -> memref<160xi32, #tpu.memory_space<hbm>>
    %dma_wait3A_136 = arith.constant 0 : i32
    %dma_wait3A_137 = tpu.memref_slice %arg3[%dma_wait3A_136] : memref<100048xi32, #tpu.memory_space<hbm>> -> memref<160xi32, #tpu.memory_space<hbm>>
    tpu.wait_dma2 semaphore(%arg29 : memref<!tpu.dma_semaphore, #tpu.memory_space<semaphore_mem>>) src(%dma_wait3A_137 : memref<160xi32, #tpu.memory_space<hbm>>) dst(%arg14 : memref<160xi32, #tpu.memory_space<vmem>>)
    %get3A_138 = arith.constant 16 : index
    %get3A_139 = tpu.vector_load %arg14[%get3A_138] {strides = array<i32>} : memref<160xi32, #tpu.memory_space<vmem>>, vector<16xi32>,
    %get3A_140 = vector.shape_cast %get3A_139 : vector<16xi32> to vector<16xi32>
    %swap3A_141 = arith.constant 0 : index
    %swap3A_142 = tpu.vector_load %arg15[%swap3A_141] {strides = array<i32>} : memref<128xi32, #tpu.memory_space<vmem>>, vector<16xi32>,
    %swap3A_143 = vector.shape_cast %swap3A_142 : vector<16xi32> to vector<16xi32>
    %swap3A_144 = vector.shape_cast %get3A_140 : vector<16xi32> to vector<16xi32>
    tpu.vector_store %arg15[%swap3A_141], %swap3A_144 {strides = array<i32>} : memref<128xi32, #tpu.memory_space<vmem>>, vector<16xi32>,
    %get3A_145 = arith.constant 32 : index
    %get3A_146 = tpu.vector_load %arg14[%get3A_145] {strides = array<i32>} : memref<160xi32, #tpu.memory_space<vmem>>, vector<16xi32>,
    %get3A_147 = vector.shape_cast %get3A_146 : vector<16xi32> to vector<16xi32>
    %swap3A_148 = arith.constant 16 : index
    %swap3A_149 = tpu.vector_load %arg15[%swap3A_148] {strides = array<i32>} : memref<128xi32, #tpu.memory_space<vmem>>, vector<16xi32>,
    %swap3A_150 = vector.shape_cast %swap3A_149 : vector<16xi32> to vector<16xi32>
    %swap3A_151 = vector.shape_cast %get3A_147 : vector<16xi32> to vector<16xi32>
    tpu.vector_store %arg15[%swap3A_148], %swap3A_151 {strides = array<i32>} : memref<128xi32, #tpu.memory_space<vmem>>, vector<16xi32>,
    %get3A_152 = arith.constant 48 : index
    %get3A_153 = tpu.vector_load %arg14[%get3A_152] {strides = array<i32>} : memref<160xi32, #tpu.memory_space<vmem>>, vector<16xi32>,
    %get3A_154 = vector.shape_cast %get3A_153 : vector<16xi32> to vector<16xi32>
    %swap3A_155 = arith.constant 32 : index
    %swap3A_156 = tpu.vector_load %arg15[%swap3A_155] {strides = array<i32>} : memref<128xi32, #tpu.memory_space<vmem>>, vector<16xi32>,
    %swap3A_157 = vector.shape_cast %swap3A_156 : vector<16xi32> to vector<16xi32>
    %swap3A_158 = vector.shape_cast %get3A_154 : vector<16xi32> to vector<16xi32>
    tpu.vector_store %arg15[%swap3A_155], %swap3A_158 {strides = array<i32>} : memref<128xi32, #tpu.memory_space<vmem>>, vector<16xi32>,
    %get3A_159 = arith.constant 64 : index
    %get3A_160 = tpu.vector_load %arg14[%get3A_159] {strides = array<i32>} : memref<160xi32, #tpu.memory_space<vmem>>, vector<16xi32>,
    %get3A_161 = vector.shape_cast %get3A_160 : vector<16xi32> to vector<16xi32>
    %swap3A_162 = arith.constant 48 : index
    %swap3A_163 = tpu.vector_load %arg15[%swap3A_162] {strides = array<i32>} : memref<128xi32, #tpu.memory_space<vmem>>, vector<16xi32>,
    %swap3A_164 = vector.shape_cast %swap3A_163 : vector<16xi32> to vector<16xi32>
    %swap3A_165 = vector.shape_cast %get3A_161 : vector<16xi32> to vector<16xi32>
    tpu.vector_store %arg15[%swap3A_162], %swap3A_165 {strides = array<i32>} : memref<128xi32, #tpu.memory_space<vmem>>, vector<16xi32>,
    %get3A_166 = arith.constant 80 : index
    %get3A_167 = tpu.vector_load %arg14[%get3A_166] {strides = array<i32>} : memref<160xi32, #tpu.memory_space<vmem>>, vector<16xi32>,
    %get3A_168 = vector.shape_cast %get3A_167 : vector<16xi32> to vector<16xi32>
    %swap3A_169 = arith.constant 64 : index
    %swap3A_170 = tpu.vector_load %arg15[%swap3A_169] {strides = array<i32>} : memref<128xi32, #tpu.memory_space<vmem>>, vector<16xi32>,
    %swap3A_171 = vector.shape_cast %swap3A_170 : vector<16xi32> to vector<16xi32>
    %swap3A_172 = vector.shape_cast %get3A_168 : vector<16xi32> to vector<16xi32>
    tpu.vector_store %arg15[%swap3A_169], %swap3A_172 {strides = array<i32>} : memref<128xi32, #tpu.memory_space<vmem>>, vector<16xi32>,
    %get3A_173 = arith.constant 96 : index
    %get3A_174 = tpu.vector_load %arg14[%get3A_173] {strides = array<i32>} : memref<160xi32, #tpu.memory_space<vmem>>, vector<16xi32>,
    %get3A_175 = vector.shape_cast %get3A_174 : vector<16xi32> to vector<16xi32>
    %swap3A_176 = arith.constant 80 : index
    %swap3A_177 = tpu.vector_load %arg15[%swap3A_176] {strides = array<i32>} : memref<128xi32, #tpu.memory_space<vmem>>, vector<16xi32>,
    %swap3A_178 = vector.shape_cast %swap3A_177 : vector<16xi32> to vector<16xi32>
    %swap3A_179 = vector.shape_cast %get3A_175 : vector<16xi32> to vector<16xi32>
    tpu.vector_store %arg15[%swap3A_176], %swap3A_179 {strides = array<i32>} : memref<128xi32, #tpu.memory_space<vmem>>, vector<16xi32>,
    %get3A_180 = arith.constant 112 : index
    %get3A_181 = tpu.vector_load %arg14[%get3A_180] {strides = array<i32>} : memref<160xi32, #tpu.memory_space<vmem>>, vector<16xi32>,
    %get3A_182 = vector.shape_cast %get3A_181 : vector<16xi32> to vector<16xi32>
    %swap3A_183 = arith.constant 96 : index
    %swap3A_184 = tpu.vector_load %arg15[%swap3A_183] {strides = array<i32>} : memref<128xi32, #tpu.memory_space<vmem>>, vector<16xi32>,
    %swap3A_185 = vector.shape_cast %swap3A_184 : vector<16xi32> to vector<16xi32>
    %swap3A_186 = vector.shape_cast %get3A_182 : vector<16xi32> to vector<16xi32>
    tpu.vector_store %arg15[%swap3A_183], %swap3A_186 {strides = array<i32>} : memref<128xi32, #tpu.memory_space<vmem>>, vector<16xi32>,
    %get3A_187 = arith.constant 128 : index
    %get3A_188 = tpu.vector_load %arg14[%get3A_187] {strides = array<i32>} : memref<160xi32, #tpu.memory_space<vmem>>, vector<16xi32>,
    %get3A_189 = vector.shape_cast %get3A_188 : vector<16xi32> to vector<16xi32>
    %swap3A_190 = arith.constant 112 : index
    %swap3A_191 = tpu.vector_load %arg15[%swap3A_190] {strides = array<i32>} : memref<128xi32, #tpu.memory_space<vmem>>, vector<16xi32>,
    %swap3A_192 = vector.shape_cast %swap3A_191 : vector<16xi32> to vector<16xi32>
    %swap3A_193 = vector.shape_cast %get3A_189 : vector<16xi32> to vector<16xi32>
    tpu.vector_store %arg15[%swap3A_190], %swap3A_193 {strides = array<i32>} : memref<128xi32, #tpu.memory_space<vmem>>, vector<16xi32>,
    %dma_start3A_194 = arith.constant 0 : i32
    %dma_start3A_195 = arith.constant 0 : i32
    %dma_start3A_196 = tpu.memref_slice %arg22[%dma_start3A_194, %dma_start3A_195] : memref<1032x128xf32, #tpu.memory_space<vmem_shared>> -> memref<1032x128xf32, #tpu.memory_space<vmem_shared>>
    tpu.enqueue_indirect_dma source(%arg13 : memref<128x128xf32, #tpu.memory_space<vmem>>) target(%dma_start3A_196 : memref<1032x128xf32, #tpu.memory_space<vmem_shared>>) offsets(%arg15 : memref<128xi32, #tpu.memory_space<vmem>>) semaphore(%arg30 : memref<!tpu.dma_semaphore, #tpu.memory_space<semaphore_mem>>) {add = true}
    %dma_start3A_197 = arith.constant 0 : i32
    %dma_start3A_198 = arith.constant 0 : i32
    %dma_start3A_199 = tpu.memref_slice %arg23[%dma_start3A_197, %dma_start3A_198] : memref<1032x128xf32, #tpu.memory_space<vmem_shared>> -> memref<1032x128xf32, #tpu.memory_space<vmem_shared>>
    tpu.enqueue_indirect_dma source(%arg16 : memref<128x128xf32, #tpu.memory_space<vmem>>) target(%dma_start3A_199 : memref<1032x128xf32, #tpu.memory_space<vmem_shared>>) offsets(%arg15 : memref<128xi32, #tpu.memory_space<vmem>>) semaphore(%arg31 : memref<!tpu.dma_semaphore, #tpu.memory_space<semaphore_mem>>) {add = true}
    %dma_wait3A_200 = arith.constant 0 : i32
    %dma_wait3A_201 = arith.constant 0 : i32
    %dma_wait3A_202 = tpu.memref_slice %arg22[%dma_wait3A_200, %dma_wait3A_201] : memref<1032x128xf32, #tpu.memory_space<vmem_shared>> -> memref<1032x128xf32, #tpu.memory_space<vmem_shared>>
    tpu.wait_indirect_dma semaphore(%arg26 : memref<!tpu.dma_semaphore, #tpu.memory_space<semaphore_mem>>) src(%arg10 : memref<128x128xf32, #tpu.memory_space<vmem>>) dst(%dma_wait3A_202 : memref<1032x128xf32, #tpu.memory_space<vmem_shared>>)
    %dma_wait3A_203 = arith.constant 0 : i32
    %dma_wait3A_204 = arith.constant 0 : i32
    %dma_wait3A_205 = tpu.memref_slice %arg23[%dma_wait3A_203, %dma_wait3A_204] : memref<1032x128xf32, #tpu.memory_space<vmem_shared>> -> memref<1032x128xf32, #tpu.memory_space<vmem_shared>>
    tpu.wait_indirect_dma semaphore(%arg27 : memref<!tpu.dma_semaphore, #tpu.memory_space<semaphore_mem>>) src(%arg16 : memref<128x128xf32, #tpu.memory_space<vmem>>) dst(%dma_wait3A_205 : memref<1032x128xf32, #tpu.memory_space<vmem_shared>>)
    %dma_start3A_206 = arith.constant 0 : i32
    %dma_start3A_207 = tpu.memref_slice %arg2[%sub3A_127, %dma_start3A_206] : memref<100000x128xf32, #tpu.memory_space<hbm>> -> memref<128x128xf32, #tpu.memory_space<hbm>>
    %dma_start3A_208 = arith.constant 0 : i32
    %dma_start3A_209 = tpu.memref_slice %arg2[%sub3A_127, %dma_start3A_208] : memref<100000x128xf32, #tpu.memory_space<hbm>> -> memref<128x128xf32, #tpu.memory_space<hbm>>
    tpu.enqueue_dma source(%dma_start3A_209 : memref<128x128xf32, #tpu.memory_space<hbm>>) target(%arg10 : memref<128x128xf32, #tpu.memory_space<vmem>>) target_semaphore(%arg24 : memref<!tpu.dma_semaphore, #tpu.memory_space<semaphore_mem>>)
    %dma_start3A_210 = tpu.memref_slice %arg3[%sub3A_127] : memref<100048xi32, #tpu.memory_space<hbm>> -> memref<160xi32, #tpu.memory_space<hbm>>
    %dma_start3A_211 = tpu.memref_slice %arg3[%sub3A_127] : memref<100048xi32, #tpu.memory_space<hbm>> -> memref<160xi32, #tpu.memory_space<hbm>>
    tpu.enqueue_dma source(%dma_start3A_211 : memref<160xi32, #tpu.memory_space<hbm>>) target(%arg11 : memref<160xi32, #tpu.memory_space<vmem>>) target_semaphore(%arg25 : memref<!tpu.dma_semaphore, #tpu.memory_space<semaphore_mem>>)
    %scan3A_212 = arith.constant 0 : i32
    %scan3A_213 = arith.constant 8 : i32
    %scan3A_214 = arith.addi %scan3A_212, %scan3A_213 : i32
    %scan3A_215 = arith.constant 1 : i32
    %scan3A_216:10 = scf.for %scan3A_418 = %scan3A_212 to %scan3A_214 step %scan3A_215 iter_args(%scan3A_419 = %scan3A_123#0, %scan3A_420 = %scan3A_123#1, %scan3A_421 = %scan3A_123#2, %scan3A_422 = %scan3A_123#3, %scan3A_423 = %scan3A_123#4, %scan3A_424 = %scan3A_123#5, %scan3A_425 = %scan3A_123#6, %scan3A_426 = %scan3A_123#7, %scan3A_427 = %scan3A_123#8, %scan3A_428 = %scan3A_123#9) -> (i32, i32, vector<16xf32>, vector<16xf32>, vector<16xf32>, vector<16xf32>, vector<16xf32>, vector<16xf32>, vector<16xf32>, vector<16xf32>)  : i32 {
      %mul3A_429 = arith.constant 16 : i32
      %mul3A_430 = arith.muli %scan3A_418, %mul3A_429 : i32
      %add3A_431 = arith.constant 16 : i32
      %add3A_432 = arith.addi %add3A_431, %mul3A_430 : i32
      %get3A_433 = arith.index_cast %add3A_432 : i32 to index
      %get3A_434 = tpu.vector_load %arg14[%get3A_433] {strides = array<i32>} : memref<160xi32, #tpu.memory_space<vmem>>, vector<16xi32>,
      %get3A_435 = vector.shape_cast %get3A_434 : vector<16xi32> to vector<16xi32>
      %add3A_436 = arith.constant 15 : i32
      %add3A_437 = arith.addi %add3A_436, %mul3A_430 : i32
      %get3A_438 = arith.index_cast %add3A_437 : i32 to index
      %get3A_439 = tpu.vector_load %arg14[%get3A_438] {strides = array<i32>} : memref<160xi32, #tpu.memory_space<vmem>>, vector<16xi32>,
      %get3A_440 = vector.shape_cast %get3A_439 : vector<16xi32> to vector<16xi32>
      %ne3A = arith.cmpi ne, %get3A_435, %get3A_440 : vector<16xi32>
      %jit3A_441 = arith.constant 16 : i32
      %broadcast_in_dim3A_442 = vector.broadcast %jit3A_441 : i32 to vector<16xi32>
      %select_n3A_443 = arith.select %ne3A, %iota3A_28, %broadcast_in_dim3A_442 : vector<16xi1>, vector<16xi32>
      %add3A_444 = arith.constant 8 : i32
      %add3A_445 = vector.broadcast %add3A_444 : i32 to vector<16xi32>
      %add3A_446 = arith.addi %iota3A_28, %add3A_445 : vector<16xi32>
      %and3A = arith.constant 15 : i32
      %and3A_447 = vector.broadcast %and3A : i32 to vector<16xi32>
      %and3A_448 = arith.andi %add3A_446, %and3A_447 : vector<16xi32>
      %lt3A_449 = arith.constant 0 : i32
      %lt3A_450 = vector.broadcast %lt3A_449 : i32 to vector<16xi32>
      %lt3A_451 = arith.cmpi slt, %and3A_448, %lt3A_450 : vector<16xi32>
      %add3A_452 = arith.constant 16 : i32
      %add3A_453 = vector.broadcast %add3A_452 : i32 to vector<16xi32>
      %add3A_454 = arith.addi %and3A_448, %add3A_453 : vector<16xi32>
      %select_n3A_455 = arith.select %lt3A_451, %add3A_454, %and3A_448 : vector<16xi1>, vector<16xi32>
      %broadcast_in_dim3A_456 = vector.shape_cast %select_n3A_455 : vector<16xi32> to vector<16x1xi32>
      %gather3A = vector.shape_cast %broadcast_in_dim3A_456 : vector<16x1xi32> to vector<16xi32>
      %gather3A_457 = tpu.dynamic_gather %select_n3A_443[%gather3A] in [0] : vector<16xi32>, vector<16xi32> -> vector<16xi32>
      %min3A = arith.minsi %select_n3A_443, %gather3A_457 : vector<16xi32>
      %add3A_458 = arith.constant 4 : i32
      %add3A_459 = vector.broadcast %add3A_458 : i32 to vector<16xi32>
      %add3A_460 = arith.addi %iota3A_28, %add3A_459 : vector<16xi32>
      %and3A_461 = arith.constant 15 : i32
      %and3A_462 = vector.broadcast %and3A_461 : i32 to vector<16xi32>
      %and3A_463 = arith.andi %add3A_460, %and3A_462 : vector<16xi32>
      %lt3A_464 = arith.constant 0 : i32
      %lt3A_465 = vector.broadcast %lt3A_464 : i32 to vector<16xi32>
      %lt3A_466 = arith.cmpi slt, %and3A_463, %lt3A_465 : vector<16xi32>
      %add3A_467 = arith.constant 16 : i32
      %add3A_468 = vector.broadcast %add3A_467 : i32 to vector<16xi32>
      %add3A_469 = arith.addi %and3A_463, %add3A_468 : vector<16xi32>
      %select_n3A_470 = arith.select %lt3A_466, %add3A_469, %and3A_463 : vector<16xi1>, vector<16xi32>
      %broadcast_in_dim3A_471 = vector.shape_cast %select_n3A_470 : vector<16xi32> to vector<16x1xi32>
      %gather3A_472 = vector.shape_cast %broadcast_in_dim3A_471 : vector<16x1xi32> to vector<16xi32>
      %gather3A_473 = tpu.dynamic_gather %min3A[%gather3A_472] in [0] : vector<16xi32>, vector<16xi32> -> vector<16xi32>
      %min3A_474 = arith.minsi %min3A, %gather3A_473 : vector<16xi32>
      %add3A_475 = arith.constant 2 : i32
      %add3A_476 = vector.broadcast %add3A_475 : i32 to vector<16xi32>
      %add3A_477 = arith.addi %iota3A_28, %add3A_476 : vector<16xi32>
      %and3A_478 = arith.constant 15 : i32
      %and3A_479 = vector.broadcast %and3A_478 : i32 to vector<16xi32>
      %and3A_480 = arith.andi %add3A_477, %and3A_479 : vector<16xi32>
      %lt3A_481 = arith.constant 0 : i32
      %lt3A_482 = vector.broadcast %lt3A_481 : i32 to vector<16xi32>
      %lt3A_483 = arith.cmpi slt, %and3A_480, %lt3A_482 : vector<16xi32>
      %add3A_484 = arith.constant 16 : i32
      %add3A_485 = vector.broadcast %add3A_484 : i32 to vector<16xi32>
      %add3A_486 = arith.addi %and3A_480, %add3A_485 : vector<16xi32>
      %select_n3A_487 = arith.select %lt3A_483, %add3A_486, %and3A_480 : vector<16xi1>, vector<16xi32>
      %broadcast_in_dim3A_488 = vector.shape_cast %select_n3A_487 : vector<16xi32> to vector<16x1xi32>
      %gather3A_489 = vector.shape_cast %broadcast_in_dim3A_488 : vector<16x1xi32> to vector<16xi32>
      %gather3A_490 = tpu.dynamic_gather %min3A_474[%gather3A_489] in [0] : vector<16xi32>, vector<16xi32> -> vector<16xi32>
      %min3A_491 = arith.minsi %min3A_474, %gather3A_490 : vector<16xi32>
      %add3A_492 = arith.constant 1 : i32
      %add3A_493 = vector.broadcast %add3A_492 : i32 to vector<16xi32>
      %add3A_494 = arith.addi %iota3A_28, %add3A_493 : vector<16xi32>
      %and3A_495 = arith.constant 15 : i32
      %and3A_496 = vector.broadcast %and3A_495 : i32 to vector<16xi32>
      %and3A_497 = arith.andi %add3A_494, %and3A_496 : vector<16xi32>
      %lt3A_498 = arith.constant 0 : i32
      %lt3A_499 = vector.broadcast %lt3A_498 : i32 to vector<16xi32>
      %lt3A_500 = arith.cmpi slt, %and3A_497, %lt3A_499 : vector<16xi32>
      %add3A_501 = arith.constant 16 : i32
      %add3A_502 = vector.broadcast %add3A_501 : i32 to vector<16xi32>
      %add3A_503 = arith.addi %and3A_497, %add3A_502 : vector<16xi32>
      %select_n3A_504 = arith.select %lt3A_500, %add3A_503, %and3A_497 : vector<16xi1>, vector<16xi32>
      %broadcast_in_dim3A_505 = vector.shape_cast %select_n3A_504 : vector<16xi32> to vector<16x1xi32>
      %gather3A_506 = vector.shape_cast %broadcast_in_dim3A_505 : vector<16x1xi32> to vector<16xi32>
      %gather3A_507 = tpu.dynamic_gather %min3A_491[%gather3A_506] in [0] : vector<16xi32>, vector<16xi32> -> vector<16xi32>
      %min3A_508 = arith.minsi %min3A_491, %gather3A_507 : vector<16xi32>
      %slice3A_509 = vector.extract_strided_slice %min3A_508 {offsets = [0], sizes = [1], strides = [1]} : vector<16xi32> to vector<1xi32>
      %squeeze3A_510 = vector.extract %slice3A_509[0] : i32 from vector<1xi32>
      %while3A_511 = arith.constant 0 : i32
      %while3A_512 = arith.subi %squeeze3A_510, %while3A_511 : i32
      %while3A_513 = arith.addi %while3A_511, %while3A_512 : i32
      %while3A_514 = arith.constant 1 : i32
      %while3A_515 = arith.divsi %while3A_512, %while3A_514 : i32
      %while3A_516 = arith.muli %while3A_515, %while3A_514 : i32
      %while3A_517 = arith.addi %while3A_511, %while3A_516 : i32
      %while3A_518 = arith.constant 1 : i32
      %while3A_519:8 = scf.for %while3A_533 = %while3A_511 to %while3A_517 step %while3A_518 iter_args(%while3A_534 = %scan3A_421, %while3A_535 = %scan3A_422, %while3A_536 = %scan3A_423, %while3A_537 = %scan3A_424, %while3A_538 = %scan3A_425, %while3A_539 = %scan3A_426, %while3A_540 = %scan3A_427, %while3A_541 = %scan3A_428) -> (vector<16xf32>, vector<16xf32>, vector<16xf32>, vector<16xf32>, vector<16xf32>, vector<16xf32>, vector<16xf32>, vector<16xf32>)  : i32 {
        %add3A_542 = arith.addi %mul3A_430, %while3A_533 : i32
        %get3A_543 = arith.index_cast %add3A_542 : i32 to index
        %get3A_544 = arith.constant 0 : index
        %get3A_545 = tpu.vector_load %arg13[%get3A_543, %get3A_544] {strides = array<i32>} : memref<128x128xf32, #tpu.memory_space<vmem>>, vector<1x16xf32>,
        %get3A_546 = vector.shape_cast %get3A_545 : vector<1x16xf32> to vector<16xf32>
        %max3A = arith.maximumf %while3A_534, %get3A_546 : vector<16xf32>
        %add3A_547 = arith.addi %mul3A_430, %while3A_533 : i32
        %get3A_548 = arith.index_cast %add3A_547 : i32 to index
        %get3A_549 = arith.constant 16 : index
        %get3A_550 = tpu.vector_load %arg13[%get3A_548, %get3A_549] {strides = array<i32>} : memref<128x128xf32, #tpu.memory_space<vmem>>, vector<1x16xf32>,
        %get3A_551 = vector.shape_cast %get3A_550 : vector<1x16xf32> to vector<16xf32>
        %max3A_552 = arith.maximumf %while3A_535, %get3A_551 : vector<16xf32>
        %add3A_553 = arith.addi %mul3A_430, %while3A_533 : i32
        %get3A_554 = arith.index_cast %add3A_553 : i32 to index
        %get3A_555 = arith.constant 32 : index
        %get3A_556 = tpu.vector_load %arg13[%get3A_554, %get3A_555] {strides = array<i32>} : memref<128x128xf32, #tpu.memory_space<vmem>>, vector<1x16xf32>,
        %get3A_557 = vector.shape_cast %get3A_556 : vector<1x16xf32> to vector<16xf32>
        %max3A_558 = arith.maximumf %while3A_536, %get3A_557 : vector<16xf32>
        %add3A_559 = arith.addi %mul3A_430, %while3A_533 : i32
        %get3A_560 = arith.index_cast %add3A_559 : i32 to index
        %get3A_561 = arith.constant 48 : index
        %get3A_562 = tpu.vector_load %arg13[%get3A_560, %get3A_561] {strides = array<i32>} : memref<128x128xf32, #tpu.memory_space<vmem>>, vector<1x16xf32>,
        %get3A_563 = vector.shape_cast %get3A_562 : vector<1x16xf32> to vector<16xf32>
        %max3A_564 = arith.maximumf %while3A_537, %get3A_563 : vector<16xf32>
        %add3A_565 = arith.addi %mul3A_430, %while3A_533 : i32
        %get3A_566 = arith.index_cast %add3A_565 : i32 to index
        %get3A_567 = arith.constant 64 : index
        %get3A_568 = tpu.vector_load %arg13[%get3A_566, %get3A_567] {strides = array<i32>} : memref<128x128xf32, #tpu.memory_space<vmem>>, vector<1x16xf32>,
        %get3A_569 = vector.shape_cast %get3A_568 : vector<1x16xf32> to vector<16xf32>
        %max3A_570 = arith.maximumf %while3A_538, %get3A_569 : vector<16xf32>
        %add3A_571 = arith.addi %mul3A_430, %while3A_533 : i32
        %get3A_572 = arith.index_cast %add3A_571 : i32 to index
        %get3A_573 = arith.constant 80 : index
        %get3A_574 = tpu.vector_load %arg13[%get3A_572, %get3A_573] {strides = array<i32>} : memref<128x128xf32, #tpu.memory_space<vmem>>, vector<1x16xf32>,
        %get3A_575 = vector.shape_cast %get3A_574 : vector<1x16xf32> to vector<16xf32>
        %max3A_576 = arith.maximumf %while3A_539, %get3A_575 : vector<16xf32>
        %add3A_577 = arith.addi %mul3A_430, %while3A_533 : i32
        %get3A_578 = arith.index_cast %add3A_577 : i32 to index
        %get3A_579 = arith.constant 96 : index
        %get3A_580 = tpu.vector_load %arg13[%get3A_578, %get3A_579] {strides = array<i32>} : memref<128x128xf32, #tpu.memory_space<vmem>>, vector<1x16xf32>,
        %get3A_581 = vector.shape_cast %get3A_580 : vector<1x16xf32> to vector<16xf32>
        %max3A_582 = arith.maximumf %while3A_540, %get3A_581 : vector<16xf32>
        %add3A_583 = arith.addi %mul3A_430, %while3A_533 : i32
        %get3A_584 = arith.index_cast %add3A_583 : i32 to index
        %get3A_585 = arith.constant 112 : index
        %get3A_586 = tpu.vector_load %arg13[%get3A_584, %get3A_585] {strides = array<i32>} : memref<128x128xf32, #tpu.memory_space<vmem>>, vector<1x16xf32>,
        %get3A_587 = vector.shape_cast %get3A_586 : vector<1x16xf32> to vector<16xf32>
        %max3A_588 = arith.maximumf %while3A_541, %get3A_587 : vector<16xf32>
        scf.yield %max3A, %max3A_552, %max3A_558, %max3A_564, %max3A_570, %max3A_576, %max3A_582, %max3A_588 : vector<16xf32>, vector<16xf32>, vector<16xf32>, vector<16xf32>, vector<16xf32>, vector<16xf32>, vector<16xf32>, vector<16xf32>
      }
      %while3A_520 = arith.constant 1 : i32
      %while3A_521:8 = scf.for %while3A_533 = %while3A_517 to %while3A_513 step %while3A_520 iter_args(%while3A_534 = %while3A_519#0, %while3A_535 = %while3A_519#1, %while3A_536 = %while3A_519#2, %while3A_537 = %while3A_519#3, %while3A_538 = %while3A_519#4, %while3A_539 = %while3A_519#5, %while3A_540 = %while3A_519#6, %while3A_541 = %while3A_519#7) -> (vector<16xf32>, vector<16xf32>, vector<16xf32>, vector<16xf32>, vector<16xf32>, vector<16xf32>, vector<16xf32>, vector<16xf32>)  : i32 {
        %add3A_542 = arith.addi %mul3A_430, %while3A_533 : i32
        %get3A_543 = arith.index_cast %add3A_542 : i32 to index
        %get3A_544 = arith.constant 0 : index
        %get3A_545 = tpu.vector_load %arg13[%get3A_543, %get3A_544] {strides = array<i32>} : memref<128x128xf32, #tpu.memory_space<vmem>>, vector<1x16xf32>,
        %get3A_546 = vector.shape_cast %get3A_545 : vector<1x16xf32> to vector<16xf32>
        %max3A = arith.maximumf %while3A_534, %get3A_546 : vector<16xf32>
        %add3A_547 = arith.addi %mul3A_430, %while3A_533 : i32
        %get3A_548 = arith.index_cast %add3A_547 : i32 to index
        %get3A_549 = arith.constant 16 : index
        %get3A_550 = tpu.vector_load %arg13[%get3A_548, %get3A_549] {strides = array<i32>} : memref<128x128xf32, #tpu.memory_space<vmem>>, vector<1x16xf32>,
        %get3A_551 = vector.shape_cast %get3A_550 : vector<1x16xf32> to vector<16xf32>
        %max3A_552 = arith.maximumf %while3A_535, %get3A_551 : vector<16xf32>
        %add3A_553 = arith.addi %mul3A_430, %while3A_533 : i32
        %get3A_554 = arith.index_cast %add3A_553 : i32 to index
        %get3A_555 = arith.constant 32 : index
        %get3A_556 = tpu.vector_load %arg13[%get3A_554, %get3A_555] {strides = array<i32>} : memref<128x128xf32, #tpu.memory_space<vmem>>, vector<1x16xf32>,
        %get3A_557 = vector.shape_cast %get3A_556 : vector<1x16xf32> to vector<16xf32>
        %max3A_558 = arith.maximumf %while3A_536, %get3A_557 : vector<16xf32>
        %add3A_559 = arith.addi %mul3A_430, %while3A_533 : i32
        %get3A_560 = arith.index_cast %add3A_559 : i32 to index
        %get3A_561 = arith.constant 48 : index
        %get3A_562 = tpu.vector_load %arg13[%get3A_560, %get3A_561] {strides = array<i32>} : memref<128x128xf32, #tpu.memory_space<vmem>>, vector<1x16xf32>,
        %get3A_563 = vector.shape_cast %get3A_562 : vector<1x16xf32> to vector<16xf32>
        %max3A_564 = arith.maximumf %while3A_537, %get3A_563 : vector<16xf32>
        %add3A_565 = arith.addi %mul3A_430, %while3A_533 : i32
        %get3A_566 = arith.index_cast %add3A_565 : i32 to index
        %get3A_567 = arith.constant 64 : index
        %get3A_568 = tpu.vector_load %arg13[%get3A_566, %get3A_567] {strides = array<i32>} : memref<128x128xf32, #tpu.memory_space<vmem>>, vector<1x16xf32>,
        %get3A_569 = vector.shape_cast %get3A_568 : vector<1x16xf32> to vector<16xf32>
        %max3A_570 = arith.maximumf %while3A_538, %get3A_569 : vector<16xf32>
        %add3A_571 = arith.addi %mul3A_430, %while3A_533 : i32
        %get3A_572 = arith.index_cast %add3A_571 : i32 to index
        %get3A_573 = arith.constant 80 : index
        %get3A_574 = tpu.vector_load %arg13[%get3A_572, %get3A_573] {strides = array<i32>} : memref<128x128xf32, #tpu.memory_space<vmem>>, vector<1x16xf32>,
        %get3A_575 = vector.shape_cast %get3A_574 : vector<1x16xf32> to vector<16xf32>
        %max3A_576 = arith.maximumf %while3A_539, %get3A_575 : vector<16xf32>
        %add3A_577 = arith.addi %mul3A_430, %while3A_533 : i32
        %get3A_578 = arith.index_cast %add3A_577 : i32 to index
        %get3A_579 = arith.constant 96 : index
        %get3A_580 = tpu.vector_load %arg13[%get3A_578, %get3A_579] {strides = array<i32>} : memref<128x128xf32, #tpu.memory_space<vmem>>, vector<1x16xf32>,
        %get3A_581 = vector.shape_cast %get3A_580 : vector<1x16xf32> to vector<16xf32>
        %max3A_582 = arith.maximumf %while3A_540, %get3A_581 : vector<16xf32>
        %add3A_583 = arith.addi %mul3A_430, %while3A_533 : i32
        %get3A_584 = arith.index_cast %add3A_583 : i32 to index
        %get3A_585 = arith.constant 112 : index
        %get3A_586 = tpu.vector_load %arg13[%get3A_584, %get3A_585] {strides = array<i32>} : memref<128x128xf32, #tpu.memory_space<vmem>>, vector<1x16xf32>,
        %get3A_587 = vector.shape_cast %get3A_586 : vector<1x16xf32> to vector<16xf32>
        %max3A_588 = arith.maximumf %while3A_541, %get3A_587 : vector<16xf32>
        scf.yield %max3A, %max3A_552, %max3A_558, %max3A_564, %max3A_570, %max3A_576, %max3A_582, %max3A_588 : vector<16xf32>, vector<16xf32>, vector<16xf32>, vector<16xf32>, vector<16xf32>, vector<16xf32>, vector<16xf32>, vector<16xf32>
      }
      %while3A_522 = arith.constant 16 : i32
      %while3A_523 = arith.subi %while3A_522, %squeeze3A_510 : i32
      %while3A_524 = arith.addi %squeeze3A_510, %while3A_523 : i32
      %while3A_525 = arith.constant 1 : i32
      %while3A_526 = arith.divsi %while3A_523, %while3A_525 : i32
      %while3A_527 = arith.muli %while3A_526, %while3A_525 : i32
      %while3A_528 = arith.addi %squeeze3A_510, %while3A_527 : i32
      %while3A_529 = arith.constant 1 : i32
      %while3A_530:10 = scf.for %while3A_533 = %squeeze3A_510 to %while3A_528 step %while3A_529 iter_args(%while3A_534 = %scan3A_419, %while3A_535 = %scan3A_420, %while3A_536 = %while3A_521#0, %while3A_537 = %while3A_521#1, %while3A_538 = %while3A_521#2, %while3A_539 = %while3A_521#3, %while3A_540 = %while3A_521#4, %while3A_541 = %while3A_521#5, %while3A_542 = %while3A_521#6, %while3A_543 = %while3A_521#7) -> (i32, i32, vector<16xf32>, vector<16xf32>, vector<16xf32>, vector<16xf32>, vector<16xf32>, vector<16xf32>, vector<16xf32>, vector<16xf32>)  : i32 {
        %add3A_544 = arith.constant 16 : i32
        %add3A_545 = arith.addi %add3A_544, %mul3A_430 : i32
        %add3A_546 = arith.addi %add3A_545, %while3A_533 : i32
        %get3A_547 = arith.index_cast %add3A_546 : i32 to index
        %get3A_548 = tpu.vector_load %arg14[%get3A_547] {strides = array<i32>} : memref<160xi32, #tpu.memory_space<vmem>>, vector<16xi32>,
        %get3A_549 = vector.shape_cast %get3A_548 : vector<16xi32> to vector<16xi32>
        %slice3A_550 = vector.extract_strided_slice %get3A_549 {offsets = [0], sizes = [1], strides = [1]} : vector<16xi32> to vector<1xi32>
        %squeeze3A_551 = vector.extract %slice3A_550[0] : i32 from vector<1xi32>
        %ne3A_552 = arith.cmpi ne, %squeeze3A_551, %while3A_534 : i32
        %convert_element_type3A_553 = arith.extui %ne3A_552 : i1 to i32
        %cond3A_554 = arith.constant 0 : i32
        %cond3A_555 = arith.cmpi ne, %convert_element_type3A_553, %cond3A_554 : i32
        scf.if %cond3A_555 {
          %eq3A_613 = arith.constant 0 : i32
          %eq3A_614 = arith.cmpi eq, %while3A_535, %eq3A_613 : i32
          %convert_element_type3A_615 = arith.extui %eq3A_614 : i1 to i32
          %cond3A_616 = arith.constant 0 : i32
          %cond3A_617 = arith.cmpi ne, %convert_element_type3A_615, %cond3A_616 : i32
          scf.if %cond3A_617 {
            %swap3A_622 = arith.constant 0 : index
            %swap3A_623 = tpu.vector_load %arg18[%swap3A_622] {strides = array<i32>} : memref<256xf32, #tpu.memory_space<vmem>>, vector<16xf32>,
            %swap3A_624 = vector.shape_cast %swap3A_623 : vector<16xf32> to vector<16xf32>
            %swap3A_625 = vector.shape_cast %while3A_536 : vector<16xf32> to vector<16xf32>
            tpu.vector_store %arg18[%swap3A_622], %swap3A_625 {strides = array<i32>} : memref<256xf32, #tpu.memory_space<vmem>>, vector<16xf32>,
            %swap3A_626 = arith.constant 16 : index
            %swap3A_627 = tpu.vector_load %arg18[%swap3A_626] {strides = array<i32>} : memref<256xf32, #tpu.memory_space<vmem>>, vector<16xf32>,
            %swap3A_628 = vector.shape_cast %swap3A_627 : vector<16xf32> to vector<16xf32>
            %swap3A_629 = vector.shape_cast %while3A_537 : vector<16xf32> to vector<16xf32>
            tpu.vector_store %arg18[%swap3A_626], %swap3A_629 {strides = array<i32>} : memref<256xf32, #tpu.memory_space<vmem>>, vector<16xf32>,
            %swap3A_630 = arith.constant 32 : index
            %swap3A_631 = tpu.vector_load %arg18[%swap3A_630] {strides = array<i32>} : memref<256xf32, #tpu.memory_space<vmem>>, vector<16xf32>,
            %swap3A_632 = vector.shape_cast %swap3A_631 : vector<16xf32> to vector<16xf32>
            %swap3A_633 = vector.shape_cast %while3A_538 : vector<16xf32> to vector<16xf32>
            tpu.vector_store %arg18[%swap3A_630], %swap3A_633 {strides = array<i32>} : memref<256xf32, #tpu.memory_space<vmem>>, vector<16xf32>,
            %swap3A_634 = arith.constant 48 : index
            %swap3A_635 = tpu.vector_load %arg18[%swap3A_634] {strides = array<i32>} : memref<256xf32, #tpu.memory_space<vmem>>, vector<16xf32>,
            %swap3A_636 = vector.shape_cast %swap3A_635 : vector<16xf32> to vector<16xf32>
            %swap3A_637 = vector.shape_cast %while3A_539 : vector<16xf32> to vector<16xf32>
            tpu.vector_store %arg18[%swap3A_634], %swap3A_637 {strides = array<i32>} : memref<256xf32, #tpu.memory_space<vmem>>, vector<16xf32>,
            %swap3A_638 = arith.constant 64 : index
            %swap3A_639 = tpu.vector_load %arg18[%swap3A_638] {strides = array<i32>} : memref<256xf32, #tpu.memory_space<vmem>>, vector<16xf32>,
            %swap3A_640 = vector.shape_cast %swap3A_639 : vector<16xf32> to vector<16xf32>
            %swap3A_641 = vector.shape_cast %while3A_540 : vector<16xf32> to vector<16xf32>
            tpu.vector_store %arg18[%swap3A_638], %swap3A_641 {strides = array<i32>} : memref<256xf32, #tpu.memory_space<vmem>>, vector<16xf32>,
            %swap3A_642 = arith.constant 80 : index
            %swap3A_643 = tpu.vector_load %arg18[%swap3A_642] {strides = array<i32>} : memref<256xf32, #tpu.memory_space<vmem>>, vector<16xf32>,
            %swap3A_644 = vector.shape_cast %swap3A_643 : vector<16xf32> to vector<16xf32>
            %swap3A_645 = vector.shape_cast %while3A_541 : vector<16xf32> to vector<16xf32>
            tpu.vector_store %arg18[%swap3A_642], %swap3A_645 {strides = array<i32>} : memref<256xf32, #tpu.memory_space<vmem>>, vector<16xf32>,
            %swap3A_646 = arith.constant 96 : index
            %swap3A_647 = tpu.vector_load %arg18[%swap3A_646] {strides = array<i32>} : memref<256xf32, #tpu.memory_space<vmem>>, vector<16xf32>,
            %swap3A_648 = vector.shape_cast %swap3A_647 : vector<16xf32> to vector<16xf32>
            %swap3A_649 = vector.shape_cast %while3A_542 : vector<16xf32> to vector<16xf32>
            tpu.vector_store %arg18[%swap3A_646], %swap3A_649 {strides = array<i32>} : memref<256xf32, #tpu.memory_space<vmem>>, vector<16xf32>,
            %swap3A_650 = arith.constant 112 : index
            %swap3A_651 = tpu.vector_load %arg18[%swap3A_650] {strides = array<i32>} : memref<256xf32, #tpu.memory_space<vmem>>, vector<16xf32>,
            %swap3A_652 = vector.shape_cast %swap3A_651 : vector<16xf32> to vector<16xf32>
            %swap3A_653 = vector.shape_cast %while3A_543 : vector<16xf32> to vector<16xf32>
            tpu.vector_store %arg18[%swap3A_650], %swap3A_653 {strides = array<i32>} : memref<256xf32, #tpu.memory_space<vmem>>, vector<16xf32>,
            %broadcast_in_dim3A_654 = vector.broadcast %while3A_534 : i32 to vector<16xi32>
            %swap3A_655 = arith.constant 0 : index
            %swap3A_656 = tpu.vector_load %arg19[%swap3A_655] {strides = array<i32>} : memref<32xi32, #tpu.memory_space<vmem>>, vector<16xi32>,
            %swap3A_657 = vector.shape_cast %swap3A_656 : vector<16xi32> to vector<16xi32>
            %swap3A_658 = vector.shape_cast %broadcast_in_dim3A_654 : vector<16xi32> to vector<16xi32>
            tpu.vector_store %arg19[%swap3A_655], %swap3A_658 {strides = array<i32>} : memref<32xi32, #tpu.memory_space<vmem>>, vector<16xi32>,
          } else {
          }
          %not3A = arith.constant true
          %not3A_618 = arith.xori %eq3A_614, %not3A : i1
          %convert_element_type3A_619 = arith.extui %not3A_618 : i1 to i32
          %cond3A_620 = arith.constant 0 : i32
          %cond3A_621 = arith.cmpi ne, %convert_element_type3A_619, %cond3A_620 : i32
          scf.if %cond3A_621 {
            %swap3A_622 = arith.constant 0 : index
            %swap3A_623 = tpu.vector_load %arg17[%swap3A_622] {strides = array<i32>} : memref<128xf32, #tpu.memory_space<vmem>>, vector<16xf32>,
            %swap3A_624 = vector.shape_cast %swap3A_623 : vector<16xf32> to vector<16xf32>
            %swap3A_625 = vector.shape_cast %while3A_536 : vector<16xf32> to vector<16xf32>
            tpu.vector_store %arg17[%swap3A_622], %swap3A_625 {strides = array<i32>} : memref<128xf32, #tpu.memory_space<vmem>>, vector<16xf32>,
            %swap3A_626 = arith.constant 16 : index
            %swap3A_627 = tpu.vector_load %arg17[%swap3A_626] {strides = array<i32>} : memref<128xf32, #tpu.memory_space<vmem>>, vector<16xf32>,
            %swap3A_628 = vector.shape_cast %swap3A_627 : vector<16xf32> to vector<16xf32>
            %swap3A_629 = vector.shape_cast %while3A_537 : vector<16xf32> to vector<16xf32>
            tpu.vector_store %arg17[%swap3A_626], %swap3A_629 {strides = array<i32>} : memref<128xf32, #tpu.memory_space<vmem>>, vector<16xf32>,
            %swap3A_630 = arith.constant 32 : index
            %swap3A_631 = tpu.vector_load %arg17[%swap3A_630] {strides = array<i32>} : memref<128xf32, #tpu.memory_space<vmem>>, vector<16xf32>,
            %swap3A_632 = vector.shape_cast %swap3A_631 : vector<16xf32> to vector<16xf32>
            %swap3A_633 = vector.shape_cast %while3A_538 : vector<16xf32> to vector<16xf32>
            tpu.vector_store %arg17[%swap3A_630], %swap3A_633 {strides = array<i32>} : memref<128xf32, #tpu.memory_space<vmem>>, vector<16xf32>,
            %swap3A_634 = arith.constant 48 : index
            %swap3A_635 = tpu.vector_load %arg17[%swap3A_634] {strides = array<i32>} : memref<128xf32, #tpu.memory_space<vmem>>, vector<16xf32>,
            %swap3A_636 = vector.shape_cast %swap3A_635 : vector<16xf32> to vector<16xf32>
            %swap3A_637 = vector.shape_cast %while3A_539 : vector<16xf32> to vector<16xf32>
            tpu.vector_store %arg17[%swap3A_634], %swap3A_637 {strides = array<i32>} : memref<128xf32, #tpu.memory_space<vmem>>, vector<16xf32>,
            %swap3A_638 = arith.constant 64 : index
            %swap3A_639 = tpu.vector_load %arg17[%swap3A_638] {strides = array<i32>} : memref<128xf32, #tpu.memory_space<vmem>>, vector<16xf32>,
            %swap3A_640 = vector.shape_cast %swap3A_639 : vector<16xf32> to vector<16xf32>
            %swap3A_641 = vector.shape_cast %while3A_540 : vector<16xf32> to vector<16xf32>
            tpu.vector_store %arg17[%swap3A_638], %swap3A_641 {strides = array<i32>} : memref<128xf32, #tpu.memory_space<vmem>>, vector<16xf32>,
            %swap3A_642 = arith.constant 80 : index
            %swap3A_643 = tpu.vector_load %arg17[%swap3A_642] {strides = array<i32>} : memref<128xf32, #tpu.memory_space<vmem>>, vector<16xf32>,
            %swap3A_644 = vector.shape_cast %swap3A_643 : vector<16xf32> to vector<16xf32>
            %swap3A_645 = vector.shape_cast %while3A_541 : vector<16xf32> to vector<16xf32>
            tpu.vector_store %arg17[%swap3A_642], %swap3A_645 {strides = array<i32>} : memref<128xf32, #tpu.memory_space<vmem>>, vector<16xf32>,
            %swap3A_646 = arith.constant 96 : index
            %swap3A_647 = tpu.vector_load %arg17[%swap3A_646] {strides = array<i32>} : memref<128xf32, #tpu.memory_space<vmem>>, vector<16xf32>,
            %swap3A_648 = vector.shape_cast %swap3A_647 : vector<16xf32> to vector<16xf32>
            %swap3A_649 = vector.shape_cast %while3A_542 : vector<16xf32> to vector<16xf32>
            tpu.vector_store %arg17[%swap3A_646], %swap3A_649 {strides = array<i32>} : memref<128xf32, #tpu.memory_space<vmem>>, vector<16xf32>,
            %swap3A_650 = arith.constant 112 : index
            %swap3A_651 = tpu.vector_load %arg17[%swap3A_650] {strides = array<i32>} : memref<128xf32, #tpu.memory_space<vmem>>, vector<16xf32>,
            %swap3A_652 = vector.shape_cast %swap3A_651 : vector<16xf32> to vector<16xf32>
            %swap3A_653 = vector.shape_cast %while3A_543 : vector<16xf32> to vector<16xf32>
            tpu.vector_store %arg17[%swap3A_650], %swap3A_653 {strides = array<i32>} : memref<128xf32, #tpu.memory_space<vmem>>, vector<16xf32>,
            %run_scoped3A = arith.constant 0 : i32
            "tpu.region"() ({
              %run_scoped3A_654 = tpu.sem_alloc : memref<!tpu.dma_semaphore, #tpu.memory_space<semaphore_mem>>
              %dma_start3A_655 = arith.constant 0 : i32
              %dma_start3A_656 = tpu.memref_slice %arg7[%while3A_534, %run_scoped3A, %dma_start3A_655] : memref<1024x1x128xf32, #tpu.memory_space<hbm>> -> memref<1x1x128xf32, #tpu.memory_space<hbm>>
              %dma_start3A_657 = tpu.memref_squeeze %dma_start3A_656 : memref<1x1x128xf32, #tpu.memory_space<hbm>> -> memref<128xf32, #tpu.memory_space<hbm>>
              %dma_start3A_658 = arith.constant 0 : i32
              %dma_start3A_659 = tpu.memref_slice %arg7[%while3A_534, %run_scoped3A, %dma_start3A_658] : memref<1024x1x128xf32, #tpu.memory_space<hbm>> -> memref<1x1x128xf32, #tpu.memory_space<hbm>>
              %dma_start3A_660 = tpu.memref_squeeze %dma_start3A_659 : memref<1x1x128xf32, #tpu.memory_space<hbm>> -> memref<128xf32, #tpu.memory_space<hbm>>
              tpu.enqueue_dma source(%arg17 : memref<128xf32, #tpu.memory_space<vmem>>) target(%dma_start3A_660 : memref<128xf32, #tpu.memory_space<hbm>>) target_semaphore(%run_scoped3A_654 : memref<!tpu.dma_semaphore, #tpu.memory_space<semaphore_mem>>)
              %dma_wait3A_661 = arith.constant 0 : i32
              %dma_wait3A_662 = tpu.memref_slice %arg7[%while3A_534, %run_scoped3A, %dma_wait3A_661] : memref<1024x1x128xf32, #tpu.memory_space<hbm>> -> memref<1x1x128xf32, #tpu.memory_space<hbm>>
              %dma_wait3A_663 = tpu.memref_squeeze %dma_wait3A_662 : memref<1x1x128xf32, #tpu.memory_space<hbm>> -> memref<128xf32, #tpu.memory_space<hbm>>
              %dma_wait3A_664 = arith.constant 0 : i32
              %dma_wait3A_665 = tpu.memref_slice %arg7[%while3A_534, %run_scoped3A, %dma_wait3A_664] : memref<1024x1x128xf32, #tpu.memory_space<hbm>> -> memref<1x1x128xf32, #tpu.memory_space<hbm>>
              %dma_wait3A_666 = tpu.memref_squeeze %dma_wait3A_665 : memref<1x1x128xf32, #tpu.memory_space<hbm>> -> memref<128xf32, #tpu.memory_space<hbm>>
              tpu.wait_dma2 semaphore(%run_scoped3A_654 : memref<!tpu.dma_semaphore, #tpu.memory_space<semaphore_mem>>) src(%arg17 : memref<128xf32, #tpu.memory_space<vmem>>) dst(%dma_wait3A_666 : memref<128xf32, #tpu.memory_space<hbm>>)
              tpu.yield
            }) : () -> ()
          } else {
          }
        } else {
        }
        %add3A_556 = arith.addi %mul3A_430, %while3A_533 : i32
        %get3A_557 = arith.index_cast %add3A_556 : i32 to index
        %get3A_558 = arith.constant 0 : index
        %get3A_559 = tpu.vector_load %arg13[%get3A_557, %get3A_558] {strides = array<i32>} : memref<128x128xf32, #tpu.memory_space<vmem>>, vector<1x16xf32>,
        %get3A_560 = vector.shape_cast %get3A_559 : vector<1x16xf32> to vector<16xf32>
        %max3A = arith.maximumf %while3A_536, %get3A_560 : vector<16xf32>
        %select_n3A_561 = arith.select %ne3A_552, %get3A_560, %max3A : vector<16xf32>
        %add3A_562 = arith.addi %mul3A_430, %while3A_533 : i32
        %get3A_563 = arith.index_cast %add3A_562 : i32 to index
        %get3A_564 = arith.constant 16 : index
        %get3A_565 = tpu.vector_load %arg13[%get3A_563, %get3A_564] {strides = array<i32>} : memref<128x128xf32, #tpu.memory_space<vmem>>, vector<1x16xf32>,
        %get3A_566 = vector.shape_cast %get3A_565 : vector<1x16xf32> to vector<16xf32>
        %max3A_567 = arith.maximumf %while3A_537, %get3A_566 : vector<16xf32>
        %select_n3A_568 = arith.select %ne3A_552, %get3A_566, %max3A_567 : vector<16xf32>
        %add3A_569 = arith.addi %mul3A_430, %while3A_533 : i32
        %get3A_570 = arith.index_cast %add3A_569 : i32 to index
        %get3A_571 = arith.constant 32 : index
        %get3A_572 = tpu.vector_load %arg13[%get3A_570, %get3A_571] {strides = array<i32>} : memref<128x128xf32, #tpu.memory_space<vmem>>, vector<1x16xf32>,
        %get3A_573 = vector.shape_cast %get3A_572 : vector<1x16xf32> to vector<16xf32>
        %max3A_574 = arith.maximumf %while3A_538, %get3A_573 : vector<16xf32>
        %select_n3A_575 = arith.select %ne3A_552, %get3A_573, %max3A_574 : vector<16xf32>
        %add3A_576 = arith.addi %mul3A_430, %while3A_533 : i32
        %get3A_577 = arith.index_cast %add3A_576 : i32 to index
        %get3A_578 = arith.constant 48 : index
        %get3A_579 = tpu.vector_load %arg13[%get3A_577, %get3A_578] {strides = array<i32>} : memref<128x128xf32, #tpu.memory_space<vmem>>, vector<1x16xf32>,
        %get3A_580 = vector.shape_cast %get3A_579 : vector<1x16xf32> to vector<16xf32>
        %max3A_581 = arith.maximumf %while3A_539, %get3A_580 : vector<16xf32>
        %select_n3A_582 = arith.select %ne3A_552, %get3A_580, %max3A_581 : vector<16xf32>
        %add3A_583 = arith.addi %mul3A_430, %while3A_533 : i32
        %get3A_584 = arith.index_cast %add3A_583 : i32 to index
        %get3A_585 = arith.constant 64 : index
        %get3A_586 = tpu.vector_load %arg13[%get3A_584, %get3A_585] {strides = array<i32>} : memref<128x128xf32, #tpu.memory_space<vmem>>, vector<1x16xf32>,
        %get3A_587 = vector.shape_cast %get3A_586 : vector<1x16xf32> to vector<16xf32>
        %max3A_588 = arith.maximumf %while3A_540, %get3A_587 : vector<16xf32>
        %select_n3A_589 = arith.select %ne3A_552, %get3A_587, %max3A_588 : vector<16xf32>
        %add3A_590 = arith.addi %mul3A_430, %while3A_533 : i32
        %get3A_591 = arith.index_cast %add3A_590 : i32 to index
        %get3A_592 = arith.constant 80 : index
        %get3A_593 = tpu.vector_load %arg13[%get3A_591, %get3A_592] {strides = array<i32>} : memref<128x128xf32, #tpu.memory_space<vmem>>, vector<1x16xf32>,
        %get3A_594 = vector.shape_cast %get3A_593 : vector<1x16xf32> to vector<16xf32>
        %max3A_595 = arith.maximumf %while3A_541, %get3A_594 : vector<16xf32>
        %select_n3A_596 = arith.select %ne3A_552, %get3A_594, %max3A_595 : vector<16xf32>
        %add3A_597 = arith.addi %mul3A_430, %while3A_533 : i32
        %get3A_598 = arith.index_cast %add3A_597 : i32 to index
        %get3A_599 = arith.constant 96 : index
        %get3A_600 = tpu.vector_load %arg13[%get3A_598, %get3A_599] {strides = array<i32>} : memref<128x128xf32, #tpu.memory_space<vmem>>, vector<1x16xf32>,
        %get3A_601 = vector.shape_cast %get3A_600 : vector<1x16xf32> to vector<16xf32>
        %max3A_602 = arith.maximumf %while3A_542, %get3A_601 : vector<16xf32>
        %select_n3A_603 = arith.select %ne3A_552, %get3A_601, %max3A_602 : vector<16xf32>
        %add3A_604 = arith.addi %mul3A_430, %while3A_533 : i32
        %get3A_605 = arith.index_cast %add3A_604 : i32 to index
        %get3A_606 = arith.constant 112 : index
        %get3A_607 = tpu.vector_load %arg13[%get3A_605, %get3A_606] {strides = array<i32>} : memref<128x128xf32, #tpu.memory_space<vmem>>, vector<1x16xf32>,
        %get3A_608 = vector.shape_cast %get3A_607 : vector<1x16xf32> to vector<16xf32>
        %max3A_609 = arith.maximumf %while3A_543, %get3A_608 : vector<16xf32>
        %select_n3A_610 = arith.select %ne3A_552, %get3A_608, %max3A_609 : vector<16xf32>
        %convert_element_type3A_611 = arith.extui %ne3A_552 : i1 to i32
        %add3A_612 = arith.addi %while3A_535, %convert_element_type3A_611 : i32
        scf.yield %squeeze3A_551, %add3A_612, %select_n3A_561, %select_n3A_568, %select_n3A_575, %select_n3A_582, %select_n3A_589, %select_n3A_596, %select_n3A_603, %select_n3A_610 : i32, i32, vector<16xf32>, vector<16xf32>, vector<16xf32>, vector<16xf32>, vector<16xf32>, vector<16xf32>, vector<16xf32>, vector<16xf32>
      }
      %while3A_531 = arith.constant 1 : i32
      %while3A_532:10 = scf.for %while3A_533 = %while3A_528 to %while3A_524 step %while3A_531 iter_args(%while3A_534 = %while3A_530#0, %while3A_535 = %while3A_530#1, %while3A_536 = %while3A_530#2, %while3A_537 = %while3A_530#3, %while3A_538 = %while3A_530#4, %while3A_539 = %while3A_530#5, %while3A_540 = %while3A_530#6, %while3A_541 = %while3A_530#7, %while3A_542 = %while3A_530#8, %while3A_543 = %while3A_530#9) -> (i32, i32, vector<16xf32>, vector<16xf32>, vector<16xf32>, vector<16xf32>, vector<16xf32>, vector<16xf32>, vector<16xf32>, vector<16xf32>)  : i32 {
        %add3A_544 = arith.constant 16 : i32
        %add3A_545 = arith.addi %add3A_544, %mul3A_430 : i32
        %add3A_546 = arith.addi %add3A_545, %while3A_533 : i32
        %get3A_547 = arith.index_cast %add3A_546 : i32 to index
        %get3A_548 = tpu.vector_load %arg14[%get3A_547] {strides = array<i32>} : memref<160xi32, #tpu.memory_space<vmem>>, vector<16xi32>,
        %get3A_549 = vector.shape_cast %get3A_548 : vector<16xi32> to vector<16xi32>
        %slice3A_550 = vector.extract_strided_slice %get3A_549 {offsets = [0], sizes = [1], strides = [1]} : vector<16xi32> to vector<1xi32>
        %squeeze3A_551 = vector.extract %slice3A_550[0] : i32 from vector<1xi32>
        %ne3A_552 = arith.cmpi ne, %squeeze3A_551, %while3A_534 : i32
        %convert_element_type3A_553 = arith.extui %ne3A_552 : i1 to i32
        %cond3A_554 = arith.constant 0 : i32
        %cond3A_555 = arith.cmpi ne, %convert_element_type3A_553, %cond3A_554 : i32
        scf.if %cond3A_555 {
          %eq3A_613 = arith.constant 0 : i32
          %eq3A_614 = arith.cmpi eq, %while3A_535, %eq3A_613 : i32
          %convert_element_type3A_615 = arith.extui %eq3A_614 : i1 to i32
          %cond3A_616 = arith.constant 0 : i32
          %cond3A_617 = arith.cmpi ne, %convert_element_type3A_615, %cond3A_616 : i32
          scf.if %cond3A_617 {
            %swap3A_622 = arith.constant 0 : index
            %swap3A_623 = tpu.vector_load %arg18[%swap3A_622] {strides = array<i32>} : memref<256xf32, #tpu.memory_space<vmem>>, vector<16xf32>,
            %swap3A_624 = vector.shape_cast %swap3A_623 : vector<16xf32> to vector<16xf32>
            %swap3A_625 = vector.shape_cast %while3A_536 : vector<16xf32> to vector<16xf32>
            tpu.vector_store %arg18[%swap3A_622], %swap3A_625 {strides = array<i32>} : memref<256xf32, #tpu.memory_space<vmem>>, vector<16xf32>,
            %swap3A_626 = arith.constant 16 : index
            %swap3A_627 = tpu.vector_load %arg18[%swap3A_626] {strides = array<i32>} : memref<256xf32, #tpu.memory_space<vmem>>, vector<16xf32>,
            %swap3A_628 = vector.shape_cast %swap3A_627 : vector<16xf32> to vector<16xf32>
            %swap3A_629 = vector.shape_cast %while3A_537 : vector<16xf32> to vector<16xf32>
            tpu.vector_store %arg18[%swap3A_626], %swap3A_629 {strides = array<i32>} : memref<256xf32, #tpu.memory_space<vmem>>, vector<16xf32>,
            %swap3A_630 = arith.constant 32 : index
            %swap3A_631 = tpu.vector_load %arg18[%swap3A_630] {strides = array<i32>} : memref<256xf32, #tpu.memory_space<vmem>>, vector<16xf32>,
            %swap3A_632 = vector.shape_cast %swap3A_631 : vector<16xf32> to vector<16xf32>
            %swap3A_633 = vector.shape_cast %while3A_538 : vector<16xf32> to vector<16xf32>
            tpu.vector_store %arg18[%swap3A_630], %swap3A_633 {strides = array<i32>} : memref<256xf32, #tpu.memory_space<vmem>>, vector<16xf32>,
            %swap3A_634 = arith.constant 48 : index
            %swap3A_635 = tpu.vector_load %arg18[%swap3A_634] {strides = array<i32>} : memref<256xf32, #tpu.memory_space<vmem>>, vector<16xf32>,
            %swap3A_636 = vector.shape_cast %swap3A_635 : vector<16xf32> to vector<16xf32>
            %swap3A_637 = vector.shape_cast %while3A_539 : vector<16xf32> to vector<16xf32>
            tpu.vector_store %arg18[%swap3A_634], %swap3A_637 {strides = array<i32>} : memref<256xf32, #tpu.memory_space<vmem>>, vector<16xf32>,
            %swap3A_638 = arith.constant 64 : index
            %swap3A_639 = tpu.vector_load %arg18[%swap3A_638] {strides = array<i32>} : memref<256xf32, #tpu.memory_space<vmem>>, vector<16xf32>,
            %swap3A_640 = vector.shape_cast %swap3A_639 : vector<16xf32> to vector<16xf32>
            %swap3A_641 = vector.shape_cast %while3A_540 : vector<16xf32> to vector<16xf32>
            tpu.vector_store %arg18[%swap3A_638], %swap3A_641 {strides = array<i32>} : memref<256xf32, #tpu.memory_space<vmem>>, vector<16xf32>,
            %swap3A_642 = arith.constant 80 : index
            %swap3A_643 = tpu.vector_load %arg18[%swap3A_642] {strides = array<i32>} : memref<256xf32, #tpu.memory_space<vmem>>, vector<16xf32>,
            %swap3A_644 = vector.shape_cast %swap3A_643 : vector<16xf32> to vector<16xf32>
            %swap3A_645 = vector.shape_cast %while3A_541 : vector<16xf32> to vector<16xf32>
            tpu.vector_store %arg18[%swap3A_642], %swap3A_645 {strides = array<i32>} : memref<256xf32, #tpu.memory_space<vmem>>, vector<16xf32>,
            %swap3A_646 = arith.constant 96 : index
            %swap3A_647 = tpu.vector_load %arg18[%swap3A_646] {strides = array<i32>} : memref<256xf32, #tpu.memory_space<vmem>>, vector<16xf32>,
            %swap3A_648 = vector.shape_cast %swap3A_647 : vector<16xf32> to vector<16xf32>
            %swap3A_649 = vector.shape_cast %while3A_542 : vector<16xf32> to vector<16xf32>
            tpu.vector_store %arg18[%swap3A_646], %swap3A_649 {strides = array<i32>} : memref<256xf32, #tpu.memory_space<vmem>>, vector<16xf32>,
            %swap3A_650 = arith.constant 112 : index
            %swap3A_651 = tpu.vector_load %arg18[%swap3A_650] {strides = array<i32>} : memref<256xf32, #tpu.memory_space<vmem>>, vector<16xf32>,
            %swap3A_652 = vector.shape_cast %swap3A_651 : vector<16xf32> to vector<16xf32>
            %swap3A_653 = vector.shape_cast %while3A_543 : vector<16xf32> to vector<16xf32>
            tpu.vector_store %arg18[%swap3A_650], %swap3A_653 {strides = array<i32>} : memref<256xf32, #tpu.memory_space<vmem>>, vector<16xf32>,
            %broadcast_in_dim3A_654 = vector.broadcast %while3A_534 : i32 to vector<16xi32>
            %swap3A_655 = arith.constant 0 : index
            %swap3A_656 = tpu.vector_load %arg19[%swap3A_655] {strides = array<i32>} : memref<32xi32, #tpu.memory_space<vmem>>, vector<16xi32>,
            %swap3A_657 = vector.shape_cast %swap3A_656 : vector<16xi32> to vector<16xi32>
            %swap3A_658 = vector.shape_cast %broadcast_in_dim3A_654 : vector<16xi32> to vector<16xi32>
            tpu.vector_store %arg19[%swap3A_655], %swap3A_658 {strides = array<i32>} : memref<32xi32, #tpu.memory_space<vmem>>, vector<16xi32>,
          } else {
          }
          %not3A = arith.constant true
          %not3A_618 = arith.xori %eq3A_614, %not3A : i1
          %convert_element_type3A_619 = arith.extui %not3A_618 : i1 to i32
          %cond3A_620 = arith.constant 0 : i32
          %cond3A_621 = arith.cmpi ne, %convert_element_type3A_619, %cond3A_620 : i32
          scf.if %cond3A_621 {
            %swap3A_622 = arith.constant 0 : index
            %swap3A_623 = tpu.vector_load %arg17[%swap3A_622] {strides = array<i32>} : memref<128xf32, #tpu.memory_space<vmem>>, vector<16xf32>,
            %swap3A_624 = vector.shape_cast %swap3A_623 : vector<16xf32> to vector<16xf32>
            %swap3A_625 = vector.shape_cast %while3A_536 : vector<16xf32> to vector<16xf32>
            tpu.vector_store %arg17[%swap3A_622], %swap3A_625 {strides = array<i32>} : memref<128xf32, #tpu.memory_space<vmem>>, vector<16xf32>,
            %swap3A_626 = arith.constant 16 : index
            %swap3A_627 = tpu.vector_load %arg17[%swap3A_626] {strides = array<i32>} : memref<128xf32, #tpu.memory_space<vmem>>, vector<16xf32>,
            %swap3A_628 = vector.shape_cast %swap3A_627 : vector<16xf32> to vector<16xf32>
            %swap3A_629 = vector.shape_cast %while3A_537 : vector<16xf32> to vector<16xf32>
            tpu.vector_store %arg17[%swap3A_626], %swap3A_629 {strides = array<i32>} : memref<128xf32, #tpu.memory_space<vmem>>, vector<16xf32>,
            %swap3A_630 = arith.constant 32 : index
            %swap3A_631 = tpu.vector_load %arg17[%swap3A_630] {strides = array<i32>} : memref<128xf32, #tpu.memory_space<vmem>>, vector<16xf32>,
            %swap3A_632 = vector.shape_cast %swap3A_631 : vector<16xf32> to vector<16xf32>
            %swap3A_633 = vector.shape_cast %while3A_538 : vector<16xf32> to vector<16xf32>
            tpu.vector_store %arg17[%swap3A_630], %swap3A_633 {strides = array<i32>} : memref<128xf32, #tpu.memory_space<vmem>>, vector<16xf32>,
            %swap3A_634 = arith.constant 48 : index
            %swap3A_635 = tpu.vector_load %arg17[%swap3A_634] {strides = array<i32>} : memref<128xf32, #tpu.memory_space<vmem>>, vector<16xf32>,
            %swap3A_636 = vector.shape_cast %swap3A_635 : vector<16xf32> to vector<16xf32>
            %swap3A_637 = vector.shape_cast %while3A_539 : vector<16xf32> to vector<16xf32>
            tpu.vector_store %arg17[%swap3A_634], %swap3A_637 {strides = array<i32>} : memref<128xf32, #tpu.memory_space<vmem>>, vector<16xf32>,
            %swap3A_638 = arith.constant 64 : index
            %swap3A_639 = tpu.vector_load %arg17[%swap3A_638] {strides = array<i32>} : memref<128xf32, #tpu.memory_space<vmem>>, vector<16xf32>,
            %swap3A_640 = vector.shape_cast %swap3A_639 : vector<16xf32> to vector<16xf32>
            %swap3A_641 = vector.shape_cast %while3A_540 : vector<16xf32> to vector<16xf32>
            tpu.vector_store %arg17[%swap3A_638], %swap3A_641 {strides = array<i32>} : memref<128xf32, #tpu.memory_space<vmem>>, vector<16xf32>,
            %swap3A_642 = arith.constant 80 : index
            %swap3A_643 = tpu.vector_load %arg17[%swap3A_642] {strides = array<i32>} : memref<128xf32, #tpu.memory_space<vmem>>, vector<16xf32>,
            %swap3A_644 = vector.shape_cast %swap3A_643 : vector<16xf32> to vector<16xf32>
            %swap3A_645 = vector.shape_cast %while3A_541 : vector<16xf32> to vector<16xf32>
            tpu.vector_store %arg17[%swap3A_642], %swap3A_645 {strides = array<i32>} : memref<128xf32, #tpu.memory_space<vmem>>, vector<16xf32>,
            %swap3A_646 = arith.constant 96 : index
            %swap3A_647 = tpu.vector_load %arg17[%swap3A_646] {strides = array<i32>} : memref<128xf32, #tpu.memory_space<vmem>>, vector<16xf32>,
            %swap3A_648 = vector.shape_cast %swap3A_647 : vector<16xf32> to vector<16xf32>
            %swap3A_649 = vector.shape_cast %while3A_542 : vector<16xf32> to vector<16xf32>
            tpu.vector_store %arg17[%swap3A_646], %swap3A_649 {strides = array<i32>} : memref<128xf32, #tpu.memory_space<vmem>>, vector<16xf32>,
            %swap3A_650 = arith.constant 112 : index
            %swap3A_651 = tpu.vector_load %arg17[%swap3A_650] {strides = array<i32>} : memref<128xf32, #tpu.memory_space<vmem>>, vector<16xf32>,
            %swap3A_652 = vector.shape_cast %swap3A_651 : vector<16xf32> to vector<16xf32>
            %swap3A_653 = vector.shape_cast %while3A_543 : vector<16xf32> to vector<16xf32>
            tpu.vector_store %arg17[%swap3A_650], %swap3A_653 {strides = array<i32>} : memref<128xf32, #tpu.memory_space<vmem>>, vector<16xf32>,
            %run_scoped3A = arith.constant 0 : i32
            "tpu.region"() ({
              %run_scoped3A_654 = tpu.sem_alloc : memref<!tpu.dma_semaphore, #tpu.memory_space<semaphore_mem>>
              %dma_start3A_655 = arith.constant 0 : i32
              %dma_start3A_656 = tpu.memref_slice %arg7[%while3A_534, %run_scoped3A, %dma_start3A_655] : memref<1024x1x128xf32, #tpu.memory_space<hbm>> -> memref<1x1x128xf32, #tpu.memory_space<hbm>>
              %dma_start3A_657 = tpu.memref_squeeze %dma_start3A_656 : memref<1x1x128xf32, #tpu.memory_space<hbm>> -> memref<128xf32, #tpu.memory_space<hbm>>
              %dma_start3A_658 = arith.constant 0 : i32
              %dma_start3A_659 = tpu.memref_slice %arg7[%while3A_534, %run_scoped3A, %dma_start3A_658] : memref<1024x1x128xf32, #tpu.memory_space<hbm>> -> memref<1x1x128xf32, #tpu.memory_space<hbm>>
              %dma_start3A_660 = tpu.memref_squeeze %dma_start3A_659 : memref<1x1x128xf32, #tpu.memory_space<hbm>> -> memref<128xf32, #tpu.memory_space<hbm>>
              tpu.enqueue_dma source(%arg17 : memref<128xf32, #tpu.memory_space<vmem>>) target(%dma_start3A_660 : memref<128xf32, #tpu.memory_space<hbm>>) target_semaphore(%run_scoped3A_654 : memref<!tpu.dma_semaphore, #tpu.memory_space<semaphore_mem>>)
              %dma_wait3A_661 = arith.constant 0 : i32
              %dma_wait3A_662 = tpu.memref_slice %arg7[%while3A_534, %run_scoped3A, %dma_wait3A_661] : memref<1024x1x128xf32, #tpu.memory_space<hbm>> -> memref<1x1x128xf32, #tpu.memory_space<hbm>>
              %dma_wait3A_663 = tpu.memref_squeeze %dma_wait3A_662 : memref<1x1x128xf32, #tpu.memory_space<hbm>> -> memref<128xf32, #tpu.memory_space<hbm>>
              %dma_wait3A_664 = arith.constant 0 : i32
              %dma_wait3A_665 = tpu.memref_slice %arg7[%while3A_534, %run_scoped3A, %dma_wait3A_664] : memref<1024x1x128xf32, #tpu.memory_space<hbm>> -> memref<1x1x128xf32, #tpu.memory_space<hbm>>
              %dma_wait3A_666 = tpu.memref_squeeze %dma_wait3A_665 : memref<1x1x128xf32, #tpu.memory_space<hbm>> -> memref<128xf32, #tpu.memory_space<hbm>>
              tpu.wait_dma2 semaphore(%run_scoped3A_654 : memref<!tpu.dma_semaphore, #tpu.memory_space<semaphore_mem>>) src(%arg17 : memref<128xf32, #tpu.memory_space<vmem>>) dst(%dma_wait3A_666 : memref<128xf32, #tpu.memory_space<hbm>>)
              tpu.yield
            }) : () -> ()
          } else {
          }
        } else {
        }
        %add3A_556 = arith.addi %mul3A_430, %while3A_533 : i32
        %get3A_557 = arith.index_cast %add3A_556 : i32 to index
        %get3A_558 = arith.constant 0 : index
        %get3A_559 = tpu.vector_load %arg13[%get3A_557, %get3A_558] {strides = array<i32>} : memref<128x128xf32, #tpu.memory_space<vmem>>, vector<1x16xf32>,
        %get3A_560 = vector.shape_cast %get3A_559 : vector<1x16xf32> to vector<16xf32>
        %max3A = arith.maximumf %while3A_536, %get3A_560 : vector<16xf32>
        %select_n3A_561 = arith.select %ne3A_552, %get3A_560, %max3A : vector<16xf32>
        %add3A_562 = arith.addi %mul3A_430, %while3A_533 : i32
        %get3A_563 = arith.index_cast %add3A_562 : i32 to index
        %get3A_564 = arith.constant 16 : index
        %get3A_565 = tpu.vector_load %arg13[%get3A_563, %get3A_564] {strides = array<i32>} : memref<128x128xf32, #tpu.memory_space<vmem>>, vector<1x16xf32>,
        %get3A_566 = vector.shape_cast %get3A_565 : vector<1x16xf32> to vector<16xf32>
        %max3A_567 = arith.maximumf %while3A_537, %get3A_566 : vector<16xf32>
        %select_n3A_568 = arith.select %ne3A_552, %get3A_566, %max3A_567 : vector<16xf32>
        %add3A_569 = arith.addi %mul3A_430, %while3A_533 : i32
        %get3A_570 = arith.index_cast %add3A_569 : i32 to index
        %get3A_571 = arith.constant 32 : index
        %get3A_572 = tpu.vector_load %arg13[%get3A_570, %get3A_571] {strides = array<i32>} : memref<128x128xf32, #tpu.memory_space<vmem>>, vector<1x16xf32>,
        %get3A_573 = vector.shape_cast %get3A_572 : vector<1x16xf32> to vector<16xf32>
        %max3A_574 = arith.maximumf %while3A_538, %get3A_573 : vector<16xf32>
        %select_n3A_575 = arith.select %ne3A_552, %get3A_573, %max3A_574 : vector<16xf32>
        %add3A_576 = arith.addi %mul3A_430, %while3A_533 : i32
        %get3A_577 = arith.index_cast %add3A_576 : i32 to index
        %get3A_578 = arith.constant 48 : index
        %get3A_579 = tpu.vector_load %arg13[%get3A_577, %get3A_578] {strides = array<i32>} : memref<128x128xf32, #tpu.memory_space<vmem>>, vector<1x16xf32>,
        %get3A_580 = vector.shape_cast %get3A_579 : vector<1x16xf32> to vector<16xf32>
        %max3A_581 = arith.maximumf %while3A_539, %get3A_580 : vector<16xf32>
        %select_n3A_582 = arith.select %ne3A_552, %get3A_580, %max3A_581 : vector<16xf32>
        %add3A_583 = arith.addi %mul3A_430, %while3A_533 : i32
        %get3A_584 = arith.index_cast %add3A_583 : i32 to index
        %get3A_585 = arith.constant 64 : index
        %get3A_586 = tpu.vector_load %arg13[%get3A_584, %get3A_585] {strides = array<i32>} : memref<128x128xf32, #tpu.memory_space<vmem>>, vector<1x16xf32>,
        %get3A_587 = vector.shape_cast %get3A_586 : vector<1x16xf32> to vector<16xf32>
        %max3A_588 = arith.maximumf %while3A_540, %get3A_587 : vector<16xf32>
        %select_n3A_589 = arith.select %ne3A_552, %get3A_587, %max3A_588 : vector<16xf32>
        %add3A_590 = arith.addi %mul3A_430, %while3A_533 : i32
        %get3A_591 = arith.index_cast %add3A_590 : i32 to index
        %get3A_592 = arith.constant 80 : index
        %get3A_593 = tpu.vector_load %arg13[%get3A_591, %get3A_592] {strides = array<i32>} : memref<128x128xf32, #tpu.memory_space<vmem>>, vector<1x16xf32>,
        %get3A_594 = vector.shape_cast %get3A_593 : vector<1x16xf32> to vector<16xf32>
        %max3A_595 = arith.maximumf %while3A_541, %get3A_594 : vector<16xf32>
        %select_n3A_596 = arith.select %ne3A_552, %get3A_594, %max3A_595 : vector<16xf32>
        %add3A_597 = arith.addi %mul3A_430, %while3A_533 : i32
        %get3A_598 = arith.index_cast %add3A_597 : i32 to index
        %get3A_599 = arith.constant 96 : index
        %get3A_600 = tpu.vector_load %arg13[%get3A_598, %get3A_599] {strides = array<i32>} : memref<128x128xf32, #tpu.memory_space<vmem>>, vector<1x16xf32>,
        %get3A_601 = vector.shape_cast %get3A_600 : vector<1x16xf32> to vector<16xf32>
        %max3A_602 = arith.maximumf %while3A_542, %get3A_601 : vector<16xf32>
        %select_n3A_603 = arith.select %ne3A_552, %get3A_601, %max3A_602 : vector<16xf32>
        %add3A_604 = arith.addi %mul3A_430, %while3A_533 : i32
        %get3A_605 = arith.index_cast %add3A_604 : i32 to index
        %get3A_606 = arith.constant 112 : index
        %get3A_607 = tpu.vector_load %arg13[%get3A_605, %get3A_606] {strides = array<i32>} : memref<128x128xf32, #tpu.memory_space<vmem>>, vector<1x16xf32>,
        %get3A_608 = vector.shape_cast %get3A_607 : vector<1x16xf32> to vector<16xf32>
        %max3A_609 = arith.maximumf %while3A_543, %get3A_608 : vector<16xf32>
        %select_n3A_610 = arith.select %ne3A_552, %get3A_608, %max3A_609 : vector<16xf32>
        %convert_element_type3A_611 = arith.extui %ne3A_552 : i1 to i32
        %add3A_612 = arith.addi %while3A_535, %convert_element_type3A_611 : i32
        scf.yield %squeeze3A_551, %add3A_612, %select_n3A_561, %select_n3A_568, %select_n3A_575, %select_n3A_582, %select_n3A_589, %select_n3A_596, %select_n3A_603, %select_n3A_610 : i32, i32, vector<16xf32>, vector<16xf32>, vector<16xf32>, vector<16xf32>, vector<16xf32>, vector<16xf32>, vector<16xf32>, vector<16xf32>
      }
      scf.yield %while3A_532#0, %while3A_532#1, %while3A_532#2, %while3A_532#3, %while3A_532#4, %while3A_532#5, %while3A_532#6, %while3A_532#7, %while3A_532#8, %while3A_532#9 : i32, i32, vector<16xf32>, vector<16xf32>, vector<16xf32>, vector<16xf32>, vector<16xf32>, vector<16xf32>, vector<16xf32>, vector<16xf32>
    }
    %scan3A_217 = arith.constant 8 : i32
    %sub3A_218 = arith.constant 3200 : i32
    %sub3A_219 = arith.subi %sub3A_218, %select_n3A_21 : i32
    %dma_wait3A_220 = arith.constant 0 : i32
    %dma_wait3A_221 = arith.constant 0 : i32
    %dma_wait3A_222 = tpu.memref_slice %arg2[%dma_wait3A_220, %dma_wait3A_221] : memref<100000x128xf32, #tpu.memory_space<hbm>> -> memref<128x128xf32, #tpu.memory_space<hbm>>
    %dma_wait3A_223 = arith.constant 0 : i32
    %dma_wait3A_224 = arith.constant 0 : i32
    %dma_wait3A_225 = tpu.memref_slice %arg2[%dma_wait3A_223, %dma_wait3A_224] : memref<100000x128xf32, #tpu.memory_space<hbm>> -> memref<128x128xf32, #tpu.memory_space<hbm>>
    tpu.wait_dma2 semaphore(%arg24 : memref<!tpu.dma_semaphore, #tpu.memory_space<semaphore_mem>>) src(%dma_wait3A_225 : memref<128x128xf32, #tpu.memory_space<hbm>>) dst(%arg10 : memref<128x128xf32, #tpu.memory_space<vmem>>)
    %dma_wait3A_226 = arith.constant 0 : i32
    %dma_wait3A_227 = tpu.memref_slice %arg3[%dma_wait3A_226] : memref<100048xi32, #tpu.memory_space<hbm>> -> memref<160xi32, #tpu.memory_space<hbm>>
    %dma_wait3A_228 = arith.constant 0 : i32
    %dma_wait3A_229 = tpu.memref_slice %arg3[%dma_wait3A_228] : memref<100048xi32, #tpu.memory_space<hbm>> -> memref<160xi32, #tpu.memory_space<hbm>>
    tpu.wait_dma2 semaphore(%arg25 : memref<!tpu.dma_semaphore, #tpu.memory_space<semaphore_mem>>) src(%dma_wait3A_229 : memref<160xi32, #tpu.memory_space<hbm>>) dst(%arg11 : memref<160xi32, #tpu.memory_space<vmem>>)
    %get3A_230 = arith.constant 16 : index
    %get3A_231 = tpu.vector_load %arg11[%get3A_230] {strides = array<i32>} : memref<160xi32, #tpu.memory_space<vmem>>, vector<16xi32>,
    %get3A_232 = vector.shape_cast %get3A_231 : vector<16xi32> to vector<16xi32>
    %add3A_233 = arith.constant 0 : i32
    %add3A_234 = vector.broadcast %add3A_233 : i32 to vector<16xi32>
    %add3A_235 = arith.addi %iota3A, %add3A_234 : vector<16xi32>
    %lt3A_236 = vector.broadcast %sub3A_219 : i32 to vector<16xi32>
    %lt3A_237 = arith.cmpi slt, %add3A_235, %lt3A_236 : vector<16xi32>
    %jit3A_238 = arith.constant 1024 : i32
    %broadcast_in_dim3A_239 = vector.broadcast %jit3A_238 : i32 to vector<16xi32>
    %select_n3A_240 = arith.select %lt3A_237, %broadcast_in_dim3A_239, %get3A_232 : vector<16xi1>, vector<16xi32>
    %swap3A_241 = arith.constant 0 : index
    %swap3A_242 = tpu.vector_load %arg12[%swap3A_241] {strides = array<i32>} : memref<128xi32, #tpu.memory_space<vmem>>, vector<16xi32>,
    %swap3A_243 = vector.shape_cast %swap3A_242 : vector<16xi32> to vector<16xi32>
    %swap3A_244 = vector.shape_cast %select_n3A_240 : vector<16xi32> to vector<16xi32>
    tpu.vector_store %arg12[%swap3A_241], %swap3A_244 {strides = array<i32>} : memref<128xi32, #tpu.memory_space<vmem>>, vector<16xi32>,
    %get3A_245 = arith.constant 32 : index
    %get3A_246 = tpu.vector_load %arg11[%get3A_245] {strides = array<i32>} : memref<160xi32, #tpu.memory_space<vmem>>, vector<16xi32>,
    %get3A_247 = vector.shape_cast %get3A_246 : vector<16xi32> to vector<16xi32>
    %add3A_248 = arith.constant 16 : i32
    %add3A_249 = vector.broadcast %add3A_248 : i32 to vector<16xi32>
    %add3A_250 = arith.addi %iota3A, %add3A_249 : vector<16xi32>
    %lt3A_251 = vector.broadcast %sub3A_219 : i32 to vector<16xi32>
    %lt3A_252 = arith.cmpi slt, %add3A_250, %lt3A_251 : vector<16xi32>
    %jit3A_253 = arith.constant 1024 : i32
    %broadcast_in_dim3A_254 = vector.broadcast %jit3A_253 : i32 to vector<16xi32>
    %select_n3A_255 = arith.select %lt3A_252, %broadcast_in_dim3A_254, %get3A_247 : vector<16xi1>, vector<16xi32>
    %swap3A_256 = arith.constant 16 : index
    %swap3A_257 = tpu.vector_load %arg12[%swap3A_256] {strides = array<i32>} : memref<128xi32, #tpu.memory_space<vmem>>, vector<16xi32>,
    %swap3A_258 = vector.shape_cast %swap3A_257 : vector<16xi32> to vector<16xi32>
    %swap3A_259 = vector.shape_cast %select_n3A_255 : vector<16xi32> to vector<16xi32>
    tpu.vector_store %arg12[%swap3A_256], %swap3A_259 {strides = array<i32>} : memref<128xi32, #tpu.memory_space<vmem>>, vector<16xi32>,
    %get3A_260 = arith.constant 48 : index
    %get3A_261 = tpu.vector_load %arg11[%get3A_260] {strides = array<i32>} : memref<160xi32, #tpu.memory_space<vmem>>, vector<16xi32>,
    %get3A_262 = vector.shape_cast %get3A_261 : vector<16xi32> to vector<16xi32>
    %add3A_263 = arith.constant 32 : i32
    %add3A_264 = vector.broadcast %add3A_263 : i32 to vector<16xi32>
    %add3A_265 = arith.addi %iota3A, %add3A_264 : vector<16xi32>
    %lt3A_266 = vector.broadcast %sub3A_219 : i32 to vector<16xi32>
    %lt3A_267 = arith.cmpi slt, %add3A_265, %lt3A_266 : vector<16xi32>
    %jit3A_268 = arith.constant 1024 : i32
    %broadcast_in_dim3A_269 = vector.broadcast %jit3A_268 : i32 to vector<16xi32>
    %select_n3A_270 = arith.select %lt3A_267, %broadcast_in_dim3A_269, %get3A_262 : vector<16xi1>, vector<16xi32>
    %swap3A_271 = arith.constant 32 : index
    %swap3A_272 = tpu.vector_load %arg12[%swap3A_271] {strides = array<i32>} : memref<128xi32, #tpu.memory_space<vmem>>, vector<16xi32>,
    %swap3A_273 = vector.shape_cast %swap3A_272 : vector<16xi32> to vector<16xi32>
    %swap3A_274 = vector.shape_cast %select_n3A_270 : vector<16xi32> to vector<16xi32>
    tpu.vector_store %arg12[%swap3A_271], %swap3A_274 {strides = array<i32>} : memref<128xi32, #tpu.memory_space<vmem>>, vector<16xi32>,
    %get3A_275 = arith.constant 64 : index
    %get3A_276 = tpu.vector_load %arg11[%get3A_275] {strides = array<i32>} : memref<160xi32, #tpu.memory_space<vmem>>, vector<16xi32>,
    %get3A_277 = vector.shape_cast %get3A_276 : vector<16xi32> to vector<16xi32>
    %add3A_278 = arith.constant 48 : i32
    %add3A_279 = vector.broadcast %add3A_278 : i32 to vector<16xi32>
    %add3A_280 = arith.addi %iota3A, %add3A_279 : vector<16xi32>
    %lt3A_281 = vector.broadcast %sub3A_219 : i32 to vector<16xi32>
    %lt3A_282 = arith.cmpi slt, %add3A_280, %lt3A_281 : vector<16xi32>
    %jit3A_283 = arith.constant 1024 : i32
    %broadcast_in_dim3A_284 = vector.broadcast %jit3A_283 : i32 to vector<16xi32>
    %select_n3A_285 = arith.select %lt3A_282, %broadcast_in_dim3A_284, %get3A_277 : vector<16xi1>, vector<16xi32>
    %swap3A_286 = arith.constant 48 : index
    %swap3A_287 = tpu.vector_load %arg12[%swap3A_286] {strides = array<i32>} : memref<128xi32, #tpu.memory_space<vmem>>, vector<16xi32>,
    %swap3A_288 = vector.shape_cast %swap3A_287 : vector<16xi32> to vector<16xi32>
    %swap3A_289 = vector.shape_cast %select_n3A_285 : vector<16xi32> to vector<16xi32>
    tpu.vector_store %arg12[%swap3A_286], %swap3A_289 {strides = array<i32>} : memref<128xi32, #tpu.memory_space<vmem>>, vector<16xi32>,
    %get3A_290 = arith.constant 80 : index
    %get3A_291 = tpu.vector_load %arg11[%get3A_290] {strides = array<i32>} : memref<160xi32, #tpu.memory_space<vmem>>, vector<16xi32>,
    %get3A_292 = vector.shape_cast %get3A_291 : vector<16xi32> to vector<16xi32>
    %add3A_293 = arith.constant 64 : i32
    %add3A_294 = vector.broadcast %add3A_293 : i32 to vector<16xi32>
    %add3A_295 = arith.addi %iota3A, %add3A_294 : vector<16xi32>
    %lt3A_296 = vector.broadcast %sub3A_219 : i32 to vector<16xi32>
    %lt3A_297 = arith.cmpi slt, %add3A_295, %lt3A_296 : vector<16xi32>
    %jit3A_298 = arith.constant 1024 : i32
    %broadcast_in_dim3A_299 = vector.broadcast %jit3A_298 : i32 to vector<16xi32>
    %select_n3A_300 = arith.select %lt3A_297, %broadcast_in_dim3A_299, %get3A_292 : vector<16xi1>, vector<16xi32>
    %swap3A_301 = arith.constant 64 : index
    %swap3A_302 = tpu.vector_load %arg12[%swap3A_301] {strides = array<i32>} : memref<128xi32, #tpu.memory_space<vmem>>, vector<16xi32>,
    %swap3A_303 = vector.shape_cast %swap3A_302 : vector<16xi32> to vector<16xi32>
    %swap3A_304 = vector.shape_cast %select_n3A_300 : vector<16xi32> to vector<16xi32>
    tpu.vector_store %arg12[%swap3A_301], %swap3A_304 {strides = array<i32>} : memref<128xi32, #tpu.memory_space<vmem>>, vector<16xi32>,
    %get3A_305 = arith.constant 96 : index
    %get3A_306 = tpu.vector_load %arg11[%get3A_305] {strides = array<i32>} : memref<160xi32, #tpu.memory_space<vmem>>, vector<16xi32>,
    %get3A_307 = vector.shape_cast %get3A_306 : vector<16xi32> to vector<16xi32>
    %add3A_308 = arith.constant 80 : i32
    %add3A_309 = vector.broadcast %add3A_308 : i32 to vector<16xi32>
    %add3A_310 = arith.addi %iota3A, %add3A_309 : vector<16xi32>
    %lt3A_311 = vector.broadcast %sub3A_219 : i32 to vector<16xi32>
    %lt3A_312 = arith.cmpi slt, %add3A_310, %lt3A_311 : vector<16xi32>
    %jit3A_313 = arith.constant 1024 : i32
    %broadcast_in_dim3A_314 = vector.broadcast %jit3A_313 : i32 to vector<16xi32>
    %select_n3A_315 = arith.select %lt3A_312, %broadcast_in_dim3A_314, %get3A_307 : vector<16xi1>, vector<16xi32>
    %swap3A_316 = arith.constant 80 : index
    %swap3A_317 = tpu.vector_load %arg12[%swap3A_316] {strides = array<i32>} : memref<128xi32, #tpu.memory_space<vmem>>, vector<16xi32>,
    %swap3A_318 = vector.shape_cast %swap3A_317 : vector<16xi32> to vector<16xi32>
    %swap3A_319 = vector.shape_cast %select_n3A_315 : vector<16xi32> to vector<16xi32>
    tpu.vector_store %arg12[%swap3A_316], %swap3A_319 {strides = array<i32>} : memref<128xi32, #tpu.memory_space<vmem>>, vector<16xi32>,
    %get3A_320 = arith.constant 112 : index
    %get3A_321 = tpu.vector_load %arg11[%get3A_320] {strides = array<i32>} : memref<160xi32, #tpu.memory_space<vmem>>, vector<16xi32>,
    %get3A_322 = vector.shape_cast %get3A_321 : vector<16xi32> to vector<16xi32>
    %add3A_323 = arith.constant 96 : i32
    %add3A_324 = vector.broadcast %add3A_323 : i32 to vector<16xi32>
    %add3A_325 = arith.addi %iota3A, %add3A_324 : vector<16xi32>
    %lt3A_326 = vector.broadcast %sub3A_219 : i32 to vector<16xi32>
    %lt3A_327 = arith.cmpi slt, %add3A_325, %lt3A_326 : vector<16xi32>
    %jit3A_328 = arith.constant 1024 : i32
    %broadcast_in_dim3A_329 = vector.broadcast %jit3A_328 : i32 to vector<16xi32>
    %select_n3A_330 = arith.select %lt3A_327, %broadcast_in_dim3A_329, %get3A_322 : vector<16xi1>, vector<16xi32>
    %swap3A_331 = arith.constant 96 : index
    %swap3A_332 = tpu.vector_load %arg12[%swap3A_331] {strides = array<i32>} : memref<128xi32, #tpu.memory_space<vmem>>, vector<16xi32>,
    %swap3A_333 = vector.shape_cast %swap3A_332 : vector<16xi32> to vector<16xi32>
    %swap3A_334 = vector.shape_cast %select_n3A_330 : vector<16xi32> to vector<16xi32>
    tpu.vector_store %arg12[%swap3A_331], %swap3A_334 {strides = array<i32>} : memref<128xi32, #tpu.memory_space<vmem>>, vector<16xi32>,
    %get3A_335 = arith.constant 128 : index
    %get3A_336 = tpu.vector_load %arg11[%get3A_335] {strides = array<i32>} : memref<160xi32, #tpu.memory_space<vmem>>, vector<16xi32>,
    %get3A_337 = vector.shape_cast %get3A_336 : vector<16xi32> to vector<16xi32>
    %add3A_338 = arith.constant 112 : i32
    %add3A_339 = vector.broadcast %add3A_338 : i32 to vector<16xi32>
    %add3A_340 = arith.addi %iota3A, %add3A_339 : vector<16xi32>
    %lt3A_341 = vector.broadcast %sub3A_219 : i32 to vector<16xi32>
    %lt3A_342 = arith.cmpi slt, %add3A_340, %lt3A_341 : vector<16xi32>
    %jit3A_343 = arith.constant 1024 : i32
    %broadcast_in_dim3A_344 = vector.broadcast %jit3A_343 : i32 to vector<16xi32>
    %select_n3A_345 = arith.select %lt3A_342, %broadcast_in_dim3A_344, %get3A_337 : vector<16xi1>, vector<16xi32>
    %swap3A_346 = arith.constant 112 : index
    %swap3A_347 = tpu.vector_load %arg12[%swap3A_346] {strides = array<i32>} : memref<128xi32, #tpu.memory_space<vmem>>, vector<16xi32>,
    %swap3A_348 = vector.shape_cast %swap3A_347 : vector<16xi32> to vector<16xi32>
    %swap3A_349 = vector.shape_cast %select_n3A_345 : vector<16xi32> to vector<16xi32>
    tpu.vector_store %arg12[%swap3A_346], %swap3A_349 {strides = array<i32>} : memref<128xi32, #tpu.memory_space<vmem>>, vector<16xi32>,
    %dma_start3A_350 = arith.constant 0 : i32
    %dma_start3A_351 = arith.constant 0 : i32
    %dma_start3A_352 = tpu.memref_slice %arg22[%dma_start3A_350, %dma_start3A_351] : memref<1032x128xf32, #tpu.memory_space<vmem_shared>> -> memref<1032x128xf32, #tpu.memory_space<vmem_shared>>
    tpu.enqueue_indirect_dma source(%arg10 : memref<128x128xf32, #tpu.memory_space<vmem>>) target(%dma_start3A_352 : memref<1032x128xf32, #tpu.memory_space<vmem_shared>>) offsets(%arg12 : memref<128xi32, #tpu.memory_space<vmem>>) semaphore(%arg26 : memref<!tpu.dma_semaphore, #tpu.memory_space<semaphore_mem>>) {add = true}
    %dma_start3A_353 = arith.constant 0 : i32
    %dma_start3A_354 = arith.constant 0 : i32
    %dma_start3A_355 = tpu.memref_slice %arg23[%dma_start3A_353, %dma_start3A_354] : memref<1032x128xf32, #tpu.memory_space<vmem_shared>> -> memref<1032x128xf32, #tpu.memory_space<vmem_shared>>
    tpu.enqueue_indirect_dma source(%arg16 : memref<128x128xf32, #tpu.memory_space<vmem>>) target(%dma_start3A_355 : memref<1032x128xf32, #tpu.memory_space<vmem_shared>>) offsets(%arg12 : memref<128xi32, #tpu.memory_space<vmem>>) semaphore(%arg27 : memref<!tpu.dma_semaphore, #tpu.memory_space<semaphore_mem>>) {add = true}
    %dma_wait3A_356 = arith.constant 0 : i32
    %dma_wait3A_357 = arith.constant 0 : i32
    %dma_wait3A_358 = tpu.memref_slice %arg22[%dma_wait3A_356, %dma_wait3A_357] : memref<1032x128xf32, #tpu.memory_space<vmem_shared>> -> memref<1032x128xf32, #tpu.memory_space<vmem_shared>>
    tpu.wait_indirect_dma semaphore(%arg30 : memref<!tpu.dma_semaphore, #tpu.memory_space<semaphore_mem>>) src(%arg13 : memref<128x128xf32, #tpu.memory_space<vmem>>) dst(%dma_wait3A_358 : memref<1032x128xf32, #tpu.memory_space<vmem_shared>>)
    %dma_wait3A_359 = arith.constant 0 : i32
    %dma_wait3A_360 = arith.constant 0 : i32
    %dma_wait3A_361 = tpu.memref_slice %arg23[%dma_wait3A_359, %dma_wait3A_360] : memref<1032x128xf32, #tpu.memory_space<vmem_shared>> -> memref<1032x128xf32, #tpu.memory_space<vmem_shared>>
    tpu.wait_indirect_dma semaphore(%arg31 : memref<!tpu.dma_semaphore, #tpu.memory_space<semaphore_mem>>) src(%arg16 : memref<128x128xf32, #tpu.memory_space<vmem>>) dst(%dma_wait3A_361 : memref<1032x128xf32, #tpu.memory_space<vmem_shared>>)
    %while3A = arith.constant 128 : i32
    %while3A_362 = arith.subi %while3A, %sub3A_219 : i32
    %while3A_363 = arith.addi %sub3A_219, %while3A_362 : i32
    %while3A_364 = arith.constant 1 : i32
    %while3A_365 = arith.divsi %while3A_362, %while3A_364 : i32
    %while3A_366 = arith.muli %while3A_365, %while3A_364 : i32
    %while3A_367 = arith.addi %sub3A_219, %while3A_366 : i32
    %while3A_368 = arith.constant 1 : i32
    %while3A_369:10 = scf.for %while3A_418 = %sub3A_219 to %while3A_367 step %while3A_368 iter_args(%while3A_419 = %scan3A_216#0, %while3A_420 = %scan3A_216#1, %while3A_421 = %scan3A_216#2, %while3A_422 = %scan3A_216#3, %while3A_423 = %scan3A_216#4, %while3A_424 = %scan3A_216#5, %while3A_425 = %scan3A_216#6, %while3A_426 = %scan3A_216#7, %while3A_427 = %scan3A_216#8, %while3A_428 = %scan3A_216#9) -> (i32, i32, vector<16xf32>, vector<16xf32>, vector<16xf32>, vector<16xf32>, vector<16xf32>, vector<16xf32>, vector<16xf32>, vector<16xf32>)  : i32 {
      %add3A_429 = arith.constant 16 : i32
      %add3A_430 = arith.addi %add3A_429, %while3A_418 : i32
      %get3A_431 = arith.index_cast %add3A_430 : i32 to index
      %get3A_432 = tpu.vector_load %arg11[%get3A_431] {strides = array<i32>} : memref<160xi32, #tpu.memory_space<vmem>>, vector<16xi32>,
      %get3A_433 = vector.shape_cast %get3A_432 : vector<16xi32> to vector<16xi32>
      %slice3A_434 = vector.extract_strided_slice %get3A_433 {offsets = [0], sizes = [1], strides = [1]} : vector<16xi32> to vector<1xi32>
      %squeeze3A_435 = vector.extract %slice3A_434[0] : i32 from vector<1xi32>
      %ne3A = arith.cmpi ne, %squeeze3A_435, %while3A_419 : i32
      %convert_element_type3A_436 = arith.extui %ne3A : i1 to i32
      %cond3A_437 = arith.constant 0 : i32
      %cond3A_438 = arith.cmpi ne, %convert_element_type3A_436, %cond3A_437 : i32
      scf.if %cond3A_438 {
        %eq3A_488 = arith.constant 0 : i32
        %eq3A_489 = arith.cmpi eq, %while3A_420, %eq3A_488 : i32
        %convert_element_type3A_490 = arith.extui %eq3A_489 : i1 to i32
        %cond3A_491 = arith.constant 0 : i32
        %cond3A_492 = arith.cmpi ne, %convert_element_type3A_490, %cond3A_491 : i32
        scf.if %cond3A_492 {
          %swap3A_497 = arith.constant 0 : index
          %swap3A_498 = tpu.vector_load %arg18[%swap3A_497] {strides = array<i32>} : memref<256xf32, #tpu.memory_space<vmem>>, vector<16xf32>,
          %swap3A_499 = vector.shape_cast %swap3A_498 : vector<16xf32> to vector<16xf32>
          %swap3A_500 = vector.shape_cast %while3A_421 : vector<16xf32> to vector<16xf32>
          tpu.vector_store %arg18[%swap3A_497], %swap3A_500 {strides = array<i32>} : memref<256xf32, #tpu.memory_space<vmem>>, vector<16xf32>,
          %swap3A_501 = arith.constant 16 : index
          %swap3A_502 = tpu.vector_load %arg18[%swap3A_501] {strides = array<i32>} : memref<256xf32, #tpu.memory_space<vmem>>, vector<16xf32>,
          %swap3A_503 = vector.shape_cast %swap3A_502 : vector<16xf32> to vector<16xf32>
          %swap3A_504 = vector.shape_cast %while3A_422 : vector<16xf32> to vector<16xf32>
          tpu.vector_store %arg18[%swap3A_501], %swap3A_504 {strides = array<i32>} : memref<256xf32, #tpu.memory_space<vmem>>, vector<16xf32>,
          %swap3A_505 = arith.constant 32 : index
          %swap3A_506 = tpu.vector_load %arg18[%swap3A_505] {strides = array<i32>} : memref<256xf32, #tpu.memory_space<vmem>>, vector<16xf32>,
          %swap3A_507 = vector.shape_cast %swap3A_506 : vector<16xf32> to vector<16xf32>
          %swap3A_508 = vector.shape_cast %while3A_423 : vector<16xf32> to vector<16xf32>
          tpu.vector_store %arg18[%swap3A_505], %swap3A_508 {strides = array<i32>} : memref<256xf32, #tpu.memory_space<vmem>>, vector<16xf32>,
          %swap3A_509 = arith.constant 48 : index
          %swap3A_510 = tpu.vector_load %arg18[%swap3A_509] {strides = array<i32>} : memref<256xf32, #tpu.memory_space<vmem>>, vector<16xf32>,
          %swap3A_511 = vector.shape_cast %swap3A_510 : vector<16xf32> to vector<16xf32>
          %swap3A_512 = vector.shape_cast %while3A_424 : vector<16xf32> to vector<16xf32>
          tpu.vector_store %arg18[%swap3A_509], %swap3A_512 {strides = array<i32>} : memref<256xf32, #tpu.memory_space<vmem>>, vector<16xf32>,
          %swap3A_513 = arith.constant 64 : index
          %swap3A_514 = tpu.vector_load %arg18[%swap3A_513] {strides = array<i32>} : memref<256xf32, #tpu.memory_space<vmem>>, vector<16xf32>,
          %swap3A_515 = vector.shape_cast %swap3A_514 : vector<16xf32> to vector<16xf32>
          %swap3A_516 = vector.shape_cast %while3A_425 : vector<16xf32> to vector<16xf32>
          tpu.vector_store %arg18[%swap3A_513], %swap3A_516 {strides = array<i32>} : memref<256xf32, #tpu.memory_space<vmem>>, vector<16xf32>,
          %swap3A_517 = arith.constant 80 : index
          %swap3A_518 = tpu.vector_load %arg18[%swap3A_517] {strides = array<i32>} : memref<256xf32, #tpu.memory_space<vmem>>, vector<16xf32>,
          %swap3A_519 = vector.shape_cast %swap3A_518 : vector<16xf32> to vector<16xf32>
          %swap3A_520 = vector.shape_cast %while3A_426 : vector<16xf32> to vector<16xf32>
          tpu.vector_store %arg18[%swap3A_517], %swap3A_520 {strides = array<i32>} : memref<256xf32, #tpu.memory_space<vmem>>, vector<16xf32>,
          %swap3A_521 = arith.constant 96 : index
          %swap3A_522 = tpu.vector_load %arg18[%swap3A_521] {strides = array<i32>} : memref<256xf32, #tpu.memory_space<vmem>>, vector<16xf32>,
          %swap3A_523 = vector.shape_cast %swap3A_522 : vector<16xf32> to vector<16xf32>
          %swap3A_524 = vector.shape_cast %while3A_427 : vector<16xf32> to vector<16xf32>
          tpu.vector_store %arg18[%swap3A_521], %swap3A_524 {strides = array<i32>} : memref<256xf32, #tpu.memory_space<vmem>>, vector<16xf32>,
          %swap3A_525 = arith.constant 112 : index
          %swap3A_526 = tpu.vector_load %arg18[%swap3A_525] {strides = array<i32>} : memref<256xf32, #tpu.memory_space<vmem>>, vector<16xf32>,
          %swap3A_527 = vector.shape_cast %swap3A_526 : vector<16xf32> to vector<16xf32>
          %swap3A_528 = vector.shape_cast %while3A_428 : vector<16xf32> to vector<16xf32>
          tpu.vector_store %arg18[%swap3A_525], %swap3A_528 {strides = array<i32>} : memref<256xf32, #tpu.memory_space<vmem>>, vector<16xf32>,
          %broadcast_in_dim3A_529 = vector.broadcast %while3A_419 : i32 to vector<16xi32>
          %swap3A_530 = arith.constant 0 : index
          %swap3A_531 = tpu.vector_load %arg19[%swap3A_530] {strides = array<i32>} : memref<32xi32, #tpu.memory_space<vmem>>, vector<16xi32>,
          %swap3A_532 = vector.shape_cast %swap3A_531 : vector<16xi32> to vector<16xi32>
          %swap3A_533 = vector.shape_cast %broadcast_in_dim3A_529 : vector<16xi32> to vector<16xi32>
          tpu.vector_store %arg19[%swap3A_530], %swap3A_533 {strides = array<i32>} : memref<32xi32, #tpu.memory_space<vmem>>, vector<16xi32>,
        } else {
        }
        %not3A = arith.constant true
        %not3A_493 = arith.xori %eq3A_489, %not3A : i1
        %convert_element_type3A_494 = arith.extui %not3A_493 : i1 to i32
        %cond3A_495 = arith.constant 0 : i32
        %cond3A_496 = arith.cmpi ne, %convert_element_type3A_494, %cond3A_495 : i32
        scf.if %cond3A_496 {
          %swap3A_497 = arith.constant 0 : index
          %swap3A_498 = tpu.vector_load %arg17[%swap3A_497] {strides = array<i32>} : memref<128xf32, #tpu.memory_space<vmem>>, vector<16xf32>,
          %swap3A_499 = vector.shape_cast %swap3A_498 : vector<16xf32> to vector<16xf32>
          %swap3A_500 = vector.shape_cast %while3A_421 : vector<16xf32> to vector<16xf32>
          tpu.vector_store %arg17[%swap3A_497], %swap3A_500 {strides = array<i32>} : memref<128xf32, #tpu.memory_space<vmem>>, vector<16xf32>,
          %swap3A_501 = arith.constant 16 : index
          %swap3A_502 = tpu.vector_load %arg17[%swap3A_501] {strides = array<i32>} : memref<128xf32, #tpu.memory_space<vmem>>, vector<16xf32>,
          %swap3A_503 = vector.shape_cast %swap3A_502 : vector<16xf32> to vector<16xf32>
          %swap3A_504 = vector.shape_cast %while3A_422 : vector<16xf32> to vector<16xf32>
          tpu.vector_store %arg17[%swap3A_501], %swap3A_504 {strides = array<i32>} : memref<128xf32, #tpu.memory_space<vmem>>, vector<16xf32>,
          %swap3A_505 = arith.constant 32 : index
          %swap3A_506 = tpu.vector_load %arg17[%swap3A_505] {strides = array<i32>} : memref<128xf32, #tpu.memory_space<vmem>>, vector<16xf32>,
          %swap3A_507 = vector.shape_cast %swap3A_506 : vector<16xf32> to vector<16xf32>
          %swap3A_508 = vector.shape_cast %while3A_423 : vector<16xf32> to vector<16xf32>
          tpu.vector_store %arg17[%swap3A_505], %swap3A_508 {strides = array<i32>} : memref<128xf32, #tpu.memory_space<vmem>>, vector<16xf32>,
          %swap3A_509 = arith.constant 48 : index
          %swap3A_510 = tpu.vector_load %arg17[%swap3A_509] {strides = array<i32>} : memref<128xf32, #tpu.memory_space<vmem>>, vector<16xf32>,
          %swap3A_511 = vector.shape_cast %swap3A_510 : vector<16xf32> to vector<16xf32>
          %swap3A_512 = vector.shape_cast %while3A_424 : vector<16xf32> to vector<16xf32>
          tpu.vector_store %arg17[%swap3A_509], %swap3A_512 {strides = array<i32>} : memref<128xf32, #tpu.memory_space<vmem>>, vector<16xf32>,
          %swap3A_513 = arith.constant 64 : index
          %swap3A_514 = tpu.vector_load %arg17[%swap3A_513] {strides = array<i32>} : memref<128xf32, #tpu.memory_space<vmem>>, vector<16xf32>,
          %swap3A_515 = vector.shape_cast %swap3A_514 : vector<16xf32> to vector<16xf32>
          %swap3A_516 = vector.shape_cast %while3A_425 : vector<16xf32> to vector<16xf32>
          tpu.vector_store %arg17[%swap3A_513], %swap3A_516 {strides = array<i32>} : memref<128xf32, #tpu.memory_space<vmem>>, vector<16xf32>,
          %swap3A_517 = arith.constant 80 : index
          %swap3A_518 = tpu.vector_load %arg17[%swap3A_517] {strides = array<i32>} : memref<128xf32, #tpu.memory_space<vmem>>, vector<16xf32>,
          %swap3A_519 = vector.shape_cast %swap3A_518 : vector<16xf32> to vector<16xf32>
          %swap3A_520 = vector.shape_cast %while3A_426 : vector<16xf32> to vector<16xf32>
          tpu.vector_store %arg17[%swap3A_517], %swap3A_520 {strides = array<i32>} : memref<128xf32, #tpu.memory_space<vmem>>, vector<16xf32>,
          %swap3A_521 = arith.constant 96 : index
          %swap3A_522 = tpu.vector_load %arg17[%swap3A_521] {strides = array<i32>} : memref<128xf32, #tpu.memory_space<vmem>>, vector<16xf32>,
          %swap3A_523 = vector.shape_cast %swap3A_522 : vector<16xf32> to vector<16xf32>
          %swap3A_524 = vector.shape_cast %while3A_427 : vector<16xf32> to vector<16xf32>
          tpu.vector_store %arg17[%swap3A_521], %swap3A_524 {strides = array<i32>} : memref<128xf32, #tpu.memory_space<vmem>>, vector<16xf32>,
          %swap3A_525 = arith.constant 112 : index
          %swap3A_526 = tpu.vector_load %arg17[%swap3A_525] {strides = array<i32>} : memref<128xf32, #tpu.memory_space<vmem>>, vector<16xf32>,
          %swap3A_527 = vector.shape_cast %swap3A_526 : vector<16xf32> to vector<16xf32>
          %swap3A_528 = vector.shape_cast %while3A_428 : vector<16xf32> to vector<16xf32>
          tpu.vector_store %arg17[%swap3A_525], %swap3A_528 {strides = array<i32>} : memref<128xf32, #tpu.memory_space<vmem>>, vector<16xf32>,
          %run_scoped3A = arith.constant 0 : i32
          "tpu.region"() ({
            %run_scoped3A_529 = tpu.sem_alloc : memref<!tpu.dma_semaphore, #tpu.memory_space<semaphore_mem>>
            %dma_start3A_530 = arith.constant 0 : i32
            %dma_start3A_531 = tpu.memref_slice %arg7[%while3A_419, %run_scoped3A, %dma_start3A_530] : memref<1024x1x128xf32, #tpu.memory_space<hbm>> -> memref<1x1x128xf32, #tpu.memory_space<hbm>>
            %dma_start3A_532 = tpu.memref_squeeze %dma_start3A_531 : memref<1x1x128xf32, #tpu.memory_space<hbm>> -> memref<128xf32, #tpu.memory_space<hbm>>
            %dma_start3A_533 = arith.constant 0 : i32
            %dma_start3A_534 = tpu.memref_slice %arg7[%while3A_419, %run_scoped3A, %dma_start3A_533] : memref<1024x1x128xf32, #tpu.memory_space<hbm>> -> memref<1x1x128xf32, #tpu.memory_space<hbm>>
            %dma_start3A_535 = tpu.memref_squeeze %dma_start3A_534 : memref<1x1x128xf32, #tpu.memory_space<hbm>> -> memref<128xf32, #tpu.memory_space<hbm>>
            tpu.enqueue_dma source(%arg17 : memref<128xf32, #tpu.memory_space<vmem>>) target(%dma_start3A_535 : memref<128xf32, #tpu.memory_space<hbm>>) target_semaphore(%run_scoped3A_529 : memref<!tpu.dma_semaphore, #tpu.memory_space<semaphore_mem>>)
            %dma_wait3A_536 = arith.constant 0 : i32
            %dma_wait3A_537 = tpu.memref_slice %arg7[%while3A_419, %run_scoped3A, %dma_wait3A_536] : memref<1024x1x128xf32, #tpu.memory_space<hbm>> -> memref<1x1x128xf32, #tpu.memory_space<hbm>>
            %dma_wait3A_538 = tpu.memref_squeeze %dma_wait3A_537 : memref<1x1x128xf32, #tpu.memory_space<hbm>> -> memref<128xf32, #tpu.memory_space<hbm>>
            %dma_wait3A_539 = arith.constant 0 : i32
            %dma_wait3A_540 = tpu.memref_slice %arg7[%while3A_419, %run_scoped3A, %dma_wait3A_539] : memref<1024x1x128xf32, #tpu.memory_space<hbm>> -> memref<1x1x128xf32, #tpu.memory_space<hbm>>
            %dma_wait3A_541 = tpu.memref_squeeze %dma_wait3A_540 : memref<1x1x128xf32, #tpu.memory_space<hbm>> -> memref<128xf32, #tpu.memory_space<hbm>>
            tpu.wait_dma2 semaphore(%run_scoped3A_529 : memref<!tpu.dma_semaphore, #tpu.memory_space<semaphore_mem>>) src(%arg17 : memref<128xf32, #tpu.memory_space<vmem>>) dst(%dma_wait3A_541 : memref<128xf32, #tpu.memory_space<hbm>>)
            tpu.yield
          }) : () -> ()
        } else {
        }
      } else {
      }
      %get3A_439 = arith.index_cast %while3A_418 : i32 to index
      %get3A_440 = arith.constant 0 : index
      %get3A_441 = tpu.vector_load %arg10[%get3A_439, %get3A_440] {strides = array<i32>} : memref<128x128xf32, #tpu.memory_space<vmem>>, vector<1x16xf32>,
      %get3A_442 = vector.shape_cast %get3A_441 : vector<1x16xf32> to vector<16xf32>
      %max3A = arith.maximumf %while3A_421, %get3A_442 : vector<16xf32>
      %select_n3A_443 = arith.select %ne3A, %get3A_442, %max3A : vector<16xf32>
      %get3A_444 = arith.index_cast %while3A_418 : i32 to index
      %get3A_445 = arith.constant 16 : index
      %get3A_446 = tpu.vector_load %arg10[%get3A_444, %get3A_445] {strides = array<i32>} : memref<128x128xf32, #tpu.memory_space<vmem>>, vector<1x16xf32>,
      %get3A_447 = vector.shape_cast %get3A_446 : vector<1x16xf32> to vector<16xf32>
      %max3A_448 = arith.maximumf %while3A_422, %get3A_447 : vector<16xf32>
      %select_n3A_449 = arith.select %ne3A, %get3A_447, %max3A_448 : vector<16xf32>
      %get3A_450 = arith.index_cast %while3A_418 : i32 to index
      %get3A_451 = arith.constant 32 : index
      %get3A_452 = tpu.vector_load %arg10[%get3A_450, %get3A_451] {strides = array<i32>} : memref<128x128xf32, #tpu.memory_space<vmem>>, vector<1x16xf32>,
      %get3A_453 = vector.shape_cast %get3A_452 : vector<1x16xf32> to vector<16xf32>
      %max3A_454 = arith.maximumf %while3A_423, %get3A_453 : vector<16xf32>
      %select_n3A_455 = arith.select %ne3A, %get3A_453, %max3A_454 : vector<16xf32>
      %get3A_456 = arith.index_cast %while3A_418 : i32 to index
      %get3A_457 = arith.constant 48 : index
      %get3A_458 = tpu.vector_load %arg10[%get3A_456, %get3A_457] {strides = array<i32>} : memref<128x128xf32, #tpu.memory_space<vmem>>, vector<1x16xf32>,
      %get3A_459 = vector.shape_cast %get3A_458 : vector<1x16xf32> to vector<16xf32>
      %max3A_460 = arith.maximumf %while3A_424, %get3A_459 : vector<16xf32>
      %select_n3A_461 = arith.select %ne3A, %get3A_459, %max3A_460 : vector<16xf32>
      %get3A_462 = arith.index_cast %while3A_418 : i32 to index
      %get3A_463 = arith.constant 64 : index
      %get3A_464 = tpu.vector_load %arg10[%get3A_462, %get3A_463] {strides = array<i32>} : memref<128x128xf32, #tpu.memory_space<vmem>>, vector<1x16xf32>,
      %get3A_465 = vector.shape_cast %get3A_464 : vector<1x16xf32> to vector<16xf32>
      %max3A_466 = arith.maximumf %while3A_425, %get3A_465 : vector<16xf32>
      %select_n3A_467 = arith.select %ne3A, %get3A_465, %max3A_466 : vector<16xf32>
      %get3A_468 = arith.index_cast %while3A_418 : i32 to index
      %get3A_469 = arith.constant 80 : index
      %get3A_470 = tpu.vector_load %arg10[%get3A_468, %get3A_469] {strides = array<i32>} : memref<128x128xf32, #tpu.memory_space<vmem>>, vector<1x16xf32>,
      %get3A_471 = vector.shape_cast %get3A_470 : vector<1x16xf32> to vector<16xf32>
      %max3A_472 = arith.maximumf %while3A_426, %get3A_471 : vector<16xf32>
      %select_n3A_473 = arith.select %ne3A, %get3A_471, %max3A_472 : vector<16xf32>
      %get3A_474 = arith.index_cast %while3A_418 : i32 to index
      %get3A_475 = arith.constant 96 : index
      %get3A_476 = tpu.vector_load %arg10[%get3A_474, %get3A_475] {strides = array<i32>} : memref<128x128xf32, #tpu.memory_space<vmem>>, vector<1x16xf32>,
      %get3A_477 = vector.shape_cast %get3A_476 : vector<1x16xf32> to vector<16xf32>
      %max3A_478 = arith.maximumf %while3A_427, %get3A_477 : vector<16xf32>
      %select_n3A_479 = arith.select %ne3A, %get3A_477, %max3A_478 : vector<16xf32>
      %get3A_480 = arith.index_cast %while3A_418 : i32 to index
      %get3A_481 = arith.constant 112 : index
      %get3A_482 = tpu.vector_load %arg10[%get3A_480, %get3A_481] {strides = array<i32>} : memref<128x128xf32, #tpu.memory_space<vmem>>, vector<1x16xf32>,
      %get3A_483 = vector.shape_cast %get3A_482 : vector<1x16xf32> to vector<16xf32>
      %max3A_484 = arith.maximumf %while3A_428, %get3A_483 : vector<16xf32>
      %select_n3A_485 = arith.select %ne3A, %get3A_483, %max3A_484 : vector<16xf32>
      %convert_element_type3A_486 = arith.extui %ne3A : i1 to i32
      %add3A_487 = arith.addi %while3A_420, %convert_element_type3A_486 : i32
      scf.yield %squeeze3A_435, %add3A_487, %select_n3A_443, %select_n3A_449, %select_n3A_455, %select_n3A_461, %select_n3A_467, %select_n3A_473, %select_n3A_479, %select_n3A_485 : i32, i32, vector<16xf32>, vector<16xf32>, vector<16xf32>, vector<16xf32>, vector<16xf32>, vector<16xf32>, vector<16xf32>, vector<16xf32>
    }
    %while3A_370 = arith.constant 1 : i32
    %while3A_371:10 = scf.for %while3A_418 = %while3A_367 to %while3A_363 step %while3A_370 iter_args(%while3A_419 = %while3A_369#0, %while3A_420 = %while3A_369#1, %while3A_421 = %while3A_369#2, %while3A_422 = %while3A_369#3, %while3A_423 = %while3A_369#4, %while3A_424 = %while3A_369#5, %while3A_425 = %while3A_369#6, %while3A_426 = %while3A_369#7, %while3A_427 = %while3A_369#8, %while3A_428 = %while3A_369#9) -> (i32, i32, vector<16xf32>, vector<16xf32>, vector<16xf32>, vector<16xf32>, vector<16xf32>, vector<16xf32>, vector<16xf32>, vector<16xf32>)  : i32 {
      %add3A_429 = arith.constant 16 : i32
      %add3A_430 = arith.addi %add3A_429, %while3A_418 : i32
      %get3A_431 = arith.index_cast %add3A_430 : i32 to index
      %get3A_432 = tpu.vector_load %arg11[%get3A_431] {strides = array<i32>} : memref<160xi32, #tpu.memory_space<vmem>>, vector<16xi32>,
      %get3A_433 = vector.shape_cast %get3A_432 : vector<16xi32> to vector<16xi32>
      %slice3A_434 = vector.extract_strided_slice %get3A_433 {offsets = [0], sizes = [1], strides = [1]} : vector<16xi32> to vector<1xi32>
      %squeeze3A_435 = vector.extract %slice3A_434[0] : i32 from vector<1xi32>
      %ne3A = arith.cmpi ne, %squeeze3A_435, %while3A_419 : i32
      %convert_element_type3A_436 = arith.extui %ne3A : i1 to i32
      %cond3A_437 = arith.constant 0 : i32
      %cond3A_438 = arith.cmpi ne, %convert_element_type3A_436, %cond3A_437 : i32
      scf.if %cond3A_438 {
        %eq3A_488 = arith.constant 0 : i32
        %eq3A_489 = arith.cmpi eq, %while3A_420, %eq3A_488 : i32
        %convert_element_type3A_490 = arith.extui %eq3A_489 : i1 to i32
        %cond3A_491 = arith.constant 0 : i32
        %cond3A_492 = arith.cmpi ne, %convert_element_type3A_490, %cond3A_491 : i32
        scf.if %cond3A_492 {
          %swap3A_497 = arith.constant 0 : index
          %swap3A_498 = tpu.vector_load %arg18[%swap3A_497] {strides = array<i32>} : memref<256xf32, #tpu.memory_space<vmem>>, vector<16xf32>,
          %swap3A_499 = vector.shape_cast %swap3A_498 : vector<16xf32> to vector<16xf32>
          %swap3A_500 = vector.shape_cast %while3A_421 : vector<16xf32> to vector<16xf32>
          tpu.vector_store %arg18[%swap3A_497], %swap3A_500 {strides = array<i32>} : memref<256xf32, #tpu.memory_space<vmem>>, vector<16xf32>,
          %swap3A_501 = arith.constant 16 : index
          %swap3A_502 = tpu.vector_load %arg18[%swap3A_501] {strides = array<i32>} : memref<256xf32, #tpu.memory_space<vmem>>, vector<16xf32>,
          %swap3A_503 = vector.shape_cast %swap3A_502 : vector<16xf32> to vector<16xf32>
          %swap3A_504 = vector.shape_cast %while3A_422 : vector<16xf32> to vector<16xf32>
          tpu.vector_store %arg18[%swap3A_501], %swap3A_504 {strides = array<i32>} : memref<256xf32, #tpu.memory_space<vmem>>, vector<16xf32>,
          %swap3A_505 = arith.constant 32 : index
          %swap3A_506 = tpu.vector_load %arg18[%swap3A_505] {strides = array<i32>} : memref<256xf32, #tpu.memory_space<vmem>>, vector<16xf32>,
          %swap3A_507 = vector.shape_cast %swap3A_506 : vector<16xf32> to vector<16xf32>
          %swap3A_508 = vector.shape_cast %while3A_423 : vector<16xf32> to vector<16xf32>
          tpu.vector_store %arg18[%swap3A_505], %swap3A_508 {strides = array<i32>} : memref<256xf32, #tpu.memory_space<vmem>>, vector<16xf32>,
          %swap3A_509 = arith.constant 48 : index
          %swap3A_510 = tpu.vector_load %arg18[%swap3A_509] {strides = array<i32>} : memref<256xf32, #tpu.memory_space<vmem>>, vector<16xf32>,
          %swap3A_511 = vector.shape_cast %swap3A_510 : vector<16xf32> to vector<16xf32>
          %swap3A_512 = vector.shape_cast %while3A_424 : vector<16xf32> to vector<16xf32>
          tpu.vector_store %arg18[%swap3A_509], %swap3A_512 {strides = array<i32>} : memref<256xf32, #tpu.memory_space<vmem>>, vector<16xf32>,
          %swap3A_513 = arith.constant 64 : index
          %swap3A_514 = tpu.vector_load %arg18[%swap3A_513] {strides = array<i32>} : memref<256xf32, #tpu.memory_space<vmem>>, vector<16xf32>,
          %swap3A_515 = vector.shape_cast %swap3A_514 : vector<16xf32> to vector<16xf32>
          %swap3A_516 = vector.shape_cast %while3A_425 : vector<16xf32> to vector<16xf32>
          tpu.vector_store %arg18[%swap3A_513], %swap3A_516 {strides = array<i32>} : memref<256xf32, #tpu.memory_space<vmem>>, vector<16xf32>,
          %swap3A_517 = arith.constant 80 : index
          %swap3A_518 = tpu.vector_load %arg18[%swap3A_517] {strides = array<i32>} : memref<256xf32, #tpu.memory_space<vmem>>, vector<16xf32>,
          %swap3A_519 = vector.shape_cast %swap3A_518 : vector<16xf32> to vector<16xf32>
          %swap3A_520 = vector.shape_cast %while3A_426 : vector<16xf32> to vector<16xf32>
          tpu.vector_store %arg18[%swap3A_517], %swap3A_520 {strides = array<i32>} : memref<256xf32, #tpu.memory_space<vmem>>, vector<16xf32>,
          %swap3A_521 = arith.constant 96 : index
          %swap3A_522 = tpu.vector_load %arg18[%swap3A_521] {strides = array<i32>} : memref<256xf32, #tpu.memory_space<vmem>>, vector<16xf32>,
          %swap3A_523 = vector.shape_cast %swap3A_522 : vector<16xf32> to vector<16xf32>
          %swap3A_524 = vector.shape_cast %while3A_427 : vector<16xf32> to vector<16xf32>
          tpu.vector_store %arg18[%swap3A_521], %swap3A_524 {strides = array<i32>} : memref<256xf32, #tpu.memory_space<vmem>>, vector<16xf32>,
          %swap3A_525 = arith.constant 112 : index
          %swap3A_526 = tpu.vector_load %arg18[%swap3A_525] {strides = array<i32>} : memref<256xf32, #tpu.memory_space<vmem>>, vector<16xf32>,
          %swap3A_527 = vector.shape_cast %swap3A_526 : vector<16xf32> to vector<16xf32>
          %swap3A_528 = vector.shape_cast %while3A_428 : vector<16xf32> to vector<16xf32>
          tpu.vector_store %arg18[%swap3A_525], %swap3A_528 {strides = array<i32>} : memref<256xf32, #tpu.memory_space<vmem>>, vector<16xf32>,
          %broadcast_in_dim3A_529 = vector.broadcast %while3A_419 : i32 to vector<16xi32>
          %swap3A_530 = arith.constant 0 : index
          %swap3A_531 = tpu.vector_load %arg19[%swap3A_530] {strides = array<i32>} : memref<32xi32, #tpu.memory_space<vmem>>, vector<16xi32>,
          %swap3A_532 = vector.shape_cast %swap3A_531 : vector<16xi32> to vector<16xi32>
          %swap3A_533 = vector.shape_cast %broadcast_in_dim3A_529 : vector<16xi32> to vector<16xi32>
          tpu.vector_store %arg19[%swap3A_530], %swap3A_533 {strides = array<i32>} : memref<32xi32, #tpu.memory_space<vmem>>, vector<16xi32>,
        } else {
        }
        %not3A = arith.constant true
        %not3A_493 = arith.xori %eq3A_489, %not3A : i1
        %convert_element_type3A_494 = arith.extui %not3A_493 : i1 to i32
        %cond3A_495 = arith.constant 0 : i32
        %cond3A_496 = arith.cmpi ne, %convert_element_type3A_494, %cond3A_495 : i32
        scf.if %cond3A_496 {
          %swap3A_497 = arith.constant 0 : index
          %swap3A_498 = tpu.vector_load %arg17[%swap3A_497] {strides = array<i32>} : memref<128xf32, #tpu.memory_space<vmem>>, vector<16xf32>,
          %swap3A_499 = vector.shape_cast %swap3A_498 : vector<16xf32> to vector<16xf32>
          %swap3A_500 = vector.shape_cast %while3A_421 : vector<16xf32> to vector<16xf32>
          tpu.vector_store %arg17[%swap3A_497], %swap3A_500 {strides = array<i32>} : memref<128xf32, #tpu.memory_space<vmem>>, vector<16xf32>,
          %swap3A_501 = arith.constant 16 : index
          %swap3A_502 = tpu.vector_load %arg17[%swap3A_501] {strides = array<i32>} : memref<128xf32, #tpu.memory_space<vmem>>, vector<16xf32>,
          %swap3A_503 = vector.shape_cast %swap3A_502 : vector<16xf32> to vector<16xf32>
          %swap3A_504 = vector.shape_cast %while3A_422 : vector<16xf32> to vector<16xf32>
          tpu.vector_store %arg17[%swap3A_501], %swap3A_504 {strides = array<i32>} : memref<128xf32, #tpu.memory_space<vmem>>, vector<16xf32>,
          %swap3A_505 = arith.constant 32 : index
          %swap3A_506 = tpu.vector_load %arg17[%swap3A_505] {strides = array<i32>} : memref<128xf32, #tpu.memory_space<vmem>>, vector<16xf32>,
          %swap3A_507 = vector.shape_cast %swap3A_506 : vector<16xf32> to vector<16xf32>
          %swap3A_508 = vector.shape_cast %while3A_423 : vector<16xf32> to vector<16xf32>
          tpu.vector_store %arg17[%swap3A_505], %swap3A_508 {strides = array<i32>} : memref<128xf32, #tpu.memory_space<vmem>>, vector<16xf32>,
          %swap3A_509 = arith.constant 48 : index
          %swap3A_510 = tpu.vector_load %arg17[%swap3A_509] {strides = array<i32>} : memref<128xf32, #tpu.memory_space<vmem>>, vector<16xf32>,
          %swap3A_511 = vector.shape_cast %swap3A_510 : vector<16xf32> to vector<16xf32>
          %swap3A_512 = vector.shape_cast %while3A_424 : vector<16xf32> to vector<16xf32>
          tpu.vector_store %arg17[%swap3A_509], %swap3A_512 {strides = array<i32>} : memref<128xf32, #tpu.memory_space<vmem>>, vector<16xf32>,
          %swap3A_513 = arith.constant 64 : index
          %swap3A_514 = tpu.vector_load %arg17[%swap3A_513] {strides = array<i32>} : memref<128xf32, #tpu.memory_space<vmem>>, vector<16xf32>,
          %swap3A_515 = vector.shape_cast %swap3A_514 : vector<16xf32> to vector<16xf32>
          %swap3A_516 = vector.shape_cast %while3A_425 : vector<16xf32> to vector<16xf32>
          tpu.vector_store %arg17[%swap3A_513], %swap3A_516 {strides = array<i32>} : memref<128xf32, #tpu.memory_space<vmem>>, vector<16xf32>,
          %swap3A_517 = arith.constant 80 : index
          %swap3A_518 = tpu.vector_load %arg17[%swap3A_517] {strides = array<i32>} : memref<128xf32, #tpu.memory_space<vmem>>, vector<16xf32>,
          %swap3A_519 = vector.shape_cast %swap3A_518 : vector<16xf32> to vector<16xf32>
          %swap3A_520 = vector.shape_cast %while3A_426 : vector<16xf32> to vector<16xf32>
          tpu.vector_store %arg17[%swap3A_517], %swap3A_520 {strides = array<i32>} : memref<128xf32, #tpu.memory_space<vmem>>, vector<16xf32>,
          %swap3A_521 = arith.constant 96 : index
          %swap3A_522 = tpu.vector_load %arg17[%swap3A_521] {strides = array<i32>} : memref<128xf32, #tpu.memory_space<vmem>>, vector<16xf32>,
          %swap3A_523 = vector.shape_cast %swap3A_522 : vector<16xf32> to vector<16xf32>
          %swap3A_524 = vector.shape_cast %while3A_427 : vector<16xf32> to vector<16xf32>
          tpu.vector_store %arg17[%swap3A_521], %swap3A_524 {strides = array<i32>} : memref<128xf32, #tpu.memory_space<vmem>>, vector<16xf32>,
          %swap3A_525 = arith.constant 112 : index
          %swap3A_526 = tpu.vector_load %arg17[%swap3A_525] {strides = array<i32>} : memref<128xf32, #tpu.memory_space<vmem>>, vector<16xf32>,
          %swap3A_527 = vector.shape_cast %swap3A_526 : vector<16xf32> to vector<16xf32>
          %swap3A_528 = vector.shape_cast %while3A_428 : vector<16xf32> to vector<16xf32>
          tpu.vector_store %arg17[%swap3A_525], %swap3A_528 {strides = array<i32>} : memref<128xf32, #tpu.memory_space<vmem>>, vector<16xf32>,
          %run_scoped3A = arith.constant 0 : i32
          "tpu.region"() ({
            %run_scoped3A_529 = tpu.sem_alloc : memref<!tpu.dma_semaphore, #tpu.memory_space<semaphore_mem>>
            %dma_start3A_530 = arith.constant 0 : i32
            %dma_start3A_531 = tpu.memref_slice %arg7[%while3A_419, %run_scoped3A, %dma_start3A_530] : memref<1024x1x128xf32, #tpu.memory_space<hbm>> -> memref<1x1x128xf32, #tpu.memory_space<hbm>>
            %dma_start3A_532 = tpu.memref_squeeze %dma_start3A_531 : memref<1x1x128xf32, #tpu.memory_space<hbm>> -> memref<128xf32, #tpu.memory_space<hbm>>
            %dma_start3A_533 = arith.constant 0 : i32
            %dma_start3A_534 = tpu.memref_slice %arg7[%while3A_419, %run_scoped3A, %dma_start3A_533] : memref<1024x1x128xf32, #tpu.memory_space<hbm>> -> memref<1x1x128xf32, #tpu.memory_space<hbm>>
            %dma_start3A_535 = tpu.memref_squeeze %dma_start3A_534 : memref<1x1x128xf32, #tpu.memory_space<hbm>> -> memref<128xf32, #tpu.memory_space<hbm>>
            tpu.enqueue_dma source(%arg17 : memref<128xf32, #tpu.memory_space<vmem>>) target(%dma_start3A_535 : memref<128xf32, #tpu.memory_space<hbm>>) target_semaphore(%run_scoped3A_529 : memref<!tpu.dma_semaphore, #tpu.memory_space<semaphore_mem>>)
            %dma_wait3A_536 = arith.constant 0 : i32
            %dma_wait3A_537 = tpu.memref_slice %arg7[%while3A_419, %run_scoped3A, %dma_wait3A_536] : memref<1024x1x128xf32, #tpu.memory_space<hbm>> -> memref<1x1x128xf32, #tpu.memory_space<hbm>>
            %dma_wait3A_538 = tpu.memref_squeeze %dma_wait3A_537 : memref<1x1x128xf32, #tpu.memory_space<hbm>> -> memref<128xf32, #tpu.memory_space<hbm>>
            %dma_wait3A_539 = arith.constant 0 : i32
            %dma_wait3A_540 = tpu.memref_slice %arg7[%while3A_419, %run_scoped3A, %dma_wait3A_539] : memref<1024x1x128xf32, #tpu.memory_space<hbm>> -> memref<1x1x128xf32, #tpu.memory_space<hbm>>
            %dma_wait3A_541 = tpu.memref_squeeze %dma_wait3A_540 : memref<1x1x128xf32, #tpu.memory_space<hbm>> -> memref<128xf32, #tpu.memory_space<hbm>>
            tpu.wait_dma2 semaphore(%run_scoped3A_529 : memref<!tpu.dma_semaphore, #tpu.memory_space<semaphore_mem>>) src(%arg17 : memref<128xf32, #tpu.memory_space<vmem>>) dst(%dma_wait3A_541 : memref<128xf32, #tpu.memory_space<hbm>>)
            tpu.yield
          }) : () -> ()
        } else {
        }
      } else {
      }
      %get3A_439 = arith.index_cast %while3A_418 : i32 to index
      %get3A_440 = arith.constant 0 : index
      %get3A_441 = tpu.vector_load %arg10[%get3A_439, %get3A_440] {strides = array<i32>} : memref<128x128xf32, #tpu.memory_space<vmem>>, vector<1x16xf32>,
      %get3A_442 = vector.shape_cast %get3A_441 : vector<1x16xf32> to vector<16xf32>
      %max3A = arith.maximumf %while3A_421, %get3A_442 : vector<16xf32>
      %select_n3A_443 = arith.select %ne3A, %get3A_442, %max3A : vector<16xf32>
      %get3A_444 = arith.index_cast %while3A_418 : i32 to index
      %get3A_445 = arith.constant 16 : index
      %get3A_446 = tpu.vector_load %arg10[%get3A_444, %get3A_445] {strides = array<i32>} : memref<128x128xf32, #tpu.memory_space<vmem>>, vector<1x16xf32>,
      %get3A_447 = vector.shape_cast %get3A_446 : vector<1x16xf32> to vector<16xf32>
      %max3A_448 = arith.maximumf %while3A_422, %get3A_447 : vector<16xf32>
      %select_n3A_449 = arith.select %ne3A, %get3A_447, %max3A_448 : vector<16xf32>
      %get3A_450 = arith.index_cast %while3A_418 : i32 to index
      %get3A_451 = arith.constant 32 : index
      %get3A_452 = tpu.vector_load %arg10[%get3A_450, %get3A_451] {strides = array<i32>} : memref<128x128xf32, #tpu.memory_space<vmem>>, vector<1x16xf32>,
      %get3A_453 = vector.shape_cast %get3A_452 : vector<1x16xf32> to vector<16xf32>
      %max3A_454 = arith.maximumf %while3A_423, %get3A_453 : vector<16xf32>
      %select_n3A_455 = arith.select %ne3A, %get3A_453, %max3A_454 : vector<16xf32>
      %get3A_456 = arith.index_cast %while3A_418 : i32 to index
      %get3A_457 = arith.constant 48 : index
      %get3A_458 = tpu.vector_load %arg10[%get3A_456, %get3A_457] {strides = array<i32>} : memref<128x128xf32, #tpu.memory_space<vmem>>, vector<1x16xf32>,
      %get3A_459 = vector.shape_cast %get3A_458 : vector<1x16xf32> to vector<16xf32>
      %max3A_460 = arith.maximumf %while3A_424, %get3A_459 : vector<16xf32>
      %select_n3A_461 = arith.select %ne3A, %get3A_459, %max3A_460 : vector<16xf32>
      %get3A_462 = arith.index_cast %while3A_418 : i32 to index
      %get3A_463 = arith.constant 64 : index
      %get3A_464 = tpu.vector_load %arg10[%get3A_462, %get3A_463] {strides = array<i32>} : memref<128x128xf32, #tpu.memory_space<vmem>>, vector<1x16xf32>,
      %get3A_465 = vector.shape_cast %get3A_464 : vector<1x16xf32> to vector<16xf32>
      %max3A_466 = arith.maximumf %while3A_425, %get3A_465 : vector<16xf32>
      %select_n3A_467 = arith.select %ne3A, %get3A_465, %max3A_466 : vector<16xf32>
      %get3A_468 = arith.index_cast %while3A_418 : i32 to index
      %get3A_469 = arith.constant 80 : index
      %get3A_470 = tpu.vector_load %arg10[%get3A_468, %get3A_469] {strides = array<i32>} : memref<128x128xf32, #tpu.memory_space<vmem>>, vector<1x16xf32>,
      %get3A_471 = vector.shape_cast %get3A_470 : vector<1x16xf32> to vector<16xf32>
      %max3A_472 = arith.maximumf %while3A_426, %get3A_471 : vector<16xf32>
      %select_n3A_473 = arith.select %ne3A, %get3A_471, %max3A_472 : vector<16xf32>
      %get3A_474 = arith.index_cast %while3A_418 : i32 to index
      %get3A_475 = arith.constant 96 : index
      %get3A_476 = tpu.vector_load %arg10[%get3A_474, %get3A_475] {strides = array<i32>} : memref<128x128xf32, #tpu.memory_space<vmem>>, vector<1x16xf32>,
      %get3A_477 = vector.shape_cast %get3A_476 : vector<1x16xf32> to vector<16xf32>
      %max3A_478 = arith.maximumf %while3A_427, %get3A_477 : vector<16xf32>
      %select_n3A_479 = arith.select %ne3A, %get3A_477, %max3A_478 : vector<16xf32>
      %get3A_480 = arith.index_cast %while3A_418 : i32 to index
      %get3A_481 = arith.constant 112 : index
      %get3A_482 = tpu.vector_load %arg10[%get3A_480, %get3A_481] {strides = array<i32>} : memref<128x128xf32, #tpu.memory_space<vmem>>, vector<1x16xf32>,
      %get3A_483 = vector.shape_cast %get3A_482 : vector<1x16xf32> to vector<16xf32>
      %max3A_484 = arith.maximumf %while3A_428, %get3A_483 : vector<16xf32>
      %select_n3A_485 = arith.select %ne3A, %get3A_483, %max3A_484 : vector<16xf32>
      %convert_element_type3A_486 = arith.extui %ne3A : i1 to i32
      %add3A_487 = arith.addi %while3A_420, %convert_element_type3A_486 : i32
      scf.yield %squeeze3A_435, %add3A_487, %select_n3A_443, %select_n3A_449, %select_n3A_455, %select_n3A_461, %select_n3A_467, %select_n3A_473, %select_n3A_479, %select_n3A_485 : i32, i32, vector<16xf32>, vector<16xf32>, vector<16xf32>, vector<16xf32>, vector<16xf32>, vector<16xf32>, vector<16xf32>, vector<16xf32>
    }
    %dma_wait3A_372 = arith.constant 0 : i32
    %dma_wait3A_373 = arith.constant 0 : i32
    %dma_wait3A_374 = tpu.memref_slice %arg22[%dma_wait3A_372, %dma_wait3A_373] : memref<1032x128xf32, #tpu.memory_space<vmem_shared>> -> memref<1032x128xf32, #tpu.memory_space<vmem_shared>>
    tpu.wait_indirect_dma semaphore(%arg26 : memref<!tpu.dma_semaphore, #tpu.memory_space<semaphore_mem>>) src(%arg10 : memref<128x128xf32, #tpu.memory_space<vmem>>) dst(%dma_wait3A_374 : memref<1032x128xf32, #tpu.memory_space<vmem_shared>>)
    %dma_wait3A_375 = arith.constant 0 : i32
    %dma_wait3A_376 = arith.constant 0 : i32
    %dma_wait3A_377 = tpu.memref_slice %arg23[%dma_wait3A_375, %dma_wait3A_376] : memref<1032x128xf32, #tpu.memory_space<vmem_shared>> -> memref<1032x128xf32, #tpu.memory_space<vmem_shared>>
    tpu.wait_indirect_dma semaphore(%arg27 : memref<!tpu.dma_semaphore, #tpu.memory_space<semaphore_mem>>) src(%arg16 : memref<128x128xf32, #tpu.memory_space<vmem>>) dst(%dma_wait3A_377 : memref<1032x128xf32, #tpu.memory_space<vmem_shared>>)
    %swap3A_378 = arith.constant 128 : index
    %swap3A_379 = tpu.vector_load %arg18[%swap3A_378] {strides = array<i32>} : memref<256xf32, #tpu.memory_space<vmem>>, vector<16xf32>,
    %swap3A_380 = vector.shape_cast %swap3A_379 : vector<16xf32> to vector<16xf32>
    %swap3A_381 = vector.shape_cast %while3A_371#2 : vector<16xf32> to vector<16xf32>
    tpu.vector_store %arg18[%swap3A_378], %swap3A_381 {strides = array<i32>} : memref<256xf32, #tpu.memory_space<vmem>>, vector<16xf32>,
    %swap3A_382 = arith.constant 144 : index
    %swap3A_383 = tpu.vector_load %arg18[%swap3A_382] {strides = array<i32>} : memref<256xf32, #tpu.memory_space<vmem>>, vector<16xf32>,
    %swap3A_384 = vector.shape_cast %swap3A_383 : vector<16xf32> to vector<16xf32>
    %swap3A_385 = vector.shape_cast %while3A_371#3 : vector<16xf32> to vector<16xf32>
    tpu.vector_store %arg18[%swap3A_382], %swap3A_385 {strides = array<i32>} : memref<256xf32, #tpu.memory_space<vmem>>, vector<16xf32>,
    %swap3A_386 = arith.constant 160 : index
    %swap3A_387 = tpu.vector_load %arg18[%swap3A_386] {strides = array<i32>} : memref<256xf32, #tpu.memory_space<vmem>>, vector<16xf32>,
    %swap3A_388 = vector.shape_cast %swap3A_387 : vector<16xf32> to vector<16xf32>
    %swap3A_389 = vector.shape_cast %while3A_371#4 : vector<16xf32> to vector<16xf32>
    tpu.vector_store %arg18[%swap3A_386], %swap3A_389 {strides = array<i32>} : memref<256xf32, #tpu.memory_space<vmem>>, vector<16xf32>,
    %swap3A_390 = arith.constant 176 : index
    %swap3A_391 = tpu.vector_load %arg18[%swap3A_390] {strides = array<i32>} : memref<256xf32, #tpu.memory_space<vmem>>, vector<16xf32>,
    %swap3A_392 = vector.shape_cast %swap3A_391 : vector<16xf32> to vector<16xf32>
    %swap3A_393 = vector.shape_cast %while3A_371#5 : vector<16xf32> to vector<16xf32>
    tpu.vector_store %arg18[%swap3A_390], %swap3A_393 {strides = array<i32>} : memref<256xf32, #tpu.memory_space<vmem>>, vector<16xf32>,
    %swap3A_394 = arith.constant 192 : index
    %swap3A_395 = tpu.vector_load %arg18[%swap3A_394] {strides = array<i32>} : memref<256xf32, #tpu.memory_space<vmem>>, vector<16xf32>,
    %swap3A_396 = vector.shape_cast %swap3A_395 : vector<16xf32> to vector<16xf32>
    %swap3A_397 = vector.shape_cast %while3A_371#6 : vector<16xf32> to vector<16xf32>
    tpu.vector_store %arg18[%swap3A_394], %swap3A_397 {strides = array<i32>} : memref<256xf32, #tpu.memory_space<vmem>>, vector<16xf32>,
    %swap3A_398 = arith.constant 208 : index
    %swap3A_399 = tpu.vector_load %arg18[%swap3A_398] {strides = array<i32>} : memref<256xf32, #tpu.memory_space<vmem>>, vector<16xf32>,
    %swap3A_400 = vector.shape_cast %swap3A_399 : vector<16xf32> to vector<16xf32>
    %swap3A_401 = vector.shape_cast %while3A_371#7 : vector<16xf32> to vector<16xf32>
    tpu.vector_store %arg18[%swap3A_398], %swap3A_401 {strides = array<i32>} : memref<256xf32, #tpu.memory_space<vmem>>, vector<16xf32>,
    %swap3A_402 = arith.constant 224 : index
    %swap3A_403 = tpu.vector_load %arg18[%swap3A_402] {strides = array<i32>} : memref<256xf32, #tpu.memory_space<vmem>>, vector<16xf32>,
    %swap3A_404 = vector.shape_cast %swap3A_403 : vector<16xf32> to vector<16xf32>
    %swap3A_405 = vector.shape_cast %while3A_371#8 : vector<16xf32> to vector<16xf32>
    tpu.vector_store %arg18[%swap3A_402], %swap3A_405 {strides = array<i32>} : memref<256xf32, #tpu.memory_space<vmem>>, vector<16xf32>,
    %swap3A_406 = arith.constant 240 : index
    %swap3A_407 = tpu.vector_load %arg18[%swap3A_406] {strides = array<i32>} : memref<256xf32, #tpu.memory_space<vmem>>, vector<16xf32>,
    %swap3A_408 = vector.shape_cast %swap3A_407 : vector<16xf32> to vector<16xf32>
    %swap3A_409 = vector.shape_cast %while3A_371#9 : vector<16xf32> to vector<16xf32>
    tpu.vector_store %arg18[%swap3A_406], %swap3A_409 {strides = array<i32>} : memref<256xf32, #tpu.memory_space<vmem>>, vector<16xf32>,
    %broadcast_in_dim3A_410 = vector.broadcast %while3A_371#0 : i32 to vector<16xi32>
    %swap3A_411 = arith.constant 16 : index
    %swap3A_412 = tpu.vector_load %arg19[%swap3A_411] {strides = array<i32>} : memref<32xi32, #tpu.memory_space<vmem>>, vector<16xi32>,
    %swap3A_413 = vector.shape_cast %swap3A_412 : vector<16xi32> to vector<16xi32>
    %swap3A_414 = vector.shape_cast %broadcast_in_dim3A_410 : vector<16xi32> to vector<16xi32>
    tpu.vector_store %arg19[%swap3A_411], %swap3A_414 {strides = array<i32>} : memref<32xi32, #tpu.memory_space<vmem>>, vector<16xi32>,
    %eq3A = arith.constant 0 : i32
    %eq3A_415 = arith.cmpi eq, %while3A_371#1, %eq3A : i32
    %convert_element_type3A = arith.extui %eq3A_415 : i1 to i32
    %cond3A = arith.constant 0 : i32
    %cond3A_416 = arith.cmpi ne, %convert_element_type3A, %cond3A : i32
    scf.if %cond3A_416 {
      %swap3A_418 = arith.constant 0 : index
      %swap3A_419 = tpu.vector_load %arg18[%swap3A_418] {strides = array<i32>} : memref<256xf32, #tpu.memory_space<vmem>>, vector<16xf32>,
      %swap3A_420 = vector.shape_cast %swap3A_419 : vector<16xf32> to vector<16xf32>
      %swap3A_421 = vector.shape_cast %while3A_371#2 : vector<16xf32> to vector<16xf32>
      tpu.vector_store %arg18[%swap3A_418], %swap3A_421 {strides = array<i32>} : memref<256xf32, #tpu.memory_space<vmem>>, vector<16xf32>,
      %swap3A_422 = arith.constant 16 : index
      %swap3A_423 = tpu.vector_load %arg18[%swap3A_422] {strides = array<i32>} : memref<256xf32, #tpu.memory_space<vmem>>, vector<16xf32>,
      %swap3A_424 = vector.shape_cast %swap3A_423 : vector<16xf32> to vector<16xf32>
      %swap3A_425 = vector.shape_cast %while3A_371#3 : vector<16xf32> to vector<16xf32>
      tpu.vector_store %arg18[%swap3A_422], %swap3A_425 {strides = array<i32>} : memref<256xf32, #tpu.memory_space<vmem>>, vector<16xf32>,
      %swap3A_426 = arith.constant 32 : index
      %swap3A_427 = tpu.vector_load %arg18[%swap3A_426] {strides = array<i32>} : memref<256xf32, #tpu.memory_space<vmem>>, vector<16xf32>,
      %swap3A_428 = vector.shape_cast %swap3A_427 : vector<16xf32> to vector<16xf32>
      %swap3A_429 = vector.shape_cast %while3A_371#4 : vector<16xf32> to vector<16xf32>
      tpu.vector_store %arg18[%swap3A_426], %swap3A_429 {strides = array<i32>} : memref<256xf32, #tpu.memory_space<vmem>>, vector<16xf32>,
      %swap3A_430 = arith.constant 48 : index
      %swap3A_431 = tpu.vector_load %arg18[%swap3A_430] {strides = array<i32>} : memref<256xf32, #tpu.memory_space<vmem>>, vector<16xf32>,
      %swap3A_432 = vector.shape_cast %swap3A_431 : vector<16xf32> to vector<16xf32>
      %swap3A_433 = vector.shape_cast %while3A_371#5 : vector<16xf32> to vector<16xf32>
      tpu.vector_store %arg18[%swap3A_430], %swap3A_433 {strides = array<i32>} : memref<256xf32, #tpu.memory_space<vmem>>, vector<16xf32>,
      %swap3A_434 = arith.constant 64 : index
      %swap3A_435 = tpu.vector_load %arg18[%swap3A_434] {strides = array<i32>} : memref<256xf32, #tpu.memory_space<vmem>>, vector<16xf32>,
      %swap3A_436 = vector.shape_cast %swap3A_435 : vector<16xf32> to vector<16xf32>
      %swap3A_437 = vector.shape_cast %while3A_371#6 : vector<16xf32> to vector<16xf32>
      tpu.vector_store %arg18[%swap3A_434], %swap3A_437 {strides = array<i32>} : memref<256xf32, #tpu.memory_space<vmem>>, vector<16xf32>,
      %swap3A_438 = arith.constant 80 : index
      %swap3A_439 = tpu.vector_load %arg18[%swap3A_438] {strides = array<i32>} : memref<256xf32, #tpu.memory_space<vmem>>, vector<16xf32>,
      %swap3A_440 = vector.shape_cast %swap3A_439 : vector<16xf32> to vector<16xf32>
      %swap3A_441 = vector.shape_cast %while3A_371#7 : vector<16xf32> to vector<16xf32>
      tpu.vector_store %arg18[%swap3A_438], %swap3A_441 {strides = array<i32>} : memref<256xf32, #tpu.memory_space<vmem>>, vector<16xf32>,
      %swap3A_442 = arith.constant 96 : index
      %swap3A_443 = tpu.vector_load %arg18[%swap3A_442] {strides = array<i32>} : memref<256xf32, #tpu.memory_space<vmem>>, vector<16xf32>,
      %swap3A_444 = vector.shape_cast %swap3A_443 : vector<16xf32> to vector<16xf32>
      %swap3A_445 = vector.shape_cast %while3A_371#8 : vector<16xf32> to vector<16xf32>
      tpu.vector_store %arg18[%swap3A_442], %swap3A_445 {strides = array<i32>} : memref<256xf32, #tpu.memory_space<vmem>>, vector<16xf32>,
      %swap3A_446 = arith.constant 112 : index
      %swap3A_447 = tpu.vector_load %arg18[%swap3A_446] {strides = array<i32>} : memref<256xf32, #tpu.memory_space<vmem>>, vector<16xf32>,
      %swap3A_448 = vector.shape_cast %swap3A_447 : vector<16xf32> to vector<16xf32>
      %swap3A_449 = vector.shape_cast %while3A_371#9 : vector<16xf32> to vector<16xf32>
      tpu.vector_store %arg18[%swap3A_446], %swap3A_449 {strides = array<i32>} : memref<256xf32, #tpu.memory_space<vmem>>, vector<16xf32>,
      %broadcast_in_dim3A_450 = vector.broadcast %while3A_371#0 : i32 to vector<16xi32>
      %swap3A_451 = arith.constant 0 : index
      %swap3A_452 = tpu.vector_load %arg19[%swap3A_451] {strides = array<i32>} : memref<32xi32, #tpu.memory_space<vmem>>, vector<16xi32>,
      %swap3A_453 = vector.shape_cast %swap3A_452 : vector<16xi32> to vector<16xi32>
      %swap3A_454 = vector.shape_cast %broadcast_in_dim3A_450 : vector<16xi32> to vector<16xi32>
      tpu.vector_store %arg19[%swap3A_451], %swap3A_454 {strides = array<i32>} : memref<32xi32, #tpu.memory_space<vmem>>, vector<16xi32>,
    } else {
    }
    "tpu.region"() ({
      %run_scoped3A = tpu.sem_alloc : memref<!tpu.dma_semaphore, #tpu.memory_space<semaphore_mem>>
      %dma_start3A_418 = arith.constant 0 : i32
      %dma_start3A_419 = tpu.memref_slice %arg8[%add3A, %dma_start3A_418] : memref<32x256xf32, #tpu.memory_space<hbm>> -> memref<1x256xf32, #tpu.memory_space<hbm>>
      %dma_start3A_420 = tpu.memref_squeeze %dma_start3A_419 : memref<1x256xf32, #tpu.memory_space<hbm>> -> memref<256xf32, #tpu.memory_space<hbm>>
      %dma_start3A_421 = arith.constant 0 : i32
      %dma_start3A_422 = tpu.memref_slice %arg8[%add3A, %dma_start3A_421] : memref<32x256xf32, #tpu.memory_space<hbm>> -> memref<1x256xf32, #tpu.memory_space<hbm>>
      %dma_start3A_423 = tpu.memref_squeeze %dma_start3A_422 : memref<1x256xf32, #tpu.memory_space<hbm>> -> memref<256xf32, #tpu.memory_space<hbm>>
      tpu.enqueue_dma source(%arg18 : memref<256xf32, #tpu.memory_space<vmem>>) target(%dma_start3A_423 : memref<256xf32, #tpu.memory_space<hbm>>) target_semaphore(%run_scoped3A : memref<!tpu.dma_semaphore, #tpu.memory_space<semaphore_mem>>)
      %dma_wait3A_424 = arith.constant 0 : i32
      %dma_wait3A_425 = tpu.memref_slice %arg8[%add3A, %dma_wait3A_424] : memref<32x256xf32, #tpu.memory_space<hbm>> -> memref<1x256xf32, #tpu.memory_space<hbm>>
      %dma_wait3A_426 = tpu.memref_squeeze %dma_wait3A_425 : memref<1x256xf32, #tpu.memory_space<hbm>> -> memref<256xf32, #tpu.memory_space<hbm>>
      %dma_wait3A_427 = arith.constant 0 : i32
      %dma_wait3A_428 = tpu.memref_slice %arg8[%add3A, %dma_wait3A_427] : memref<32x256xf32, #tpu.memory_space<hbm>> -> memref<1x256xf32, #tpu.memory_space<hbm>>
      %dma_wait3A_429 = tpu.memref_squeeze %dma_wait3A_428 : memref<1x256xf32, #tpu.memory_space<hbm>> -> memref<256xf32, #tpu.memory_space<hbm>>
      tpu.wait_dma2 semaphore(%run_scoped3A : memref<!tpu.dma_semaphore, #tpu.memory_space<semaphore_mem>>) src(%arg18 : memref<256xf32, #tpu.memory_space<vmem>>) dst(%dma_wait3A_429 : memref<256xf32, #tpu.memory_space<hbm>>)
      tpu.yield
    }) : () -> ()
    "tpu.region"() ({
      %run_scoped3A = tpu.sem_alloc : memref<!tpu.dma_semaphore, #tpu.memory_space<semaphore_mem>>
      %dma_start3A_418 = arith.constant 0 : i32
      %dma_start3A_419 = tpu.memref_slice %arg9[%add3A, %dma_start3A_418] : memref<32x32xi32, #tpu.memory_space<hbm>> -> memref<1x32xi32, #tpu.memory_space<hbm>>
      %dma_start3A_420 = tpu.memref_squeeze %dma_start3A_419 : memref<1x32xi32, #tpu.memory_space<hbm>> -> memref<32xi32, #tpu.memory_space<hbm>>
      %dma_start3A_421 = arith.constant 0 : i32
      %dma_start3A_422 = tpu.memref_slice %arg9[%add3A, %dma_start3A_421] : memref<32x32xi32, #tpu.memory_space<hbm>> -> memref<1x32xi32, #tpu.memory_space<hbm>>
      %dma_start3A_423 = tpu.memref_squeeze %dma_start3A_422 : memref<1x32xi32, #tpu.memory_space<hbm>> -> memref<32xi32, #tpu.memory_space<hbm>>
      tpu.enqueue_dma source(%arg19 : memref<32xi32, #tpu.memory_space<vmem>>) target(%dma_start3A_423 : memref<32xi32, #tpu.memory_space<hbm>>) target_semaphore(%run_scoped3A : memref<!tpu.dma_semaphore, #tpu.memory_space<semaphore_mem>>)
      %dma_wait3A_424 = arith.constant 0 : i32
      %dma_wait3A_425 = tpu.memref_slice %arg9[%add3A, %dma_wait3A_424] : memref<32x32xi32, #tpu.memory_space<hbm>> -> memref<1x32xi32, #tpu.memory_space<hbm>>
      %dma_wait3A_426 = tpu.memref_squeeze %dma_wait3A_425 : memref<1x32xi32, #tpu.memory_space<hbm>> -> memref<32xi32, #tpu.memory_space<hbm>>
      %dma_wait3A_427 = arith.constant 0 : i32
      %dma_wait3A_428 = tpu.memref_slice %arg9[%add3A, %dma_wait3A_427] : memref<32x32xi32, #tpu.memory_space<hbm>> -> memref<1x32xi32, #tpu.memory_space<hbm>>
      %dma_wait3A_429 = tpu.memref_squeeze %dma_wait3A_428 : memref<1x32xi32, #tpu.memory_space<hbm>> -> memref<32xi32, #tpu.memory_space<hbm>>
      tpu.wait_dma2 semaphore(%run_scoped3A : memref<!tpu.dma_semaphore, #tpu.memory_space<semaphore_mem>>) src(%arg19 : memref<32xi32, #tpu.memory_space<vmem>>) dst(%dma_wait3A_429 : memref<32xi32, #tpu.memory_space<hbm>>)
      tpu.yield
    }) : () -> ()
    %barrier3A_417 = arith.constant 0 : index
    tpu.barrier barrier_id(%barrier3A_417)
    "tpu.region"() ({
      %run_scoped3A = tpu.sem_alloc : memref<!tpu.dma_semaphore, #tpu.memory_space<semaphore_mem>>
      %dma_start3A_418 = arith.constant 0 : i32
      %dma_start3A_419 = tpu.memref_slice %arg5[%arg0, %mul3A_9, %dma_start3A_418] : memref<2x1024x128xf32, #tpu.memory_space<hbm>> -> memref<1x64x128xf32, #tpu.memory_space<hbm>>
      %dma_start3A_420 = tpu.memref_squeeze %dma_start3A_419 : memref<1x64x128xf32, #tpu.memory_space<hbm>> -> memref<64x128xf32, #tpu.memory_space<hbm>>
      %dma_start3A_421 = arith.constant 0 : i32
      %dma_start3A_422 = tpu.memref_slice %arg22[%mul3A_9, %dma_start3A_421] : memref<1032x128xf32, #tpu.memory_space<vmem_shared>> -> memref<64x128xf32, #tpu.memory_space<vmem_shared>>
      tpu.enqueue_dma source(%dma_start3A_422 : memref<64x128xf32, #tpu.memory_space<vmem_shared>>) target(%dma_start3A_420 : memref<64x128xf32, #tpu.memory_space<hbm>>) target_semaphore(%run_scoped3A : memref<!tpu.dma_semaphore, #tpu.memory_space<semaphore_mem>>)
      %dma_wait3A_423 = arith.constant 0 : i32
      %dma_wait3A_424 = tpu.memref_slice %arg5[%arg0, %mul3A_9, %dma_wait3A_423] : memref<2x1024x128xf32, #tpu.memory_space<hbm>> -> memref<1x64x128xf32, #tpu.memory_space<hbm>>
      %dma_wait3A_425 = tpu.memref_squeeze %dma_wait3A_424 : memref<1x64x128xf32, #tpu.memory_space<hbm>> -> memref<64x128xf32, #tpu.memory_space<hbm>>
      %dma_wait3A_426 = arith.constant 0 : i32
      %dma_wait3A_427 = tpu.memref_slice %arg22[%mul3A_9, %dma_wait3A_426] : memref<1032x128xf32, #tpu.memory_space<vmem_shared>> -> memref<64x128xf32, #tpu.memory_space<vmem_shared>>
      tpu.wait_dma2 semaphore(%run_scoped3A : memref<!tpu.dma_semaphore, #tpu.memory_space<semaphore_mem>>) src(%dma_wait3A_427 : memref<64x128xf32, #tpu.memory_space<vmem_shared>>) dst(%dma_wait3A_425 : memref<64x128xf32, #tpu.memory_space<hbm>>)
      tpu.yield
    }) : () -> ()
    "tpu.region"() ({
      %run_scoped3A = tpu.sem_alloc : memref<!tpu.dma_semaphore, #tpu.memory_space<semaphore_mem>>
      %dma_start3A_418 = arith.constant 0 : i32
      %dma_start3A_419 = tpu.memref_slice %arg6[%arg0, %mul3A_9, %dma_start3A_418] : memref<2x1024x128xf32, #tpu.memory_space<hbm>> -> memref<1x64x128xf32, #tpu.memory_space<hbm>>
      %dma_start3A_420 = tpu.memref_squeeze %dma_start3A_419 : memref<1x64x128xf32, #tpu.memory_space<hbm>> -> memref<64x128xf32, #tpu.memory_space<hbm>>
      %dma_start3A_421 = arith.constant 0 : i32
      %dma_start3A_422 = tpu.memref_slice %arg23[%mul3A_9, %dma_start3A_421] : memref<1032x128xf32, #tpu.memory_space<vmem_shared>> -> memref<64x128xf32, #tpu.memory_space<vmem_shared>>
      tpu.enqueue_dma source(%dma_start3A_422 : memref<64x128xf32, #tpu.memory_space<vmem_shared>>) target(%dma_start3A_420 : memref<64x128xf32, #tpu.memory_space<hbm>>) target_semaphore(%run_scoped3A : memref<!tpu.dma_semaphore, #tpu.memory_space<semaphore_mem>>)
      %dma_wait3A_423 = arith.constant 0 : i32
      %dma_wait3A_424 = tpu.memref_slice %arg6[%arg0, %mul3A_9, %dma_wait3A_423] : memref<2x1024x128xf32, #tpu.memory_space<hbm>> -> memref<1x64x128xf32, #tpu.memory_space<hbm>>
      %dma_wait3A_425 = tpu.memref_squeeze %dma_wait3A_424 : memref<1x64x128xf32, #tpu.memory_space<hbm>> -> memref<64x128xf32, #tpu.memory_space<hbm>>
      %dma_wait3A_426 = arith.constant 0 : i32
      %dma_wait3A_427 = tpu.memref_slice %arg23[%mul3A_9, %dma_wait3A_426] : memref<1032x128xf32, #tpu.memory_space<vmem_shared>> -> memref<64x128xf32, #tpu.memory_space<vmem_shared>>
      tpu.wait_dma2 semaphore(%run_scoped3A : memref<!tpu.dma_semaphore, #tpu.memory_space<semaphore_mem>>) src(%dma_wait3A_427 : memref<64x128xf32, #tpu.memory_space<vmem_shared>>) dst(%dma_wait3A_425 : memref<64x128xf32, #tpu.memory_space<hbm>>)
      tpu.yield
    }) : () -> ()
    return
  }
}

module attributes {stable_mosaic.version = 14 : i64} {
  func.func @_tc_body(%arg0: memref<2x1024x128xf32, #tpu.memory_space<vmem>>, %arg1: memref<2x1024x128xf32, #tpu.memory_space<vmem>>, %arg2: memref<1024x128xf32, #tpu.memory_space<vmem>>, %arg3: memref<64x128xf32, #tpu.memory_space<vmem>>, %arg4: memref<64x16xi32, #tpu.memory_space<smem>>, %arg5: memref<384x128xf32, #tpu.memory_space<vmem>>, %arg6: memref<1x128xf32, #tpu.memory_space<vmem>>, %arg7: memref<1024x384xf32, #tpu.memory_space<vmem>>, %arg8: memref<1024x128xf32, #tpu.memory_space<vmem>>, %arg9: memref<1024x128xf32, #tpu.memory_space<vmem>>) attributes {dimension_semantics = [], scalar_prefetch = 0 : i64, scratch_operands = 1 : i64, tpu.core_type = #tpu.core_type<tc>} {
    %get3A = arith.constant 0 : index
    %get3A_0 = arith.constant 0 : index
    %get3A_1 = arith.constant 0 : index
    %get3A_2 = vector.load %arg0[%get3A, %get3A_0, %get3A_1] : memref<2x1024x128xf32, #tpu.memory_space<vmem>>, vector<1x1024x128xf32>
    %get3A_3 = vector.shape_cast %get3A_2 : vector<1x1024x128xf32> to vector<1024x128xf32>
    %get3A_4 = arith.constant 1 : index
    %get3A_5 = arith.constant 0 : index
    %get3A_6 = arith.constant 0 : index
    %get3A_7 = vector.load %arg0[%get3A_4, %get3A_5, %get3A_6] : memref<2x1024x128xf32, #tpu.memory_space<vmem>>, vector<1x1024x128xf32>
    %get3A_8 = vector.shape_cast %get3A_7 : vector<1x1024x128xf32> to vector<1024x128xf32>
    %add3A = arith.addf %get3A_3, %get3A_8 : vector<1024x128xf32>
    %get3A_9 = arith.constant 0 : index
    %get3A_10 = arith.constant 0 : index
    %get3A_11 = arith.constant 0 : index
    %get3A_12 = vector.load %arg1[%get3A_9, %get3A_10, %get3A_11] : memref<2x1024x128xf32, #tpu.memory_space<vmem>>, vector<1x1024x1xf32>
    %get3A_13 = vector.shape_cast %get3A_12 : vector<1x1024x1xf32> to vector<1024x1xf32>
    %get3A_14 = arith.constant 1 : index
    %get3A_15 = arith.constant 0 : index
    %get3A_16 = arith.constant 0 : index
    %get3A_17 = vector.load %arg1[%get3A_14, %get3A_15, %get3A_16] : memref<2x1024x128xf32, #tpu.memory_space<vmem>>, vector<1x1024x1xf32>
    %get3A_18 = vector.shape_cast %get3A_17 : vector<1x1024x1xf32> to vector<1024x1xf32>
    %add3A_19 = arith.addf %get3A_13, %get3A_18 : vector<1024x1xf32>
    %gt3A = arith.constant 0.000000e+00 : f32
    %gt3A_20 = vector.broadcast %gt3A : f32 to vector<1024x1xf32>
    %gt3A_21 = arith.cmpf ogt, %add3A_19, %gt3A_20 : vector<1024x1xf32>
    %get3A_22 = arith.constant 0 : index
    %get3A_23 = arith.constant 0 : index
    %get3A_24 = vector.load %arg2[%get3A_22, %get3A_23] : memref<1024x128xf32, #tpu.memory_space<vmem>>, vector<1024x128xf32>
    %jit3A = arith.constant 0xFF800000 : f32
    %broadcast_in_dim3A = vector.shape_cast %gt3A_21 : vector<1024x1xi1> to vector<1024x1xi1>
    %broadcast_in_dim3A_25 = vector.broadcast %broadcast_in_dim3A : vector<1024x1xi1> to vector<1024x128xi1>
    %broadcast_in_dim3A_26 = vector.broadcast %jit3A : f32 to vector<1024x128xf32>
    %select_n3A = arith.select %broadcast_in_dim3A_25, %get3A_24, %broadcast_in_dim3A_26 : vector<1024x128xi1>, vector<1024x128xf32>
    %swap3A = arith.constant 0 : index
    %swap3A_27 = arith.constant 0 : index
    %swap3A_28 = vector.load %arg9[%swap3A, %swap3A_27] : memref<1024x128xf32, #tpu.memory_space<vmem>>, vector<1024x128xf32>
    tpu.vector_store %arg9[%swap3A, %swap3A_27], %select_n3A {strides = array<i32>} : memref<1024x128xf32, #tpu.memory_space<vmem>>, vector<1024x128xf32>,
    %broadcast_in_dim3A_29 = arith.constant 0xFF800000 : f32
    %broadcast_in_dim3A_30 = vector.broadcast %broadcast_in_dim3A_29 : f32 to vector<1x128xf32>
    %scan3A = arith.constant 0 : i32
    %scan3A_31 = arith.constant 64 : i32
    %scan3A_32 = arith.addi %scan3A, %scan3A_31 : i32
    %scan3A_33 = arith.constant 1 : i32
    scf.for %scan3A_66 = %scan3A to %scan3A_32 step %scan3A_33  : i32 {
      %get3A_67 = arith.index_cast %scan3A_66 : i32 to index
      %get3A_68 = arith.constant 0 : index
      %get3A_69 = memref.load %arg4[%get3A_67, %get3A_68] : memref<64x16xi32, #tpu.memory_space<smem>>
      %swap3A_70 = arith.index_cast %get3A_69 : i32 to index
      %swap3A_71 = arith.constant 0 : index
      %swap3A_72 = vector.load %arg9[%swap3A_70, %swap3A_71] : memref<1024x128xf32, #tpu.memory_space<vmem>>, vector<1x128xf32>
      tpu.vector_store %arg9[%swap3A_70, %swap3A_71], %broadcast_in_dim3A_30 {strides = array<i32>} : memref<1024x128xf32, #tpu.memory_space<vmem>>, vector<1x128xf32>,
    }
    %scan3A_34 = arith.constant 64 : i32
    %scan3A_35 = arith.constant 0 : i32
    %scan3A_36 = arith.constant 64 : i32
    %scan3A_37 = arith.addi %scan3A_35, %scan3A_36 : i32
    %scan3A_38 = arith.constant 1 : i32
    scf.for %scan3A_66 = %scan3A_35 to %scan3A_37 step %scan3A_38  : i32 {
      %get3A_67 = arith.index_cast %scan3A_66 : i32 to index
      %get3A_68 = arith.constant 0 : index
      %get3A_69 = memref.load %arg4[%get3A_67, %get3A_68] : memref<64x16xi32, #tpu.memory_space<smem>>
      %get3A_70 = arith.index_cast %scan3A_66 : i32 to index
      %get3A_71 = arith.constant 0 : index
      %get3A_72 = vector.load %arg3[%get3A_70, %get3A_71] : memref<64x128xf32, #tpu.memory_space<vmem>>, vector<1x128xf32>
      %get3A_73 = arith.index_cast %get3A_69 : i32 to index
      %get3A_74 = arith.constant 0 : index
      %get3A_75 = vector.load %arg9[%get3A_73, %get3A_74] : memref<1024x128xf32, #tpu.memory_space<vmem>>, vector<1x128xf32>
      %max3A_76 = arith.maximumf %get3A_75, %get3A_72 : vector<1x128xf32>
      %swap3A_77 = arith.index_cast %get3A_69 : i32 to index
      %swap3A_78 = arith.constant 0 : index
      %swap3A_79 = vector.load %arg9[%swap3A_77, %swap3A_78] : memref<1024x128xf32, #tpu.memory_space<vmem>>, vector<1x128xf32>
      tpu.vector_store %arg9[%swap3A_77, %swap3A_78], %max3A_76 {strides = array<i32>} : memref<1024x128xf32, #tpu.memory_space<vmem>>, vector<1x128xf32>,
    }
    %scan3A_39 = arith.constant 64 : i32
    %get3A_40 = arith.constant 0 : index
    %get3A_41 = arith.constant 0 : index
    %get3A_42 = vector.load %arg9[%get3A_40, %get3A_41] : memref<1024x128xf32, #tpu.memory_space<vmem>>, vector<1024x128xf32>
    %is_finite3A = tpu.weird %get3A_42 : vector<1024x128xf32> -> vector<1024x128xi1>
    %is_finite3A_43 = arith.constant dense<true> : vector<1024x128xi1>
    %is_finite3A_44 = arith.xori %is_finite3A, %is_finite3A_43 : vector<1024x128xi1>
    %jit3A_45 = arith.constant 0.000000e+00 : f32
    %broadcast_in_dim3A_46 = vector.broadcast %jit3A_45 : f32 to vector<1024x128xf32>
    %select_n3A_47 = arith.select %is_finite3A_44, %get3A_42, %broadcast_in_dim3A_46 : vector<1024x128xi1>, vector<1024x128xf32>
    %max3A = arith.constant 1.000000e+00 : f32
    %max3A_48 = vector.broadcast %max3A : f32 to vector<1024x1xf32>
    %max3A_49 = arith.maximumf %add3A_19, %max3A_48 : vector<1024x1xf32>
    %div3A = vector.broadcast %max3A_49 : vector<1024x1xf32> to vector<1024x128xf32>
    %div3A_50 = arith.divf %add3A, %div3A : vector<1024x128xf32>
    %concatenate3A = tpu.concatenate %div3A_50, %select_n3A_47, %add3A in 1 : vector<1024x128xf32>, vector<1024x128xf32>, vector<1024x128xf32> -> vector<1024x384xf32>
    %swap3A_51 = arith.constant 0 : index
    %swap3A_52 = arith.constant 0 : index
    %swap3A_53 = vector.load %arg7[%swap3A_51, %swap3A_52] : memref<1024x384xf32, #tpu.memory_space<vmem>>, vector<1024x384xf32>
    tpu.vector_store %arg7[%swap3A_51, %swap3A_52], %concatenate3A {strides = array<i32>} : memref<1024x384xf32, #tpu.memory_space<vmem>>, vector<1024x384xf32>,
    %get3A_54 = arith.constant 0 : index
    %get3A_55 = arith.constant 0 : index
    %get3A_56 = vector.load %arg5[%get3A_54, %get3A_55] : memref<384x128xf32, #tpu.memory_space<vmem>>, vector<384x128xf32>
    %dot_general3A = arith.constant dense<0.000000e+00> : vector<1024x128xf32>
    %dot_general3A_57 = tpu.matmul %concatenate3A, %get3A_56, %dot_general3A {dimension_numbers = #tpu.dot_dimension_numbers<[1], [0], [0], [1], [0, 0, 1, 1], [], []>, transpose_lhs_hint = false} : vector<1024x384xf32>, vector<384x128xf32>, vector<1024x128xf32> -> vector<1024x128xf32>
    %get3A_58 = arith.constant 0 : index
    %get3A_59 = arith.constant 0 : index
    %get3A_60 = vector.load %arg6[%get3A_58, %get3A_59] : memref<1x128xf32, #tpu.memory_space<vmem>>, vector<1x128xf32>
    %add3A_61 = vector.broadcast %get3A_60 : vector<1x128xf32> to vector<1024x128xf32>
    %add3A_62 = arith.addf %dot_general3A_57, %add3A_61 : vector<1024x128xf32>
    %swap3A_63 = arith.constant 0 : index
    %swap3A_64 = arith.constant 0 : index
    %swap3A_65 = vector.load %arg8[%swap3A_63, %swap3A_64] : memref<1024x128xf32, #tpu.memory_space<vmem>>, vector<1024x128xf32>
    tpu.vector_store %arg8[%swap3A_63, %swap3A_64], %add3A_62 {strides = array<i32>} : memref<1024x128xf32, #tpu.memory_space<vmem>>, vector<1024x128xf32>,
    return
  }
}

</mosaic_0001>

<sc_bundles>
// kernel: kernel.4.cloned.1.call-start
scs
__scs_entry_jumppad:
0x0: {  	(pc) =	sbr.rel $0x88, $3  }
0x1: {  	(tag) =	ssettag $0x0;
	lr =	simm.s32 $0x1  }
0x2: {  	[smem:$0x3F9D] =	sst lr;
	_ =	strace $0xD0000000  }
0x3: {  	_ = 	snop  }
0x4: {  	_ = 	snop  }
0x5: {  	_ = 	snop  }
0x6: {  	_ = 	snop  }
0x7: {  	_ = 	snop  }
__scs_overlays_trampoline_lowered:
0x8: {  	[smem:$0x3FAC] =	sst s0  }
0x9: {  	[smem:$0x3FAD] =	sst s1  }
0xa: {  	[smem:$0x3FAE] =	sst s2  }
0xb: {  	[smem:$0x3FAF] =	sst s3  }
0xc: {  	[smem:$0x3FB0] =	sst s4  }
0xd: {  	[smem:$0x3FB1] =	sst s5  }
0xe: {  	[smem:$0x3FB2] =	sst s6  }
0xf: {  	[smem:$0x3FB3] =	sst s7  }
0x10: {  	[smem:$0x3FB4] =	sst s8  }
0x11: {  	[smem:$0x3FB5] =	sst s9;
	s0 =	simm.s32 @!p0 $0x0  }
0x12: {  	s1 =	sld [smem:$0x3F9B];
	s0 =	simm.s32 @p0 $0x1  }
0x13: {  	[smem:$0x3FB6] =	sst s0;
	s0 =	simm.s32 @!p1 $0x0  }
0x14: {  	s2 =	sld [smem:$0x3F9A];
	s0 =	simm.s32 @p1 $0x1  }
0x15: {  	[smem:$0x3FB7] =	sst s0;
	s0 =	simm.s32 @!p2 $0x0  }
0x16: {  	s3 =	sld [smem:$0x3FDB];
	s0 =	simm.s32 @p2 $0x1  }
0x17: {  	s4 =	simm.s32 $0x1BF5;
	[smem:$0x3FB9] =	sst s0  }
0x18: {  	s0 =	sld [smem:$0x3F9C];
	_ =	swait.ge [sflag:s4], $0x0  }
0x19: {  	s7 =	sld [smem:$0x3F9D]  }
0x1a: {  	s8 =	sadd.s32 $0xFFFFE003, lr  }
0x1b: {  	s9 =	sadd.s32 $0xFFFFFEF7, lr;
	s5 =	simm.s32 $0xFFFFFFFF;
	p2 =	slt.u32 s8, $0xFFFFF086  }
0x1c: {  	p1 =	slt.u32 s9, $0xF7A;
	s5 =	simm.s32 @!p2 $0x0  }
0x1d: {  	s5 =	simm.s32 @p1 $0x1;
	p0 =	seq.s32 s7, s2  }
0x1e: {  	s7 =	smul.u32 @!p0 $0xF7A, s2;
	p2 =	seq.s32 @!p0 s5, $0x0  }
0x1f: {  	s9 =	smul.u32 $0xF7A, s1;
	s8 =	simm.s32 @!p0 $0x1BF5;
	p2 =	por !p2, p0  }
0x20: {  	[sflag:s8] =	ssyncset.s32 @!p0 $0xFFFFF086;
	s6 =	sadd.s32 @!p0 s3, s7;
	s7 =	simm.s32 @!p0 $0x108  }
0x21: {  	s3 =	sadd.s32 s3, s9;
	s6 =	sadd.s32 @!p0 $0x88, s6;
	s7 =	simm.s32 @p2 $0x1082  }
0x22: {  	[simem:s7], [sflag:s8] =	dma.local @!p0 [hbm:s6], $0xF7A  }
0x23: {  	s9 =	sor.u32 $0xD0000000, s2;
	s6 =	simm.s32 $0x108;
	_ =	swait.ge @!p0 [sflag:s8], $0x0  }
0x24: {  	s3 =	sadd.s32 $0x88, s3;
	s6 =	simm.s32 @!p1 $0x1082;
	[sflag:s4] =	ssyncset.s32 $0xFFFFF086  }
0x25: {  	[simem:s6], [sflag:s4] =	dma.local [hbm:s3], $0xF7A  }
0x26: {  	[smem:$0x3F9D] =	sst s1;
	(tag) =	ssettag s2;
	_ =	strace s9  }
0x27: {  	s1 =	sld [smem:$0x3FAD]  }
0x28: {  	s2 =	sld [smem:$0x3FAE]  }
0x29: {  	s4 =	sld [smem:$0x3FB0]  }
0x2a: {  	p0 =	seq.s32 s5, $0x0;
	s5 =	sld [smem:$0x3FB1]  }
0x2b: {  	s6 =	sld [smem:$0x3FB2]  }
0x2c: {  	s7 =	sld [smem:$0x3FB3]  }
0x2d: {  	s3 =	simm.s32 $0x108;
	s8 =	sld [smem:$0x3FB4]  }
0x2e: {  	s3 =	simm.s32 @!p0 $0x1082;
	s9 =	sld [smem:$0x3FB5]  }
0x2f: {  	lr =	sadd.s32 s0, s3;
	s0 =	sld [smem:$0x3FAC]  }
0x30: {  	s3 =	sld [smem:$0x3FAF]  }
0x31: {  	[smem:$0x3FB8] =	sst s10  }
0x32: {  	s10 =	sld [smem:$0x3FB6];
	_ =	sdelay $0x3  }
0x33: {  	p0 =	seq.s32 s10, $0x1;
	s10 =	sld [smem:$0x3FB8];
	_ =	sdelay $0x3  }
0x34: {  	[smem:$0x3FB8] =	sst s10  }
0x35: {  	s10 =	sld [smem:$0x3FB7];
	_ =	sdelay $0x3  }
0x36: {  	p1 =	seq.s32 s10, $0x1;
	s10 =	sld [smem:$0x3FB8];
	_ =	sdelay $0x3  }
0x37: {  	[smem:$0x3FB8] =	sst s10  }
0x38: {  	s10 =	sld [smem:$0x3FB9]  }
0x39: {  	_ = 	snop;
	(pc) =	sbr.ind lr, $3  }
0x3a: {  	_ = 	snop  }
0x3b: {  	_ = 	snop  }
0x3c: {  	p2 =	seq.s32 s10, $0x1;
	s10 =	sld [smem:$0x3FB8]  }
0x3d: {  	_ =	shalt  }
0x3e: {  	_ =	shalt  }
0x3f: {  	_ =	shalt  }
0x40: {  	_ =	shalt  }
0x41: {  	_ =	shalt  }
0x42: {  	_ =	shalt  }
0x43: {  	_ =	shalt  }
0x44: {  	_ =	shalt  }
0x45: {  	_ =	shalt  }
0x46: {  	_ =	shalt  }
0x47: {  	_ =	shalt  }
0x48: {  	_ =	shalt  }
0x49: {  	_ =	shalt  }
0x4a: {  	_ =	shalt  }
0x4b: {  	_ =	shalt  }
0x4c: {  	_ =	shalt  }
0x4d: {  	_ =	shalt  }
0x4e: {  	_ =	shalt  }
0x4f: {  	_ =	shalt  }
0x50: {  	_ =	shalt  }
0x51: {  	_ =	shalt  }
0x52: {  	_ =	shalt  }
0x53: {  	_ =	shalt  }
0x54: {  	_ =	shalt  }
0x55: {  	_ =	shalt  }
0x56: {  	_ =	shalt  }
0x57: {  	_ =	shalt  }
0x58: {  	_ =	shalt  }
0x59: {  	_ =	shalt  }
0x5a: {  	_ =	shalt  }
0x5b: {  	_ =	shalt  }
0x5c: {  	_ =	shalt  }
0x5d: {  	_ =	shalt  }
0x5e: {  	_ =	shalt  }
0x5f: {  	_ =	shalt  }
0x60: {  	_ =	shalt  }
0x61: {  	_ =	shalt  }
0x62: {  	_ =	shalt  }
0x63: {  	_ =	shalt  }
0x64: {  	_ =	shalt  }
0x65: {  	_ =	shalt  }
0x66: {  	_ =	shalt  }
0x67: {  	_ =	shalt  }
0x68: {  	_ =	shalt  }
0x69: {  	_ =	shalt  }
0x6a: {  	_ =	shalt  }
0x6b: {  	_ =	shalt  }
0x6c: {  	_ =	shalt  }
0x6d: {  	_ =	shalt  }
0x6e: {  	_ =	shalt  }
0x6f: {  	_ =	shalt  }
0x70: {  	_ =	shalt  }
0x71: {  	_ =	shalt  }
0x72: {  	_ =	shalt  }
0x73: {  	_ =	shalt  }
0x74: {  	_ =	shalt  }
0x75: {  	_ =	shalt  }
0x76: {  	_ =	shalt  }
0x77: {  	_ =	shalt  }
0x78: {  	_ =	shalt  }
0x79: {  	_ =	shalt  }
0x7a: {  	_ =	shalt  }
0x7b: {  	_ =	shalt  }
0x7c: {  	_ =	shalt  }
0x7d: {  	_ =	shalt  }
0x7e: {  	_ =	shalt  }
0x7f: {  	_ =	shalt  }
0x80: {  	_ =	shalt  }
0x81: {  	_ =	shalt  }
0x82: {  	_ =	shalt  }
0x83: {  	_ =	shalt  }
0x84: {  	_ =	shalt  }
0x85: {  	_ =	shalt  }
0x86: {  	_ =	shalt  }
0x87: {  	_ =	shalt  }
.Lfunc_end0:
.L_simem_size_0:
called_computation_lowered:
.L_overlay_start_0:
0x88: {  	s2 =	sld [smem:$0x3FD9]  }
0x89: {  	s3 =	sld [smem:$0x3FFE];
	_ =	sdelay $0x1  }
0x8a: {  	s1 =	srdreg.scid  }
0x8b: {  	s0 =	sand.u32 $0x1, s1  }
0x8c: {  	s14 =	sshll.u32 s0, $0xA;
	s2 =	sadd.s32 s3, s2  }
0x8d: {  	s2 =	sadd.s32 s2, s14  }
0x8e: {  	[smem:$0x3FC4] =	sst s2  }
0x8f: {  	_ = 	snop  }
0x90: {  	s2 =	sld [smem:$0x3FD0];
	_ =	sdelay $0x2  }
0x91: {  	s4 =	simm.s32 $0xA;
	s5 =	simm.s32 $0x10;
	s15 =	sld [smem:$0x3FC9]  }
0x92: {  	[smem:s5], [sflag:s4] =	dma.local [hbm:s2], $0x1  }
0x93: {  	_ =	swait.eq [sflag:s4], $0x1  }
0x94: {  	[sflag:s4] =	ssyncset.done $0x0  }
0x95: {  	s16 =	sld [smem:$0x10];
	[sflag:s4] =	ssyncadd.s32 $0xFFFFFFFF  }
0x96: {  	s17 =	sld [smem:$0x11];
	(tm) =	ssettm $0x1  }
0x97: {  	s18 =	sld [smem:$0x3FFB];
	_ =	sdelay $0x3  }
0x98: {  	_ =	strace s18  }
0x99: {  	s5 =	sld [smem:$0x3FFC];
	_ =	sdelay $0x3  }
0x9a: {  	_ =	strace s5  }
0x9b: {  	s5 =	sld [smem:$0x3FFD];
	_ =	sdelay $0x3  }
0x9c: {  	_ =	strace s5  }
0x9d: {  	_ =	strace $0x8FFFFFFF  }
0x9e: {  	s19 =	sld [smem:$0x3FDB];
	_ =	sdelay $0x1  }
0x9f: {  	s6 =	simm.s32 $_scs_section_size  }
0xa0: {  	s7 =	simm.s32 $_size__tile_overlayer_lowered;
	s8 =	simm.s32 $_tile_overlayer_lowered  }
0xa1: {  	s22 =	simm.s32 $0x1BFF;
	s21 =	sshll.u32 s8, $0x1;
	s5 =	sadd.s32 s6, s19  }
0xa2: {  	s9 =	simm.s32 $0x0;
	s20 =	sshll.u32 s7, $0x1;
	s7 =	sadd.s32 s21, s5  }
0xa3: {  	[timem:s9], [sflag:s22] =	dma.local [hbm:s7], s20  }
0xa4: {  	_ =	swait.ge [sflag:s22], s20  }
0xa5: {  	s6 =	ssub.s32 $0x0, s20;
	[sflag:s22] =	ssyncset.done $0x0  }
0xa6: {  	[sflag:s22] =	ssyncadd.s32 s6;
	_ =	sdelay $0x1  }
0xa7: {  	s23 =	simm.s32 $0x1B8B  }
0xa8: {  	_ =	swait.ge [sflag:s23], $0x1  }
0xa9: {  	[sflag:s23] =	ssyncset.done $0x0  }
0xaa: {  	s25 =	simm.s32 $0x1B8E;
	s24 =	sld [smem:$0x3FFE];
	[sflag:s23] =	ssyncadd.s32 $0xFFFFFFFF  }
0xab: {  	s26 =	simm.s32 $execute0_lowered;
	[smem:$0x3FD2] =	sst s25  }
0xac: {  	s7 =	sshll.u32 s26, $0x1;
	_ =	strace $0x80000046;
	[dreg:$0x1] =	wrdreg $0xFFFFFFFF  }
0xad: {  	s28 =	simm.s32 $_size_execute0_lowered;
	s5 =	sadd.s32 s5, s7;
	[dreg:$0x0] =	wrdreg $0x0  }
0xae: {  	s7 =	sshll.u32 s28, $0x1;
	[dreg:$0x2] =	wrdreg s5  }
0xaf: {  	[dreg:$0x3] =	wrdreg s7  }
0xb0: {  	[dreg:$0x4] =	wrdreg $0xC0  }
0xb1: {  	_ =	task [dreg:s9], $0x5FFFF  }
0xb2: {  	[dreg:$0x1] =	wrdreg $0xFFFFFFFF  }
0xb3: {  	[dreg:$0x0] =	wrdreg $0x60  }
0xb4: {  	[dreg:$0x2] =	wrdreg s15  }
0xb5: {  	[dreg:$0x3] =	wrdreg s24  }
0xb6: {  	[dreg:$0x4] =	wrdreg s16  }
0xb7: {  	[dreg:$0x5] =	wrdreg s17  }
0xb8: {  	[dreg:$0x6] =	wrdreg $0x105000  }
0xb9: {  	[dreg:$0x7] =	wrdreg $0x125400  }
0xba: {  	[dreg:$0x8] =	wrdreg $0x9  }
0xbb: {  	_ =	task.clear_ibuf [dreg:s9], $0x9FFFF;
	_ =	strace $0x90000046  }
0xbc: {  	s29 =	simm.s32 $0x9;
	_ =	strace $0x80000048  }
0xbd: {  	_ =	swait.ge [sflag:s29], $0x1  }
0xbe: {  	[sflag:s29] =	ssyncadd.s32 $0xFFFFFFFF  }
0xbf: {  	_ =	strace $0x90000048  }
0xc0: {  	_ =	sfence  }
0xc1: {  	s30 =	sld [smem:$0x0];
	_ =	sdelay $0x2  }
0xc2: {  	s31 =	sshll.u32 s1, $0xD;
	s1 =	sshrl.u32 s1, $0x2  }
0xc3: {  	s3 =	sand.u32 $0x4000, s31;
	s1 =	sadd.s32 s1, s30  }
0xc4: {  	s0 =	sor.u32 s3, s0;
	s1 =	sshll.u32 s1, $0x11  }
0xc5: {  	s0 =	sor.u32 s1, s0  }
0xc6: {  	s0 =	sadd.s32 $0x8F2B, s0  }
0xc7: {  	[sflag:s0] =	ssyncadd.remote.s32 $0x1  }
0xc8: {  	_ =	sfence.sel $0xFFFF  }
0xc9: {  	[dreg:$0x0] =	wrdreg $0xFFFFFFFF;
	(pc) =	sbr.abs _section_cstart, $3  }
0xca: {  	[dreg:$0x1] =	wrdreg $0xFFFFFFFF  }
0xcb: {  	_ =	task.clear_ibuf [dreg:s9], $0x2FFFF;
	_ =	strace $0x9FFFFFFF  }
0xcc: {  	(tm) =	ssettm $0x7FFFFFFF  }
0xcd: {  	_ =	shalt  }
tec
execute0_lowered:
.L_overlay_start_1:
0x0: {  	(tag) =	ssettag $0x1  }
0x1: {  	s3 =	rddreg [dreg:$0x0]  }
0x2: {  	s1 =	rddreg [dreg:$0x1]  }
0x3: {  	s0 =	rddreg [dreg:$0x2]  }
0x4: {  	s2 =	rddreg [dreg:$0x3]  }
0x5: {  	s4 =	rddreg [dreg:$0x4]  }
0x6: {  	s16 =	rddreg [dreg:$0x5];
	s5 =	simm.s32 $0x0;
	s26 =	srdreg.scid  }
0x7: {  	s11 =	stileid.u32;
	s29 =	simm.s32 $0x2;
	s30 =	simm.s32 $0x80  }
0x8: {  	[smem:$0x7FF] =	sst s5;
	s5 =	sand.u32 $0x1, s26;
	s7 =	sadd.s32 $0x1200, s1  }
0x9: {  	s8 =	sshll.u32 s11, $0xD;
	s13 =	sadd.s32 $0x4400, s1;
	_ =	strace $0x80000047  }
0xa: {  	s6 =	sshll.u32 s5, $0x4;
	s9 =	sshll.u32 s5, $0x11;
	[dreg:$0x7] =	wrdreg s13  }
0xb: {  	s5 =	ssub.s32 $0x2, s5;
	s4 =	sadd.s32 s8, s4;
	s13 =	simm.s32 $0x6  }
0xc: {  	s6 =	sor.u32 s11, s6;
	s9 =	sor.u32 s8, s9;
	s11 =	sshll.u32 s11, $0x7  }
0xd: {  	s15 =	sshrl.u32 s5, $0x1;
	[dreg:$0x8] =	wrdreg s4;
	s8 =	sadd.s32 s8, s16  }
0xe: {  	s16 =	simm.s32 $0x3;
	s10 =	sshrl.u32 s6, $0x3;
	s9 =	sshrl.u32 s9, $0x3  }
0xf: {  	s11 =	sand.u32 $0x380, s11;
	s14 =	smul.u32 $0xC30, s6;
	p0 =	slt.u32 s6, $0x14  }
0x10: {  	s5 =	ssub.s32 s5, s15;
	[dreg:$0xa] =	wrdreg s8;
	s12 =	sshll.u32 s10, $0xB  }
0x11: {  	s28 =	sadd.s32 s9, s1;
	s10 =	sshll.u32 s10, $0xA;
	s0 =	sadd.s32 s0, s9  }
0x12: {  	s26 =	smax.u32 s5, $0x1;
	s5 =	simm.s32 $0x9;
	s12 =	sor.u32 s11, s12  }
0x13: {  	s10 =	sor.u32 s11, s10;
	s11 =	smul.u32 $0xC38, s6;
	s6 =	sadd.s32 $0xA0, s14  }
0x14: {  	s8 =	sadd.s32 $0xCD0, s14;
	[dreg:$0x14] =	wrdreg s0;
	s25 =	sadd.s32 $0x5200, s28  }
0x15: {  	[dreg:$0x16] =	wrdreg s26;
	s26 =	simm.s32 $0x8300;
	s14 =	simm.s32 $0x0  }
0x16: {  	s12 =	sshrl.u32 s12, $0x3;
	s10 =	sshrl.u32 s10, $0x3;
	[dreg:$0x15] =	wrdreg s25  }
0x17: {  	s12 =	sadd.s32 s12, s1;
	s6 =	smov.u32 @p0 s11;
	s1 =	sadd.s32 s10, s1  }
0x18: {  	s31 =	sshrl.u32 s6, $0x3;
	s15 =	sshll.u32 s6, $0x4;
	s18 =	sadd.s32 $0x80, s6  }
0x19: {  	s6 =	sadd.s32 $0xC38, s11;
	s24 =	sadd.s32 $0x4C00, s12;
	s1 =	sadd.s32 $0x5000, s1  }
0x1a: {  	s12 =	simm.s32 $0x5;
	s10 =	sadd.s32 s7, s31;
	[dreg:$0xd] =	wrdreg s18  }
0x1b: {  	v0 =	vimm.s32 $0xFEDCBA98;
	v1 =	vimm.s32 $0x76543210;
	v3 =	vimm.s32 $0x3210FEDC;
	s17 =	sadd.s32 s3, s15;
	s19 =	sshll.u32 s18, $0x4;
	[dreg:$0x12] =	wrdreg s24  }
0x1c: {  	v4 =	vimm.s32 $0xBA987654;
	v5 =	vimm.s32 $0x10FEDCBA;
	v6 =	vimm.s32 $0x98765432;
	s20 =	sshrl.u32 s18, $0x3;
	s8 =	smov.u32 @p0 s6;
	[dreg:$0x13] =	wrdreg s1  }
0x1d: {  	v7 =	vimm.s32 $0xFEDCBA9;
	v8 =	vimm.s32 $0x87654321;
	v0 =	vunpack.c.l.s4.s8 v0;
	s18 =	simm.s32 $0x7;
	[dreg:$0x9] =	wrdreg s10;
	s4 =	sadd.s32 $0x2, s10  }
0x1e: {  	v1 =	vunpack.c.l.s4.s8 v1;
	v3 =	vunpack.c.l.s4.s8 v3;
	v4 =	vunpack.c.l.s4.s8 v4;
	[dreg:$0xc] =	wrdreg s17;
	s21 =	sadd.s32 s3, s19;
	s22 =	sadd.s32 s7, s20  }
0x1f: {  	v5 =	vunpack.c.l.s4.s8 v5;
	v6 =	vunpack.c.l.s4.s8 v6;
	v7 =	vunpack.c.l.s4.s8 v7;
	s6 =	sadd.s32 $0xFFFFFF80, s8;
	s10 =	simm.s32 $0x48;
	[dreg:$0xb] =	wrdreg s4  }
0x20: {  	v8 =	vunpack.c.l.s4.s8 v8;
	v2 =	vunpack.c.0.s8.s32 v0;
	v1 =	vunpack.c.0.s8.s32 v1;
	s17 =	simm.s32 $0x4;
	[dreg:$0xe] =	wrdreg s21;
	s8 =	sshll.u32 s6, $0x4  }
0x21: {  	v3 =	vunpack.c.0.s8.s32 v3;
	v4 =	vunpack.c.0.s8.s32 v4;
	v5 =	vunpack.c.0.s8.s32 v5;
	[dreg:$0xf] =	wrdreg s22;
	s6 =	sshrl.u32 s6, $0x3;
	s3 =	sadd.s32 s3, s8  }
0x22: {  	v6 =	vunpack.c.0.s8.s32 v6;
	v7 =	vunpack.c.0.s8.s32 v7;
	v2 =	vand.u32 $0xF, v2;
	s10 =	simm.s32 @!p0 $0x50;
	s23 =	sadd.s32 s7, s6;
	[dreg:$0x10] =	wrdreg s3  }
0x23: {  	v8 =	vunpack.c.0.s8.s32 v8;
	v1 =	vcombine.low v2, v1;
	v2 =	vcombine.low v4, v3;
	s28 =	sshll.u32 s10, $0x7;
	s31 =	sshll.u32 s10, $0x2;
	[dreg:$0x11] =	wrdreg s23  }
0x24: {  	v3 =	vimm.f32 $0.0e+00;
	v4 =	vcombine.low v6, v5;
	v5 =	vlaneseq.u32;
	s19 =	simm.s32 $0x8;
	[dreg:$0x17] =	wrdreg s31;
	s0 =	sor.u32 $0x40, s28  }
0x25: {  	v6 =	vcombine.low v8, v7;
	v7 =	vimm.s32 $0x400;
	v0 =	vmov s10;
	s6 =	simm.s32 $0x4100;
	[dreg:$0x18] =	wrdreg s0;
	s0 =	simm.s32 $0x1  }
.LBB2_1:
0x26: {  	[dreg:$0x19] =	wrdreg s14;
	s1 =	simm.s32 $0x0;
	s8 =	simm.s32 $0x200  }
.LBB2_2:
0x27: {  	p0 =	sne.s32 s8, $0x7E00;
	[tilespmem:s1+$0xE570] =	vst v3  }
0x28: {  	[tilespmem:s1+$0xC500] =	vst v3  }
0x29: {  	[tilespmem:s1+$0xE500] =	vst v3  }
0x2a: {  	[tilespmem:s1+$0xC510] =	vst v3  }
0x2b: {  	[tilespmem:s1+$0xE510] =	vst v3  }
0x2c: {  	[tilespmem:s1+$0xC520] =	vst v3  }
0x2d: {  	[tilespmem:s1+$0xE520] =	vst v3  }
0x2e: {  	[tilespmem:s1+$0xC530] =	vst v3  }
0x2f: {  	[tilespmem:s1+$0xE530] =	vst v3  }
0x30: {  	[tilespmem:s1+$0xC540] =	vst v3  }
0x31: {  	[tilespmem:s1+$0xE540] =	vst v3  }
.Ltmp0:
0x32: {  	[tilespmem:s1+$0xC550] =	vst v3;
	(pc) =	sbr.rel @p0 .LBB2_2-.Ltmp0, $4  }
0x33: {  	[tilespmem:s1+$0xE550] =	vst v3  }
0x34: {  	[tilespmem:s1+$0xC560] =	vst v3  }
0x35: {  	[tilespmem:s1+$0xE560] =	vst v3  }
0x36: {  	[tilespmem:s1+$0xC570] =	vst v3;
	s1 =	sshra.s32 s8, $0x2;
	s8 =	sadd.s32 $0x200, s8  }
0x37: {  	[tilespmem:s1+$0xE570] =	vst v3  }
0x38: {  	[tilespmem:s1+$0xC500] =	vst v3  }
0x39: {  	[tilespmem:s1+$0xE500] =	vst v3  }
0x3a: {  	[tilespmem:s1+$0xC510] =	vst v3  }
0x3b: {  	[tilespmem:s1+$0xE510] =	vst v3  }
0x3c: {  	[tilespmem:s1+$0xC520] =	vst v3  }
0x3d: {  	[tilespmem:s1+$0xE520] =	vst v3  }
0x3e: {  	[tilespmem:s1+$0xC530] =	vst v3  }
0x3f: {  	[tilespmem:s1+$0xE530] =	vst v3  }
0x40: {  	[tilespmem:s1+$0xC540] =	vst v3  }
0x41: {  	[tilespmem:s1+$0xE540] =	vst v3  }
0x42: {  	[tilespmem:s1+$0xC550] =	vst v3  }
0x43: {  	[tilespmem:s1+$0xE550] =	vst v3  }
0x44: {  	[tilespmem:s1+$0xC560] =	vst v3  }
0x45: {  	[tilespmem:s1+$0xE560] =	vst v3  }
0x46: {  	[tilespmem:s1+$0xC570] =	vst v3;
	s21 =	simm.s32 $0x0;
	s8 =	rddreg [dreg:$0x7]  }
0x47: {  	[tilespmem:s26], [sflag:$0x9] =	stream.linear.gather [hbm4b:s8+s21], $0x4000, $0x38;
	[tilespmem:$0x14580] =	vst v63  }
0x48: {  	_ =	swait.ge [sflag:s5], $0x4000  }
0x49: {  	[sflag:s5] =	ssyncset.done $0x0  }
0x4a: {  	s3 =	simm.s32 $0xC500;
	s9 =	rddreg [dreg:$0x8];
	[sflag:s5] =	ssyncadd.s32 $0xFFFFC000  }
0x4b: {  	[spmem:s9] =	stream.linear.scatter [tilespmem:s3], [sflag:$0x9], $0x2000, $0x38;
	[tilespmem:$0x14580] =	vst v63  }
0x4c: {  	_ =	swait.ge [sflag:s5], $0x2000  }
0x4d: {  	[sflag:s5] =	ssyncset.done $0x0  }
0x4e: {  	s11 =	simm.s32 $0xE500;
	s10 =	rddreg [dreg:$0xa];
	[sflag:s5] =	ssyncadd.s32 $0xFFFFE000  }
0x4f: {  	[spmem:s10] =	stream.linear.scatter [tilespmem:s11], [sflag:$0x9], $0x2000, $0x38;
	[tilespmem:$0x14580] =	vst v63  }
0x50: {  	_ =	swait.ge [sflag:s5], $0x2000  }
0x51: {  	[sflag:s5] =	ssyncset.done $0x0  }
0x52: {  	[sflag:s5] =	ssyncadd.s32 $0xFFFFE000  }
0x53: {  	[bflag:$0x0] =	sbarrier.arrive $0xFFFF  }
0x54: {  	s4 =	simm.s32 $0x4000;
	s14 =	rddreg [dreg:$0xb]  }
0x55: {  	[tilespmem:s4], [sflag:$0x9] =	stream.linear.gather [hbm4b:s14+s21], $0x10, $0x38;
	[tilespmem:$0x14580] =	vst v63  }
0x56: {  	_ =	swait.ge [sflag:s5], $0x10  }
0x57: {  	[sflag:s5] =	ssyncset.done $0x0  }
0x58: {  	[sflag:s5] =	ssyncadd.s32 $0xFFFFFFF0  }
0x59: {  	v8 =	vld [tilespmem:$0x4000];
	_ =	sdelay $0x4  }
0x5a: {  	(v2sf) =	vpush v8, $0x0;
	_ =	sdelay $0xa  }
0x5b: {  	s15 =	rddreg [dreg:$0xc]  }
0x5c: {  	[tilespmem:s21], [sflag:$0x1] =	stream.linear.gather [hbm4b:s15+s21], $0x4000, $0x38;
	[tilespmem:$0x14580] =	vst v63  }
0x5d: {  	s20 =	rddreg [dreg:$0x9]  }
0x5e: {  	[tilespmem:s4], [sflag:$0x2] =	stream.linear.gather [hbm4b:s20+s21], $0xA0, $0x38;
	[tilespmem:$0x14580] =	vst v63  }
0x5f: {  	s1 =	spop (v2sf)  }
0x60: {  	_ =	swait.ge [sflag:s0], $0x4000  }
0x61: {  	[sflag:s0] =	ssyncset.done $0x0  }
0x62: {  	[sflag:s0] =	ssyncadd.s32 $0xFFFFC000  }
0x63: {  	_ =	swait.ge [sflag:s29], $0xA0  }
0x64: {  	[sflag:s29] =	ssyncset.done $0x0  }
0x65: {  	[sflag:s29] =	ssyncadd.s32 $0xFFFFFF60  }
0x66: {  	v8 =	vld [tilespmem:$0x4010]  }
0x67: {  	v9 =	vld [tilespmem:$0x4020]  }
0x68: {  	v10 =	vld [tilespmem:$0x4030]  }
0x69: {  	v11 =	vld [tilespmem:$0x4040]  }
0x6a: {  	v12 =	vld [tilespmem:$0x4050]  }
0x6b: {  	[tilespmem:$0x4100] =	vst v8;
	v8 =	vld [tilespmem:$0x4060]  }
0x6c: {  	[tilespmem:$0x4110] =	vst v9;
	v9 =	vld [tilespmem:$0x4070]  }
0x6d: {  	[tilespmem:$0x4120] =	vst v10;
	v10 =	vld [tilespmem:$0x4080]  }
0x6e: {  	[tilespmem:$0x4130] =	vst v11  }
0x6f: {  	[tilespmem:$0x4140] =	vst v12  }
0x70: {  	[tilespmem:$0x4150] =	vst v8  }
0x71: {  	[tilespmem:$0x4160] =	vst v9  }
0x72: {  	s22 =	rddreg [dreg:$0x4];
	[tilespmem:$0x4170] =	vst v10  }
0x73: {  	[spmem:s22] =	stream.indirect.scatter.add.f32 [tilespmem:s21], [sflag:$0x3], $0x80, s6, s30, $0xb8;
	[tilespmem:$0x14580] =	vst v63  }
0x74: {  	s23 =	rddreg [dreg:$0x5]  }
0x75: {  	[spmem:s23] =	stream.indirect.scatter.add.f32 [tilespmem:s26], [sflag:$0x4], $0x80, s6, s30, $0xb8;
	[tilespmem:$0x14580] =	vst v63  }
.Ltmp1:
0x76: {  	s25 =	simm.s32 $0x4180;
	s31 =	simm.s32 $0x8180;
	(pc) =	sbr.rel .LBB2_4-.Ltmp1, $4  }
0x77: {  	s9 =	simm.s32 $0x40;
	s10 =	simm.s32 $0x4010;
	s24 =	rddreg [dreg:$0xe]  }
0x78: {  	v15 =	vimm.f32 $-Inf;
	v14 =	vimm.f32 $-Inf;
	[tilespmem:s25], [sflag:$0x5] =	stream.linear.gather [hbm4b:s24+s21], $0x4000, $0x38;
	[tilespmem:$0x14580] =	vst v63  }
0x79: {  	v13 =	vimm.f32 $-Inf;
	s11 =	simm.s32 $0x0;
	s28 =	rddreg [dreg:$0xf];
	v11 =	vimm.f32 $-Inf;
	v12 =	vimm.f32 $-Inf;
	s24 =	simm.s32 $0x0  }
0x7a: {  	v8 =	vimm.f32 $-Inf;
	v10 =	vimm.f32 $-Inf;
	v9 =	vimm.f32 $-Inf;
	[tilespmem:s31], [sflag:$0x6] =	stream.linear.gather [hbm4b:s28+s21], $0xA0, $0x38;
	[tilespmem:$0x14580] =	vst v63  }
.LBB2_10:
0x7b: {  	[tilespmem:$0xC3F0] =	vst @!p2 v11  }
0x7c: {  	[tilespmem:$0xC3A0] =	vst @!p2 v10  }
0x7d: {  	[tilespmem:$0xC3C0] =	vst @!p2 v13  }
0x7e: {  	[tilespmem:$0xC3E0] =	vst @!p2 v15  }
0x7f: {  	[tilespmem:$0xC3B0] =	vst @!p2 v8  }
0x80: {  	[tilespmem:$0xC390] =	vst @!p2 v9  }
0x81: {  	[tilespmem:$0xC380] =	vst @!p2 v12  }
0x82: {  	v16 =	vld [tilespmem:s20+$0xFFFFFFC0]  }
0x83: {  	v17 =	vld [tilespmem:s20+$0x30]  }
0x84: {  	v18 =	vld [tilespmem:s20+$0x20]  }
0x85: {  	v19 =	vld [tilespmem:s20+$0xFFFFFFD0]  }
0x86: {  	v20 =	vld [tilespmem:s20+$0xFFFFFFF0]  }
0x87: {  	v21 =	vld [tilespmem:s20+$0xFFFFFFE0]  }
0x88: {  	v22 =	vld [tilespmem:s20+$0x0]  }
0x89: {  	v23 =	vld [tilespmem:s20+$0x10];
	_ =	sdelay $0x1  }
0x8a: {  	v12 =	vmax.f32 v12, v16  }
0x8b: {  	v11 =	vmax.f32 v11, v17;
	v15 =	vmax.f32 v15, v18;
	v9 =	vmax.f32 v9, v19  }
0x8c: {  	v8 =	vmax.f32 v8, v20;
	v10 =	vmax.f32 v10, v21;
	v13 =	vmax.f32 v13, v22  }
0x8d: {  	v14 =	vmax.f32 v14, v23;
	v12 =	vpsel p0, v16, v12;
	v11 =	vpsel p0, v17, v11  }
0x8e: {  	v15 =	vpsel p0, v18, v15;
	v9 =	vpsel p0, v19, v9;
	v8 =	vpsel p0, v20, v8  }
0x8f: {  	s1 =	smov.u32 s25;
	v10 =	vpsel p0, v21, v10;
	v13 =	vpsel p0, v22, v13;
	v14 =	vpsel p0, v23, v14  }
.LBB2_11:
0x90: {  	s24 =	sadd.s32 $0x1, s24  }
0x91: {  	p0 =	sne.s32 s24, $0x8  }
.Ltmp2:
0x92: {  	_ = 	snop;
	(pc) =	sbr.rel @!p0 .LBB2_12-.Ltmp2, $3  }
0x93: {  	_ =	sdelay $0x1  }
0x94: {  	s9 =	sadd.s32 $0x800, s9  }
0x95: {  	s10 =	sadd.s32 $0x10, s10;
	s11 =	sadd.s32 $0x10, s11;
	s23 =	simm.s32 $0x0  }
.LBB2_4:
0x96: {  	s8 =	sshll.u32 s24, $0x4  }
0x97: {  	v16 =	vld [tilespmem:s8+$0x4010]  }
0x98: {  	v17 =	vld [tilespmem:s8+$0x400F];
	_ =	sdelay $0x4  }
0x99: {  	vm0 =	veq.s32 v16, v17  }
0x9a: {  	v16 =	vsel vm0, $0x10, v5  }
0x9b: {  	v17 =	vperm.xlane v16, v1;
	_ =	sdelay $0x1  }
0x9c: {  	vm0 =	vlt.s32 v16, v17  }
0x9d: {  	v16 =	vsel vm0, v16, v17  }
0x9e: {  	v17 =	vperm.xlane v16, v2;
	_ =	sdelay $0x1  }
0x9f: {  	vm0 =	vlt.s32 v16, v17  }
0xa0: {  	v16 =	vsel vm0, v16, v17  }
0xa1: {  	v17 =	vperm.xlane v16, v4;
	_ =	sdelay $0x1  }
0xa2: {  	vm0 =	vlt.s32 v16, v17  }
0xa3: {  	v16 =	vsel vm0, v16, v17  }
0xa4: {  	v17 =	vperm.xlane v16, v6;
	_ =	sdelay $0x1  }
0xa5: {  	vm0 =	vlt.s32 v16, v17  }
0xa6: {  	v16 =	vsel vm0, v16, v17  }
0xa7: {  	(v2sf) =	vpush v16, $0x0;
	_ =	sdelay $0xe  }
0xa8: {  	s8 =	spop (v2sf)  }
0xa9: {  	p0 =	sgt.s32 s8, $0x0  }
.Ltmp3:
0xaa: {  	_ = 	snop;
	(pc) =	sbr.rel @!p0 .LBB2_8-.Ltmp3, $1  }
0xab: {  	_ =	sdelay $0x3  }
0xac: {  	p1 =	seq.s32 s8, $0x1  }
.Ltmp4:
0xad: {  	_ = 	snop;
	(pc) =	sbr.rel @p1 .LBB2_6-.Ltmp4, $2  }
0xae: {  	_ =	sdelay $0x2  }
0xaf: {  	v16 =	vld [tilespmem:s9+$0x30];
	s20 =	sadd.s32 $0xFFFFFFFF, s8;
	p0 =	por $0x0, $0x0  }
0xb0: {  	v20 =	vld [tilespmem:s9+$0xFFFFFFD0]  }
0xb1: {  	v22 =	vld [tilespmem:s9+$0xFFFFFFE0]  }
0xb2: {  	v23 =	vld [tilespmem:s9+$0xFFFFFFF0];
	p1 =	seq.s32 s20, $0x1  }
.Ltmp5:
0xb3: {  	v17 =	vld [tilespmem:s9+$0x0];
	(pc) =	sbr.rel @p1 .LBB2_18-.Ltmp5, $4  }
0xb4: {  	v18 =	vld [tilespmem:s9+$0x10]  }
0xb5: {  	v19 =	vld [tilespmem:s9+$0x20]  }
0xb6: {  	v21 =	vld [tilespmem:s9+$0xFFFFFFC0];
	s14 =	sadd.s32 $0x80, s9;
	v24 =	vmov v12;
	v11 =	vmax.f32 v11, v16;
	v9 =	vmax.f32 v9, v20  }
0xb7: {  	s20 =	sadd.s32 $0xFFFFFFFF, s20;
	p0 =	por $0x1, $0x1;
	v16 =	vld [tilespmem:s14+$0x30];
	v10 =	vmax.f32 v10, v22;
	v8 =	vmax.f32 v8, v23;
	v20 =	vmovc v13;
	v22 =	vmovc v14;
	v23 =	vmov v15  }
.LBB2_19:
0xb8: {  	p1 =	seq.s32 s20, $0x1;
	v25 =	vld [tilespmem:s14+$0xFFFFFFD0];
	v20 =	vmax.f32 v20, v17  }
0xb9: {  	v26 =	vld [tilespmem:s14+$0xFFFFFFE0];
	v22 =	vmax.f32 v22, v18  }
0xba: {  	v27 =	vld [tilespmem:s14+$0xFFFFFFF0];
	v23 =	vmax.f32 v23, v19  }
.Ltmp6:
0xbb: {  	v17 =	vld [tilespmem:s14+$0x0];
	v24 =	vmax.f32 v24, v21;
	(pc) =	sbr.rel @!p1 .LBB2_19-.Ltmp6, $4  }
0xbc: {  	v18 =	vld [tilespmem:s14+$0x10];
	v11 =	vmax.f32 v11, v16  }
0xbd: {  	v9 =	vmax.f32 v9, v25;
	v19 =	vld [tilespmem:s14+$0x20]  }
0xbe: {  	v21 =	vld [tilespmem:s14+$0xFFFFFFC0];
	v10 =	vmax.f32 v10, v26;
	s14 =	sadd.s32 $0x80, s14  }
0xbf: {  	s20 =	sadd.s32 $0xFFFFFFFF, s20;
	v16 =	vld [tilespmem:s14+$0x30];
	v8 =	vmax.f32 v8, v27  }
.LBB2_20:
0xc0: {  	v25 =	vld [tilespmem:s14+$0xFFFFFFD0]  }
0xc1: {  	v26 =	vld [tilespmem:s14+$0xFFFFFFE0]  }
0xc2: {  	v27 =	vld [tilespmem:s14+$0xFFFFFFF0]  }
0xc3: {  	v28 =	vld [tilespmem:s14+$0x0]  }
0xc4: {  	v29 =	vld [tilespmem:s14+$0x10]  }
0xc5: {  	v30 =	vld [tilespmem:s14+$0x20]  }
0xc6: {  	v17 =	vmax.f32 @p0 v20, v17;
	v63 =	vld [tilespmem:s14+$0xFFFFFFC0]  }
0xc7: {  	v18 =	vmax.f32 @p0 v22, v18;
	v13 =	vpsel p0, v17, v13;
	v19 =	vmax.f32 @p0 v23, v19  }
0xc8: {  	v14 =	vpsel p0, v18, v14;
	v21 =	vmax.f32 @p0 v24, v21;
	v15 =	vpsel p0, v19, v15  }
0xc9: {  	v11 =	vmax.f32 v11, v16;
	v12 =	vpsel p0, v21, v12;
	v9 =	vmax.f32 v9, v25  }
0xca: {  	v10 =	vmax.f32 v10, v26;
	v8 =	vmax.f32 v8, v27;
	v13 =	vmax.f32 v13, v28  }
0xcb: {  	v14 =	vmax.f32 v14, v29;
	v15 =	vmax.f32 v15, v30;
	v12 =	vmax.f32 v12, v63  }
0xcc: {  	p0 =	sgt.u32 s8, $0xF  }
.Ltmp7:
0xcd: {  	_ = 	snop;
	(pc) =	sbr.rel @p0 .LBB2_11-.Ltmp7, $1  }
0xce: {  	_ =	sdelay $0x3  }
.LBB2_8:
0xcf: {  	s20 =	sshll.u32 s8, $0x2  }
0xd0: {  	s20 =	sshra.s32 s20, $0x2  }
0xd1: {  	s23 =	sadd.s32 s20, s10  }
0xd2: {  	v16 =	vld [tilespmem:s23+$0x0];
	_ =	sdelay $0x4  }
0xd3: {  	(v2sf) =	vpush v16, $0x0;
	_ =	sdelay $0xe  }
0xd4: {  	s25 =	spop (v2sf)  }
0xd5: {  	p0 =	seq.s32 s25, s1  }
0xd6: {  	p2 =	sne.s32 @!p0 s21, $0x0  }
0xd7: {  	p1 =	por !p2, p0  }
0xd8: {  	[tilespmem:$0xC370] =	vst @!p1 v11  }
0xd9: {  	[tilespmem:$0xC360] =	vst @!p1 v15  }
0xda: {  	s14 =	sadd.s32 s11, s8;
	[tilespmem:$0xC350] =	vst @!p1 v14  }
0xdb: {  	s14 =	sshll.u32 s14, $0x9;
	[tilespmem:$0xC340] =	vst @!p1 v13  }
0xdc: {  	s14 =	sshra.s32 s14, $0x2;
	[tilespmem:$0xC300] =	vst @!p1 v12  }
0xdd: {  	s20 =	sor.u32 $0x40, s14;
	s14 =	sshll.u32 @!p1 s1, $0x4;
	[tilespmem:$0xC310] =	vst @!p1 v9  }
0xde: {  	[tilespmem:$0xC320] =	vst @!p1 v10;
	s22 =	simm.s32 @!p1 $0x0;
	s14 =	sand.u32 @!p1 $0x1FFFFFF0, s14  }
0xdf: {  	[tilespmem:$0xC330] =	vst @!p1 v8;
	s28 =	simm.s32 @!p1 $0xC300;
	s31 =	simm.s32 @!p1 $0x9;
	s14 =	sadd.s32 @!p1 s2, s14  }
0xe0: {  	[hbm4b:s14+s22] =	stream.linear.scatter @!p1 [tilespmem:s28], [sflag:$0x9], $0x80, $0x38;
	[tilespmem:$0x14580] =	vst v63  }
0xe1: {  	s15 =	ssub.s32 $0x10, s8;
	_ =	swait.ge @!p1 [sflag:s31], $0x80  }
0xe2: {  	s8 =	sadd.s32 $0xFFFFFFFF, s15;
	[sflag:s31] =	ssyncset.done @!p1 $0x0  }
0xe3: {  	[sflag:s31] =	ssyncadd.s32 @!p1 $0xFFFFFF80;
	p1 =	sne.s32 s8, $0x0  }
.Ltmp8:
0xe4: {  	_ = 	snop;
	(pc) =	sbr.rel @!p1 .LBB2_10-.Ltmp8, $4  }
0xe5: {  	p2 =	por p2, p0  }
0xe6: {  	p0 =	sne.s32 s25, s1;
	v16 =	vmov @!p2 s1;
	s14 =	simm.s32 $0x1  }
0xe7: {  	s14 =	simm.s32 @!p0 $0x0;
	[tilespmem:$0xC480] =	vst @!p2 v16  }
0xe8: {  	s1 =	smov.u32 s20;
	s21 =	sadd.s32 s14, s21;
	[tilespmem:$0xC3D0] =	vst @!p2 v14  }
.LBB2_9:
0xe9: {  	s8 =	sadd.s32 $0xFFFFFFFF, s8;
	[tilespmem:$0xC3F0] =	vst @!p2 v11;
	s23 =	sadd.s32 $0x1, s23;
	s1 =	sadd.s32 $0x80, s1  }
0xea: {  	s22 =	smov.u32 s25;
	p1 =	sne.s32 s8, $0x0;
	[tilespmem:$0xC3A0] =	vst @!p2 v10  }
0xeb: {  	[tilespmem:$0xC3C0] =	vst @!p2 v13  }
0xec: {  	[tilespmem:$0xC3E0] =	vst @!p2 v15  }
0xed: {  	[tilespmem:$0xC3B0] =	vst @!p2 v8  }
0xee: {  	[tilespmem:$0xC390] =	vst @!p2 v9  }
0xef: {  	[tilespmem:$0xC380] =	vst @!p2 v12  }
0xf0: {  	v16 =	vld [tilespmem:s23+$0x0]  }
0xf1: {  	v17 =	vld [tilespmem:s20+$0xFFFFFFC0]  }
0xf2: {  	v18 =	vld [tilespmem:s20+$0x30]  }
0xf3: {  	v19 =	vld [tilespmem:s20+$0x20]  }
0xf4: {  	v20 =	vld [tilespmem:s20+$0xFFFFFFD0]  }
0xf5: {  	v21 =	vld [tilespmem:s20+$0xFFFFFFF0]  }
0xf6: {  	(v2sf) =	vpush v16, $0x0;
	v12 =	vmax.f32 v12, v17;
	v16 =	vld [tilespmem:s20+$0xFFFFFFE0]  }
0xf7: {  	v12 =	vpsel p0, v17, v12;
	v17 =	vld [tilespmem:s20+$0x0];
	v11 =	vmax.f32 v11, v18  }
0xf8: {  	v22 =	vld [tilespmem:s20+$0x10];
	v15 =	vmax.f32 v15, v19;
	v11 =	vpsel p0, v18, v11;
	s20 =	smov.u32 s1  }
0xf9: {  	v9 =	vmax.f32 v9, v20;
	v15 =	vpsel p0, v19, v15  }
0xfa: {  	v9 =	vpsel p0, v20, v9;
	v8 =	vmax.f32 v8, v21  }
0xfb: {  	v10 =	vmax.f32 v10, v16;
	v8 =	vpsel p0, v21, v8  }
0xfc: {  	v10 =	vpsel p0, v16, v10;
	v13 =	vmax.f32 v13, v17  }
0xfd: {  	v13 =	vpsel p0, v17, v13;
	v14 =	vmax.f32 v14, v22  }
0xfe: {  	v14 =	vpsel p0, v22, v14;
	_ =	sdelay $0x6  }
0xff: {  	s25 =	spop (v2sf)  }
0x100: {  	s14 =	simm.s32 $0x1;
	p2 =	seq.s32 s25, s22;
	p0 =	sne.s32 s25, s22  }
0x101: {  	p3 =	sne.s32 @!p2 s21, $0x0;
	s14 =	simm.s32 @!p0 $0x0  }
0x102: {  	p4 =	por !p3, p2;
	s21 =	sadd.s32 s14, s21  }
0x103: {  	[tilespmem:$0xC370] =	vst @!p4 v11;
	s14 =	sshll.u32 @!p4 s22, $0x4  }
0x104: {  	[tilespmem:$0xC360] =	vst @!p4 v15;
	s14 =	sand.u32 @!p4 $0x1FFFFFF0, s14  }
0x105: {  	[tilespmem:$0xC350] =	vst @!p4 v14;
	s14 =	sadd.s32 @!p4 s2, s14  }
0x106: {  	[tilespmem:$0xC340] =	vst @!p4 v13  }
0x107: {  	[tilespmem:$0xC300] =	vst @!p4 v12  }
0x108: {  	[tilespmem:$0xC310] =	vst @!p4 v9  }
0x109: {  	[tilespmem:$0xC320] =	vst @!p4 v10  }
0x10a: {  	s28 =	simm.s32 @!p4 $0x0;
	s31 =	simm.s32 @!p4 $0xC300;
	s3 =	simm.s32 @!p4 $0x9;
	[tilespmem:$0xC330] =	vst @!p4 v8  }
0x10b: {  	[hbm4b:s14+s28] =	stream.linear.scatter @!p4 [tilespmem:s31], [sflag:$0x9], $0x80, $0x38;
	[tilespmem:$0x14580] =	vst v63  }
.Ltmp9:
0x10c: {  	_ =	swait.ge @!p4 [sflag:s3], $0x80;
	(pc) =	sbr.rel @p1 .LBB2_9-.Ltmp9, $4  }
0x10d: {  	p2 =	por p3, p2;
	[sflag:s3] =	ssyncset.done @!p4 $0x0  }
0x10e: {  	v16 =	vmov @!p2 s22;
	[sflag:s3] =	ssyncadd.s32 @!p4 $0xFFFFFF80  }
0x10f: {  	[tilespmem:$0xC480] =	vst @!p2 v16  }
0x110: {  	[tilespmem:$0xC3D0] =	vst @!p2 v14  }
.Ltmp10:
0x111: {  	_ = 	snop;
	(pc) =	sbr.rel .LBB2_10-.Ltmp10, $1  }
0x112: {  	_ =	sdelay $0x3  }
.LBB2_6:
.Ltmp11:
0x113: {  	(pc) =	sbr.rel .LBB2_20-.Ltmp11, $2  }
0x114: {  	_ =	sdelay $0x2  }
0x115: {  	s14 =	smov.u32 s9;
	v20 =	vmovc v13;
	v22 =	vmov v14;
	v23 =	vmov v15;
	v24 =	vmov v12  }
.LBB2_18:
.Ltmp12:
0x116: {  	(pc) =	sbr.rel .LBB2_20-.Ltmp12, $2  }
0x117: {  	_ =	sdelay $0x2  }
0x118: {  	v20 =	vmovc v13;
	v22 =	vmov v14;
	v23 =	vmov v15;
	v24 =	vmov v12  }
.LBB2_12:
.Ltmp13:
0x119: {  	(pc) =	sbr.rel .LBB2_13-.Ltmp13, $2  }
0x11a: {  	_ =	sdelay $0x2  }
0x11b: {  	s10 =	simm.s32 $0x0  }
.LBB2_39:
0x11c: {  	s10 =	sadd.s32 $0x1, s10  }
0x11d: {  	p0 =	sne.s32 s10, $0xB  }
.Ltmp14:
0x11e: {  	_ = 	snop;
	(pc) =	sbr.rel @!p0 .LBB2_40-.Ltmp14, $1  }
0x11f: {  	_ =	sdelay $0x3  }
.LBB2_13:
0x120: {  	_ =	swait.ge [sflag:s12], $0x4000  }
0x121: {  	[sflag:s12] =	ssyncset.done $0x0  }
0x122: {  	[sflag:s12] =	ssyncadd.s32 $0xFFFFC000  }
0x123: {  	_ =	swait.ge [sflag:s13], $0xA0  }
0x124: {  	[sflag:s13] =	ssyncset.done $0x0  }
0x125: {  	[sflag:s13] =	ssyncadd.s32 $0xFFFFFF60  }
0x126: {  	v16 =	vld [tilespmem:$0x8190]  }
0x127: {  	v17 =	vld [tilespmem:$0x81A0]  }
0x128: {  	v18 =	vld [tilespmem:$0x81B0]  }
0x129: {  	v19 =	vld [tilespmem:$0x81C0]  }
0x12a: {  	v20 =	vld [tilespmem:$0x81D0]  }
0x12b: {  	v63 =	vld [tilespmem:$0x8200];
	[tilespmem:$0x8280] =	vst v16  }
0x12c: {  	v16 =	vld [tilespmem:$0x81E0];
	[tilespmem:$0x8290] =	vst v17  }
0x12d: {  	v17 =	vld [tilespmem:$0x81F0];
	[tilespmem:$0x82A0] =	vst v18  }
0x12e: {  	[tilespmem:$0x82B0] =	vst v19  }
0x12f: {  	[tilespmem:$0x82C0] =	vst v20  }
0x130: {  	[tilespmem:$0x82F0] =	vst v63  }
0x131: {  	[tilespmem:$0x82D0] =	vst v16  }
0x132: {  	s4 =	simm.s32 $0x4180;
	s5 =	simm.s32 $0x8280;
	s3 =	rddreg [dreg:$0x4];
	[tilespmem:$0x82E0] =	vst v17  }
0x133: {  	[spmem:s3] =	stream.indirect.scatter.add.f32 [tilespmem:s4], [sflag:$0x7], $0x80, s5, s30, $0xb8;
	[tilespmem:$0x14580] =	vst v63  }
0x134: {  	s22 =	rddreg [dreg:$0x5]  }
0x135: {  	[spmem:s22] =	stream.indirect.scatter.add.f32 [tilespmem:s26], [sflag:$0x8], $0x80, s5, s30, $0xb8;
	[tilespmem:$0x14580] =	vst v63  }
0x136: {  	_ =	swait.ge [sflag:s16], $0x4000  }
0x137: {  	[sflag:s16] =	ssyncset.done $0x0  }
0x138: {  	[sflag:s16] =	ssyncadd.s32 $0xFFFFC000  }
0x139: {  	s24 =	sshll.u32 s10, $0x8;
	s25 =	rddreg [dreg:$0xd];
	_ =	swait.ge [sflag:s17], $0x4000  }
0x13a: {  	s31 =	simm.s32 $0x4000;
	s9 =	sadd.s32 s24, s25;
	[sflag:s17] =	ssyncset.done $0x0  }
0x13b: {  	s11 =	simm.s32 $0x41C0;
	s3 =	sadd.s32 $0x80, s9;
	[sflag:s17] =	ssyncadd.s32 $0xFFFFC000  }
.Ltmp15:
0x13c: {  	s8 =	sshll.u32 s3, $0x4;
	s28 =	rddreg [dreg:$0x0];
	(pc) =	sbr.rel .LBB2_14-.Ltmp15, $4  }
0x13d: {  	s20 =	simm.s32 $0x0;
	s3 =	sshrl.u32 s3, $0x3;
	s8 =	sadd.s32 s28, s8  }
0x13e: {  	[tilespmem:s23], [sflag:$0x1] =	stream.linear.gather [hbm4b:s8+s23], $0x4000, $0x38;
	[tilespmem:$0x14580] =	vst v63  }
0x13f: {  	s24 =	simm.s32 $0x8190;
	s25 =	simm.s32 $0x0;
	s3 =	sadd.s32 s7, s3  }
0x140: {  	[tilespmem:s31], [sflag:$0x2] =	stream.linear.gather [hbm4b:s3+s23], $0xA0, $0x38;
	[tilespmem:$0x14580] =	vst v63  }
.LBB2_24:
0x141: {  	[tilespmem:$0xC3F0] =	vst @!p2 v11  }
0x142: {  	[tilespmem:$0xC3A0] =	vst @!p2 v10  }
0x143: {  	[tilespmem:$0xC3C0] =	vst @!p2 v13  }
0x144: {  	[tilespmem:$0xC3E0] =	vst @!p2 v15  }
0x145: {  	[tilespmem:$0xC3B0] =	vst @!p2 v8  }
0x146: {  	[tilespmem:$0xC390] =	vst @!p2 v9  }
0x147: {  	[tilespmem:$0xC380] =	vst @!p2 v12  }
0x148: {  	v16 =	vld [tilespmem:s28+$0xFFFFFFC0]  }
0x149: {  	v17 =	vld [tilespmem:s28+$0x30]  }
0x14a: {  	v18 =	vld [tilespmem:s28+$0x20]  }
0x14b: {  	v19 =	vld [tilespmem:s28+$0xFFFFFFD0]  }
0x14c: {  	v20 =	vld [tilespmem:s28+$0xFFFFFFF0]  }
0x14d: {  	v21 =	vld [tilespmem:s28+$0xFFFFFFE0]  }
0x14e: {  	v22 =	vld [tilespmem:s28+$0x0]  }
0x14f: {  	v23 =	vld [tilespmem:s28+$0x10];
	_ =	sdelay $0x1  }
0x150: {  	v12 =	vmax.f32 v12, v16  }
0x151: {  	v11 =	vmax.f32 v11, v17;
	v15 =	vmax.f32 v15, v18;
	v9 =	vmax.f32 v9, v19  }
0x152: {  	v8 =	vmax.f32 v8, v20;
	v10 =	vmax.f32 v10, v21;
	v13 =	vmax.f32 v13, v22  }
0x153: {  	v14 =	vmax.f32 v14, v23;
	v12 =	vpsel p0, v16, v12;
	v11 =	vpsel p0, v17, v11  }
0x154: {  	v15 =	vpsel p0, v18, v15;
	v9 =	vpsel p0, v19, v9;
	v8 =	vpsel p0, v20, v8  }
0x155: {  	s1 =	smov.u32 s22;
	v10 =	vpsel p0, v21, v10;
	v13 =	vpsel p0, v22, v13;
	v14 =	vpsel p0, v23, v14  }
.LBB2_25:
0x156: {  	s20 =	sadd.s32 $0x1, s20  }
0x157: {  	p0 =	sne.s32 s20, $0x8  }
.Ltmp16:
0x158: {  	_ = 	snop;
	(pc) =	sbr.rel @!p0 .LBB2_26-.Ltmp16, $2  }
0x159: {  	_ =	sdelay $0x2  }
0x15a: {  	s11 =	sadd.s32 $0x800, s11;
	s24 =	sadd.s32 $0x10, s24;
	s25 =	sadd.s32 $0x10, s25  }
.LBB2_14:
0x15b: {  	s3 =	sshll.u32 s20, $0x4  }
0x15c: {  	v16 =	vld [tilespmem:s3+$0x8190]  }
0x15d: {  	v17 =	vld [tilespmem:s3+$0x818F];
	_ =	sdelay $0x4  }
0x15e: {  	vm0 =	veq.s32 v16, v17  }
0x15f: {  	v16 =	vsel vm0, $0x10, v5  }
0x160: {  	v17 =	vperm.xlane v16, v1;
	_ =	sdelay $0x1  }
0x161: {  	vm0 =	vlt.s32 v16, v17  }
0x162: {  	v16 =	vsel vm0, v16, v17  }
0x163: {  	v17 =	vperm.xlane v16, v2;
	_ =	sdelay $0x1  }
0x164: {  	vm0 =	vlt.s32 v16, v17  }
0x165: {  	v16 =	vsel vm0, v16, v17  }
0x166: {  	v17 =	vperm.xlane v16, v4;
	_ =	sdelay $0x1  }
0x167: {  	vm0 =	vlt.s32 v16, v17  }
0x168: {  	v16 =	vsel vm0, v16, v17  }
0x169: {  	v17 =	vperm.xlane v16, v6;
	_ =	sdelay $0x1  }
0x16a: {  	vm0 =	vlt.s32 v16, v17  }
0x16b: {  	v16 =	vsel vm0, v16, v17  }
0x16c: {  	(v2sf) =	vpush v16, $0x0;
	_ =	sdelay $0xe  }
0x16d: {  	s8 =	spop (v2sf)  }
0x16e: {  	p0 =	sgt.s32 s8, $0x0  }
.Ltmp17:
0x16f: {  	_ = 	snop;
	(pc) =	sbr.rel @!p0 .LBB2_22-.Ltmp17, $1  }
0x170: {  	_ =	sdelay $0x3  }
0x171: {  	p1 =	seq.s32 s8, $0x1  }
.Ltmp18:
0x172: {  	_ = 	snop;
	(pc) =	sbr.rel @p1 .LBB2_16-.Ltmp18, $2  }
0x173: {  	_ =	sdelay $0x2  }
0x174: {  	v16 =	vld [tilespmem:s11+$0x30];
	s22 =	sadd.s32 $0xFFFFFFFF, s8;
	p0 =	por $0x0, $0x0  }
0x175: {  	v20 =	vld [tilespmem:s11+$0xFFFFFFD0]  }
0x176: {  	v22 =	vld [tilespmem:s11+$0xFFFFFFE0]  }
0x177: {  	v23 =	vld [tilespmem:s11+$0xFFFFFFF0];
	p1 =	seq.s32 s22, $0x1  }
.Ltmp19:
0x178: {  	v17 =	vld [tilespmem:s11+$0x0];
	(pc) =	sbr.rel @p1 .LBB2_31-.Ltmp19, $4  }
0x179: {  	v18 =	vld [tilespmem:s11+$0x10]  }
0x17a: {  	v19 =	vld [tilespmem:s11+$0x20]  }
0x17b: {  	v21 =	vld [tilespmem:s11+$0xFFFFFFC0];
	s14 =	sadd.s32 $0x80, s11;
	v24 =	vmov v12;
	v11 =	vmax.f32 v11, v16;
	v9 =	vmax.f32 v9, v20  }
0x17c: {  	s22 =	sadd.s32 $0xFFFFFFFF, s22;
	p0 =	por $0x1, $0x1;
	v16 =	vld [tilespmem:s14+$0x30];
	v10 =	vmax.f32 v10, v22;
	v8 =	vmax.f32 v8, v23;
	v20 =	vmovc v13;
	v22 =	vmovc v14;
	v23 =	vmov v15  }
.LBB2_32:
0x17d: {  	p1 =	seq.s32 s22, $0x1;
	v25 =	vld [tilespmem:s14+$0xFFFFFFD0];
	v20 =	vmax.f32 v20, v17  }
0x17e: {  	v26 =	vld [tilespmem:s14+$0xFFFFFFE0];
	v22 =	vmax.f32 v22, v18  }
0x17f: {  	v27 =	vld [tilespmem:s14+$0xFFFFFFF0];
	v23 =	vmax.f32 v23, v19  }
.Ltmp20:
0x180: {  	v17 =	vld [tilespmem:s14+$0x0];
	v24 =	vmax.f32 v24, v21;
	(pc) =	sbr.rel @!p1 .LBB2_32-.Ltmp20, $4  }
0x181: {  	v18 =	vld [tilespmem:s14+$0x10];
	v11 =	vmax.f32 v11, v16  }
0x182: {  	v9 =	vmax.f32 v9, v25;
	v19 =	vld [tilespmem:s14+$0x20]  }
0x183: {  	v21 =	vld [tilespmem:s14+$0xFFFFFFC0];
	v10 =	vmax.f32 v10, v26;
	s14 =	sadd.s32 $0x80, s14  }
0x184: {  	s22 =	sadd.s32 $0xFFFFFFFF, s22;
	v16 =	vld [tilespmem:s14+$0x30];
	v8 =	vmax.f32 v8, v27  }
.LBB2_33:
0x185: {  	v25 =	vld [tilespmem:s14+$0xFFFFFFD0]  }
0x186: {  	v26 =	vld [tilespmem:s14+$0xFFFFFFE0]  }
0x187: {  	v27 =	vld [tilespmem:s14+$0xFFFFFFF0]  }
0x188: {  	v28 =	vld [tilespmem:s14+$0x0]  }
0x189: {  	v29 =	vld [tilespmem:s14+$0x10]  }
0x18a: {  	v30 =	vld [tilespmem:s14+$0x20]  }
0x18b: {  	v17 =	vmax.f32 @p0 v20, v17;
	v63 =	vld [tilespmem:s14+$0xFFFFFFC0]  }
0x18c: {  	v18 =	vmax.f32 @p0 v22, v18;
	v13 =	vpsel p0, v17, v13;
	v19 =	vmax.f32 @p0 v23, v19  }
0x18d: {  	v14 =	vpsel p0, v18, v14;
	v21 =	vmax.f32 @p0 v24, v21;
	v15 =	vpsel p0, v19, v15  }
0x18e: {  	v11 =	vmax.f32 v11, v16;
	v12 =	vpsel p0, v21, v12;
	v9 =	vmax.f32 v9, v25  }
0x18f: {  	v10 =	vmax.f32 v10, v26;
	v8 =	vmax.f32 v8, v27;
	v13 =	vmax.f32 v13, v28  }
0x190: {  	v14 =	vmax.f32 v14, v29;
	v15 =	vmax.f32 v15, v30;
	v12 =	vmax.f32 v12, v63  }
0x191: {  	p0 =	sgt.u32 s8, $0xF  }
.Ltmp21:
0x192: {  	_ = 	snop;
	(pc) =	sbr.rel @p0 .LBB2_25-.Ltmp21, $1  }
0x193: {  	_ =	sdelay $0x3  }
.LBB2_22:
0x194: {  	s14 =	sshll.u32 s8, $0x2  }
0x195: {  	s22 =	sshra.s32 s14, $0x2  }
0x196: {  	s3 =	sadd.s32 s25, s8;
	s15 =	ssub.s32 $0x10, s8;
	s8 =	sadd.s32 s22, s24  }
0x197: {  	v16 =	vld [tilespmem:s8+$0x0];
	_ =	sdelay $0x4  }
0x198: {  	(v2sf) =	vpush v16, $0x0;
	_ =	sdelay $0xe  }
0x199: {  	s22 =	spop (v2sf)  }
0x19a: {  	p0 =	seq.s32 s22, s1  }
0x19b: {  	p2 =	sne.s32 @!p0 s21, $0x0  }
0x19c: {  	p1 =	por !p2, p0  }
0x19d: {  	[tilespmem:$0xC370] =	vst @!p1 v11  }
0x19e: {  	[tilespmem:$0xC360] =	vst @!p1 v15  }
0x19f: {  	[tilespmem:$0xC350] =	vst @!p1 v14  }
0x1a0: {  	s3 =	sshll.u32 s3, $0x9;
	[tilespmem:$0xC340] =	vst @!p1 v13  }
0x1a1: {  	s3 =	sshra.s32 s3, $0x2;
	[tilespmem:$0xC300] =	vst @!p1 v12  }
0x1a2: {  	s28 =	sadd.s32 $0x41C0, s3;
	s3 =	sshll.u32 @!p1 s1, $0x4;
	[tilespmem:$0xC310] =	vst @!p1 v9  }
0x1a3: {  	[tilespmem:$0xC320] =	vst @!p1 v10;
	s31 =	simm.s32 @!p1 $0x0;
	s3 =	sand.u32 @!p1 $0x1FFFFFF0, s3  }
0x1a4: {  	[tilespmem:$0xC330] =	vst @!p1 v8;
	s4 =	simm.s32 @!p1 $0xC300;
	s5 =	simm.s32 @!p1 $0x9;
	s3 =	sadd.s32 @!p1 s2, s3  }
0x1a5: {  	[hbm4b:s3+s31] =	stream.linear.scatter @!p1 [tilespmem:s4], [sflag:$0x9], $0x80, $0x38;
	[tilespmem:$0x14580] =	vst v63  }
0x1a6: {  	_ =	swait.ge @!p1 [sflag:s5], $0x80  }
0x1a7: {  	s31 =	sadd.s32 $0xFFFFFFFF, s15;
	[sflag:s5] =	ssyncset.done @!p1 $0x0  }
0x1a8: {  	[sflag:s5] =	ssyncadd.s32 @!p1 $0xFFFFFF80;
	p1 =	sne.s32 s31, $0x0  }
.Ltmp22:
0x1a9: {  	_ = 	snop;
	(pc) =	sbr.rel @!p1 .LBB2_24-.Ltmp22, $4  }
0x1aa: {  	p2 =	por p2, p0  }
0x1ab: {  	p0 =	sne.s32 s22, s1;
	v16 =	vmov @!p2 s1;
	s3 =	simm.s32 $0x1  }
0x1ac: {  	s3 =	simm.s32 @!p0 $0x0;
	[tilespmem:$0xC480] =	vst @!p2 v16  }
0x1ad: {  	s1 =	smov.u32 s28;
	s21 =	sadd.s32 s3, s21;
	[tilespmem:$0xC3D0] =	vst @!p2 v14  }
.LBB2_23:
0x1ae: {  	s31 =	sadd.s32 $0xFFFFFFFF, s31;
	[tilespmem:$0xC3F0] =	vst @!p2 v11;
	s8 =	sadd.s32 $0x1, s8;
	s1 =	sadd.s32 $0x80, s1  }
0x1af: {  	s14 =	smov.u32 s22;
	p1 =	sne.s32 s31, $0x0;
	[tilespmem:$0xC3A0] =	vst @!p2 v10  }
0x1b0: {  	[tilespmem:$0xC3C0] =	vst @!p2 v13  }
0x1b1: {  	[tilespmem:$0xC3E0] =	vst @!p2 v15  }
0x1b2: {  	[tilespmem:$0xC3B0] =	vst @!p2 v8  }
0x1b3: {  	[tilespmem:$0xC390] =	vst @!p2 v9  }
0x1b4: {  	[tilespmem:$0xC380] =	vst @!p2 v12  }
0x1b5: {  	v16 =	vld [tilespmem:s8+$0x0]  }
0x1b6: {  	v17 =	vld [tilespmem:s28+$0xFFFFFFC0]  }
0x1b7: {  	v18 =	vld [tilespmem:s28+$0x30]  }
0x1b8: {  	v19 =	vld [tilespmem:s28+$0x20]  }
0x1b9: {  	v20 =	vld [tilespmem:s28+$0xFFFFFFD0]  }
0x1ba: {  	v21 =	vld [tilespmem:s28+$0xFFFFFFF0]  }
0x1bb: {  	(v2sf) =	vpush v16, $0x0;
	v12 =	vmax.f32 v12, v17;
	v16 =	vld [tilespmem:s28+$0xFFFFFFE0]  }
0x1bc: {  	v12 =	vpsel p0, v17, v12;
	v17 =	vld [tilespmem:s28+$0x0];
	v11 =	vmax.f32 v11, v18  }
0x1bd: {  	v22 =	vld [tilespmem:s28+$0x10];
	v15 =	vmax.f32 v15, v19;
	v11 =	vpsel p0, v18, v11;
	s28 =	smov.u32 s1  }
0x1be: {  	v9 =	vmax.f32 v9, v20;
	v15 =	vpsel p0, v19, v15  }
0x1bf: {  	v9 =	vpsel p0, v20, v9;
	v8 =	vmax.f32 v8, v21  }
0x1c0: {  	v10 =	vmax.f32 v10, v16;
	v8 =	vpsel p0, v21, v8  }
0x1c1: {  	v10 =	vpsel p0, v16, v10;
	v13 =	vmax.f32 v13, v17  }
0x1c2: {  	v13 =	vpsel p0, v17, v13;
	v14 =	vmax.f32 v14, v22  }
0x1c3: {  	v14 =	vpsel p0, v22, v14;
	_ =	sdelay $0x6  }
0x1c4: {  	s22 =	spop (v2sf)  }
0x1c5: {  	s3 =	simm.s32 $0x1;
	p2 =	seq.s32 s22, s14;
	p0 =	sne.s32 s22, s14  }
0x1c6: {  	p3 =	sne.s32 @!p2 s21, $0x0;
	s3 =	simm.s32 @!p0 $0x0  }
0x1c7: {  	p4 =	por !p3, p2;
	s21 =	sadd.s32 s3, s21  }
0x1c8: {  	[tilespmem:$0xC370] =	vst @!p4 v11;
	s3 =	sshll.u32 @!p4 s14, $0x4  }
0x1c9: {  	[tilespmem:$0xC360] =	vst @!p4 v15;
	s3 =	sand.u32 @!p4 $0x1FFFFFF0, s3  }
0x1ca: {  	[tilespmem:$0xC350] =	vst @!p4 v14;
	s3 =	sadd.s32 @!p4 s2, s3  }
0x1cb: {  	[tilespmem:$0xC340] =	vst @!p4 v13  }
0x1cc: {  	[tilespmem:$0xC300] =	vst @!p4 v12  }
0x1cd: {  	[tilespmem:$0xC310] =	vst @!p4 v9  }
0x1ce: {  	[tilespmem:$0xC320] =	vst @!p4 v10  }
0x1cf: {  	s4 =	simm.s32 @!p4 $0x0;
	s5 =	simm.s32 @!p4 $0xC300;
	s15 =	simm.s32 @!p4 $0x9;
	[tilespmem:$0xC330] =	vst @!p4 v8  }
0x1d0: {  	[hbm4b:s3+s4] =	stream.linear.scatter @!p4 [tilespmem:s5], [sflag:$0x9], $0x80, $0x38;
	[tilespmem:$0x14580] =	vst v63  }
.Ltmp23:
0x1d1: {  	_ =	swait.ge @!p4 [sflag:s15], $0x80;
	(pc) =	sbr.rel @p1 .LBB2_23-.Ltmp23, $4  }
0x1d2: {  	p2 =	por p3, p2;
	[sflag:s15] =	ssyncset.done @!p4 $0x0  }
0x1d3: {  	v16 =	vmov @!p2 s14;
	[sflag:s15] =	ssyncadd.s32 @!p4 $0xFFFFFF80  }
0x1d4: {  	[tilespmem:$0xC480] =	vst @!p2 v16  }
0x1d5: {  	[tilespmem:$0xC3D0] =	vst @!p2 v14  }
.Ltmp24:
0x1d6: {  	_ = 	snop;
	(pc) =	sbr.rel .LBB2_24-.Ltmp24, $1  }
0x1d7: {  	_ =	sdelay $0x3  }
.LBB2_16:
.Ltmp25:
0x1d8: {  	(pc) =	sbr.rel .LBB2_33-.Ltmp25, $2  }
0x1d9: {  	_ =	sdelay $0x2  }
0x1da: {  	s14 =	smov.u32 s11;
	v20 =	vmovc v13;
	v22 =	vmov v14;
	v23 =	vmov v15;
	v24 =	vmov v12  }
.LBB2_31:
.Ltmp26:
0x1db: {  	(pc) =	sbr.rel .LBB2_33-.Ltmp26, $2  }
0x1dc: {  	_ =	sdelay $0x2  }
0x1dd: {  	v20 =	vmovc v13;
	v22 =	vmov v14;
	v23 =	vmov v15;
	v24 =	vmov v12  }
.LBB2_26:
0x1de: {  	_ =	swait.ge [sflag:s0], $0x4000  }
0x1df: {  	[sflag:s0] =	ssyncset.done $0x0  }
0x1e0: {  	[sflag:s0] =	ssyncadd.s32 $0xFFFFC000  }
0x1e1: {  	_ =	swait.ge [sflag:s29], $0xA0  }
0x1e2: {  	[sflag:s29] =	ssyncset.done $0x0  }
0x1e3: {  	[sflag:s29] =	ssyncadd.s32 $0xFFFFFF60  }
0x1e4: {  	v16 =	vld [tilespmem:$0x4010]  }
0x1e5: {  	v17 =	vld [tilespmem:$0x4020]  }
0x1e6: {  	v18 =	vld [tilespmem:$0x4030]  }
0x1e7: {  	v19 =	vld [tilespmem:$0x4040]  }
0x1e8: {  	v20 =	vld [tilespmem:$0x4050]  }
0x1e9: {  	v63 =	vld [tilespmem:$0x4080];
	[tilespmem:$0x4100] =	vst v16  }
0x1ea: {  	v16 =	vld [tilespmem:$0x4060];
	[tilespmem:$0x4110] =	vst v17  }
0x1eb: {  	v17 =	vld [tilespmem:$0x4070];
	[tilespmem:$0x4120] =	vst v18  }
0x1ec: {  	[tilespmem:$0x4130] =	vst v19  }
0x1ed: {  	[tilespmem:$0x4140] =	vst v20  }
0x1ee: {  	[tilespmem:$0x4170] =	vst v63  }
0x1ef: {  	[tilespmem:$0x4150] =	vst v16  }
0x1f0: {  	s11 =	simm.s32 $0x0;
	s3 =	rddreg [dreg:$0x4];
	[tilespmem:$0x4160] =	vst v17  }
0x1f1: {  	[spmem:s3] =	stream.indirect.scatter.add.f32 [tilespmem:s11], [sflag:$0x3], $0x80, s6, s30, $0xb8;
	[tilespmem:$0x14580] =	vst v63  }
0x1f2: {  	s24 =	rddreg [dreg:$0x5]  }
0x1f3: {  	[spmem:s24] =	stream.indirect.scatter.add.f32 [tilespmem:s26], [sflag:$0x4], $0x80, s6, s30, $0xb8;
	[tilespmem:$0x14580] =	vst v63  }
0x1f4: {  	_ =	swait.ge [sflag:s18], $0x4000  }
0x1f5: {  	[sflag:s18] =	ssyncset.done $0x0  }
0x1f6: {  	[sflag:s18] =	ssyncadd.s32 $0xFFFFC000  }
0x1f7: {  	_ =	swait.ge [sflag:s19], $0x4000  }
0x1f8: {  	s25 =	sadd.s32 $0x100, s9;
	[sflag:s19] =	ssyncset.done $0x0  }
0x1f9: {  	s28 =	simm.s32 $0x4180;
	s31 =	simm.s32 $0x8180;
	[sflag:s19] =	ssyncadd.s32 $0xFFFFC000  }
.Ltmp27:
0x1fa: {  	s4 =	sshll.u32 s25, $0x4;
	s5 =	rddreg [dreg:$0x0];
	(pc) =	sbr.rel .LBB2_27-.Ltmp27, $4  }
0x1fb: {  	s9 =	simm.s32 $0x40;
	s3 =	sshrl.u32 s25, $0x3;
	s4 =	sadd.s32 s5, s4  }
0x1fc: {  	[tilespmem:s28], [sflag:$0x5] =	stream.linear.gather [hbm4b:s4+s11], $0x4000, $0x38;
	[tilespmem:$0x14580] =	vst v63  }
0x1fd: {  	s20 =	simm.s32 $0x0;
	s3 =	sadd.s32 s7, s3;
	s24 =	simm.s32 $0x4010  }
0x1fe: {  	[tilespmem:s31], [sflag:$0x6] =	stream.linear.gather [hbm4b:s3+s11], $0xA0, $0x38;
	[tilespmem:$0x14580] =	vst v63  }
.LBB2_37:
0x1ff: {  	[tilespmem:$0xC3F0] =	vst @!p2 v11  }
0x200: {  	[tilespmem:$0xC3A0] =	vst @!p2 v10  }
0x201: {  	[tilespmem:$0xC3C0] =	vst @!p2 v13  }
0x202: {  	[tilespmem:$0xC3E0] =	vst @!p2 v15  }
0x203: {  	[tilespmem:$0xC3B0] =	vst @!p2 v8  }
0x204: {  	[tilespmem:$0xC390] =	vst @!p2 v9  }
0x205: {  	[tilespmem:$0xC380] =	vst @!p2 v12  }
0x206: {  	v16 =	vld [tilespmem:s25+$0xFFFFFFC0]  }
0x207: {  	v17 =	vld [tilespmem:s25+$0x30]  }
0x208: {  	v18 =	vld [tilespmem:s25+$0x20]  }
0x209: {  	v19 =	vld [tilespmem:s25+$0xFFFFFFD0]  }
0x20a: {  	v20 =	vld [tilespmem:s25+$0xFFFFFFF0]  }
0x20b: {  	v21 =	vld [tilespmem:s25+$0xFFFFFFE0]  }
0x20c: {  	v22 =	vld [tilespmem:s25+$0x0]  }
0x20d: {  	v23 =	vld [tilespmem:s25+$0x10];
	_ =	sdelay $0x1  }
0x20e: {  	v12 =	vmax.f32 v12, v16  }
0x20f: {  	v11 =	vmax.f32 v11, v17;
	v15 =	vmax.f32 v15, v18;
	v9 =	vmax.f32 v9, v19  }
0x210: {  	v8 =	vmax.f32 v8, v20;
	v10 =	vmax.f32 v10, v21;
	v13 =	vmax.f32 v13, v22  }
0x211: {  	v14 =	vmax.f32 v14, v23;
	v12 =	vpsel p0, v16, v12;
	v11 =	vpsel p0, v17, v11  }
0x212: {  	v15 =	vpsel p0, v18, v15;
	v9 =	vpsel p0, v19, v9;
	v8 =	vpsel p0, v20, v8  }
0x213: {  	s1 =	smov.u32 s22;
	v10 =	vpsel p0, v21, v10;
	v13 =	vpsel p0, v22, v13;
	v14 =	vpsel p0, v23, v14  }
.LBB2_38:
0x214: {  	s20 =	sadd.s32 $0x1, s20  }
0x215: {  	p0 =	sne.s32 s20, $0x8  }
.Ltmp28:
0x216: {  	_ = 	snop;
	(pc) =	sbr.rel @!p0 .LBB2_39-.Ltmp28, $2  }
0x217: {  	_ =	sdelay $0x2  }
0x218: {  	s9 =	sadd.s32 $0x800, s9;
	s24 =	sadd.s32 $0x10, s24;
	s11 =	sadd.s32 $0x10, s11  }
.LBB2_27:
0x219: {  	s3 =	sshll.u32 s20, $0x4  }
0x21a: {  	v16 =	vld [tilespmem:s3+$0x4010]  }
0x21b: {  	v17 =	vld [tilespmem:s3+$0x400F];
	_ =	sdelay $0x4  }
0x21c: {  	vm0 =	veq.s32 v16, v17  }
0x21d: {  	v16 =	vsel vm0, $0x10, v5  }
0x21e: {  	v17 =	vperm.xlane v16, v1;
	_ =	sdelay $0x1  }
0x21f: {  	vm0 =	vlt.s32 v16, v17  }
0x220: {  	v16 =	vsel vm0, v16, v17  }
0x221: {  	v17 =	vperm.xlane v16, v2;
	_ =	sdelay $0x1  }
0x222: {  	vm0 =	vlt.s32 v16, v17  }
0x223: {  	v16 =	vsel vm0, v16, v17  }
0x224: {  	v17 =	vperm.xlane v16, v4;
	_ =	sdelay $0x1  }
0x225: {  	vm0 =	vlt.s32 v16, v17  }
0x226: {  	v16 =	vsel vm0, v16, v17  }
0x227: {  	v17 =	vperm.xlane v16, v6;
	_ =	sdelay $0x1  }
0x228: {  	vm0 =	vlt.s32 v16, v17  }
0x229: {  	v16 =	vsel vm0, v16, v17  }
0x22a: {  	(v2sf) =	vpush v16, $0x0;
	_ =	sdelay $0xe  }
0x22b: {  	s8 =	spop (v2sf)  }
0x22c: {  	p0 =	sgt.s32 s8, $0x0  }
.Ltmp29:
0x22d: {  	_ = 	snop;
	(pc) =	sbr.rel @!p0 .LBB2_35-.Ltmp29, $1  }
0x22e: {  	_ =	sdelay $0x3  }
0x22f: {  	p1 =	seq.s32 s8, $0x1  }
.Ltmp30:
0x230: {  	_ = 	snop;
	(pc) =	sbr.rel @p1 .LBB2_29-.Ltmp30, $2  }
0x231: {  	_ =	sdelay $0x2  }
0x232: {  	v16 =	vld [tilespmem:s9+$0x30];
	s22 =	sadd.s32 $0xFFFFFFFF, s8;
	p0 =	por $0x0, $0x0  }
0x233: {  	v20 =	vld [tilespmem:s9+$0xFFFFFFD0]  }
0x234: {  	v22 =	vld [tilespmem:s9+$0xFFFFFFE0]  }
0x235: {  	v23 =	vld [tilespmem:s9+$0xFFFFFFF0];
	p1 =	seq.s32 s22, $0x1  }
.Ltmp31:
0x236: {  	v17 =	vld [tilespmem:s9+$0x0];
	(pc) =	sbr.rel @p1 .LBB2_45-.Ltmp31, $4  }
0x237: {  	v18 =	vld [tilespmem:s9+$0x10]  }
0x238: {  	v19 =	vld [tilespmem:s9+$0x20]  }
0x239: {  	v21 =	vld [tilespmem:s9+$0xFFFFFFC0];
	s14 =	sadd.s32 $0x80, s9;
	v24 =	vmov v12;
	v11 =	vmax.f32 v11, v16;
	v9 =	vmax.f32 v9, v20  }
0x23a: {  	s22 =	sadd.s32 $0xFFFFFFFF, s22;
	p0 =	por $0x1, $0x1;
	v16 =	vld [tilespmem:s14+$0x30];
	v10 =	vmax.f32 v10, v22;
	v8 =	vmax.f32 v8, v23;
	v20 =	vmovc v13;
	v22 =	vmovc v14;
	v23 =	vmov v15  }
.LBB2_46:
0x23b: {  	p1 =	seq.s32 s22, $0x1;
	v25 =	vld [tilespmem:s14+$0xFFFFFFD0];
	v20 =	vmax.f32 v20, v17  }
0x23c: {  	v26 =	vld [tilespmem:s14+$0xFFFFFFE0];
	v22 =	vmax.f32 v22, v18  }
0x23d: {  	v27 =	vld [tilespmem:s14+$0xFFFFFFF0];
	v23 =	vmax.f32 v23, v19  }
.Ltmp32:
0x23e: {  	v17 =	vld [tilespmem:s14+$0x0];
	v24 =	vmax.f32 v24, v21;
	(pc) =	sbr.rel @!p1 .LBB2_46-.Ltmp32, $4  }
0x23f: {  	v18 =	vld [tilespmem:s14+$0x10];
	v11 =	vmax.f32 v11, v16  }
0x240: {  	v9 =	vmax.f32 v9, v25;
	v19 =	vld [tilespmem:s14+$0x20]  }
0x241: {  	v21 =	vld [tilespmem:s14+$0xFFFFFFC0];
	v10 =	vmax.f32 v10, v26;
	s14 =	sadd.s32 $0x80, s14  }
0x242: {  	s22 =	sadd.s32 $0xFFFFFFFF, s22;
	v16 =	vld [tilespmem:s14+$0x30];
	v8 =	vmax.f32 v8, v27  }
.LBB2_47:
0x243: {  	v25 =	vld [tilespmem:s14+$0xFFFFFFD0]  }
0x244: {  	v26 =	vld [tilespmem:s14+$0xFFFFFFE0]  }
0x245: {  	v27 =	vld [tilespmem:s14+$0xFFFFFFF0]  }
0x246: {  	v28 =	vld [tilespmem:s14+$0x0]  }
0x247: {  	v29 =	vld [tilespmem:s14+$0x10]  }
0x248: {  	v30 =	vld [tilespmem:s14+$0x20]  }
0x249: {  	v17 =	vmax.f32 @p0 v20, v17;
	v63 =	vld [tilespmem:s14+$0xFFFFFFC0]  }
0x24a: {  	v18 =	vmax.f32 @p0 v22, v18;
	v13 =	vpsel p0, v17, v13;
	v19 =	vmax.f32 @p0 v23, v19  }
0x24b: {  	v14 =	vpsel p0, v18, v14;
	v21 =	vmax.f32 @p0 v24, v21;
	v15 =	vpsel p0, v19, v15  }
0x24c: {  	v11 =	vmax.f32 v11, v16;
	v12 =	vpsel p0, v21, v12;
	v9 =	vmax.f32 v9, v25  }
0x24d: {  	v10 =	vmax.f32 v10, v26;
	v8 =	vmax.f32 v8, v27;
	v13 =	vmax.f32 v13, v28  }
0x24e: {  	v14 =	vmax.f32 v14, v29;
	v15 =	vmax.f32 v15, v30;
	v12 =	vmax.f32 v12, v63  }
0x24f: {  	p0 =	sgt.u32 s8, $0xF  }
.Ltmp33:
0x250: {  	_ = 	snop;
	(pc) =	sbr.rel @p0 .LBB2_38-.Ltmp33, $1  }
0x251: {  	_ =	sdelay $0x3  }
.LBB2_35:
0x252: {  	s4 =	sshll.u32 s8, $0x2  }
0x253: {  	s4 =	sshra.s32 s4, $0x2  }
0x254: {  	s3 =	sadd.s32 s11, s8;
	s14 =	ssub.s32 $0x10, s8;
	s8 =	sadd.s32 s4, s24  }
0x255: {  	v16 =	vld [tilespmem:s8+$0x0];
	_ =	sdelay $0x4  }
0x256: {  	(v2sf) =	vpush v16, $0x0;
	_ =	sdelay $0xe  }
0x257: {  	s22 =	spop (v2sf)  }
0x258: {  	p0 =	seq.s32 s22, s1  }
0x259: {  	p2 =	sne.s32 @!p0 s21, $0x0  }
0x25a: {  	p1 =	por !p2, p0  }
0x25b: {  	[tilespmem:$0xC370] =	vst @!p1 v11  }
0x25c: {  	[tilespmem:$0xC360] =	vst @!p1 v15  }
0x25d: {  	[tilespmem:$0xC350] =	vst @!p1 v14  }
0x25e: {  	s3 =	sshll.u32 s3, $0x9;
	[tilespmem:$0xC340] =	vst @!p1 v13  }
0x25f: {  	s3 =	sshra.s32 s3, $0x2;
	[tilespmem:$0xC300] =	vst @!p1 v12  }
0x260: {  	s25 =	sor.u32 $0x40, s3;
	s3 =	sshll.u32 @!p1 s1, $0x4;
	[tilespmem:$0xC310] =	vst @!p1 v9  }
0x261: {  	[tilespmem:$0xC320] =	vst @!p1 v10;
	s4 =	simm.s32 @!p1 $0x0;
	s3 =	sand.u32 @!p1 $0x1FFFFFF0, s3  }
0x262: {  	[tilespmem:$0xC330] =	vst @!p1 v8;
	s5 =	simm.s32 @!p1 $0xC300;
	s15 =	simm.s32 @!p1 $0x9;
	s3 =	sadd.s32 @!p1 s2, s3  }
0x263: {  	[hbm4b:s3+s4] =	stream.linear.scatter @!p1 [tilespmem:s5], [sflag:$0x9], $0x80, $0x38;
	[tilespmem:$0x14580] =	vst v63  }
0x264: {  	_ =	swait.ge @!p1 [sflag:s15], $0x80  }
0x265: {  	s28 =	sadd.s32 $0xFFFFFFFF, s14;
	[sflag:s15] =	ssyncset.done @!p1 $0x0  }
0x266: {  	[sflag:s15] =	ssyncadd.s32 @!p1 $0xFFFFFF80;
	p1 =	sne.s32 s28, $0x0  }
.Ltmp34:
0x267: {  	_ = 	snop;
	(pc) =	sbr.rel @!p1 .LBB2_37-.Ltmp34, $4  }
0x268: {  	p2 =	por p2, p0  }
0x269: {  	p0 =	sne.s32 s22, s1;
	v16 =	vmov @!p2 s1;
	s3 =	simm.s32 $0x1  }
0x26a: {  	s3 =	simm.s32 @!p0 $0x0;
	[tilespmem:$0xC480] =	vst @!p2 v16  }
0x26b: {  	s1 =	smov.u32 s25;
	s21 =	sadd.s32 s3, s21;
	[tilespmem:$0xC3D0] =	vst @!p2 v14  }
.LBB2_36:
0x26c: {  	s28 =	sadd.s32 $0xFFFFFFFF, s28;
	[tilespmem:$0xC3F0] =	vst @!p2 v11;
	s8 =	sadd.s32 $0x1, s8;
	s1 =	sadd.s32 $0x80, s1  }
0x26d: {  	s14 =	smov.u32 s22;
	p1 =	sne.s32 s28, $0x0;
	[tilespmem:$0xC3A0] =	vst @!p2 v10  }
0x26e: {  	[tilespmem:$0xC3C0] =	vst @!p2 v13  }
0x26f: {  	[tilespmem:$0xC3E0] =	vst @!p2 v15  }
0x270: {  	[tilespmem:$0xC3B0] =	vst @!p2 v8  }
0x271: {  	[tilespmem:$0xC390] =	vst @!p2 v9  }
0x272: {  	[tilespmem:$0xC380] =	vst @!p2 v12  }
0x273: {  	v16 =	vld [tilespmem:s8+$0x0]  }
0x274: {  	v17 =	vld [tilespmem:s25+$0xFFFFFFC0]  }
0x275: {  	v18 =	vld [tilespmem:s25+$0x30]  }
0x276: {  	v19 =	vld [tilespmem:s25+$0x20]  }
0x277: {  	v20 =	vld [tilespmem:s25+$0xFFFFFFD0]  }
0x278: {  	v21 =	vld [tilespmem:s25+$0xFFFFFFF0]  }
0x279: {  	(v2sf) =	vpush v16, $0x0;
	v12 =	vmax.f32 v12, v17;
	v16 =	vld [tilespmem:s25+$0xFFFFFFE0]  }
0x27a: {  	v12 =	vpsel p0, v17, v12;
	v17 =	vld [tilespmem:s25+$0x0];
	v11 =	vmax.f32 v11, v18  }
0x27b: {  	v22 =	vld [tilespmem:s25+$0x10];
	v15 =	vmax.f32 v15, v19;
	v11 =	vpsel p0, v18, v11;
	s25 =	smov.u32 s1  }
0x27c: {  	v9 =	vmax.f32 v9, v20;
	v15 =	vpsel p0, v19, v15  }
0x27d: {  	v9 =	vpsel p0, v20, v9;
	v8 =	vmax.f32 v8, v21  }
0x27e: {  	v10 =	vmax.f32 v10, v16;
	v8 =	vpsel p0, v21, v8  }
0x27f: {  	v10 =	vpsel p0, v16, v10;
	v13 =	vmax.f32 v13, v17  }
0x280: {  	v13 =	vpsel p0, v17, v13;
	v14 =	vmax.f32 v14, v22  }
0x281: {  	v14 =	vpsel p0, v22, v14;
	_ =	sdelay $0x6  }
0x282: {  	s22 =	spop (v2sf)  }
0x283: {  	s3 =	simm.s32 $0x1;
	p2 =	seq.s32 s22, s14;
	p0 =	sne.s32 s22, s14  }
0x284: {  	p3 =	sne.s32 @!p2 s21, $0x0;
	s3 =	simm.s32 @!p0 $0x0  }
0x285: {  	p4 =	por !p3, p2;
	s21 =	sadd.s32 s3, s21  }
0x286: {  	[tilespmem:$0xC370] =	vst @!p4 v11;
	s3 =	sshll.u32 @!p4 s14, $0x4  }
0x287: {  	[tilespmem:$0xC360] =	vst @!p4 v15;
	s3 =	sand.u32 @!p4 $0x1FFFFFF0, s3  }
0x288: {  	[tilespmem:$0xC350] =	vst @!p4 v14;
	s3 =	sadd.s32 @!p4 s2, s3  }
0x289: {  	[tilespmem:$0xC340] =	vst @!p4 v13  }
0x28a: {  	[tilespmem:$0xC300] =	vst @!p4 v12  }
0x28b: {  	[tilespmem:$0xC310] =	vst @!p4 v9  }
0x28c: {  	[tilespmem:$0xC320] =	vst @!p4 v10  }
0x28d: {  	s4 =	simm.s32 @!p4 $0x0;
	s5 =	simm.s32 @!p4 $0xC300;
	s15 =	simm.s32 @!p4 $0x9;
	[tilespmem:$0xC330] =	vst @!p4 v8  }
0x28e: {  	[hbm4b:s3+s4] =	stream.linear.scatter @!p4 [tilespmem:s5], [sflag:$0x9], $0x80, $0x38;
	[tilespmem:$0x14580] =	vst v63  }
.Ltmp35:
0x28f: {  	_ =	swait.ge @!p4 [sflag:s15], $0x80;
	(pc) =	sbr.rel @p1 .LBB2_36-.Ltmp35, $4  }
0x290: {  	p2 =	por p3, p2;
	[sflag:s15] =	ssyncset.done @!p4 $0x0  }
0x291: {  	v16 =	vmov @!p2 s14;
	[sflag:s15] =	ssyncadd.s32 @!p4 $0xFFFFFF80  }
0x292: {  	[tilespmem:$0xC480] =	vst @!p2 v16  }
0x293: {  	[tilespmem:$0xC3D0] =	vst @!p2 v14  }
.Ltmp36:
0x294: {  	_ = 	snop;
	(pc) =	sbr.rel .LBB2_37-.Ltmp36, $1  }
0x295: {  	_ =	sdelay $0x3  }
.LBB2_29:
.Ltmp37:
0x296: {  	(pc) =	sbr.rel .LBB2_47-.Ltmp37, $2  }
0x297: {  	_ =	sdelay $0x2  }
0x298: {  	s14 =	smov.u32 s9;
	v20 =	vmovc v13;
	v22 =	vmov v14;
	v23 =	vmov v15;
	v24 =	vmov v12  }
.LBB2_45:
.Ltmp38:
0x299: {  	(pc) =	sbr.rel .LBB2_47-.Ltmp38, $2  }
0x29a: {  	_ =	sdelay $0x2  }
0x29b: {  	v20 =	vmovc v13;
	v22 =	vmov v14;
	v23 =	vmov v15;
	v24 =	vmov v12  }
.LBB2_40:
0x29c: {  	_ =	swait.ge [sflag:s12], $0x4000  }
0x29d: {  	[sflag:s12] =	ssyncset.done $0x0  }
0x29e: {  	[sflag:s12] =	ssyncadd.s32 $0xFFFFC000  }
0x29f: {  	_ =	swait.ge [sflag:s13], $0xA0  }
0x2a0: {  	[sflag:s13] =	ssyncset.done $0x0  }
0x2a1: {  	[sflag:s13] =	ssyncadd.s32 $0xFFFFFF60  }
0x2a2: {  	v16 =	vld [tilespmem:$0x8190]  }
0x2a3: {  	v17 =	vld [tilespmem:$0x81A0]  }
0x2a4: {  	v18 =	vld [tilespmem:$0x81B0]  }
0x2a5: {  	v19 =	vld [tilespmem:$0x81C0]  }
0x2a6: {  	v20 =	vld [tilespmem:$0x81D0]  }
0x2a7: {  	v63 =	vld [tilespmem:$0x8200];
	[tilespmem:$0x8280] =	vst v16  }
0x2a8: {  	v16 =	vld [tilespmem:$0x81E0];
	[tilespmem:$0x8290] =	vst v17  }
0x2a9: {  	v17 =	vld [tilespmem:$0x81F0];
	[tilespmem:$0x82A0] =	vst v18  }
0x2aa: {  	[tilespmem:$0x82B0] =	vst v19  }
0x2ab: {  	[tilespmem:$0x82C0] =	vst v20  }
0x2ac: {  	[tilespmem:$0x82F0] =	vst v63  }
0x2ad: {  	[tilespmem:$0x82D0] =	vst v16  }
0x2ae: {  	s4 =	simm.s32 $0x4180;
	s5 =	simm.s32 $0x8280;
	s3 =	rddreg [dreg:$0x4];
	[tilespmem:$0x82E0] =	vst v17  }
0x2af: {  	[spmem:s3] =	stream.indirect.scatter.add.f32 [tilespmem:s4], [sflag:$0x7], $0x80, s5, s30, $0xb8;
	[tilespmem:$0x14580] =	vst v63  }
0x2b0: {  	s24 =	rddreg [dreg:$0x5]  }
0x2b1: {  	[spmem:s24] =	stream.indirect.scatter.add.f32 [tilespmem:s26], [sflag:$0x8], $0x80, s5, s30, $0xb8;
	[tilespmem:$0x14580] =	vst v63  }
0x2b2: {  	_ =	swait.ge [sflag:s16], $0x4000  }
0x2b3: {  	[sflag:s16] =	ssyncset.done $0x0  }
0x2b4: {  	[sflag:s16] =	ssyncadd.s32 $0xFFFFC000  }
0x2b5: {  	s9 =	simm.s32 $0x0;
	s31 =	simm.s32 $0x4000;
	_ =	swait.ge [sflag:s17], $0x4000  }
.Ltmp39:
0x2b6: {  	s10 =	simm.s32 $0x41C0;
	[sflag:s17] =	ssyncset.done $0x0;
	(pc) =	sbr.rel .LBB2_41-.Ltmp39, $4  }
0x2b7: {  	s11 =	simm.s32 $0x8190;
	s25 =	rddreg [dreg:$0x10];
	[sflag:s17] =	ssyncadd.s32 $0xFFFFC000  }
0x2b8: {  	[tilespmem:s9], [sflag:$0x1] =	stream.linear.gather [hbm4b:s25+s9], $0x4000, $0x38;
	[tilespmem:$0x14580] =	vst v63  }
0x2b9: {  	s20 =	simm.s32 $0x0;
	s28 =	rddreg [dreg:$0x11];
	s25 =	simm.s32 $0x0  }
0x2ba: {  	[tilespmem:s31], [sflag:$0x2] =	stream.linear.gather [hbm4b:s28+s9], $0xA0, $0x38;
	[tilespmem:$0x14580] =	vst v63  }
.LBB2_51:
0x2bb: {  	[tilespmem:$0xC3F0] =	vst @!p2 v11  }
0x2bc: {  	[tilespmem:$0xC3A0] =	vst @!p2 v10  }
0x2bd: {  	[tilespmem:$0xC3C0] =	vst @!p2 v13  }
0x2be: {  	[tilespmem:$0xC3E0] =	vst @!p2 v15  }
0x2bf: {  	[tilespmem:$0xC3B0] =	vst @!p2 v8  }
0x2c0: {  	[tilespmem:$0xC390] =	vst @!p2 v9  }
0x2c1: {  	[tilespmem:$0xC380] =	vst @!p2 v12  }
0x2c2: {  	v16 =	vld [tilespmem:s23+$0xFFFFFFC0]  }
0x2c3: {  	v17 =	vld [tilespmem:s23+$0x30]  }
0x2c4: {  	v18 =	vld [tilespmem:s23+$0x20]  }
0x2c5: {  	v19 =	vld [tilespmem:s23+$0xFFFFFFD0]  }
0x2c6: {  	v20 =	vld [tilespmem:s23+$0xFFFFFFF0]  }
0x2c7: {  	v21 =	vld [tilespmem:s23+$0xFFFFFFE0]  }
0x2c8: {  	v22 =	vld [tilespmem:s23+$0x0]  }
0x2c9: {  	v23 =	vld [tilespmem:s23+$0x10];
	_ =	sdelay $0x1  }
0x2ca: {  	v12 =	vmax.f32 v12, v16  }
0x2cb: {  	v11 =	vmax.f32 v11, v17;
	v15 =	vmax.f32 v15, v18;
	v9 =	vmax.f32 v9, v19  }
0x2cc: {  	v8 =	vmax.f32 v8, v20;
	v10 =	vmax.f32 v10, v21;
	v13 =	vmax.f32 v13, v22  }
0x2cd: {  	v14 =	vmax.f32 v14, v23;
	v12 =	vpsel p0, v16, v12;
	v11 =	vpsel p0, v17, v11  }
0x2ce: {  	v15 =	vpsel p0, v18, v15;
	v9 =	vpsel p0, v19, v9;
	v8 =	vpsel p0, v20, v8  }
0x2cf: {  	s1 =	smov.u32 s22;
	v10 =	vpsel p0, v21, v10;
	v13 =	vpsel p0, v22, v13;
	v14 =	vpsel p0, v23, v14  }
.LBB2_52:
0x2d0: {  	s20 =	sadd.s32 $0x1, s20  }
0x2d1: {  	p0 =	sne.s32 s20, $0x8  }
.Ltmp40:
0x2d2: {  	_ = 	snop;
	(pc) =	sbr.rel @!p0 .LBB2_53-.Ltmp40, $2  }
0x2d3: {  	_ =	sdelay $0x2  }
0x2d4: {  	s10 =	sadd.s32 $0x800, s10;
	s11 =	sadd.s32 $0x10, s11;
	s9 =	sadd.s32 $0x10, s9  }
.LBB2_41:
0x2d5: {  	s3 =	sshll.u32 s20, $0x4  }
0x2d6: {  	v16 =	vld [tilespmem:s3+$0x8190]  }
0x2d7: {  	v17 =	vld [tilespmem:s3+$0x818F];
	_ =	sdelay $0x4  }
0x2d8: {  	vm0 =	veq.s32 v16, v17  }
0x2d9: {  	v16 =	vsel vm0, $0x10, v5  }
0x2da: {  	v17 =	vperm.xlane v16, v1;
	_ =	sdelay $0x1  }
0x2db: {  	vm0 =	vlt.s32 v16, v17  }
0x2dc: {  	v16 =	vsel vm0, v16, v17  }
0x2dd: {  	v17 =	vperm.xlane v16, v2;
	_ =	sdelay $0x1  }
0x2de: {  	vm0 =	vlt.s32 v16, v17  }
0x2df: {  	v16 =	vsel vm0, v16, v17  }
0x2e0: {  	v17 =	vperm.xlane v16, v4;
	_ =	sdelay $0x1  }
0x2e1: {  	vm0 =	vlt.s32 v16, v17  }
0x2e2: {  	v16 =	vsel vm0, v16, v17  }
0x2e3: {  	v17 =	vperm.xlane v16, v6;
	_ =	sdelay $0x1  }
0x2e4: {  	vm0 =	vlt.s32 v16, v17  }
0x2e5: {  	v16 =	vsel vm0, v16, v17  }
0x2e6: {  	(v2sf) =	vpush v16, $0x0;
	_ =	sdelay $0xe  }
0x2e7: {  	s8 =	spop (v2sf)  }
0x2e8: {  	p0 =	sgt.s32 s8, $0x0  }
.Ltmp41:
0x2e9: {  	_ = 	snop;
	(pc) =	sbr.rel @!p0 .LBB2_49-.Ltmp41, $1  }
0x2ea: {  	_ =	sdelay $0x3  }
0x2eb: {  	p1 =	seq.s32 s8, $0x1  }
.Ltmp42:
0x2ec: {  	_ = 	snop;
	(pc) =	sbr.rel @p1 .LBB2_43-.Ltmp42, $2  }
0x2ed: {  	_ =	sdelay $0x2  }
0x2ee: {  	v16 =	vld [tilespmem:s10+$0x30];
	s22 =	sadd.s32 $0xFFFFFFFF, s8;
	p0 =	por $0x0, $0x0  }
0x2ef: {  	v20 =	vld [tilespmem:s10+$0xFFFFFFD0]  }
0x2f0: {  	v22 =	vld [tilespmem:s10+$0xFFFFFFE0]  }
0x2f1: {  	v23 =	vld [tilespmem:s10+$0xFFFFFFF0];
	p1 =	seq.s32 s22, $0x1  }
.Ltmp43:
0x2f2: {  	v17 =	vld [tilespmem:s10+$0x0];
	(pc) =	sbr.rel @p1 .LBB2_56-.Ltmp43, $4  }
0x2f3: {  	v18 =	vld [tilespmem:s10+$0x10]  }
0x2f4: {  	v19 =	vld [tilespmem:s10+$0x20]  }
0x2f5: {  	v21 =	vld [tilespmem:s10+$0xFFFFFFC0];
	s14 =	sadd.s32 $0x80, s10;
	v24 =	vmov v12;
	v11 =	vmax.f32 v11, v16;
	v9 =	vmax.f32 v9, v20  }
0x2f6: {  	s22 =	sadd.s32 $0xFFFFFFFF, s22;
	p0 =	por $0x1, $0x1;
	v16 =	vld [tilespmem:s14+$0x30];
	v10 =	vmax.f32 v10, v22;
	v8 =	vmax.f32 v8, v23;
	v20 =	vmovc v13;
	v22 =	vmovc v14;
	v23 =	vmov v15  }
.LBB2_57:
0x2f7: {  	p1 =	seq.s32 s22, $0x1;
	v25 =	vld [tilespmem:s14+$0xFFFFFFD0];
	v20 =	vmax.f32 v20, v17  }
0x2f8: {  	v26 =	vld [tilespmem:s14+$0xFFFFFFE0];
	v22 =	vmax.f32 v22, v18  }
0x2f9: {  	v27 =	vld [tilespmem:s14+$0xFFFFFFF0];
	v23 =	vmax.f32 v23, v19  }
.Ltmp44:
0x2fa: {  	v17 =	vld [tilespmem:s14+$0x0];
	v24 =	vmax.f32 v24, v21;
	(pc) =	sbr.rel @!p1 .LBB2_57-.Ltmp44, $4  }
0x2fb: {  	v18 =	vld [tilespmem:s14+$0x10];
	v11 =	vmax.f32 v11, v16  }
0x2fc: {  	v9 =	vmax.f32 v9, v25;
	v19 =	vld [tilespmem:s14+$0x20]  }
0x2fd: {  	v21 =	vld [tilespmem:s14+$0xFFFFFFC0];
	v10 =	vmax.f32 v10, v26;
	s14 =	sadd.s32 $0x80, s14  }
0x2fe: {  	s22 =	sadd.s32 $0xFFFFFFFF, s22;
	v16 =	vld [tilespmem:s14+$0x30];
	v8 =	vmax.f32 v8, v27  }
.LBB2_58:
0x2ff: {  	v25 =	vld [tilespmem:s14+$0xFFFFFFD0]  }
0x300: {  	v26 =	vld [tilespmem:s14+$0xFFFFFFE0]  }
0x301: {  	v27 =	vld [tilespmem:s14+$0xFFFFFFF0]  }
0x302: {  	v28 =	vld [tilespmem:s14+$0x0]  }
0x303: {  	v29 =	vld [tilespmem:s14+$0x10]  }
0x304: {  	v30 =	vld [tilespmem:s14+$0x20]  }
0x305: {  	v17 =	vmax.f32 @p0 v20, v17;
	v63 =	vld [tilespmem:s14+$0xFFFFFFC0]  }
0x306: {  	v18 =	vmax.f32 @p0 v22, v18;
	v13 =	vpsel p0, v17, v13;
	v19 =	vmax.f32 @p0 v23, v19  }
0x307: {  	v14 =	vpsel p0, v18, v14;
	v21 =	vmax.f32 @p0 v24, v21;
	v15 =	vpsel p0, v19, v15  }
0x308: {  	v11 =	vmax.f32 v11, v16;
	v12 =	vpsel p0, v21, v12;
	v9 =	vmax.f32 v9, v25  }
0x309: {  	v10 =	vmax.f32 v10, v26;
	v8 =	vmax.f32 v8, v27;
	v13 =	vmax.f32 v13, v28  }
0x30a: {  	v14 =	vmax.f32 v14, v29;
	v15 =	vmax.f32 v15, v30;
	v12 =	vmax.f32 v12, v63  }
0x30b: {  	p0 =	sgt.u32 s8, $0xF  }
.Ltmp45:
0x30c: {  	_ = 	snop;
	(pc) =	sbr.rel @p0 .LBB2_52-.Ltmp45, $1  }
0x30d: {  	_ =	sdelay $0x3  }
.LBB2_49:
0x30e: {  	s4 =	sshll.u32 s8, $0x2  }
0x30f: {  	s4 =	sshra.s32 s4, $0x2  }
0x310: {  	s3 =	sadd.s32 s9, s8;
	s14 =	ssub.s32 $0x10, s8;
	s8 =	sadd.s32 s4, s11  }
0x311: {  	v16 =	vld [tilespmem:s8+$0x0];
	_ =	sdelay $0x4  }
0x312: {  	(v2sf) =	vpush v16, $0x0;
	_ =	sdelay $0xe  }
0x313: {  	s22 =	spop (v2sf)  }
0x314: {  	p0 =	seq.s32 s22, s1  }
0x315: {  	p2 =	sne.s32 @!p0 s21, $0x0  }
0x316: {  	p1 =	por !p2, p0  }
0x317: {  	[tilespmem:$0xC370] =	vst @!p1 v11  }
0x318: {  	[tilespmem:$0xC360] =	vst @!p1 v15  }
0x319: {  	[tilespmem:$0xC350] =	vst @!p1 v14  }
0x31a: {  	s3 =	sshll.u32 s3, $0x9;
	[tilespmem:$0xC340] =	vst @!p1 v13  }
0x31b: {  	s3 =	sshra.s32 s3, $0x2;
	[tilespmem:$0xC300] =	vst @!p1 v12  }
0x31c: {  	s23 =	sadd.s32 $0x41C0, s3;
	s3 =	sshll.u32 @!p1 s1, $0x4;
	[tilespmem:$0xC310] =	vst @!p1 v9  }
0x31d: {  	[tilespmem:$0xC320] =	vst @!p1 v10;
	s4 =	simm.s32 @!p1 $0x0;
	s3 =	sand.u32 @!p1 $0x1FFFFFF0, s3  }
0x31e: {  	[tilespmem:$0xC330] =	vst @!p1 v8;
	s5 =	simm.s32 @!p1 $0xC300;
	s15 =	simm.s32 @!p1 $0x9;
	s3 =	sadd.s32 @!p1 s2, s3  }
0x31f: {  	[hbm4b:s3+s4] =	stream.linear.scatter @!p1 [tilespmem:s5], [sflag:$0x9], $0x80, $0x38;
	[tilespmem:$0x14580] =	vst v63  }
0x320: {  	_ =	swait.ge @!p1 [sflag:s15], $0x80  }
0x321: {  	s24 =	sadd.s32 $0xFFFFFFFF, s14;
	[sflag:s15] =	ssyncset.done @!p1 $0x0  }
0x322: {  	[sflag:s15] =	ssyncadd.s32 @!p1 $0xFFFFFF80;
	p1 =	sne.s32 s24, $0x0  }
.Ltmp46:
0x323: {  	_ = 	snop;
	(pc) =	sbr.rel @!p1 .LBB2_51-.Ltmp46, $4  }
0x324: {  	p2 =	por p2, p0  }
0x325: {  	p0 =	sne.s32 s22, s1;
	v16 =	vmov @!p2 s1;
	s3 =	simm.s32 $0x1  }
0x326: {  	s3 =	simm.s32 @!p0 $0x0;
	[tilespmem:$0xC480] =	vst @!p2 v16  }
0x327: {  	s1 =	smov.u32 s23;
	s21 =	sadd.s32 s3, s21;
	[tilespmem:$0xC3D0] =	vst @!p2 v14  }
.LBB2_50:
0x328: {  	s24 =	sadd.s32 $0xFFFFFFFF, s24;
	[tilespmem:$0xC3F0] =	vst @!p2 v11;
	s8 =	sadd.s32 $0x1, s8;
	s1 =	sadd.s32 $0x80, s1  }
0x329: {  	s14 =	smov.u32 s22;
	p1 =	sne.s32 s24, $0x0;
	[tilespmem:$0xC3A0] =	vst @!p2 v10  }
0x32a: {  	[tilespmem:$0xC3C0] =	vst @!p2 v13  }
0x32b: {  	[tilespmem:$0xC3E0] =	vst @!p2 v15  }
0x32c: {  	[tilespmem:$0xC3B0] =	vst @!p2 v8  }
0x32d: {  	[tilespmem:$0xC390] =	vst @!p2 v9  }
0x32e: {  	[tilespmem:$0xC380] =	vst @!p2 v12  }
0x32f: {  	v16 =	vld [tilespmem:s8+$0x0]  }
0x330: {  	v17 =	vld [tilespmem:s23+$0xFFFFFFC0]  }
0x331: {  	v18 =	vld [tilespmem:s23+$0x30]  }
0x332: {  	v19 =	vld [tilespmem:s23+$0x20]  }
0x333: {  	v20 =	vld [tilespmem:s23+$0xFFFFFFD0]  }
0x334: {  	v21 =	vld [tilespmem:s23+$0xFFFFFFF0]  }
0x335: {  	(v2sf) =	vpush v16, $0x0;
	v12 =	vmax.f32 v12, v17;
	v16 =	vld [tilespmem:s23+$0xFFFFFFE0]  }
0x336: {  	v12 =	vpsel p0, v17, v12;
	v17 =	vld [tilespmem:s23+$0x0];
	v11 =	vmax.f32 v11, v18  }
0x337: {  	v22 =	vld [tilespmem:s23+$0x10];
	v15 =	vmax.f32 v15, v19;
	v11 =	vpsel p0, v18, v11;
	s23 =	smov.u32 s1  }
0x338: {  	v9 =	vmax.f32 v9, v20;
	v15 =	vpsel p0, v19, v15  }
0x339: {  	v9 =	vpsel p0, v20, v9;
	v8 =	vmax.f32 v8, v21  }
0x33a: {  	v10 =	vmax.f32 v10, v16;
	v8 =	vpsel p0, v21, v8  }
0x33b: {  	v10 =	vpsel p0, v16, v10;
	v13 =	vmax.f32 v13, v17  }
0x33c: {  	v13 =	vpsel p0, v17, v13;
	v14 =	vmax.f32 v14, v22  }
0x33d: {  	v14 =	vpsel p0, v22, v14;
	_ =	sdelay $0x6  }
0x33e: {  	s22 =	spop (v2sf)  }
0x33f: {  	s3 =	simm.s32 $0x1;
	p2 =	seq.s32 s22, s14;
	p0 =	sne.s32 s22, s14  }
0x340: {  	p3 =	sne.s32 @!p2 s21, $0x0;
	s3 =	simm.s32 @!p0 $0x0  }
0x341: {  	p4 =	por !p3, p2;
	s21 =	sadd.s32 s3, s21  }
0x342: {  	[tilespmem:$0xC370] =	vst @!p4 v11;
	s3 =	sshll.u32 @!p4 s14, $0x4  }
0x343: {  	[tilespmem:$0xC360] =	vst @!p4 v15;
	s3 =	sand.u32 @!p4 $0x1FFFFFF0, s3  }
0x344: {  	[tilespmem:$0xC350] =	vst @!p4 v14;
	s3 =	sadd.s32 @!p4 s2, s3  }
0x345: {  	[tilespmem:$0xC340] =	vst @!p4 v13  }
0x346: {  	[tilespmem:$0xC300] =	vst @!p4 v12  }
0x347: {  	[tilespmem:$0xC310] =	vst @!p4 v9  }
0x348: {  	[tilespmem:$0xC320] =	vst @!p4 v10  }
0x349: {  	s4 =	simm.s32 @!p4 $0x0;
	s5 =	simm.s32 @!p4 $0xC300;
	s15 =	simm.s32 @!p4 $0x9;
	[tilespmem:$0xC330] =	vst @!p4 v8  }
0x34a: {  	[hbm4b:s3+s4] =	stream.linear.scatter @!p4 [tilespmem:s5], [sflag:$0x9], $0x80, $0x38;
	[tilespmem:$0x14580] =	vst v63  }
.Ltmp47:
0x34b: {  	_ =	swait.ge @!p4 [sflag:s15], $0x80;
	(pc) =	sbr.rel @p1 .LBB2_50-.Ltmp47, $4  }
0x34c: {  	p2 =	por p3, p2;
	[sflag:s15] =	ssyncset.done @!p4 $0x0  }
0x34d: {  	v16 =	vmov @!p2 s14;
	[sflag:s15] =	ssyncadd.s32 @!p4 $0xFFFFFF80  }
0x34e: {  	[tilespmem:$0xC480] =	vst @!p2 v16  }
0x34f: {  	[tilespmem:$0xC3D0] =	vst @!p2 v14  }
.Ltmp48:
0x350: {  	_ = 	snop;
	(pc) =	sbr.rel .LBB2_51-.Ltmp48, $1  }
0x351: {  	_ =	sdelay $0x3  }
.LBB2_43:
.Ltmp49:
0x352: {  	(pc) =	sbr.rel .LBB2_58-.Ltmp49, $2  }
0x353: {  	_ =	sdelay $0x2  }
0x354: {  	s14 =	smov.u32 s10;
	v20 =	vmovc v13;
	v22 =	vmov v14;
	v23 =	vmov v15;
	v24 =	vmov v12  }
.LBB2_56:
.Ltmp50:
0x355: {  	(pc) =	sbr.rel .LBB2_58-.Ltmp50, $2  }
0x356: {  	_ =	sdelay $0x2  }
0x357: {  	v20 =	vmovc v13;
	v22 =	vmov v14;
	v23 =	vmov v15;
	v24 =	vmov v12  }
.LBB2_53:
0x358: {  	_ =	swait.ge [sflag:s0], $0x4000  }
0x359: {  	[sflag:s0] =	ssyncset.done $0x0  }
0x35a: {  	[sflag:s0] =	ssyncadd.s32 $0xFFFFC000  }
0x35b: {  	_ =	swait.ge [sflag:s29], $0xA0  }
0x35c: {  	[sflag:s29] =	ssyncset.done $0x0  }
0x35d: {  	[sflag:s29] =	ssyncadd.s32 $0xFFFFFF60  }
0x35e: {  	v16 =	vld [tilespmem:$0x4050]  }
0x35f: {  	v17 =	vld [tilespmem:$0x4060];
	_ =	sdelay $0x1  }
0x360: {  	v18 =	vor.u32 $0x40, v5  }
0x361: {  	v63 =	vor.u32 $0x50, v5;
	vm0 =	vgt.u32 v0, v18  }
0x362: {  	vm1 =	vgt.u32 v0, v63;
	[tilespmem:$0x4100] =	vst v7;
	v16 =	vsel vm0, $0x400, v16  }
0x363: {  	v19 =	vld [tilespmem:$0x4070];
	[tilespmem:$0x4140] =	vst v16;
	v16 =	vsel vm1, $0x400, v17  }
0x364: {  	[tilespmem:$0x4150] =	vst v16;
	v16 =	vld [tilespmem:$0x4080]  }
0x365: {  	[tilespmem:$0x4110] =	vst v7  }
0x366: {  	[tilespmem:$0x4120] =	vst v7  }
0x367: {  	[tilespmem:$0x4130] =	vst v7  }
0x368: {  	[tilespmem:$0x4160] =	vst v19  }
0x369: {  	s3 =	rddreg [dreg:$0x4];
	[tilespmem:$0x4170] =	vst v16  }
0x36a: {  	[spmem:s3] =	stream.indirect.scatter.add.f32 [tilespmem:s25], [sflag:$0x3], $0x80, s6, s30, $0xb8;
	[tilespmem:$0x14580] =	vst v63  }
0x36b: {  	s28 =	rddreg [dreg:$0x5]  }
0x36c: {  	[spmem:s28] =	stream.indirect.scatter.add.f32 [tilespmem:s26], [sflag:$0x4], $0x80, s6, s30, $0xb8;
	[tilespmem:$0x14580] =	vst v63  }
0x36d: {  	_ =	swait.ge [sflag:s18], $0x4000  }
0x36e: {  	[sflag:s18] =	ssyncset.done $0x0  }
0x36f: {  	[sflag:s18] =	ssyncadd.s32 $0xFFFFC000  }
0x370: {  	_ =	swait.ge [sflag:s19], $0x4000  }
0x371: {  	s31 =	rddreg [dreg:$0x17]  }
0x372: {  	s8 =	sadd.s32 $0x4, s31  }
0x373: {  	p1 =	sne.s32 s8, $0x200  }
.Ltmp51:
0x374: {  	_ = 	snop;
	(pc) =	sbr.rel @!p1 .LBB2_54-.Ltmp51, $3  }
0x375: {  	_ =	sdelay $0x1  }
0x376: {  	[sflag:s19] =	ssyncset.done $0x0  }
0x377: {  	p0 =	por $0x0, $0x0;
	[sflag:s19] =	ssyncadd.s32 $0xFFFFC000;
	s11 =	sshra.s32 s31, $0x2  }
0x378: {  	v16 =	vld [tilespmem:s11+$0x4010];
	_ =	sdelay $0x4  }
0x379: {  	(v2sf) =	vpush v16, $0x0;
	_ =	sdelay $0xe  }
0x37a: {  	s10 =	spop (v2sf)  }
0x37b: {  	p1 =	seq.s32 s10, s1  }
0x37c: {  	p2 =	sne.s32 @!p1 s21, $0x0  }
0x37d: {  	p0 =	por !p2, p1  }
0x37e: {  	[tilespmem:$0xC370] =	vst @!p0 v11  }
0x37f: {  	[tilespmem:$0xC360] =	vst @!p0 v15  }
0x380: {  	[tilespmem:$0xC350] =	vst @!p0 v14  }
0x381: {  	[tilespmem:$0xC340] =	vst @!p0 v13  }
0x382: {  	[tilespmem:$0xC300] =	vst @!p0 v12  }
0x383: {  	s20 =	sadd.s32 $0x4, s8;
	p3 =	por p2, p1;
	s3 =	sshll.u32 @!p0 s1, $0x4;
	[tilespmem:$0xC310] =	vst @!p0 v9  }
0x384: {  	p2 =	sne.s32 s20, $0x200;
	[tilespmem:$0xC320] =	vst @!p0 v10;
	s4 =	simm.s32 @!p0 $0x0;
	s3 =	sand.u32 @!p0 $0x1FFFFFF0, s3  }
0x385: {  	[tilespmem:$0xC330] =	vst @!p0 v8;
	s5 =	simm.s32 @!p0 $0xC300;
	s9 =	simm.s32 @!p0 $0x9;
	s3 =	sadd.s32 @!p0 s2, s3  }
0x386: {  	[hbm4b:s3+s4] =	stream.linear.scatter @!p0 [tilespmem:s5], [sflag:$0x9], $0x80, $0x38;
	[tilespmem:$0x14580] =	vst v63  }
.Ltmp52:
0x387: {  	_ =	swait.ge @!p0 [sflag:s9], $0x80;
	(pc) =	sbr.rel @!p2 .LBB2_60-.Ltmp52, $4  }
0x388: {  	p1 =	sne.s32 s10, s1;
	v16 =	vmov @!p3 s1;
	s3 =	simm.s32 $0x1;
	[sflag:s9] =	ssyncset.done @!p0 $0x0  }
0x389: {  	s3 =	simm.s32 @!p1 $0x0;
	s31 =	rddreg [dreg:$0x18];
	[sflag:s9] =	ssyncadd.s32 @!p0 $0xFFFFFF80  }
0x38a: {  	s11 =	sshra.s32 s8, $0x2;
	v18 =	vmov v14;
	v21 =	vmov v15;
	v20 =	vmov v13;
	s21 =	sadd.s32 s3, s21;
	s9 =	sadd.s32 $0x80, s31;
	[tilespmem:$0xC480] =	vst @!p3 v16  }
0x38b: {  	v17 =	vmovc v10;
	v19 =	vmovc v9;
	v22 =	vmov v12;
	v23 =	vmov v11;
	p0 =	por $0x1, $0x1;
	s8 =	smov.u32 s31;
	[tilespmem:$0xC3F0] =	vst @!p3 v11;
	s22 =	smov.u32 s9;
	v16 =	vmov v8  }
.LBB2_61:
0x38c: {  	s22 =	sadd.s32 $0x80, s22;
	[tilespmem:$0xC3D0] =	vst @!p3 v18;
	s1 =	smov.u32 s20;
	s20 =	sadd.s32 $0x4, s20  }
0x38d: {  	p2 =	sne.s32 s20, $0x200;
	[tilespmem:$0xC3E0] =	vst @!p3 v21  }
0x38e: {  	[tilespmem:$0xC3B0] =	vst @!p3 v16  }
0x38f: {  	[tilespmem:$0xC3C0] =	vst @!p3 v20  }
0x390: {  	[tilespmem:$0xC3A0] =	vst @!p3 v17  }
0x391: {  	[tilespmem:$0xC390] =	vst @!p3 v19  }
0x392: {  	[tilespmem:$0xC380] =	vst @!p3 v22  }
0x393: {  	v24 =	vld [tilespmem:s11+$0x4010]  }
0x394: {  	s11 =	sshra.s32 s1, $0x2;
	v25 =	vld [tilespmem:s8+$0xFFFFFFC0]  }
0x395: {  	v26 =	vld [tilespmem:s8+$0x30]  }
0x396: {  	v27 =	vld [tilespmem:s8+$0x20]  }
0x397: {  	v28 =	vld [tilespmem:s8+$0xFFFFFFF0]  }
0x398: {  	v29 =	vld [tilespmem:s8+$0xFFFFFFE0]  }
0x399: {  	v22 =	vmax.f32 v22, v25;
	v30 =	vld [tilespmem:s8+$0x10]  }
0x39a: {  	(v2sf) =	vpush v24, $0x0;
	v22 =	vpsel p1, v25, v22;
	v24 =	vld [tilespmem:s8+$0xFFFFFFD0];
	v23 =	vmax.f32 v23, v26  }
0x39b: {  	v25 =	vld [tilespmem:s8+$0x0];
	v21 =	vmax.f32 v21, v27;
	v23 =	vpsel p1, v26, v23;
	s8 =	smov.u32 s9;
	s9 =	smov.u32 s22  }
0x39c: {  	v16 =	vmax.f32 v16, v28;
	v21 =	vpsel p1, v27, v21  }
0x39d: {  	v17 =	vmax.f32 v17, v29;
	v16 =	vpsel p1, v28, v16  }
0x39e: {  	v17 =	vpsel p1, v29, v17;
	v18 =	vmax.f32 v18, v30  }
0x39f: {  	v19 =	vmax.f32 v19, v24;
	v18 =	vpsel p1, v30, v18  }
0x3a0: {  	v19 =	vpsel p1, v24, v19;
	v20 =	vmax.f32 v20, v25  }
0x3a1: {  	v20 =	vpsel p1, v25, v20;
	_ =	sdelay $0x7  }
0x3a2: {  	s1 =	spop (v2sf)  }
0x3a3: {  	s3 =	simm.s32 $0x1;
	p3 =	seq.s32 s1, s10;
	p1 =	sne.s32 s1, s10  }
0x3a4: {  	p4 =	sne.s32 @!p3 s21, $0x0;
	s3 =	simm.s32 @!p1 $0x0  }
0x3a5: {  	p5 =	por !p4, p3;
	s21 =	sadd.s32 s3, s21  }
0x3a6: {  	[tilespmem:$0xC370] =	vst @!p5 v23;
	s3 =	sshll.u32 @!p5 s10, $0x4  }
0x3a7: {  	[tilespmem:$0xC360] =	vst @!p5 v21;
	s3 =	sand.u32 @!p5 $0x1FFFFFF0, s3  }
0x3a8: {  	[tilespmem:$0xC350] =	vst @!p5 v18;
	s3 =	sadd.s32 @!p5 s2, s3  }
0x3a9: {  	[tilespmem:$0xC340] =	vst @!p5 v20  }
0x3aa: {  	[tilespmem:$0xC300] =	vst @!p5 v22  }
0x3ab: {  	[tilespmem:$0xC310] =	vst @!p5 v19  }
0x3ac: {  	[tilespmem:$0xC320] =	vst @!p5 v17  }
0x3ad: {  	s4 =	simm.s32 @!p5 $0x0;
	s5 =	simm.s32 @!p5 $0xC300;
	s14 =	simm.s32 @!p5 $0x9;
	[tilespmem:$0xC330] =	vst @!p5 v16  }
0x3ae: {  	[hbm4b:s3+s4] =	stream.linear.scatter @!p5 [tilespmem:s5], [sflag:$0x9], $0x80, $0x38;
	[tilespmem:$0x14580] =	vst v63  }
.Ltmp53:
0x3af: {  	_ =	swait.ge @!p5 [sflag:s14], $0x80;
	(pc) =	sbr.rel @p2 .LBB2_61-.Ltmp53, $4  }
0x3b0: {  	p3 =	por p4, p3;
	[sflag:s14] =	ssyncset.done @!p5 $0x0  }
0x3b1: {  	v24 =	vmov @!p3 s10;
	s10 =	smov.u32 s1;
	[sflag:s14] =	ssyncadd.s32 @!p5 $0xFFFFFF80  }
0x3b2: {  	[tilespmem:$0xC480] =	vst @!p3 v24  }
0x3b3: {  	[tilespmem:$0xC3F0] =	vst @!p3 v23  }
0x3b4: {  	s1 =	smov.u32 s10;
	s14 =	rddreg [dreg:$0x19]  }
.LBB2_63:
0x3b5: {  	p2 =	por p3, !p0  }
0x3b6: {  	[tilespmem:$0xC3D0] =	vst @!p2 v18  }
0x3b7: {  	[tilespmem:$0xC3E0] =	vst @!p2 v21  }
0x3b8: {  	[tilespmem:$0xC3B0] =	vst @!p2 v16  }
0x3b9: {  	[tilespmem:$0xC3C0] =	vst @!p2 v20  }
0x3ba: {  	[tilespmem:$0xC3A0] =	vst @!p2 v17  }
0x3bb: {  	[tilespmem:$0xC390] =	vst @!p2 v19  }
0x3bc: {  	[tilespmem:$0xC380] =	vst @!p2 v22  }
0x3bd: {  	v24 =	vld [tilespmem:s11+$0x4010];
	_ =	sdelay $0x4  }
0x3be: {  	(v2sf) =	vpush v24, $0x0;
	_ =	sdelay $0xa  }
0x3bf: {  	v25 =	vld @p0 [tilespmem:s8+$0x30]  }
0x3c0: {  	v26 =	vld @p0 [tilespmem:s8+$0x20]  }
0x3c1: {  	v27 =	vld @p0 [tilespmem:s8+$0x10]  }
0x3c2: {  	v28 =	vld @p0 [tilespmem:s8+$0x0]  }
0x3c3: {  	v29 =	vld @p0 [tilespmem:s8+$0xFFFFFFC0];
	s10 =	spop (v2sf)  }
0x3c4: {  	p4 =	por !p1, !p0;
	v30 =	vld @p0 [tilespmem:s8+$0xFFFFFFD0];
	v23 =	vmax.f32 @p0 v23, v25;
	p1 =	seq.s32 s10, s1  }
0x3c5: {  	v31 =	vld @p0 [tilespmem:s8+$0xFFFFFFE0];
	v21 =	vmax.f32 @p0 v21, v26;
	v23 =	vpsel p4, v23, v25;
	p2 =	sne.s32 @!p1 s21, $0x0  }
0x3c6: {  	v18 =	vmax.f32 @p0 v18, v27;
	v25 =	vld @p0 [tilespmem:s8+$0xFFFFFFF0];
	v21 =	vpsel p4, v21, v26;
	v11 =	vpsel p0, v23, v11;
	p3 =	por !p2, p1  }
0x3c7: {  	v20 =	vmax.f32 @p0 v20, v28;
	v18 =	vpsel p4, v18, v27;
	v15 =	vpsel p0, v21, v15;
	[tilespmem:$0xC370] =	vst @!p3 v11  }
0x3c8: {  	v20 =	vpsel p4, v20, v28;
	v21 =	vmax.f32 @p0 v22, v29;
	v14 =	vpsel p0, v18, v14;
	[tilespmem:$0xC360] =	vst @!p3 v15  }
0x3c9: {  	v19 =	vmax.f32 @p0 v19, v30;
	v13 =	vpsel p0, v20, v13;
	v56 =	vpsel p4, v21, v29;
	[tilespmem:$0xC350] =	vst @!p3 v14  }
0x3ca: {  	v17 =	vmax.f32 @p0 v17, v31;
	v19 =	vpsel p4, v19, v30;
	v12 =	vpsel p0, v56, v12;
	[tilespmem:$0xC340] =	vst @!p3 v13  }
0x3cb: {  	v17 =	vpsel p4, v17, v31;
	v9 =	vpsel p0, v19, v9;
	v16 =	vmax.f32 @p0 v16, v25;
	[tilespmem:$0xC300] =	vst @!p3 v12  }
0x3cc: {  	v10 =	vpsel p0, v17, v10;
	v16 =	vpsel p4, v16, v25;
	s3 =	sshll.u32 @!p3 s1, $0x4;
	[tilespmem:$0xC310] =	vst @!p3 v9  }
0x3cd: {  	v8 =	vpsel p0, v16, v8;
	[tilespmem:$0xC320] =	vst @!p3 v10;
	s3 =	sand.u32 @!p3 $0x1FFFFFF0, s3  }
0x3ce: {  	[tilespmem:$0xC330] =	vst @!p3 v8;
	s4 =	simm.s32 @!p3 $0x0;
	s5 =	simm.s32 @!p3 $0xC300;
	s3 =	sadd.s32 @!p3 s2, s3  }
0x3cf: {  	[hbm4b:s3+s4] =	stream.linear.scatter @!p3 [tilespmem:s5], [sflag:$0x9], $0x80, $0x38;
	[tilespmem:$0x14580] =	vst v63  }
0x3d0: {  	s3 =	simm.s32 @!p3 $0x9  }
0x3d1: {  	_ =	swait.ge @!p3 [sflag:s3], $0x80  }
0x3d2: {  	p0 =	por p2, p1;
	[sflag:s3] =	ssyncset.done @!p3 $0x0  }
0x3d3: {  	v16 =	vmov @!p0 s1;
	[sflag:s3] =	ssyncadd.s32 @!p3 $0xFFFFFF80  }
0x3d4: {  	[tilespmem:$0xC480] =	vst @!p0 v16  }
0x3d5: {  	[tilespmem:$0xC3F0] =	vst @!p0 v11  }
0x3d6: {  	[tilespmem:$0xC3D0] =	vst @!p0 v14  }
0x3d7: {  	[tilespmem:$0xC3E0] =	vst @!p0 v15  }
0x3d8: {  	[tilespmem:$0xC3B0] =	vst @!p0 v8  }
0x3d9: {  	[tilespmem:$0xC3C0] =	vst @!p0 v13  }
0x3da: {  	[tilespmem:$0xC3A0] =	vst @!p0 v10  }
0x3db: {  	[tilespmem:$0xC390] =	vst @!p0 v9  }
0x3dc: {  	[tilespmem:$0xC380] =	vst @!p0 v12  }
0x3dd: {  	v16 =	vld [tilespmem:s9+$0xFFFFFFC0]  }
0x3de: {  	v57 =	vld [tilespmem:s9+$0x30]  }
0x3df: {  	v58 =	vld [tilespmem:s9+$0x20]  }
0x3e0: {  	v59 =	vld [tilespmem:s9+$0xFFFFFFF0]  }
0x3e1: {  	v60 =	vld [tilespmem:s9+$0xFFFFFFE0]  }
0x3e2: {  	v61 =	vld [tilespmem:s9+$0x10]  }
0x3e3: {  	v62 =	vld [tilespmem:s9+$0xFFFFFFD0]  }
0x3e4: {  	v63 =	vld [tilespmem:s9+$0x0];
	_ =	swait.ge [sflag:s16], $0x4000  }
0x3e5: {  	[sflag:s16] =	ssyncset.done $0x0  }
0x3e6: {  	[sflag:s16] =	ssyncadd.s32 $0xFFFFC000  }
0x3e7: {  	_ =	swait.ge [sflag:s17], $0x4000  }
0x3e8: {  	p0 =	sne.s32 s10, s1;
	[sflag:s17] =	ssyncset.done $0x0;
	v12 =	vmax.f32 v12, v16  }
0x3e9: {  	v9 =	vmax.f32 v9, v62;
	[sflag:s17] =	ssyncadd.s32 $0xFFFFC000;
	v12 =	vpsel p0, v16, v12  }
0x3ea: {  	v10 =	vmax.f32 v10, v60;
	v9 =	vpsel p0, v62, v9;
	[tilespmem:$0xC400] =	vst v12  }
0x3eb: {  	v8 =	vmax.f32 v8, v59;
	v10 =	vpsel p0, v60, v10;
	[tilespmem:$0xC410] =	vst v9  }
0x3ec: {  	v13 =	vmax.f32 v13, v63;
	v8 =	vpsel p0, v59, v8;
	[tilespmem:$0xC420] =	vst v10  }
0x3ed: {  	v14 =	vmax.f32 v14, v61;
	v13 =	vpsel p0, v63, v13;
	[tilespmem:$0xC430] =	vst v8  }
0x3ee: {  	s1 =	simm.s32 $0x1;
	v15 =	vmax.f32 v15, v58;
	v14 =	vpsel p0, v61, v14;
	[tilespmem:$0xC440] =	vst v13  }
0x3ef: {  	s1 =	simm.s32 @!p0 $0x0;
	v11 =	vmax.f32 v11, v57;
	v15 =	vpsel p0, v58, v15;
	[tilespmem:$0xC450] =	vst v14  }
0x3f0: {  	s1 =	sadd.s32 s1, s21;
	v11 =	vpsel p0, v57, v11;
	[tilespmem:$0xC460] =	vst v15  }
0x3f1: {  	p0 =	sne.s32 s1, $0x0;
	[tilespmem:$0xC470] =	vst v11  }
0x3f2: {  	[tilespmem:$0xC380] =	vst @!p0 v12  }
0x3f3: {  	[tilespmem:$0xC390] =	vst @!p0 v9  }
0x3f4: {  	[tilespmem:$0xC3A0] =	vst @!p0 v10  }
0x3f5: {  	[tilespmem:$0xC3B0] =	vst @!p0 v8  }
0x3f6: {  	[tilespmem:$0xC3C0] =	vst @!p0 v13  }
0x3f7: {  	[tilespmem:$0xC3D0] =	vst @!p0 v14  }
0x3f8: {  	v16 =	vbroadcast v24, $0x0;
	[tilespmem:$0xC3E0] =	vst @!p0 v15  }
0x3f9: {  	[tilespmem:$0xC3F0] =	vst @!p0 v11  }
0x3fa: {  	s15 =	simm.s32 $0xC380;
	[tilespmem:$0xC490] =	vst v16  }
0x3fb: {  	s11 =	simm.s32 $0x400;
	s5 =	simm.s32 $0x9;
	s10 =	rddreg [dreg:$0x12];
	[tilespmem:$0xC480] =	vst @!p0 v16  }
0x3fc: {  	[hbm4b:s10+s30] =	stream.strided.scatter [tilespmem:s15], [sflag:$0x9], $0x100, s11, s30, $0x38;
	[tilespmem:$0x14580] =	vst v63  }
0x3fd: {  	_ =	swait.ge [sflag:s5], $0x100  }
0x3fe: {  	[sflag:s5] =	ssyncset.done $0x0  }
0x3ff: {  	s21 =	simm.s32 $0xC480;
	s20 =	rddreg [dreg:$0x13];
	[sflag:s5] =	ssyncadd.s32 $0xFFFFFF00  }
0x400: {  	[hbm4b:s20+s25] =	stream.linear.scatter [tilespmem:s21], [sflag:$0x9], $0x80, $0x38;
	[tilespmem:$0x14580] =	vst v63  }
0x401: {  	_ =	swait.ge [sflag:s5], $0x80  }
0x402: {  	[sflag:s5] =	ssyncset.done $0x0  }
0x403: {  	[sflag:s5] =	ssyncadd.s32 $0xFFFFFF80  }
0x404: {  	s22 =	stileid.u32;
	[bflag:$0x0] =	sbarrier.arrive $0xFFFF  }
0x405: {  	s1 =	sshll.u32 s22, $0x6;
	s23 =	rddreg [dreg:$0x8]  }
0x406: {  	s1 =	sor.u32 $0x1C09, s1;
	s24 =	rddreg [dreg:$0x14];
	s3 =	sshrl.u32 s23, $0x3  }
0x407: {  	[hbm:s24], [sflag:s1] =	dma.local [spmem:s3], $0x400  }
0x408: {  	_ =	swait.ge [sflag:s5], $0x400  }
0x409: {  	[sflag:s5] =	ssyncset.done $0x0;
	s25 =	rddreg [dreg:$0xa]  }
0x40a: {  	s28 =	rddreg [dreg:$0x15];
	[sflag:s5] =	ssyncadd.s32 $0xFFFFFC00;
	s3 =	sshrl.u32 s25, $0x3  }
0x40b: {  	[hbm:s28], [sflag:s1] =	dma.local [spmem:s3], $0x400  }
0x40c: {  	_ =	swait.ge [sflag:s5], $0x400  }
0x40d: {  	s14 =	sadd.s32 $0x1, s14;
	s31 =	rddreg [dreg:$0x16]  }
0x40e: {  	p0 =	sne.s32 s14, s31  }
.Ltmp54:
0x40f: {  	_ = 	snop;
	(pc) =	sbr.rel @p0 .LBB2_1-.Ltmp54, $4  }
.Ltmp55:
0x410: {  	_ = 	snop;
	(pc) =	sbr.rel @!p0 .LBB2_64-.Ltmp55, $4  }
0x411: {  	_ = 	snop  }
0x412: {  	[sflag:s5] =	ssyncset.done $0x0  }
0x413: {  	[sflag:s5] =	ssyncadd.s32 $0xFFFFFC00  }
0x414: {  	_ = 	snop  }
.LBB2_54:
.Ltmp56:
0x415: {  	(pc) =	sbr.rel .LBB2_63-.Ltmp56, $3  }
0x416: {  	_ =	sdelay $0x1  }
0x417: {  	v18 =	vmov v14;
	v21 =	vmov v15;
	v16 =	vmov v8;
	s9 =	rddreg [dreg:$0x18]  }
0x418: {  	v20 =	vmovc v13;
	v17 =	vmovc v10;
	v19 =	vmov v9;
	v22 =	vmov v12;
	v23 =	vmov v11;
	s14 =	rddreg [dreg:$0x19]  }
.LBB2_60:
.Ltmp57:
0x419: {  	(pc) =	sbr.rel .LBB2_63-.Ltmp57, $3  }
0x41a: {  	_ =	sdelay $0x1  }
0x41b: {  	v18 =	vmov v14;
	v21 =	vmov v15;
	v16 =	vmov v8;
	s8 =	rddreg [dreg:$0x18]  }
0x41c: {  	v20 =	vmovc v13;
	v17 =	vmovc v10;
	v19 =	vmov v9;
	v22 =	vmov v12;
	v23 =	vmov v11;
	s1 =	smov.u32 s10;
	s14 =	rddreg [dreg:$0x19]  }
.LBB2_64:
0x41d: {  	_ =	sfence.sel $0x180000  }
0x41e: {  	[bflag:$0x0] =	sbarrier.arrive $0xFFFF  }
0x41f: {  	_ =	strace $0x90000047  }
0x420: {  	s0 =	stileid.u32;
	[bflag:$0x2] =	sbarrier.arrive $0xFFFF  }
0x421: {  	p0 =	sne.s32 s0, $0x0;
	s0 =	rddreg [dreg:$0x6]  }
0x422: {  	s0 =	sadd.s32 @!p0 $0x100000, s0  }
0x423: {  	[sflag:s0] =	ssyncadd.tile.s32 @!p0 $0x1;
	_ =	shalt  }
.Lfunc_end2:
_tile_overlayer_lowered:
.L_overlay_start_2:
0x424: {  	(tag) =	ssettag $0x2  }
0x425: {  	s0 =	rddreg [dreg:$0x0];
	s2 =	stileid.u32  }
0x426: {  	s1 =	rddreg [dreg:$0x1];
	p0 =	sne.s32 s2, $0x0  }
0x427: {  	s3 =	rddreg [dreg:$0x2];
	[bflag:$0x3] =	sbarrier.arrive $0xFFFF;
	s2 =	simm.s32 @!p0 $0x1C09  }
0x428: {  	[timem:s3], [sflag:s2] =	dma.local @!p0 [hbm:s0], s1  }
0x429: {  	s0 =	simm.s32 @!p0 $0x9  }
0x42a: {  	_ =	swait.ge @!p0 [sflag:s0], s1  }
0x42b: {  	s1 =	ssub.s32 @!p0 $0x0, s1;
	[sflag:s0] =	ssyncset.done @!p0 $0x0  }
0x42c: {  	[sflag:s0] =	ssyncadd.s32 @!p0 s1  }
0x42d: {  	[bflag:$0x3] =	sbarrier.arrive $0xFFFF  }
0x42e: {  	_ =	shalt  }

</sc_bundles>
